<compile_context>
chip_gen: v7x
topology: tpu7x:2x2x1
jax: 0.10.2.dev20260603
libtpu: 0.0.44.dev20260713+nightly
codegen_flags: <defaults>
</compile_context>

<pallas_src>
import functools

import jax
import jax.numpy as jnp
from jax import lax
from jax.experimental import pallas as pl
from jax.experimental.pallas import tpu as pltpu
from jax.experimental.pallas import tpu_sc as plsc

_B, _L, _D = 64, 2048, 300
_DP = 304
_N = _B * _L
_NC, _NS = 2, 16
_NW = _NC * _NS
_TPW = _N // _NW
_C = 64
_NCHUNK = _TPW // _C
_NBLK = _N // _C
_LANES = 16
_NGRP = 19

_mesh = plsc.VectorSubcoreMesh(core_axis_name="c", subcore_axis_name="s")


@functools.partial(
    pl.kernel,
    out_type=jax.ShapeDtypeStruct((_N, _DP), jnp.float32),
    mesh=_mesh,
    compiler_params=pltpu.CompilerParams(use_tc_tiling_on_sc=False, needs_layout_passes=False),
    scratch_types=[
        pltpu.VMEM((4, 5, _C), jnp.int32),
        pltpu.VMEM((3, _C, _DP), jnp.float32),
        pltpu.SemaphoreType.DMA,
        pltpu.SemaphoreType.DMA,
        pltpu.SemaphoreType.DMA,
        pltpu.SemaphoreType.DMA,
        pltpu.SemaphoreType.DMA,
        pltpu.SemaphoreType.DMA,
        pltpu.SemaphoreType.DMA,
        pltpu.SemaphoreType.DMA,
        pltpu.SemaphoreType.DMA,
        pltpu.SemaphoreType.DMA,
        pltpu.SemaphoreType.DMA,
        pltpu.SemaphoreType.DMA,
        pltpu.SemaphoreType.DMA,
    ],
)
def _embed_sum(idx_hbm,
               pos_hbm, col_hbm, row_hbm, rank_hbm, out_hbm,
               idxb, acc,
               isem0, isem1, isem2, isem3,
               psem0, psem1, psem2,
               asem0, asem1, asem2,
               ssem0, ssem1, ssem2):
  wid = lax.axis_index("s") * _NC + lax.axis_index("c")
  base0 = wid * _TPW
  blk0 = wid * _NCHUNK
  isems = [isem0, isem1, isem2, isem3]
  psems = [psem0, psem1, psem2]
  asems = [asem0, asem1, asem2]
  ssems = [ssem0, ssem1, ssem2]
  addtabs = [col_hbm, row_hbm, rank_hbm]

  def fire_idx(c, s4):
    pltpu.async_copy(idx_hbm.at[blk0 + c], idxb.at[s4], isems[s4])

  def wait_idx(s4):
    pltpu.make_async_copy(idx_hbm.at[blk0], idxb.at[s4], isems[s4]).wait()

  def fire_pos_tok(c, s4, s3):
    pltpu.async_copy(pos_hbm.at[idxb.at[s4, 0]], acc.at[s3], psems[s3])

  def wait_pos(s4, s3):
    pltpu.make_async_copy(pos_hbm.at[idxb.at[s4, 0]], acc.at[s3],
                          psems[s3]).wait()

  def fire_adds(s4, s3):
    for t in range(3):
      pltpu.async_copy(addtabs[t].at[idxb.at[s4, t + 2]], acc.at[s3],
                       asems[s3], add=True)

  def wait_adds_tok(s4, s3):
    for t in range(3):
      pltpu.make_async_copy(addtabs[t].at[idxb.at[s4, t + 2]], acc.at[s3],
                            asems[s3]).wait()

  def fire_store(c, s3):
    pltpu.async_copy(acc.at[s3], out_hbm.at[pl.ds(base0 + c * _C, _C)],
                     ssems[s3])

  def wait_store(s3):
    pltpu.make_async_copy(acc.at[s3], out_hbm.at[pl.ds(base0, _C)],
                          ssems[s3]).wait()

  fire_idx(0, 0)
  fire_idx(1, 1)
  fire_idx(2, 2)
  wait_idx(0)
  fire_pos_tok(0, 0, 0)
  wait_idx(1)
  fire_pos_tok(1, 1, 1)
  wait_pos(0, 0)
  fire_adds(0, 0)

  def chunk(c, s4, s3, s4n, s3n, s4nn, s3nn,
            do_idx, do_adds_next, do_loads_next2, do_store_wait):
    if do_idx:
      fire_idx(c + 3, (s4 + 3) % 4)
    if do_adds_next:
      wait_pos(s4n, s3n)
      fire_adds(s4n, s3n)
    wait_adds_tok(s4, s3)
    fire_store(c, s3)
    if do_loads_next2:
      if do_store_wait:
        wait_store(s3nn)
      wait_idx(s4nn)
      fire_pos_tok(c + 2, s4nn, s3nn)

  chunk(0, 0, 0, 1, 1, 2, 2, True, True, True, False)

  def steady12(m, carry):
    c0 = 1 + m * 12
    for k in range(12):
      ck = c0 + k
      s4 = (1 + k) % 4
      s3 = (1 + k) % 3
      chunk(ck, s4, s3, (s4 + 1) % 4, (s3 + 1) % 3, (s4 + 2) % 4,
            (s3 + 2) % 3, True, True, True, True)
    return carry

  lax.fori_loop(0, 5, steady12, 0, unroll=False)

  chunk(61, 61 % 4, 61 % 3, 62 % 4, 62 % 3, 63 % 4, 63 % 3,
        False, True, True, True)
  chunk(62, 62 % 4, 62 % 3, 63 % 4, 63 % 3, 0, 0, False, True, False, False)
  chunk(63, 63 % 4, 63 % 3, 0, 0, 0, 0, False, False, False, False)

  wait_store(61 % 3)
  wait_store(62 % 3)
  wait_store(63 % 3)


def _pad(t):
  return jnp.pad(t, ((0, 0), (0, _DP - _D)))


_RN = 1024


def _combine_body(tok_ref, sums_ref, segf_ref, diff_ref, o_ref):
  o_ref[...] = (tok_ref[...] + sums_ref[:, :_D]
                + segf_ref[...] * diff_ref[...])


_combine = pl.pallas_call(
    _combine_body,
    out_shape=jax.ShapeDtypeStruct((_N, _D), jnp.float32),
    grid=(_N // _RN,),
    in_specs=[
        pl.BlockSpec((_RN, _D), lambda i: (i, 0)),
        pl.BlockSpec((_RN, _DP), lambda i: (i, 0)),
        pl.BlockSpec((_RN, 1), lambda i: (i, 0)),
        pl.BlockSpec((1, _D), lambda i: (0, 0)),
    ],
    out_specs=pl.BlockSpec((_RN, _D), lambda i: (i, 0)),
)


def kernel(token_vecs, pos_idx, seg_idx, col_idx, row_idx, rank_idx,
           pos, seg_id, col_id, row_id, rank_id):
  idx = jnp.stack([pos_idx.reshape(_N), seg_idx.reshape(_N),
                   col_idx.reshape(_N), row_idx.reshape(_N),
                   rank_idx.reshape(_N)], axis=0)
  idx_blocks = idx.reshape(5, _NBLK, _C).transpose(1, 0, 2)
  pos_eff = pos + seg_id[0][None, :]
  diff = (seg_id[1] - seg_id[0])[None, :]
  sums = _embed_sum(
      idx_blocks,
      _pad(pos_eff), _pad(col_id), _pad(row_id), _pad(rank_id))
  out = _combine(token_vecs.reshape(_N, _D), sums,
                 seg_idx.reshape(_N, 1).astype(jnp.float32), diff)
  return out.reshape(_B, _L, _D)

# --- scband reference (transcript-rebuilt; emitter-appended) ---
"""Pipeline reference for scband-custom-embedding-85194971284017 (READ-ONLY COPY).

The authoritative reference and input builder live on the scoring server;
editing this copy changes nothing except your own understanding.
"""

import jax, jax.numpy as jnp
import numpy as np

B, L, D = 64, 2048, 300

def setup_inputs(seed: int = 0) -> dict:
    key = jax.random.key(seed)
    ks = jax.random.split(key, 11)
    token_vecs = jax.random.normal(ks[0], (B, L, D), dtype=jnp.float32)
    pos_idx = jax.random.randint(ks[1], (B, L), 0, L)
    seg_idx = jax.random.randint(ks[2], (B, L), 0, 2)
    col_idx = jax.random.randint(ks[3], (B, L), 0, L)
    row_idx = jax.random.randint(ks[4], (B, L), 0, L)
    rank_idx = jax.random.randint(ks[5], (B, L), 0, L)
    # learned parameter tables, sized per init_kwargs (max_seq_len=2048, token_size=300)
    pos = jax.random.normal(ks[6], (L, D), dtype=jnp.float32)
    seg_id = jax.random.normal(ks[7], (2, D), dtype=jnp.float32)
    col_id = jax.random.normal(ks[8], (L, D), dtype=jnp.float32)
    row_id = jax.random.normal(ks[9], (L, D), dtype=jnp.float32)
    rank_id = jax.random.normal(ks[10], (L, D), dtype=jnp.float32)
    return {
        'token_vecs': token_vecs,
        'pos_idx': pos_idx,
        'seg_idx': seg_idx,
        'col_idx': col_idx,
        'row_idx': row_idx,
        'rank_idx': rank_idx,
        'pos': pos,
        'seg_id': seg_id,
        'col_id': col_id,
        'row_id': row_id,
        'rank_id': rank_id,
    }

def reference(token_vecs, pos_idx, seg_idx, col_idx, row_idx, rank_idx,
              pos, seg_id, col_id, row_id, rank_id):
    # Faithful to Custom_Embedding's per-token construction:
    #   tok_embed + pos[i] + seg_id[s] + col_id[c] + row_id[r] + rank_id[k]
    # vectorized as batched gathers over the parameter tables.
    out = token_vecs
    out = out + jnp.take(pos, pos_idx, axis=0)
    out = out + jnp.take(seg_id, seg_idx, axis=0)
    out = out + jnp.take(col_id, col_idx, axis=0)
    out = out + jnp.take(row_id, row_idx, axis=0)
    out = out + jnp.take(rank_id, rank_idx, axis=0)
    return out

if __name__ == "__main__":
    import jax
    _d = setup_inputs()
    print(jax.jit(kernel)(*tuple(_d.values())))

</pallas_src>

<mosaic_0001>
#map = affine_map<(d0, d1) -> (0, 0, 0)>
#map1 = affine_map<(d0, d1) -> (0, 0)>
module attributes {stable_mosaic.version = 14 : i64} {
  func.func @_embed_sum(%arg0: i32, %arg1: i32, %arg2: memref<2048x5x64xi32, #tpu.memory_space<hbm>>, %arg3: memref<2048x304xf32, #tpu.memory_space<hbm>>, %arg4: memref<2048x304xf32, #tpu.memory_space<hbm>>, %arg5: memref<2048x304xf32, #tpu.memory_space<hbm>>, %arg6: memref<2048x304xf32, #tpu.memory_space<hbm>>, %arg7: memref<131072x304xf32, #tpu.memory_space<hbm>>, %arg8: memref<4x5x64xi32, #tpu.memory_space<vmem>>, %arg9: memref<3x64x304xf32, #tpu.memory_space<vmem>>, %arg10: memref<!tpu.dma_semaphore, #tpu.memory_space<semaphore_mem>>, %arg11: memref<!tpu.dma_semaphore, #tpu.memory_space<semaphore_mem>>, %arg12: memref<!tpu.dma_semaphore, #tpu.memory_space<semaphore_mem>>, %arg13: memref<!tpu.dma_semaphore, #tpu.memory_space<semaphore_mem>>, %arg14: memref<!tpu.dma_semaphore, #tpu.memory_space<semaphore_mem>>, %arg15: memref<!tpu.dma_semaphore, #tpu.memory_space<semaphore_mem>>, %arg16: memref<!tpu.dma_semaphore, #tpu.memory_space<semaphore_mem>>, %arg17: memref<!tpu.dma_semaphore, #tpu.memory_space<semaphore_mem>>, %arg18: memref<!tpu.dma_semaphore, #tpu.memory_space<semaphore_mem>>, %arg19: memref<!tpu.dma_semaphore, #tpu.memory_space<semaphore_mem>>, %arg20: memref<!tpu.dma_semaphore, #tpu.memory_space<semaphore_mem>>, %arg21: memref<!tpu.dma_semaphore, #tpu.memory_space<semaphore_mem>>, %arg22: memref<!tpu.dma_semaphore, #tpu.memory_space<semaphore_mem>>) attributes {dimension_semantics = [#tpu.dimension_semantics<core_parallel>, #tpu.dimension_semantics<subcore_parallel>], iteration_bounds = array<i64: 2, 16>, scalar_prefetch = 0 : i64, scratch_operands = 15 : i64, tpu.core_type = #tpu.core_type<sc_vector_subcore>, window_params = [{transform_indices = #map}, {transform_indices = #map1}, {transform_indices = #map1}, {transform_indices = #map1}, {transform_indices = #map1}, {transform_indices = #map1}]} {
    %mul3A = arith.constant 2 : i32
    %mul3A_0 = arith.muli %arg1, %mul3A : i32
    %add3A = arith.addi %mul3A_0, %arg0 : i32
    %mul3A_1 = arith.constant 4096 : i32
    %mul3A_2 = arith.muli %add3A, %mul3A_1 : i32
    %mul3A_3 = arith.constant 64 : i32
    %mul3A_4 = arith.muli %add3A, %mul3A_3 : i32
    %add3A_5 = arith.constant 0 : i32
    %add3A_6 = arith.addi %mul3A_4, %add3A_5 : i32
    %dma_start3A = arith.constant 0 : i32
    %dma_start3A_7 = arith.constant 0 : i32
    %dma_start3A_8 = arith.constant 0 : i32
    %dma_start3A_9 = tpu.memref_slice %arg8[%dma_start3A, %dma_start3A_7, %dma_start3A_8] : memref<4x5x64xi32, #tpu.memory_space<vmem>> -> memref<1x5x64xi32, #tpu.memory_space<vmem>>
    %dma_start3A_10 = tpu.memref_squeeze %dma_start3A_9 : memref<1x5x64xi32, #tpu.memory_space<vmem>> -> memref<5x64xi32, #tpu.memory_space<vmem>>
    %dma_start3A_11 = arith.constant 0 : i32
    %dma_start3A_12 = arith.constant 0 : i32
    %dma_start3A_13 = tpu.memref_slice %arg2[%add3A_6, %dma_start3A_11, %dma_start3A_12] : memref<2048x5x64xi32, #tpu.memory_space<hbm>> -> memref<1x5x64xi32, #tpu.memory_space<hbm>>
    %dma_start3A_14 = tpu.memref_squeeze %dma_start3A_13 : memref<1x5x64xi32, #tpu.memory_space<hbm>> -> memref<5x64xi32, #tpu.memory_space<hbm>>
    %dma_start3A_15 = arith.constant 0 : i32
    %dma_start3A_16 = arith.constant 0 : i32
    %dma_start3A_17 = tpu.memref_slice %arg8[%dma_start3A, %dma_start3A_15, %dma_start3A_16] : memref<4x5x64xi32, #tpu.memory_space<vmem>> -> memref<1x5x64xi32, #tpu.memory_space<vmem>>
    %dma_start3A_18 = tpu.memref_squeeze %dma_start3A_17 : memref<1x5x64xi32, #tpu.memory_space<vmem>> -> memref<5x64xi32, #tpu.memory_space<vmem>>
    %dma_start3A_19 = arith.constant 0 : i32
    %dma_start3A_20 = arith.constant 0 : i32
    %dma_start3A_21 = tpu.memref_slice %arg2[%add3A_6, %dma_start3A_19, %dma_start3A_20] : memref<2048x5x64xi32, #tpu.memory_space<hbm>> -> memref<1x5x64xi32, #tpu.memory_space<hbm>>
    %dma_start3A_22 = tpu.memref_squeeze %dma_start3A_21 : memref<1x5x64xi32, #tpu.memory_space<hbm>> -> memref<5x64xi32, #tpu.memory_space<hbm>>
    tpu.enqueue_dma source(%dma_start3A_22 : memref<5x64xi32, #tpu.memory_space<hbm>>) target(%dma_start3A_18 : memref<5x64xi32, #tpu.memory_space<vmem>>) target_semaphore(%arg10 : memref<!tpu.dma_semaphore, #tpu.memory_space<semaphore_mem>>)
    %add3A_23 = arith.constant 1 : i32
    %add3A_24 = arith.addi %mul3A_4, %add3A_23 : i32
    %dma_start3A_25 = arith.constant 1 : i32
    %dma_start3A_26 = arith.constant 0 : i32
    %dma_start3A_27 = arith.constant 0 : i32
    %dma_start3A_28 = tpu.memref_slice %arg8[%dma_start3A_25, %dma_start3A_26, %dma_start3A_27] : memref<4x5x64xi32, #tpu.memory_space<vmem>> -> memref<1x5x64xi32, #tpu.memory_space<vmem>>
    %dma_start3A_29 = tpu.memref_squeeze %dma_start3A_28 : memref<1x5x64xi32, #tpu.memory_space<vmem>> -> memref<5x64xi32, #tpu.memory_space<vmem>>
    %dma_start3A_30 = arith.constant 0 : i32
    %dma_start3A_31 = arith.constant 0 : i32
    %dma_start3A_32 = tpu.memref_slice %arg2[%add3A_24, %dma_start3A_30, %dma_start3A_31] : memref<2048x5x64xi32, #tpu.memory_space<hbm>> -> memref<1x5x64xi32, #tpu.memory_space<hbm>>
    %dma_start3A_33 = tpu.memref_squeeze %dma_start3A_32 : memref<1x5x64xi32, #tpu.memory_space<hbm>> -> memref<5x64xi32, #tpu.memory_space<hbm>>
    %dma_start3A_34 = arith.constant 0 : i32
    %dma_start3A_35 = arith.constant 0 : i32
    %dma_start3A_36 = tpu.memref_slice %arg8[%dma_start3A_25, %dma_start3A_34, %dma_start3A_35] : memref<4x5x64xi32, #tpu.memory_space<vmem>> -> memref<1x5x64xi32, #tpu.memory_space<vmem>>
    %dma_start3A_37 = tpu.memref_squeeze %dma_start3A_36 : memref<1x5x64xi32, #tpu.memory_space<vmem>> -> memref<5x64xi32, #tpu.memory_space<vmem>>
    %dma_start3A_38 = arith.constant 0 : i32
    %dma_start3A_39 = arith.constant 0 : i32
    %dma_start3A_40 = tpu.memref_slice %arg2[%add3A_24, %dma_start3A_38, %dma_start3A_39] : memref<2048x5x64xi32, #tpu.memory_space<hbm>> -> memref<1x5x64xi32, #tpu.memory_space<hbm>>
    %dma_start3A_41 = tpu.memref_squeeze %dma_start3A_40 : memref<1x5x64xi32, #tpu.memory_space<hbm>> -> memref<5x64xi32, #tpu.memory_space<hbm>>
    tpu.enqueue_dma source(%dma_start3A_41 : memref<5x64xi32, #tpu.memory_space<hbm>>) target(%dma_start3A_37 : memref<5x64xi32, #tpu.memory_space<vmem>>) target_semaphore(%arg11 : memref<!tpu.dma_semaphore, #tpu.memory_space<semaphore_mem>>)
    %add3A_42 = arith.constant 2 : i32
    %add3A_43 = arith.addi %mul3A_4, %add3A_42 : i32
    %dma_start3A_44 = arith.constant 2 : i32
    %dma_start3A_45 = arith.constant 0 : i32
    %dma_start3A_46 = arith.constant 0 : i32
    %dma_start3A_47 = tpu.memref_slice %arg8[%dma_start3A_44, %dma_start3A_45, %dma_start3A_46] : memref<4x5x64xi32, #tpu.memory_space<vmem>> -> memref<1x5x64xi32, #tpu.memory_space<vmem>>
    %dma_start3A_48 = tpu.memref_squeeze %dma_start3A_47 : memref<1x5x64xi32, #tpu.memory_space<vmem>> -> memref<5x64xi32, #tpu.memory_space<vmem>>
    %dma_start3A_49 = arith.constant 0 : i32
    %dma_start3A_50 = arith.constant 0 : i32
    %dma_start3A_51 = tpu.memref_slice %arg2[%add3A_43, %dma_start3A_49, %dma_start3A_50] : memref<2048x5x64xi32, #tpu.memory_space<hbm>> -> memref<1x5x64xi32, #tpu.memory_space<hbm>>
    %dma_start3A_52 = tpu.memref_squeeze %dma_start3A_51 : memref<1x5x64xi32, #tpu.memory_space<hbm>> -> memref<5x64xi32, #tpu.memory_space<hbm>>
    %dma_start3A_53 = arith.constant 0 : i32
    %dma_start3A_54 = arith.constant 0 : i32
    %dma_start3A_55 = tpu.memref_slice %arg8[%dma_start3A_44, %dma_start3A_53, %dma_start3A_54] : memref<4x5x64xi32, #tpu.memory_space<vmem>> -> memref<1x5x64xi32, #tpu.memory_space<vmem>>
    %dma_start3A_56 = tpu.memref_squeeze %dma_start3A_55 : memref<1x5x64xi32, #tpu.memory_space<vmem>> -> memref<5x64xi32, #tpu.memory_space<vmem>>
    %dma_start3A_57 = arith.constant 0 : i32
    %dma_start3A_58 = arith.constant 0 : i32
    %dma_start3A_59 = tpu.memref_slice %arg2[%add3A_43, %dma_start3A_57, %dma_start3A_58] : memref<2048x5x64xi32, #tpu.memory_space<hbm>> -> memref<1x5x64xi32, #tpu.memory_space<hbm>>
    %dma_start3A_60 = tpu.memref_squeeze %dma_start3A_59 : memref<1x5x64xi32, #tpu.memory_space<hbm>> -> memref<5x64xi32, #tpu.memory_space<hbm>>
    tpu.enqueue_dma source(%dma_start3A_60 : memref<5x64xi32, #tpu.memory_space<hbm>>) target(%dma_start3A_56 : memref<5x64xi32, #tpu.memory_space<vmem>>) target_semaphore(%arg12 : memref<!tpu.dma_semaphore, #tpu.memory_space<semaphore_mem>>)
    %dma_wait3A = arith.constant 0 : i32
    %dma_wait3A_61 = arith.constant 0 : i32
    %dma_wait3A_62 = arith.constant 0 : i32
    %dma_wait3A_63 = tpu.memref_slice %arg8[%dma_wait3A, %dma_wait3A_61, %dma_wait3A_62] : memref<4x5x64xi32, #tpu.memory_space<vmem>> -> memref<1x5x64xi32, #tpu.memory_space<vmem>>
    %dma_wait3A_64 = tpu.memref_squeeze %dma_wait3A_63 : memref<1x5x64xi32, #tpu.memory_space<vmem>> -> memref<5x64xi32, #tpu.memory_space<vmem>>
    %dma_wait3A_65 = arith.constant 0 : i32
    %dma_wait3A_66 = arith.constant 0 : i32
    %dma_wait3A_67 = tpu.memref_slice %arg2[%mul3A_4, %dma_wait3A_65, %dma_wait3A_66] : memref<2048x5x64xi32, #tpu.memory_space<hbm>> -> memref<1x5x64xi32, #tpu.memory_space<hbm>>
    %dma_wait3A_68 = tpu.memref_squeeze %dma_wait3A_67 : memref<1x5x64xi32, #tpu.memory_space<hbm>> -> memref<5x64xi32, #tpu.memory_space<hbm>>
    %dma_wait3A_69 = arith.constant 0 : i32
    %dma_wait3A_70 = arith.constant 0 : i32
    %dma_wait3A_71 = tpu.memref_slice %arg8[%dma_wait3A, %dma_wait3A_69, %dma_wait3A_70] : memref<4x5x64xi32, #tpu.memory_space<vmem>> -> memref<1x5x64xi32, #tpu.memory_space<vmem>>
    %dma_wait3A_72 = tpu.memref_squeeze %dma_wait3A_71 : memref<1x5x64xi32, #tpu.memory_space<vmem>> -> memref<5x64xi32, #tpu.memory_space<vmem>>
    %dma_wait3A_73 = arith.constant 0 : i32
    %dma_wait3A_74 = arith.constant 0 : i32
    %dma_wait3A_75 = tpu.memref_slice %arg2[%mul3A_4, %dma_wait3A_73, %dma_wait3A_74] : memref<2048x5x64xi32, #tpu.memory_space<hbm>> -> memref<1x5x64xi32, #tpu.memory_space<hbm>>
    %dma_wait3A_76 = tpu.memref_squeeze %dma_wait3A_75 : memref<1x5x64xi32, #tpu.memory_space<hbm>> -> memref<5x64xi32, #tpu.memory_space<hbm>>
    tpu.wait_dma2 semaphore(%arg10 : memref<!tpu.dma_semaphore, #tpu.memory_space<semaphore_mem>>) src(%dma_wait3A_76 : memref<5x64xi32, #tpu.memory_space<hbm>>) dst(%dma_wait3A_72 : memref<5x64xi32, #tpu.memory_space<vmem>>)
    %dma_start3A_77 = arith.constant 0 : i32
    %dma_start3A_78 = arith.constant 0 : i32
    %dma_start3A_79 = arith.constant 0 : i32
    %dma_start3A_80 = arith.constant 0 : i32
    %dma_start3A_81 = arith.constant 0 : i32
    %dma_start3A_82 = tpu.memref_slice %arg9[%dma_start3A_79, %dma_start3A_80, %dma_start3A_81] : memref<3x64x304xf32, #tpu.memory_space<vmem>> -> memref<1x64x304xf32, #tpu.memory_space<vmem>>
    %dma_start3A_83 = tpu.memref_squeeze %dma_start3A_82 : memref<1x64x304xf32, #tpu.memory_space<vmem>> -> memref<64x304xf32, #tpu.memory_space<vmem>>
    %dma_start3A_84 = arith.constant 0 : i32
    %dma_start3A_85 = tpu.memref_slice %arg8[%dma_start3A_77, %dma_start3A_78, %dma_start3A_84] : memref<4x5x64xi32, #tpu.memory_space<vmem>> -> memref<1x1x64xi32, #tpu.memory_space<vmem>>
    %dma_start3A_86 = tpu.memref_squeeze %dma_start3A_85 : memref<1x1x64xi32, #tpu.memory_space<vmem>> -> memref<64xi32, #tpu.memory_space<vmem>>
    %dma_start3A_87 = arith.constant 0 : i32
    %dma_start3A_88 = arith.constant 0 : i32
    %dma_start3A_89 = tpu.memref_slice %arg3[%dma_start3A_87, %dma_start3A_88] : memref<2048x304xf32, #tpu.memory_space<hbm>> -> memref<2048x304xf32, #tpu.memory_space<hbm>>
    tpu.enqueue_indirect_dma source(%dma_start3A_89 : memref<2048x304xf32, #tpu.memory_space<hbm>>) target(%dma_start3A_83 : memref<64x304xf32, #tpu.memory_space<vmem>>) offsets(%dma_start3A_86 : memref<64xi32, #tpu.memory_space<vmem>>) semaphore(%arg14 : memref<!tpu.dma_semaphore, #tpu.memory_space<semaphore_mem>>)
    %dma_wait3A_90 = arith.constant 1 : i32
    %dma_wait3A_91 = arith.constant 0 : i32
    %dma_wait3A_92 = arith.constant 0 : i32
    %dma_wait3A_93 = tpu.memref_slice %arg8[%dma_wait3A_90, %dma_wait3A_91, %dma_wait3A_92] : memref<4x5x64xi32, #tpu.memory_space<vmem>> -> memref<1x5x64xi32, #tpu.memory_space<vmem>>
    %dma_wait3A_94 = tpu.memref_squeeze %dma_wait3A_93 : memref<1x5x64xi32, #tpu.memory_space<vmem>> -> memref<5x64xi32, #tpu.memory_space<vmem>>
    %dma_wait3A_95 = arith.constant 0 : i32
    %dma_wait3A_96 = arith.constant 0 : i32
    %dma_wait3A_97 = tpu.memref_slice %arg2[%mul3A_4, %dma_wait3A_95, %dma_wait3A_96] : memref<2048x5x64xi32, #tpu.memory_space<hbm>> -> memref<1x5x64xi32, #tpu.memory_space<hbm>>
    %dma_wait3A_98 = tpu.memref_squeeze %dma_wait3A_97 : memref<1x5x64xi32, #tpu.memory_space<hbm>> -> memref<5x64xi32, #tpu.memory_space<hbm>>
    %dma_wait3A_99 = arith.constant 0 : i32
    %dma_wait3A_100 = arith.constant 0 : i32
    %dma_wait3A_101 = tpu.memref_slice %arg8[%dma_wait3A_90, %dma_wait3A_99, %dma_wait3A_100] : memref<4x5x64xi32, #tpu.memory_space<vmem>> -> memref<1x5x64xi32, #tpu.memory_space<vmem>>
    %dma_wait3A_102 = tpu.memref_squeeze %dma_wait3A_101 : memref<1x5x64xi32, #tpu.memory_space<vmem>> -> memref<5x64xi32, #tpu.memory_space<vmem>>
    %dma_wait3A_103 = arith.constant 0 : i32
    %dma_wait3A_104 = arith.constant 0 : i32
    %dma_wait3A_105 = tpu.memref_slice %arg2[%mul3A_4, %dma_wait3A_103, %dma_wait3A_104] : memref<2048x5x64xi32, #tpu.memory_space<hbm>> -> memref<1x5x64xi32, #tpu.memory_space<hbm>>
    %dma_wait3A_106 = tpu.memref_squeeze %dma_wait3A_105 : memref<1x5x64xi32, #tpu.memory_space<hbm>> -> memref<5x64xi32, #tpu.memory_space<hbm>>
    tpu.wait_dma2 semaphore(%arg11 : memref<!tpu.dma_semaphore, #tpu.memory_space<semaphore_mem>>) src(%dma_wait3A_106 : memref<5x64xi32, #tpu.memory_space<hbm>>) dst(%dma_wait3A_102 : memref<5x64xi32, #tpu.memory_space<vmem>>)
    %dma_start3A_107 = arith.constant 1 : i32
    %dma_start3A_108 = arith.constant 0 : i32
    %dma_start3A_109 = arith.constant 1 : i32
    %dma_start3A_110 = arith.constant 0 : i32
    %dma_start3A_111 = arith.constant 0 : i32
    %dma_start3A_112 = tpu.memref_slice %arg9[%dma_start3A_109, %dma_start3A_110, %dma_start3A_111] : memref<3x64x304xf32, #tpu.memory_space<vmem>> -> memref<1x64x304xf32, #tpu.memory_space<vmem>>
    %dma_start3A_113 = tpu.memref_squeeze %dma_start3A_112 : memref<1x64x304xf32, #tpu.memory_space<vmem>> -> memref<64x304xf32, #tpu.memory_space<vmem>>
    %dma_start3A_114 = arith.constant 0 : i32
    %dma_start3A_115 = tpu.memref_slice %arg8[%dma_start3A_107, %dma_start3A_108, %dma_start3A_114] : memref<4x5x64xi32, #tpu.memory_space<vmem>> -> memref<1x1x64xi32, #tpu.memory_space<vmem>>
    %dma_start3A_116 = tpu.memref_squeeze %dma_start3A_115 : memref<1x1x64xi32, #tpu.memory_space<vmem>> -> memref<64xi32, #tpu.memory_space<vmem>>
    %dma_start3A_117 = arith.constant 0 : i32
    %dma_start3A_118 = arith.constant 0 : i32
    %dma_start3A_119 = tpu.memref_slice %arg3[%dma_start3A_117, %dma_start3A_118] : memref<2048x304xf32, #tpu.memory_space<hbm>> -> memref<2048x304xf32, #tpu.memory_space<hbm>>
    tpu.enqueue_indirect_dma source(%dma_start3A_119 : memref<2048x304xf32, #tpu.memory_space<hbm>>) target(%dma_start3A_113 : memref<64x304xf32, #tpu.memory_space<vmem>>) offsets(%dma_start3A_116 : memref<64xi32, #tpu.memory_space<vmem>>) semaphore(%arg15 : memref<!tpu.dma_semaphore, #tpu.memory_space<semaphore_mem>>)
    %dma_wait3A_120 = arith.constant 0 : i32
    %dma_wait3A_121 = arith.constant 0 : i32
    %dma_wait3A_122 = arith.constant 0 : i32
    %dma_wait3A_123 = arith.constant 0 : i32
    %dma_wait3A_124 = arith.constant 0 : i32
    %dma_wait3A_125 = tpu.memref_slice %arg9[%dma_wait3A_122, %dma_wait3A_123, %dma_wait3A_124] : memref<3x64x304xf32, #tpu.memory_space<vmem>> -> memref<1x64x304xf32, #tpu.memory_space<vmem>>
    %dma_wait3A_126 = tpu.memref_squeeze %dma_wait3A_125 : memref<1x64x304xf32, #tpu.memory_space<vmem>> -> memref<64x304xf32, #tpu.memory_space<vmem>>
    %dma_wait3A_127 = arith.constant 0 : i32
    %dma_wait3A_128 = tpu.memref_slice %arg8[%dma_wait3A_120, %dma_wait3A_121, %dma_wait3A_127] : memref<4x5x64xi32, #tpu.memory_space<vmem>> -> memref<1x1x64xi32, #tpu.memory_space<vmem>>
    %dma_wait3A_129 = tpu.memref_squeeze %dma_wait3A_128 : memref<1x1x64xi32, #tpu.memory_space<vmem>> -> memref<64xi32, #tpu.memory_space<vmem>>
    %dma_wait3A_130 = arith.constant 0 : i32
    %dma_wait3A_131 = arith.constant 0 : i32
    %dma_wait3A_132 = tpu.memref_slice %arg3[%dma_wait3A_130, %dma_wait3A_131] : memref<2048x304xf32, #tpu.memory_space<hbm>> -> memref<2048x304xf32, #tpu.memory_space<hbm>>
    tpu.wait_indirect_dma semaphore(%arg14 : memref<!tpu.dma_semaphore, #tpu.memory_space<semaphore_mem>>) src(%dma_wait3A_132 : memref<2048x304xf32, #tpu.memory_space<hbm>>) dst(%dma_wait3A_126 : memref<64x304xf32, #tpu.memory_space<vmem>>)
    %dma_start3A_133 = arith.constant 0 : i32
    %dma_start3A_134 = arith.constant 2 : i32
    %dma_start3A_135 = arith.constant 0 : i32
    %dma_start3A_136 = arith.constant 0 : i32
    %dma_start3A_137 = arith.constant 0 : i32
    %dma_start3A_138 = tpu.memref_slice %arg9[%dma_start3A_135, %dma_start3A_136, %dma_start3A_137] : memref<3x64x304xf32, #tpu.memory_space<vmem>> -> memref<1x64x304xf32, #tpu.memory_space<vmem>>
    %dma_start3A_139 = tpu.memref_squeeze %dma_start3A_138 : memref<1x64x304xf32, #tpu.memory_space<vmem>> -> memref<64x304xf32, #tpu.memory_space<vmem>>
    %dma_start3A_140 = arith.constant 0 : i32
    %dma_start3A_141 = tpu.memref_slice %arg8[%dma_start3A_133, %dma_start3A_134, %dma_start3A_140] : memref<4x5x64xi32, #tpu.memory_space<vmem>> -> memref<1x1x64xi32, #tpu.memory_space<vmem>>
    %dma_start3A_142 = tpu.memref_squeeze %dma_start3A_141 : memref<1x1x64xi32, #tpu.memory_space<vmem>> -> memref<64xi32, #tpu.memory_space<vmem>>
    %dma_start3A_143 = arith.constant 0 : i32
    %dma_start3A_144 = arith.constant 0 : i32
    %dma_start3A_145 = tpu.memref_slice %arg4[%dma_start3A_143, %dma_start3A_144] : memref<2048x304xf32, #tpu.memory_space<hbm>> -> memref<2048x304xf32, #tpu.memory_space<hbm>>
    tpu.enqueue_indirect_dma source(%dma_start3A_145 : memref<2048x304xf32, #tpu.memory_space<hbm>>) target(%dma_start3A_139 : memref<64x304xf32, #tpu.memory_space<vmem>>) offsets(%dma_start3A_142 : memref<64xi32, #tpu.memory_space<vmem>>) semaphore(%arg17 : memref<!tpu.dma_semaphore, #tpu.memory_space<semaphore_mem>>) {add = true}
    %dma_start3A_146 = arith.constant 0 : i32
    %dma_start3A_147 = arith.constant 3 : i32
    %dma_start3A_148 = arith.constant 0 : i32
    %dma_start3A_149 = arith.constant 0 : i32
    %dma_start3A_150 = arith.constant 0 : i32
    %dma_start3A_151 = tpu.memref_slice %arg9[%dma_start3A_148, %dma_start3A_149, %dma_start3A_150] : memref<3x64x304xf32, #tpu.memory_space<vmem>> -> memref<1x64x304xf32, #tpu.memory_space<vmem>>
    %dma_start3A_152 = tpu.memref_squeeze %dma_start3A_151 : memref<1x64x304xf32, #tpu.memory_space<vmem>> -> memref<64x304xf32, #tpu.memory_space<vmem>>
    %dma_start3A_153 = arith.constant 0 : i32
    %dma_start3A_154 = tpu.memref_slice %arg8[%dma_start3A_146, %dma_start3A_147, %dma_start3A_153] : memref<4x5x64xi32, #tpu.memory_space<vmem>> -> memref<1x1x64xi32, #tpu.memory_space<vmem>>
    %dma_start3A_155 = tpu.memref_squeeze %dma_start3A_154 : memref<1x1x64xi32, #tpu.memory_space<vmem>> -> memref<64xi32, #tpu.memory_space<vmem>>
    %dma_start3A_156 = arith.constant 0 : i32
    %dma_start3A_157 = arith.constant 0 : i32
    %dma_start3A_158 = tpu.memref_slice %arg5[%dma_start3A_156, %dma_start3A_157] : memref<2048x304xf32, #tpu.memory_space<hbm>> -> memref<2048x304xf32, #tpu.memory_space<hbm>>
    tpu.enqueue_indirect_dma source(%dma_start3A_158 : memref<2048x304xf32, #tpu.memory_space<hbm>>) target(%dma_start3A_152 : memref<64x304xf32, #tpu.memory_space<vmem>>) offsets(%dma_start3A_155 : memref<64xi32, #tpu.memory_space<vmem>>) semaphore(%arg17 : memref<!tpu.dma_semaphore, #tpu.memory_space<semaphore_mem>>) {add = true}
    %dma_start3A_159 = arith.constant 0 : i32
    %dma_start3A_160 = arith.constant 4 : i32
    %dma_start3A_161 = arith.constant 0 : i32
    %dma_start3A_162 = arith.constant 0 : i32
    %dma_start3A_163 = arith.constant 0 : i32
    %dma_start3A_164 = tpu.memref_slice %arg9[%dma_start3A_161, %dma_start3A_162, %dma_start3A_163] : memref<3x64x304xf32, #tpu.memory_space<vmem>> -> memref<1x64x304xf32, #tpu.memory_space<vmem>>
    %dma_start3A_165 = tpu.memref_squeeze %dma_start3A_164 : memref<1x64x304xf32, #tpu.memory_space<vmem>> -> memref<64x304xf32, #tpu.memory_space<vmem>>
    %dma_start3A_166 = arith.constant 0 : i32
    %dma_start3A_167 = tpu.memref_slice %arg8[%dma_start3A_159, %dma_start3A_160, %dma_start3A_166] : memref<4x5x64xi32, #tpu.memory_space<vmem>> -> memref<1x1x64xi32, #tpu.memory_space<vmem>>
    %dma_start3A_168 = tpu.memref_squeeze %dma_start3A_167 : memref<1x1x64xi32, #tpu.memory_space<vmem>> -> memref<64xi32, #tpu.memory_space<vmem>>
    %dma_start3A_169 = arith.constant 0 : i32
    %dma_start3A_170 = arith.constant 0 : i32
    %dma_start3A_171 = tpu.memref_slice %arg6[%dma_start3A_169, %dma_start3A_170] : memref<2048x304xf32, #tpu.memory_space<hbm>> -> memref<2048x304xf32, #tpu.memory_space<hbm>>
    tpu.enqueue_indirect_dma source(%dma_start3A_171 : memref<2048x304xf32, #tpu.memory_space<hbm>>) target(%dma_start3A_165 : memref<64x304xf32, #tpu.memory_space<vmem>>) offsets(%dma_start3A_168 : memref<64xi32, #tpu.memory_space<vmem>>) semaphore(%arg17 : memref<!tpu.dma_semaphore, #tpu.memory_space<semaphore_mem>>) {add = true}
    %add3A_172 = arith.constant 3 : i32
    %add3A_173 = arith.addi %mul3A_4, %add3A_172 : i32
    %dma_start3A_174 = arith.constant 3 : i32
    %dma_start3A_175 = arith.constant 0 : i32
    %dma_start3A_176 = arith.constant 0 : i32
    %dma_start3A_177 = tpu.memref_slice %arg8[%dma_start3A_174, %dma_start3A_175, %dma_start3A_176] : memref<4x5x64xi32, #tpu.memory_space<vmem>> -> memref<1x5x64xi32, #tpu.memory_space<vmem>>
    %dma_start3A_178 = tpu.memref_squeeze %dma_start3A_177 : memref<1x5x64xi32, #tpu.memory_space<vmem>> -> memref<5x64xi32, #tpu.memory_space<vmem>>
    %dma_start3A_179 = arith.constant 0 : i32
    %dma_start3A_180 = arith.constant 0 : i32
    %dma_start3A_181 = tpu.memref_slice %arg2[%add3A_173, %dma_start3A_179, %dma_start3A_180] : memref<2048x5x64xi32, #tpu.memory_space<hbm>> -> memref<1x5x64xi32, #tpu.memory_space<hbm>>
    %dma_start3A_182 = tpu.memref_squeeze %dma_start3A_181 : memref<1x5x64xi32, #tpu.memory_space<hbm>> -> memref<5x64xi32, #tpu.memory_space<hbm>>
    %dma_start3A_183 = arith.constant 0 : i32
    %dma_start3A_184 = arith.constant 0 : i32
    %dma_start3A_185 = tpu.memref_slice %arg8[%dma_start3A_174, %dma_start3A_183, %dma_start3A_184] : memref<4x5x64xi32, #tpu.memory_space<vmem>> -> memref<1x5x64xi32, #tpu.memory_space<vmem>>
    %dma_start3A_186 = tpu.memref_squeeze %dma_start3A_185 : memref<1x5x64xi32, #tpu.memory_space<vmem>> -> memref<5x64xi32, #tpu.memory_space<vmem>>
    %dma_start3A_187 = arith.constant 0 : i32
    %dma_start3A_188 = arith.constant 0 : i32
    %dma_start3A_189 = tpu.memref_slice %arg2[%add3A_173, %dma_start3A_187, %dma_start3A_188] : memref<2048x5x64xi32, #tpu.memory_space<hbm>> -> memref<1x5x64xi32, #tpu.memory_space<hbm>>
    %dma_start3A_190 = tpu.memref_squeeze %dma_start3A_189 : memref<1x5x64xi32, #tpu.memory_space<hbm>> -> memref<5x64xi32, #tpu.memory_space<hbm>>
    tpu.enqueue_dma source(%dma_start3A_190 : memref<5x64xi32, #tpu.memory_space<hbm>>) target(%dma_start3A_186 : memref<5x64xi32, #tpu.memory_space<vmem>>) target_semaphore(%arg13 : memref<!tpu.dma_semaphore, #tpu.memory_space<semaphore_mem>>)
    %dma_wait3A_191 = arith.constant 1 : i32
    %dma_wait3A_192 = arith.constant 0 : i32
    %dma_wait3A_193 = arith.constant 1 : i32
    %dma_wait3A_194 = arith.constant 0 : i32
    %dma_wait3A_195 = arith.constant 0 : i32
    %dma_wait3A_196 = tpu.memref_slice %arg9[%dma_wait3A_193, %dma_wait3A_194, %dma_wait3A_195] : memref<3x64x304xf32, #tpu.memory_space<vmem>> -> memref<1x64x304xf32, #tpu.memory_space<vmem>>
    %dma_wait3A_197 = tpu.memref_squeeze %dma_wait3A_196 : memref<1x64x304xf32, #tpu.memory_space<vmem>> -> memref<64x304xf32, #tpu.memory_space<vmem>>
    %dma_wait3A_198 = arith.constant 0 : i32
    %dma_wait3A_199 = tpu.memref_slice %arg8[%dma_wait3A_191, %dma_wait3A_192, %dma_wait3A_198] : memref<4x5x64xi32, #tpu.memory_space<vmem>> -> memref<1x1x64xi32, #tpu.memory_space<vmem>>
    %dma_wait3A_200 = tpu.memref_squeeze %dma_wait3A_199 : memref<1x1x64xi32, #tpu.memory_space<vmem>> -> memref<64xi32, #tpu.memory_space<vmem>>
    %dma_wait3A_201 = arith.constant 0 : i32
    %dma_wait3A_202 = arith.constant 0 : i32
    %dma_wait3A_203 = tpu.memref_slice %arg3[%dma_wait3A_201, %dma_wait3A_202] : memref<2048x304xf32, #tpu.memory_space<hbm>> -> memref<2048x304xf32, #tpu.memory_space<hbm>>
    tpu.wait_indirect_dma semaphore(%arg15 : memref<!tpu.dma_semaphore, #tpu.memory_space<semaphore_mem>>) src(%dma_wait3A_203 : memref<2048x304xf32, #tpu.memory_space<hbm>>) dst(%dma_wait3A_197 : memref<64x304xf32, #tpu.memory_space<vmem>>)
    %dma_start3A_204 = arith.constant 1 : i32
    %dma_start3A_205 = arith.constant 2 : i32
    %dma_start3A_206 = arith.constant 1 : i32
    %dma_start3A_207 = arith.constant 0 : i32
    %dma_start3A_208 = arith.constant 0 : i32
    %dma_start3A_209 = tpu.memref_slice %arg9[%dma_start3A_206, %dma_start3A_207, %dma_start3A_208] : memref<3x64x304xf32, #tpu.memory_space<vmem>> -> memref<1x64x304xf32, #tpu.memory_space<vmem>>
    %dma_start3A_210 = tpu.memref_squeeze %dma_start3A_209 : memref<1x64x304xf32, #tpu.memory_space<vmem>> -> memref<64x304xf32, #tpu.memory_space<vmem>>
    %dma_start3A_211 = arith.constant 0 : i32
    %dma_start3A_212 = tpu.memref_slice %arg8[%dma_start3A_204, %dma_start3A_205, %dma_start3A_211] : memref<4x5x64xi32, #tpu.memory_space<vmem>> -> memref<1x1x64xi32, #tpu.memory_space<vmem>>
    %dma_start3A_213 = tpu.memref_squeeze %dma_start3A_212 : memref<1x1x64xi32, #tpu.memory_space<vmem>> -> memref<64xi32, #tpu.memory_space<vmem>>
    %dma_start3A_214 = arith.constant 0 : i32
    %dma_start3A_215 = arith.constant 0 : i32
    %dma_start3A_216 = tpu.memref_slice %arg4[%dma_start3A_214, %dma_start3A_215] : memref<2048x304xf32, #tpu.memory_space<hbm>> -> memref<2048x304xf32, #tpu.memory_space<hbm>>
    tpu.enqueue_indirect_dma source(%dma_start3A_216 : memref<2048x304xf32, #tpu.memory_space<hbm>>) target(%dma_start3A_210 : memref<64x304xf32, #tpu.memory_space<vmem>>) offsets(%dma_start3A_213 : memref<64xi32, #tpu.memory_space<vmem>>) semaphore(%arg18 : memref<!tpu.dma_semaphore, #tpu.memory_space<semaphore_mem>>) {add = true}
    %dma_start3A_217 = arith.constant 1 : i32
    %dma_start3A_218 = arith.constant 3 : i32
    %dma_start3A_219 = arith.constant 1 : i32
    %dma_start3A_220 = arith.constant 0 : i32
    %dma_start3A_221 = arith.constant 0 : i32
    %dma_start3A_222 = tpu.memref_slice %arg9[%dma_start3A_219, %dma_start3A_220, %dma_start3A_221] : memref<3x64x304xf32, #tpu.memory_space<vmem>> -> memref<1x64x304xf32, #tpu.memory_space<vmem>>
    %dma_start3A_223 = tpu.memref_squeeze %dma_start3A_222 : memref<1x64x304xf32, #tpu.memory_space<vmem>> -> memref<64x304xf32, #tpu.memory_space<vmem>>
    %dma_start3A_224 = arith.constant 0 : i32
    %dma_start3A_225 = tpu.memref_slice %arg8[%dma_start3A_217, %dma_start3A_218, %dma_start3A_224] : memref<4x5x64xi32, #tpu.memory_space<vmem>> -> memref<1x1x64xi32, #tpu.memory_space<vmem>>
    %dma_start3A_226 = tpu.memref_squeeze %dma_start3A_225 : memref<1x1x64xi32, #tpu.memory_space<vmem>> -> memref<64xi32, #tpu.memory_space<vmem>>
    %dma_start3A_227 = arith.constant 0 : i32
    %dma_start3A_228 = arith.constant 0 : i32
    %dma_start3A_229 = tpu.memref_slice %arg5[%dma_start3A_227, %dma_start3A_228] : memref<2048x304xf32, #tpu.memory_space<hbm>> -> memref<2048x304xf32, #tpu.memory_space<hbm>>
    tpu.enqueue_indirect_dma source(%dma_start3A_229 : memref<2048x304xf32, #tpu.memory_space<hbm>>) target(%dma_start3A_223 : memref<64x304xf32, #tpu.memory_space<vmem>>) offsets(%dma_start3A_226 : memref<64xi32, #tpu.memory_space<vmem>>) semaphore(%arg18 : memref<!tpu.dma_semaphore, #tpu.memory_space<semaphore_mem>>) {add = true}
    %dma_start3A_230 = arith.constant 1 : i32
    %dma_start3A_231 = arith.constant 4 : i32
    %dma_start3A_232 = arith.constant 1 : i32
    %dma_start3A_233 = arith.constant 0 : i32
    %dma_start3A_234 = arith.constant 0 : i32
    %dma_start3A_235 = tpu.memref_slice %arg9[%dma_start3A_232, %dma_start3A_233, %dma_start3A_234] : memref<3x64x304xf32, #tpu.memory_space<vmem>> -> memref<1x64x304xf32, #tpu.memory_space<vmem>>
    %dma_start3A_236 = tpu.memref_squeeze %dma_start3A_235 : memref<1x64x304xf32, #tpu.memory_space<vmem>> -> memref<64x304xf32, #tpu.memory_space<vmem>>
    %dma_start3A_237 = arith.constant 0 : i32
    %dma_start3A_238 = tpu.memref_slice %arg8[%dma_start3A_230, %dma_start3A_231, %dma_start3A_237] : memref<4x5x64xi32, #tpu.memory_space<vmem>> -> memref<1x1x64xi32, #tpu.memory_space<vmem>>
    %dma_start3A_239 = tpu.memref_squeeze %dma_start3A_238 : memref<1x1x64xi32, #tpu.memory_space<vmem>> -> memref<64xi32, #tpu.memory_space<vmem>>
    %dma_start3A_240 = arith.constant 0 : i32
    %dma_start3A_241 = arith.constant 0 : i32
    %dma_start3A_242 = tpu.memref_slice %arg6[%dma_start3A_240, %dma_start3A_241] : memref<2048x304xf32, #tpu.memory_space<hbm>> -> memref<2048x304xf32, #tpu.memory_space<hbm>>
    tpu.enqueue_indirect_dma source(%dma_start3A_242 : memref<2048x304xf32, #tpu.memory_space<hbm>>) target(%dma_start3A_236 : memref<64x304xf32, #tpu.memory_space<vmem>>) offsets(%dma_start3A_239 : memref<64xi32, #tpu.memory_space<vmem>>) semaphore(%arg18 : memref<!tpu.dma_semaphore, #tpu.memory_space<semaphore_mem>>) {add = true}
    %dma_wait3A_243 = arith.constant 0 : i32
    %dma_wait3A_244 = arith.constant 2 : i32
    %dma_wait3A_245 = arith.constant 0 : i32
    %dma_wait3A_246 = arith.constant 0 : i32
    %dma_wait3A_247 = arith.constant 0 : i32
    %dma_wait3A_248 = tpu.memref_slice %arg9[%dma_wait3A_245, %dma_wait3A_246, %dma_wait3A_247] : memref<3x64x304xf32, #tpu.memory_space<vmem>> -> memref<1x64x304xf32, #tpu.memory_space<vmem>>
    %dma_wait3A_249 = tpu.memref_squeeze %dma_wait3A_248 : memref<1x64x304xf32, #tpu.memory_space<vmem>> -> memref<64x304xf32, #tpu.memory_space<vmem>>
    %dma_wait3A_250 = arith.constant 0 : i32
    %dma_wait3A_251 = tpu.memref_slice %arg8[%dma_wait3A_243, %dma_wait3A_244, %dma_wait3A_250] : memref<4x5x64xi32, #tpu.memory_space<vmem>> -> memref<1x1x64xi32, #tpu.memory_space<vmem>>
    %dma_wait3A_252 = tpu.memref_squeeze %dma_wait3A_251 : memref<1x1x64xi32, #tpu.memory_space<vmem>> -> memref<64xi32, #tpu.memory_space<vmem>>
    %dma_wait3A_253 = arith.constant 0 : i32
    %dma_wait3A_254 = arith.constant 0 : i32
    %dma_wait3A_255 = tpu.memref_slice %arg4[%dma_wait3A_253, %dma_wait3A_254] : memref<2048x304xf32, #tpu.memory_space<hbm>> -> memref<2048x304xf32, #tpu.memory_space<hbm>>
    tpu.wait_indirect_dma semaphore(%arg17 : memref<!tpu.dma_semaphore, #tpu.memory_space<semaphore_mem>>) src(%dma_wait3A_255 : memref<2048x304xf32, #tpu.memory_space<hbm>>) dst(%dma_wait3A_249 : memref<64x304xf32, #tpu.memory_space<vmem>>)
    %dma_wait3A_256 = arith.constant 0 : i32
    %dma_wait3A_257 = arith.constant 3 : i32
    %dma_wait3A_258 = arith.constant 0 : i32
    %dma_wait3A_259 = arith.constant 0 : i32
    %dma_wait3A_260 = arith.constant 0 : i32
    %dma_wait3A_261 = tpu.memref_slice %arg9[%dma_wait3A_258, %dma_wait3A_259, %dma_wait3A_260] : memref<3x64x304xf32, #tpu.memory_space<vmem>> -> memref<1x64x304xf32, #tpu.memory_space<vmem>>
    %dma_wait3A_262 = tpu.memref_squeeze %dma_wait3A_261 : memref<1x64x304xf32, #tpu.memory_space<vmem>> -> memref<64x304xf32, #tpu.memory_space<vmem>>
    %dma_wait3A_263 = arith.constant 0 : i32
    %dma_wait3A_264 = tpu.memref_slice %arg8[%dma_wait3A_256, %dma_wait3A_257, %dma_wait3A_263] : memref<4x5x64xi32, #tpu.memory_space<vmem>> -> memref<1x1x64xi32, #tpu.memory_space<vmem>>
    %dma_wait3A_265 = tpu.memref_squeeze %dma_wait3A_264 : memref<1x1x64xi32, #tpu.memory_space<vmem>> -> memref<64xi32, #tpu.memory_space<vmem>>
    %dma_wait3A_266 = arith.constant 0 : i32
    %dma_wait3A_267 = arith.constant 0 : i32
    %dma_wait3A_268 = tpu.memref_slice %arg5[%dma_wait3A_266, %dma_wait3A_267] : memref<2048x304xf32, #tpu.memory_space<hbm>> -> memref<2048x304xf32, #tpu.memory_space<hbm>>
    tpu.wait_indirect_dma semaphore(%arg17 : memref<!tpu.dma_semaphore, #tpu.memory_space<semaphore_mem>>) src(%dma_wait3A_268 : memref<2048x304xf32, #tpu.memory_space<hbm>>) dst(%dma_wait3A_262 : memref<64x304xf32, #tpu.memory_space<vmem>>)
    %dma_wait3A_269 = arith.constant 0 : i32
    %dma_wait3A_270 = arith.constant 4 : i32
    %dma_wait3A_271 = arith.constant 0 : i32
    %dma_wait3A_272 = arith.constant 0 : i32
    %dma_wait3A_273 = arith.constant 0 : i32
    %dma_wait3A_274 = tpu.memref_slice %arg9[%dma_wait3A_271, %dma_wait3A_272, %dma_wait3A_273] : memref<3x64x304xf32, #tpu.memory_space<vmem>> -> memref<1x64x304xf32, #tpu.memory_space<vmem>>
    %dma_wait3A_275 = tpu.memref_squeeze %dma_wait3A_274 : memref<1x64x304xf32, #tpu.memory_space<vmem>> -> memref<64x304xf32, #tpu.memory_space<vmem>>
    %dma_wait3A_276 = arith.constant 0 : i32
    %dma_wait3A_277 = tpu.memref_slice %arg8[%dma_wait3A_269, %dma_wait3A_270, %dma_wait3A_276] : memref<4x5x64xi32, #tpu.memory_space<vmem>> -> memref<1x1x64xi32, #tpu.memory_space<vmem>>
    %dma_wait3A_278 = tpu.memref_squeeze %dma_wait3A_277 : memref<1x1x64xi32, #tpu.memory_space<vmem>> -> memref<64xi32, #tpu.memory_space<vmem>>
    %dma_wait3A_279 = arith.constant 0 : i32
    %dma_wait3A_280 = arith.constant 0 : i32
    %dma_wait3A_281 = tpu.memref_slice %arg6[%dma_wait3A_279, %dma_wait3A_280] : memref<2048x304xf32, #tpu.memory_space<hbm>> -> memref<2048x304xf32, #tpu.memory_space<hbm>>
    tpu.wait_indirect_dma semaphore(%arg17 : memref<!tpu.dma_semaphore, #tpu.memory_space<semaphore_mem>>) src(%dma_wait3A_281 : memref<2048x304xf32, #tpu.memory_space<hbm>>) dst(%dma_wait3A_275 : memref<64x304xf32, #tpu.memory_space<vmem>>)
    %add3A_282 = arith.constant 0 : i32
    %add3A_283 = arith.addi %mul3A_2, %add3A_282 : i32
    %dma_start3A_284 = arith.constant 0 : i32
    %dma_start3A_285 = arith.constant 0 : i32
    %dma_start3A_286 = arith.constant 0 : i32
    %dma_start3A_287 = tpu.memref_slice %arg9[%dma_start3A_284, %dma_start3A_285, %dma_start3A_286] : memref<3x64x304xf32, #tpu.memory_space<vmem>> -> memref<1x64x304xf32, #tpu.memory_space<vmem>>
    %dma_start3A_288 = tpu.memref_squeeze %dma_start3A_287 : memref<1x64x304xf32, #tpu.memory_space<vmem>> -> memref<64x304xf32, #tpu.memory_space<vmem>>
    %dma_start3A_289 = arith.constant 0 : i32
    %dma_start3A_290 = tpu.memref_slice %arg7[%add3A_283, %dma_start3A_289] : memref<131072x304xf32, #tpu.memory_space<hbm>> -> memref<64x304xf32, #tpu.memory_space<hbm>>
    %dma_start3A_291 = arith.constant 0 : i32
    %dma_start3A_292 = tpu.memref_slice %arg7[%add3A_283, %dma_start3A_291] : memref<131072x304xf32, #tpu.memory_space<hbm>> -> memref<64x304xf32, #tpu.memory_space<hbm>>
    %dma_start3A_293 = arith.constant 0 : i32
    %dma_start3A_294 = arith.constant 0 : i32
    %dma_start3A_295 = tpu.memref_slice %arg9[%dma_start3A_284, %dma_start3A_293, %dma_start3A_294] : memref<3x64x304xf32, #tpu.memory_space<vmem>> -> memref<1x64x304xf32, #tpu.memory_space<vmem>>
    %dma_start3A_296 = tpu.memref_squeeze %dma_start3A_295 : memref<1x64x304xf32, #tpu.memory_space<vmem>> -> memref<64x304xf32, #tpu.memory_space<vmem>>
    tpu.enqueue_dma source(%dma_start3A_296 : memref<64x304xf32, #tpu.memory_space<vmem>>) target(%dma_start3A_292 : memref<64x304xf32, #tpu.memory_space<hbm>>) target_semaphore(%arg20 : memref<!tpu.dma_semaphore, #tpu.memory_space<semaphore_mem>>)
    %dma_wait3A_297 = arith.constant 2 : i32
    %dma_wait3A_298 = arith.constant 0 : i32
    %dma_wait3A_299 = arith.constant 0 : i32
    %dma_wait3A_300 = tpu.memref_slice %arg8[%dma_wait3A_297, %dma_wait3A_298, %dma_wait3A_299] : memref<4x5x64xi32, #tpu.memory_space<vmem>> -> memref<1x5x64xi32, #tpu.memory_space<vmem>>
    %dma_wait3A_301 = tpu.memref_squeeze %dma_wait3A_300 : memref<1x5x64xi32, #tpu.memory_space<vmem>> -> memref<5x64xi32, #tpu.memory_space<vmem>>
    %dma_wait3A_302 = arith.constant 0 : i32
    %dma_wait3A_303 = arith.constant 0 : i32
    %dma_wait3A_304 = tpu.memref_slice %arg2[%mul3A_4, %dma_wait3A_302, %dma_wait3A_303] : memref<2048x5x64xi32, #tpu.memory_space<hbm>> -> memref<1x5x64xi32, #tpu.memory_space<hbm>>
    %dma_wait3A_305 = tpu.memref_squeeze %dma_wait3A_304 : memref<1x5x64xi32, #tpu.memory_space<hbm>> -> memref<5x64xi32, #tpu.memory_space<hbm>>
    %dma_wait3A_306 = arith.constant 0 : i32
    %dma_wait3A_307 = arith.constant 0 : i32
    %dma_wait3A_308 = tpu.memref_slice %arg8[%dma_wait3A_297, %dma_wait3A_306, %dma_wait3A_307] : memref<4x5x64xi32, #tpu.memory_space<vmem>> -> memref<1x5x64xi32, #tpu.memory_space<vmem>>
    %dma_wait3A_309 = tpu.memref_squeeze %dma_wait3A_308 : memref<1x5x64xi32, #tpu.memory_space<vmem>> -> memref<5x64xi32, #tpu.memory_space<vmem>>
    %dma_wait3A_310 = arith.constant 0 : i32
    %dma_wait3A_311 = arith.constant 0 : i32
    %dma_wait3A_312 = tpu.memref_slice %arg2[%mul3A_4, %dma_wait3A_310, %dma_wait3A_311] : memref<2048x5x64xi32, #tpu.memory_space<hbm>> -> memref<1x5x64xi32, #tpu.memory_space<hbm>>
    %dma_wait3A_313 = tpu.memref_squeeze %dma_wait3A_312 : memref<1x5x64xi32, #tpu.memory_space<hbm>> -> memref<5x64xi32, #tpu.memory_space<hbm>>
    tpu.wait_dma2 semaphore(%arg12 : memref<!tpu.dma_semaphore, #tpu.memory_space<semaphore_mem>>) src(%dma_wait3A_313 : memref<5x64xi32, #tpu.memory_space<hbm>>) dst(%dma_wait3A_309 : memref<5x64xi32, #tpu.memory_space<vmem>>)
    %dma_start3A_314 = arith.constant 2 : i32
    %dma_start3A_315 = arith.constant 0 : i32
    %dma_start3A_316 = arith.constant 2 : i32
    %dma_start3A_317 = arith.constant 0 : i32
    %dma_start3A_318 = arith.constant 0 : i32
    %dma_start3A_319 = tpu.memref_slice %arg9[%dma_start3A_316, %dma_start3A_317, %dma_start3A_318] : memref<3x64x304xf32, #tpu.memory_space<vmem>> -> memref<1x64x304xf32, #tpu.memory_space<vmem>>
    %dma_start3A_320 = tpu.memref_squeeze %dma_start3A_319 : memref<1x64x304xf32, #tpu.memory_space<vmem>> -> memref<64x304xf32, #tpu.memory_space<vmem>>
    %dma_start3A_321 = arith.constant 0 : i32
    %dma_start3A_322 = tpu.memref_slice %arg8[%dma_start3A_314, %dma_start3A_315, %dma_start3A_321] : memref<4x5x64xi32, #tpu.memory_space<vmem>> -> memref<1x1x64xi32, #tpu.memory_space<vmem>>
    %dma_start3A_323 = tpu.memref_squeeze %dma_start3A_322 : memref<1x1x64xi32, #tpu.memory_space<vmem>> -> memref<64xi32, #tpu.memory_space<vmem>>
    %dma_start3A_324 = arith.constant 0 : i32
    %dma_start3A_325 = arith.constant 0 : i32
    %dma_start3A_326 = tpu.memref_slice %arg3[%dma_start3A_324, %dma_start3A_325] : memref<2048x304xf32, #tpu.memory_space<hbm>> -> memref<2048x304xf32, #tpu.memory_space<hbm>>
    tpu.enqueue_indirect_dma source(%dma_start3A_326 : memref<2048x304xf32, #tpu.memory_space<hbm>>) target(%dma_start3A_320 : memref<64x304xf32, #tpu.memory_space<vmem>>) offsets(%dma_start3A_323 : memref<64xi32, #tpu.memory_space<vmem>>) semaphore(%arg16 : memref<!tpu.dma_semaphore, #tpu.memory_space<semaphore_mem>>)
    %scan3A = arith.constant 0 : i32
    %scan3A_327 = arith.constant 0 : i32
    %scan3A_328 = arith.constant 5 : i32
    %scan3A_329 = arith.addi %scan3A_327, %scan3A_328 : i32
    %scan3A_330 = arith.constant 1 : i32
    scf.for %scan3A_680 = %scan3A_327 to %scan3A_329 step %scan3A_330  : i32 {
      %mul3A_681 = arith.constant 12 : i32
      %mul3A_682 = arith.muli %scan3A_680, %mul3A_681 : i32
      %add3A_683 = arith.constant 1 : i32
      %add3A_684 = arith.addi %add3A_683, %mul3A_682 : i32
      %add3A_685 = arith.constant 0 : i32
      %add3A_686 = arith.addi %add3A_684, %add3A_685 : i32
      %add3A_687 = arith.constant 3 : i32
      %add3A_688 = arith.addi %add3A_686, %add3A_687 : i32
      %add3A_689 = arith.addi %mul3A_4, %add3A_688 : i32
      %dma_start3A_690 = arith.constant 0 : i32
      %dma_start3A_691 = arith.constant 0 : i32
      %dma_start3A_692 = arith.constant 0 : i32
      %dma_start3A_693 = tpu.memref_slice %arg8[%dma_start3A_690, %dma_start3A_691, %dma_start3A_692] : memref<4x5x64xi32, #tpu.memory_space<vmem>> -> memref<1x5x64xi32, #tpu.memory_space<vmem>>
      %dma_start3A_694 = tpu.memref_squeeze %dma_start3A_693 : memref<1x5x64xi32, #tpu.memory_space<vmem>> -> memref<5x64xi32, #tpu.memory_space<vmem>>
      %dma_start3A_695 = arith.constant 0 : i32
      %dma_start3A_696 = arith.constant 0 : i32
      %dma_start3A_697 = tpu.memref_slice %arg2[%add3A_689, %dma_start3A_695, %dma_start3A_696] : memref<2048x5x64xi32, #tpu.memory_space<hbm>> -> memref<1x5x64xi32, #tpu.memory_space<hbm>>
      %dma_start3A_698 = tpu.memref_squeeze %dma_start3A_697 : memref<1x5x64xi32, #tpu.memory_space<hbm>> -> memref<5x64xi32, #tpu.memory_space<hbm>>
      %dma_start3A_699 = arith.constant 0 : i32
      %dma_start3A_700 = arith.constant 0 : i32
      %dma_start3A_701 = tpu.memref_slice %arg8[%dma_start3A_690, %dma_start3A_699, %dma_start3A_700] : memref<4x5x64xi32, #tpu.memory_space<vmem>> -> memref<1x5x64xi32, #tpu.memory_space<vmem>>
      %dma_start3A_702 = tpu.memref_squeeze %dma_start3A_701 : memref<1x5x64xi32, #tpu.memory_space<vmem>> -> memref<5x64xi32, #tpu.memory_space<vmem>>
      %dma_start3A_703 = arith.constant 0 : i32
      %dma_start3A_704 = arith.constant 0 : i32
      %dma_start3A_705 = tpu.memref_slice %arg2[%add3A_689, %dma_start3A_703, %dma_start3A_704] : memref<2048x5x64xi32, #tpu.memory_space<hbm>> -> memref<1x5x64xi32, #tpu.memory_space<hbm>>
      %dma_start3A_706 = tpu.memref_squeeze %dma_start3A_705 : memref<1x5x64xi32, #tpu.memory_space<hbm>> -> memref<5x64xi32, #tpu.memory_space<hbm>>
      tpu.enqueue_dma source(%dma_start3A_706 : memref<5x64xi32, #tpu.memory_space<hbm>>) target(%dma_start3A_702 : memref<5x64xi32, #tpu.memory_space<vmem>>) target_semaphore(%arg10 : memref<!tpu.dma_semaphore, #tpu.memory_space<semaphore_mem>>)
      %dma_wait3A_707 = arith.constant 2 : i32
      %dma_wait3A_708 = arith.constant 0 : i32
      %dma_wait3A_709 = arith.constant 2 : i32
      %dma_wait3A_710 = arith.constant 0 : i32
      %dma_wait3A_711 = arith.constant 0 : i32
      %dma_wait3A_712 = tpu.memref_slice %arg9[%dma_wait3A_709, %dma_wait3A_710, %dma_wait3A_711] : memref<3x64x304xf32, #tpu.memory_space<vmem>> -> memref<1x64x304xf32, #tpu.memory_space<vmem>>
      %dma_wait3A_713 = tpu.memref_squeeze %dma_wait3A_712 : memref<1x64x304xf32, #tpu.memory_space<vmem>> -> memref<64x304xf32, #tpu.memory_space<vmem>>
      %dma_wait3A_714 = arith.constant 0 : i32
      %dma_wait3A_715 = tpu.memref_slice %arg8[%dma_wait3A_707, %dma_wait3A_708, %dma_wait3A_714] : memref<4x5x64xi32, #tpu.memory_space<vmem>> -> memref<1x1x64xi32, #tpu.memory_space<vmem>>
      %dma_wait3A_716 = tpu.memref_squeeze %dma_wait3A_715 : memref<1x1x64xi32, #tpu.memory_space<vmem>> -> memref<64xi32, #tpu.memory_space<vmem>>
      %dma_wait3A_717 = arith.constant 0 : i32
      %dma_wait3A_718 = arith.constant 0 : i32
      %dma_wait3A_719 = tpu.memref_slice %arg3[%dma_wait3A_717, %dma_wait3A_718] : memref<2048x304xf32, #tpu.memory_space<hbm>> -> memref<2048x304xf32, #tpu.memory_space<hbm>>
      tpu.wait_indirect_dma semaphore(%arg16 : memref<!tpu.dma_semaphore, #tpu.memory_space<semaphore_mem>>) src(%dma_wait3A_719 : memref<2048x304xf32, #tpu.memory_space<hbm>>) dst(%dma_wait3A_713 : memref<64x304xf32, #tpu.memory_space<vmem>>)
      %dma_start3A_720 = arith.constant 2 : i32
      %dma_start3A_721 = arith.constant 2 : i32
      %dma_start3A_722 = arith.constant 2 : i32
      %dma_start3A_723 = arith.constant 0 : i32
      %dma_start3A_724 = arith.constant 0 : i32
      %dma_start3A_725 = tpu.memref_slice %arg9[%dma_start3A_722, %dma_start3A_723, %dma_start3A_724] : memref<3x64x304xf32, #tpu.memory_space<vmem>> -> memref<1x64x304xf32, #tpu.memory_space<vmem>>
      %dma_start3A_726 = tpu.memref_squeeze %dma_start3A_725 : memref<1x64x304xf32, #tpu.memory_space<vmem>> -> memref<64x304xf32, #tpu.memory_space<vmem>>
      %dma_start3A_727 = arith.constant 0 : i32
      %dma_start3A_728 = tpu.memref_slice %arg8[%dma_start3A_720, %dma_start3A_721, %dma_start3A_727] : memref<4x5x64xi32, #tpu.memory_space<vmem>> -> memref<1x1x64xi32, #tpu.memory_space<vmem>>
      %dma_start3A_729 = tpu.memref_squeeze %dma_start3A_728 : memref<1x1x64xi32, #tpu.memory_space<vmem>> -> memref<64xi32, #tpu.memory_space<vmem>>
      %dma_start3A_730 = arith.constant 0 : i32
      %dma_start3A_731 = arith.constant 0 : i32
      %dma_start3A_732 = tpu.memref_slice %arg4[%dma_start3A_730, %dma_start3A_731] : memref<2048x304xf32, #tpu.memory_space<hbm>> -> memref<2048x304xf32, #tpu.memory_space<hbm>>
      tpu.enqueue_indirect_dma source(%dma_start3A_732 : memref<2048x304xf32, #tpu.memory_space<hbm>>) target(%dma_start3A_726 : memref<64x304xf32, #tpu.memory_space<vmem>>) offsets(%dma_start3A_729 : memref<64xi32, #tpu.memory_space<vmem>>) semaphore(%arg19 : memref<!tpu.dma_semaphore, #tpu.memory_space<semaphore_mem>>) {add = true}
      %dma_start3A_733 = arith.constant 2 : i32
      %dma_start3A_734 = arith.constant 3 : i32
      %dma_start3A_735 = arith.constant 2 : i32
      %dma_start3A_736 = arith.constant 0 : i32
      %dma_start3A_737 = arith.constant 0 : i32
      %dma_start3A_738 = tpu.memref_slice %arg9[%dma_start3A_735, %dma_start3A_736, %dma_start3A_737] : memref<3x64x304xf32, #tpu.memory_space<vmem>> -> memref<1x64x304xf32, #tpu.memory_space<vmem>>
      %dma_start3A_739 = tpu.memref_squeeze %dma_start3A_738 : memref<1x64x304xf32, #tpu.memory_space<vmem>> -> memref<64x304xf32, #tpu.memory_space<vmem>>
      %dma_start3A_740 = arith.constant 0 : i32
      %dma_start3A_741 = tpu.memref_slice %arg8[%dma_start3A_733, %dma_start3A_734, %dma_start3A_740] : memref<4x5x64xi32, #tpu.memory_space<vmem>> -> memref<1x1x64xi32, #tpu.memory_space<vmem>>
      %dma_start3A_742 = tpu.memref_squeeze %dma_start3A_741 : memref<1x1x64xi32, #tpu.memory_space<vmem>> -> memref<64xi32, #tpu.memory_space<vmem>>
      %dma_start3A_743 = arith.constant 0 : i32
      %dma_start3A_744 = arith.constant 0 : i32
      %dma_start3A_745 = tpu.memref_slice %arg5[%dma_start3A_743, %dma_start3A_744] : memref<2048x304xf32, #tpu.memory_space<hbm>> -> memref<2048x304xf32, #tpu.memory_space<hbm>>
      tpu.enqueue_indirect_dma source(%dma_start3A_745 : memref<2048x304xf32, #tpu.memory_space<hbm>>) target(%dma_start3A_739 : memref<64x304xf32, #tpu.memory_space<vmem>>) offsets(%dma_start3A_742 : memref<64xi32, #tpu.memory_space<vmem>>) semaphore(%arg19 : memref<!tpu.dma_semaphore, #tpu.memory_space<semaphore_mem>>) {add = true}
      %dma_start3A_746 = arith.constant 2 : i32
      %dma_start3A_747 = arith.constant 4 : i32
      %dma_start3A_748 = arith.constant 2 : i32
      %dma_start3A_749 = arith.constant 0 : i32
      %dma_start3A_750 = arith.constant 0 : i32
      %dma_start3A_751 = tpu.memref_slice %arg9[%dma_start3A_748, %dma_start3A_749, %dma_start3A_750] : memref<3x64x304xf32, #tpu.memory_space<vmem>> -> memref<1x64x304xf32, #tpu.memory_space<vmem>>
      %dma_start3A_752 = tpu.memref_squeeze %dma_start3A_751 : memref<1x64x304xf32, #tpu.memory_space<vmem>> -> memref<64x304xf32, #tpu.memory_space<vmem>>
      %dma_start3A_753 = arith.constant 0 : i32
      %dma_start3A_754 = tpu.memref_slice %arg8[%dma_start3A_746, %dma_start3A_747, %dma_start3A_753] : memref<4x5x64xi32, #tpu.memory_space<vmem>> -> memref<1x1x64xi32, #tpu.memory_space<vmem>>
      %dma_start3A_755 = tpu.memref_squeeze %dma_start3A_754 : memref<1x1x64xi32, #tpu.memory_space<vmem>> -> memref<64xi32, #tpu.memory_space<vmem>>
      %dma_start3A_756 = arith.constant 0 : i32
      %dma_start3A_757 = arith.constant 0 : i32
      %dma_start3A_758 = tpu.memref_slice %arg6[%dma_start3A_756, %dma_start3A_757] : memref<2048x304xf32, #tpu.memory_space<hbm>> -> memref<2048x304xf32, #tpu.memory_space<hbm>>
      tpu.enqueue_indirect_dma source(%dma_start3A_758 : memref<2048x304xf32, #tpu.memory_space<hbm>>) target(%dma_start3A_752 : memref<64x304xf32, #tpu.memory_space<vmem>>) offsets(%dma_start3A_755 : memref<64xi32, #tpu.memory_space<vmem>>) semaphore(%arg19 : memref<!tpu.dma_semaphore, #tpu.memory_space<semaphore_mem>>) {add = true}
      %dma_wait3A_759 = arith.constant 1 : i32
      %dma_wait3A_760 = arith.constant 2 : i32
      %dma_wait3A_761 = arith.constant 1 : i32
      %dma_wait3A_762 = arith.constant 0 : i32
      %dma_wait3A_763 = arith.constant 0 : i32
      %dma_wait3A_764 = tpu.memref_slice %arg9[%dma_wait3A_761, %dma_wait3A_762, %dma_wait3A_763] : memref<3x64x304xf32, #tpu.memory_space<vmem>> -> memref<1x64x304xf32, #tpu.memory_space<vmem>>
      %dma_wait3A_765 = tpu.memref_squeeze %dma_wait3A_764 : memref<1x64x304xf32, #tpu.memory_space<vmem>> -> memref<64x304xf32, #tpu.memory_space<vmem>>
      %dma_wait3A_766 = arith.constant 0 : i32
      %dma_wait3A_767 = tpu.memref_slice %arg8[%dma_wait3A_759, %dma_wait3A_760, %dma_wait3A_766] : memref<4x5x64xi32, #tpu.memory_space<vmem>> -> memref<1x1x64xi32, #tpu.memory_space<vmem>>
      %dma_wait3A_768 = tpu.memref_squeeze %dma_wait3A_767 : memref<1x1x64xi32, #tpu.memory_space<vmem>> -> memref<64xi32, #tpu.memory_space<vmem>>
      %dma_wait3A_769 = arith.constant 0 : i32
      %dma_wait3A_770 = arith.constant 0 : i32
      %dma_wait3A_771 = tpu.memref_slice %arg4[%dma_wait3A_769, %dma_wait3A_770] : memref<2048x304xf32, #tpu.memory_space<hbm>> -> memref<2048x304xf32, #tpu.memory_space<hbm>>
      tpu.wait_indirect_dma semaphore(%arg18 : memref<!tpu.dma_semaphore, #tpu.memory_space<semaphore_mem>>) src(%dma_wait3A_771 : memref<2048x304xf32, #tpu.memory_space<hbm>>) dst(%dma_wait3A_765 : memref<64x304xf32, #tpu.memory_space<vmem>>)
      %dma_wait3A_772 = arith.constant 1 : i32
      %dma_wait3A_773 = arith.constant 3 : i32
      %dma_wait3A_774 = arith.constant 1 : i32
      %dma_wait3A_775 = arith.constant 0 : i32
      %dma_wait3A_776 = arith.constant 0 : i32
      %dma_wait3A_777 = tpu.memref_slice %arg9[%dma_wait3A_774, %dma_wait3A_775, %dma_wait3A_776] : memref<3x64x304xf32, #tpu.memory_space<vmem>> -> memref<1x64x304xf32, #tpu.memory_space<vmem>>
      %dma_wait3A_778 = tpu.memref_squeeze %dma_wait3A_777 : memref<1x64x304xf32, #tpu.memory_space<vmem>> -> memref<64x304xf32, #tpu.memory_space<vmem>>
      %dma_wait3A_779 = arith.constant 0 : i32
      %dma_wait3A_780 = tpu.memref_slice %arg8[%dma_wait3A_772, %dma_wait3A_773, %dma_wait3A_779] : memref<4x5x64xi32, #tpu.memory_space<vmem>> -> memref<1x1x64xi32, #tpu.memory_space<vmem>>
      %dma_wait3A_781 = tpu.memref_squeeze %dma_wait3A_780 : memref<1x1x64xi32, #tpu.memory_space<vmem>> -> memref<64xi32, #tpu.memory_space<vmem>>
      %dma_wait3A_782 = arith.constant 0 : i32
      %dma_wait3A_783 = arith.constant 0 : i32
      %dma_wait3A_784 = tpu.memref_slice %arg5[%dma_wait3A_782, %dma_wait3A_783] : memref<2048x304xf32, #tpu.memory_space<hbm>> -> memref<2048x304xf32, #tpu.memory_space<hbm>>
      tpu.wait_indirect_dma semaphore(%arg18 : memref<!tpu.dma_semaphore, #tpu.memory_space<semaphore_mem>>) src(%dma_wait3A_784 : memref<2048x304xf32, #tpu.memory_space<hbm>>) dst(%dma_wait3A_778 : memref<64x304xf32, #tpu.memory_space<vmem>>)
      %dma_wait3A_785 = arith.constant 1 : i32
      %dma_wait3A_786 = arith.constant 4 : i32
      %dma_wait3A_787 = arith.constant 1 : i32
      %dma_wait3A_788 = arith.constant 0 : i32
      %dma_wait3A_789 = arith.constant 0 : i32
      %dma_wait3A_790 = tpu.memref_slice %arg9[%dma_wait3A_787, %dma_wait3A_788, %dma_wait3A_789] : memref<3x64x304xf32, #tpu.memory_space<vmem>> -> memref<1x64x304xf32, #tpu.memory_space<vmem>>
      %dma_wait3A_791 = tpu.memref_squeeze %dma_wait3A_790 : memref<1x64x304xf32, #tpu.memory_space<vmem>> -> memref<64x304xf32, #tpu.memory_space<vmem>>
      %dma_wait3A_792 = arith.constant 0 : i32
      %dma_wait3A_793 = tpu.memref_slice %arg8[%dma_wait3A_785, %dma_wait3A_786, %dma_wait3A_792] : memref<4x5x64xi32, #tpu.memory_space<vmem>> -> memref<1x1x64xi32, #tpu.memory_space<vmem>>
      %dma_wait3A_794 = tpu.memref_squeeze %dma_wait3A_793 : memref<1x1x64xi32, #tpu.memory_space<vmem>> -> memref<64xi32, #tpu.memory_space<vmem>>
      %dma_wait3A_795 = arith.constant 0 : i32
      %dma_wait3A_796 = arith.constant 0 : i32
      %dma_wait3A_797 = tpu.memref_slice %arg6[%dma_wait3A_795, %dma_wait3A_796] : memref<2048x304xf32, #tpu.memory_space<hbm>> -> memref<2048x304xf32, #tpu.memory_space<hbm>>
      tpu.wait_indirect_dma semaphore(%arg18 : memref<!tpu.dma_semaphore, #tpu.memory_space<semaphore_mem>>) src(%dma_wait3A_797 : memref<2048x304xf32, #tpu.memory_space<hbm>>) dst(%dma_wait3A_791 : memref<64x304xf32, #tpu.memory_space<vmem>>)
      %mul3A_798 = arith.constant 64 : i32
      %mul3A_799 = arith.muli %add3A_686, %mul3A_798 : i32
      %add3A_800 = arith.addi %mul3A_2, %mul3A_799 : i32
      %dma_start3A_801 = arith.constant 1 : i32
      %dma_start3A_802 = arith.constant 0 : i32
      %dma_start3A_803 = arith.constant 0 : i32
      %dma_start3A_804 = tpu.memref_slice %arg9[%dma_start3A_801, %dma_start3A_802, %dma_start3A_803] : memref<3x64x304xf32, #tpu.memory_space<vmem>> -> memref<1x64x304xf32, #tpu.memory_space<vmem>>
      %dma_start3A_805 = tpu.memref_squeeze %dma_start3A_804 : memref<1x64x304xf32, #tpu.memory_space<vmem>> -> memref<64x304xf32, #tpu.memory_space<vmem>>
      %dma_start3A_806 = arith.constant 0 : i32
      %dma_start3A_807 = tpu.memref_slice %arg7[%add3A_800, %dma_start3A_806] : memref<131072x304xf32, #tpu.memory_space<hbm>> -> memref<64x304xf32, #tpu.memory_space<hbm>>
      %dma_start3A_808 = arith.constant 0 : i32
      %dma_start3A_809 = tpu.memref_slice %arg7[%add3A_800, %dma_start3A_808] : memref<131072x304xf32, #tpu.memory_space<hbm>> -> memref<64x304xf32, #tpu.memory_space<hbm>>
      %dma_start3A_810 = arith.constant 0 : i32
      %dma_start3A_811 = arith.constant 0 : i32
      %dma_start3A_812 = tpu.memref_slice %arg9[%dma_start3A_801, %dma_start3A_810, %dma_start3A_811] : memref<3x64x304xf32, #tpu.memory_space<vmem>> -> memref<1x64x304xf32, #tpu.memory_space<vmem>>
      %dma_start3A_813 = tpu.memref_squeeze %dma_start3A_812 : memref<1x64x304xf32, #tpu.memory_space<vmem>> -> memref<64x304xf32, #tpu.memory_space<vmem>>
      tpu.enqueue_dma source(%dma_start3A_813 : memref<64x304xf32, #tpu.memory_space<vmem>>) target(%dma_start3A_809 : memref<64x304xf32, #tpu.memory_space<hbm>>) target_semaphore(%arg21 : memref<!tpu.dma_semaphore, #tpu.memory_space<semaphore_mem>>)
      %dma_wait3A_814 = arith.constant 0 : i32
      %dma_wait3A_815 = arith.constant 0 : i32
      %dma_wait3A_816 = arith.constant 0 : i32
      %dma_wait3A_817 = tpu.memref_slice %arg9[%dma_wait3A_814, %dma_wait3A_815, %dma_wait3A_816] : memref<3x64x304xf32, #tpu.memory_space<vmem>> -> memref<1x64x304xf32, #tpu.memory_space<vmem>>
      %dma_wait3A_818 = tpu.memref_squeeze %dma_wait3A_817 : memref<1x64x304xf32, #tpu.memory_space<vmem>> -> memref<64x304xf32, #tpu.memory_space<vmem>>
      %dma_wait3A_819 = arith.constant 0 : i32
      %dma_wait3A_820 = tpu.memref_slice %arg7[%mul3A_2, %dma_wait3A_819] : memref<131072x304xf32, #tpu.memory_space<hbm>> -> memref<64x304xf32, #tpu.memory_space<hbm>>
      %dma_wait3A_821 = arith.constant 0 : i32
      %dma_wait3A_822 = tpu.memref_slice %arg7[%mul3A_2, %dma_wait3A_821] : memref<131072x304xf32, #tpu.memory_space<hbm>> -> memref<64x304xf32, #tpu.memory_space<hbm>>
      %dma_wait3A_823 = arith.constant 0 : i32
      %dma_wait3A_824 = arith.constant 0 : i32
      %dma_wait3A_825 = tpu.memref_slice %arg9[%dma_wait3A_814, %dma_wait3A_823, %dma_wait3A_824] : memref<3x64x304xf32, #tpu.memory_space<vmem>> -> memref<1x64x304xf32, #tpu.memory_space<vmem>>
      %dma_wait3A_826 = tpu.memref_squeeze %dma_wait3A_825 : memref<1x64x304xf32, #tpu.memory_space<vmem>> -> memref<64x304xf32, #tpu.memory_space<vmem>>
      tpu.wait_dma2 semaphore(%arg20 : memref<!tpu.dma_semaphore, #tpu.memory_space<semaphore_mem>>) src(%dma_wait3A_826 : memref<64x304xf32, #tpu.memory_space<vmem>>) dst(%dma_wait3A_822 : memref<64x304xf32, #tpu.memory_space<hbm>>)
      %dma_wait3A_827 = arith.constant 3 : i32
      %dma_wait3A_828 = arith.constant 0 : i32
      %dma_wait3A_829 = arith.constant 0 : i32
      %dma_wait3A_830 = tpu.memref_slice %arg8[%dma_wait3A_827, %dma_wait3A_828, %dma_wait3A_829] : memref<4x5x64xi32, #tpu.memory_space<vmem>> -> memref<1x5x64xi32, #tpu.memory_space<vmem>>
      %dma_wait3A_831 = tpu.memref_squeeze %dma_wait3A_830 : memref<1x5x64xi32, #tpu.memory_space<vmem>> -> memref<5x64xi32, #tpu.memory_space<vmem>>
      %dma_wait3A_832 = arith.constant 0 : i32
      %dma_wait3A_833 = arith.constant 0 : i32
      %dma_wait3A_834 = tpu.memref_slice %arg2[%mul3A_4, %dma_wait3A_832, %dma_wait3A_833] : memref<2048x5x64xi32, #tpu.memory_space<hbm>> -> memref<1x5x64xi32, #tpu.memory_space<hbm>>
      %dma_wait3A_835 = tpu.memref_squeeze %dma_wait3A_834 : memref<1x5x64xi32, #tpu.memory_space<hbm>> -> memref<5x64xi32, #tpu.memory_space<hbm>>
      %dma_wait3A_836 = arith.constant 0 : i32
      %dma_wait3A_837 = arith.constant 0 : i32
      %dma_wait3A_838 = tpu.memref_slice %arg8[%dma_wait3A_827, %dma_wait3A_836, %dma_wait3A_837] : memref<4x5x64xi32, #tpu.memory_space<vmem>> -> memref<1x5x64xi32, #tpu.memory_space<vmem>>
      %dma_wait3A_839 = tpu.memref_squeeze %dma_wait3A_838 : memref<1x5x64xi32, #tpu.memory_space<vmem>> -> memref<5x64xi32, #tpu.memory_space<vmem>>
      %dma_wait3A_840 = arith.constant 0 : i32
      %dma_wait3A_841 = arith.constant 0 : i32
      %dma_wait3A_842 = tpu.memref_slice %arg2[%mul3A_4, %dma_wait3A_840, %dma_wait3A_841] : memref<2048x5x64xi32, #tpu.memory_space<hbm>> -> memref<1x5x64xi32, #tpu.memory_space<hbm>>
      %dma_wait3A_843 = tpu.memref_squeeze %dma_wait3A_842 : memref<1x5x64xi32, #tpu.memory_space<hbm>> -> memref<5x64xi32, #tpu.memory_space<hbm>>
      tpu.wait_dma2 semaphore(%arg13 : memref<!tpu.dma_semaphore, #tpu.memory_space<semaphore_mem>>) src(%dma_wait3A_843 : memref<5x64xi32, #tpu.memory_space<hbm>>) dst(%dma_wait3A_839 : memref<5x64xi32, #tpu.memory_space<vmem>>)
      %add3A_844 = arith.constant 2 : i32
      %add3A_845 = arith.addi %add3A_686, %add3A_844 : i32
      %dma_start3A_846 = arith.constant 3 : i32
      %dma_start3A_847 = arith.constant 0 : i32
      %dma_start3A_848 = arith.constant 0 : i32
      %dma_start3A_849 = arith.constant 0 : i32
      %dma_start3A_850 = arith.constant 0 : i32
      %dma_start3A_851 = tpu.memref_slice %arg9[%dma_start3A_848, %dma_start3A_849, %dma_start3A_850] : memref<3x64x304xf32, #tpu.memory_space<vmem>> -> memref<1x64x304xf32, #tpu.memory_space<vmem>>
      %dma_start3A_852 = tpu.memref_squeeze %dma_start3A_851 : memref<1x64x304xf32, #tpu.memory_space<vmem>> -> memref<64x304xf32, #tpu.memory_space<vmem>>
      %dma_start3A_853 = arith.constant 0 : i32
      %dma_start3A_854 = tpu.memref_slice %arg8[%dma_start3A_846, %dma_start3A_847, %dma_start3A_853] : memref<4x5x64xi32, #tpu.memory_space<vmem>> -> memref<1x1x64xi32, #tpu.memory_space<vmem>>
      %dma_start3A_855 = tpu.memref_squeeze %dma_start3A_854 : memref<1x1x64xi32, #tpu.memory_space<vmem>> -> memref<64xi32, #tpu.memory_space<vmem>>
      %dma_start3A_856 = arith.constant 0 : i32
      %dma_start3A_857 = arith.constant 0 : i32
      %dma_start3A_858 = tpu.memref_slice %arg3[%dma_start3A_856, %dma_start3A_857] : memref<2048x304xf32, #tpu.memory_space<hbm>> -> memref<2048x304xf32, #tpu.memory_space<hbm>>
      tpu.enqueue_indirect_dma source(%dma_start3A_858 : memref<2048x304xf32, #tpu.memory_space<hbm>>) target(%dma_start3A_852 : memref<64x304xf32, #tpu.memory_space<vmem>>) offsets(%dma_start3A_855 : memref<64xi32, #tpu.memory_space<vmem>>) semaphore(%arg14 : memref<!tpu.dma_semaphore, #tpu.memory_space<semaphore_mem>>)
      %add3A_859 = arith.constant 1 : i32
      %add3A_860 = arith.addi %add3A_684, %add3A_859 : i32
      %add3A_861 = arith.constant 3 : i32
      %add3A_862 = arith.addi %add3A_860, %add3A_861 : i32
      %add3A_863 = arith.addi %mul3A_4, %add3A_862 : i32
      %dma_start3A_864 = arith.constant 1 : i32
      %dma_start3A_865 = arith.constant 0 : i32
      %dma_start3A_866 = arith.constant 0 : i32
      %dma_start3A_867 = tpu.memref_slice %arg8[%dma_start3A_864, %dma_start3A_865, %dma_start3A_866] : memref<4x5x64xi32, #tpu.memory_space<vmem>> -> memref<1x5x64xi32, #tpu.memory_space<vmem>>
      %dma_start3A_868 = tpu.memref_squeeze %dma_start3A_867 : memref<1x5x64xi32, #tpu.memory_space<vmem>> -> memref<5x64xi32, #tpu.memory_space<vmem>>
      %dma_start3A_869 = arith.constant 0 : i32
      %dma_start3A_870 = arith.constant 0 : i32
      %dma_start3A_871 = tpu.memref_slice %arg2[%add3A_863, %dma_start3A_869, %dma_start3A_870] : memref<2048x5x64xi32, #tpu.memory_space<hbm>> -> memref<1x5x64xi32, #tpu.memory_space<hbm>>
      %dma_start3A_872 = tpu.memref_squeeze %dma_start3A_871 : memref<1x5x64xi32, #tpu.memory_space<hbm>> -> memref<5x64xi32, #tpu.memory_space<hbm>>
      %dma_start3A_873 = arith.constant 0 : i32
      %dma_start3A_874 = arith.constant 0 : i32
      %dma_start3A_875 = tpu.memref_slice %arg8[%dma_start3A_864, %dma_start3A_873, %dma_start3A_874] : memref<4x5x64xi32, #tpu.memory_space<vmem>> -> memref<1x5x64xi32, #tpu.memory_space<vmem>>
      %dma_start3A_876 = tpu.memref_squeeze %dma_start3A_875 : memref<1x5x64xi32, #tpu.memory_space<vmem>> -> memref<5x64xi32, #tpu.memory_space<vmem>>
      %dma_start3A_877 = arith.constant 0 : i32
      %dma_start3A_878 = arith.constant 0 : i32
      %dma_start3A_879 = tpu.memref_slice %arg2[%add3A_863, %dma_start3A_877, %dma_start3A_878] : memref<2048x5x64xi32, #tpu.memory_space<hbm>> -> memref<1x5x64xi32, #tpu.memory_space<hbm>>
      %dma_start3A_880 = tpu.memref_squeeze %dma_start3A_879 : memref<1x5x64xi32, #tpu.memory_space<hbm>> -> memref<5x64xi32, #tpu.memory_space<hbm>>
      tpu.enqueue_dma source(%dma_start3A_880 : memref<5x64xi32, #tpu.memory_space<hbm>>) target(%dma_start3A_876 : memref<5x64xi32, #tpu.memory_space<vmem>>) target_semaphore(%arg11 : memref<!tpu.dma_semaphore, #tpu.memory_space<semaphore_mem>>)
      %dma_wait3A_881 = arith.constant 3 : i32
      %dma_wait3A_882 = arith.constant 0 : i32
      %dma_wait3A_883 = arith.constant 0 : i32
      %dma_wait3A_884 = arith.constant 0 : i32
      %dma_wait3A_885 = arith.constant 0 : i32
      %dma_wait3A_886 = tpu.memref_slice %arg9[%dma_wait3A_883, %dma_wait3A_884, %dma_wait3A_885] : memref<3x64x304xf32, #tpu.memory_space<vmem>> -> memref<1x64x304xf32, #tpu.memory_space<vmem>>
      %dma_wait3A_887 = tpu.memref_squeeze %dma_wait3A_886 : memref<1x64x304xf32, #tpu.memory_space<vmem>> -> memref<64x304xf32, #tpu.memory_space<vmem>>
      %dma_wait3A_888 = arith.constant 0 : i32
      %dma_wait3A_889 = tpu.memref_slice %arg8[%dma_wait3A_881, %dma_wait3A_882, %dma_wait3A_888] : memref<4x5x64xi32, #tpu.memory_space<vmem>> -> memref<1x1x64xi32, #tpu.memory_space<vmem>>
      %dma_wait3A_890 = tpu.memref_squeeze %dma_wait3A_889 : memref<1x1x64xi32, #tpu.memory_space<vmem>> -> memref<64xi32, #tpu.memory_space<vmem>>
      %dma_wait3A_891 = arith.constant 0 : i32
      %dma_wait3A_892 = arith.constant 0 : i32
      %dma_wait3A_893 = tpu.memref_slice %arg3[%dma_wait3A_891, %dma_wait3A_892] : memref<2048x304xf32, #tpu.memory_space<hbm>> -> memref<2048x304xf32, #tpu.memory_space<hbm>>
      tpu.wait_indirect_dma semaphore(%arg14 : memref<!tpu.dma_semaphore, #tpu.memory_space<semaphore_mem>>) src(%dma_wait3A_893 : memref<2048x304xf32, #tpu.memory_space<hbm>>) dst(%dma_wait3A_887 : memref<64x304xf32, #tpu.memory_space<vmem>>)
      %dma_start3A_894 = arith.constant 3 : i32
      %dma_start3A_895 = arith.constant 2 : i32
      %dma_start3A_896 = arith.constant 0 : i32
      %dma_start3A_897 = arith.constant 0 : i32
      %dma_start3A_898 = arith.constant 0 : i32
      %dma_start3A_899 = tpu.memref_slice %arg9[%dma_start3A_896, %dma_start3A_897, %dma_start3A_898] : memref<3x64x304xf32, #tpu.memory_space<vmem>> -> memref<1x64x304xf32, #tpu.memory_space<vmem>>
      %dma_start3A_900 = tpu.memref_squeeze %dma_start3A_899 : memref<1x64x304xf32, #tpu.memory_space<vmem>> -> memref<64x304xf32, #tpu.memory_space<vmem>>
      %dma_start3A_901 = arith.constant 0 : i32
      %dma_start3A_902 = tpu.memref_slice %arg8[%dma_start3A_894, %dma_start3A_895, %dma_start3A_901] : memref<4x5x64xi32, #tpu.memory_space<vmem>> -> memref<1x1x64xi32, #tpu.memory_space<vmem>>
      %dma_start3A_903 = tpu.memref_squeeze %dma_start3A_902 : memref<1x1x64xi32, #tpu.memory_space<vmem>> -> memref<64xi32, #tpu.memory_space<vmem>>
      %dma_start3A_904 = arith.constant 0 : i32
      %dma_start3A_905 = arith.constant 0 : i32
      %dma_start3A_906 = tpu.memref_slice %arg4[%dma_start3A_904, %dma_start3A_905] : memref<2048x304xf32, #tpu.memory_space<hbm>> -> memref<2048x304xf32, #tpu.memory_space<hbm>>
      tpu.enqueue_indirect_dma source(%dma_start3A_906 : memref<2048x304xf32, #tpu.memory_space<hbm>>) target(%dma_start3A_900 : memref<64x304xf32, #tpu.memory_space<vmem>>) offsets(%dma_start3A_903 : memref<64xi32, #tpu.memory_space<vmem>>) semaphore(%arg17 : memref<!tpu.dma_semaphore, #tpu.memory_space<semaphore_mem>>) {add = true}
      %dma_start3A_907 = arith.constant 3 : i32
      %dma_start3A_908 = arith.constant 3 : i32
      %dma_start3A_909 = arith.constant 0 : i32
      %dma_start3A_910 = arith.constant 0 : i32
      %dma_start3A_911 = arith.constant 0 : i32
      %dma_start3A_912 = tpu.memref_slice %arg9[%dma_start3A_909, %dma_start3A_910, %dma_start3A_911] : memref<3x64x304xf32, #tpu.memory_space<vmem>> -> memref<1x64x304xf32, #tpu.memory_space<vmem>>
      %dma_start3A_913 = tpu.memref_squeeze %dma_start3A_912 : memref<1x64x304xf32, #tpu.memory_space<vmem>> -> memref<64x304xf32, #tpu.memory_space<vmem>>
      %dma_start3A_914 = arith.constant 0 : i32
      %dma_start3A_915 = tpu.memref_slice %arg8[%dma_start3A_907, %dma_start3A_908, %dma_start3A_914] : memref<4x5x64xi32, #tpu.memory_space<vmem>> -> memref<1x1x64xi32, #tpu.memory_space<vmem>>
      %dma_start3A_916 = tpu.memref_squeeze %dma_start3A_915 : memref<1x1x64xi32, #tpu.memory_space<vmem>> -> memref<64xi32, #tpu.memory_space<vmem>>
      %dma_start3A_917 = arith.constant 0 : i32
      %dma_start3A_918 = arith.constant 0 : i32
      %dma_start3A_919 = tpu.memref_slice %arg5[%dma_start3A_917, %dma_start3A_918] : memref<2048x304xf32, #tpu.memory_space<hbm>> -> memref<2048x304xf32, #tpu.memory_space<hbm>>
      tpu.enqueue_indirect_dma source(%dma_start3A_919 : memref<2048x304xf32, #tpu.memory_space<hbm>>) target(%dma_start3A_913 : memref<64x304xf32, #tpu.memory_space<vmem>>) offsets(%dma_start3A_916 : memref<64xi32, #tpu.memory_space<vmem>>) semaphore(%arg17 : memref<!tpu.dma_semaphore, #tpu.memory_space<semaphore_mem>>) {add = true}
      %dma_start3A_920 = arith.constant 3 : i32
      %dma_start3A_921 = arith.constant 4 : i32
      %dma_start3A_922 = arith.constant 0 : i32
      %dma_start3A_923 = arith.constant 0 : i32
      %dma_start3A_924 = arith.constant 0 : i32
      %dma_start3A_925 = tpu.memref_slice %arg9[%dma_start3A_922, %dma_start3A_923, %dma_start3A_924] : memref<3x64x304xf32, #tpu.memory_space<vmem>> -> memref<1x64x304xf32, #tpu.memory_space<vmem>>
      %dma_start3A_926 = tpu.memref_squeeze %dma_start3A_925 : memref<1x64x304xf32, #tpu.memory_space<vmem>> -> memref<64x304xf32, #tpu.memory_space<vmem>>
      %dma_start3A_927 = arith.constant 0 : i32
      %dma_start3A_928 = tpu.memref_slice %arg8[%dma_start3A_920, %dma_start3A_921, %dma_start3A_927] : memref<4x5x64xi32, #tpu.memory_space<vmem>> -> memref<1x1x64xi32, #tpu.memory_space<vmem>>
      %dma_start3A_929 = tpu.memref_squeeze %dma_start3A_928 : memref<1x1x64xi32, #tpu.memory_space<vmem>> -> memref<64xi32, #tpu.memory_space<vmem>>
      %dma_start3A_930 = arith.constant 0 : i32
      %dma_start3A_931 = arith.constant 0 : i32
      %dma_start3A_932 = tpu.memref_slice %arg6[%dma_start3A_930, %dma_start3A_931] : memref<2048x304xf32, #tpu.memory_space<hbm>> -> memref<2048x304xf32, #tpu.memory_space<hbm>>
      tpu.enqueue_indirect_dma source(%dma_start3A_932 : memref<2048x304xf32, #tpu.memory_space<hbm>>) target(%dma_start3A_926 : memref<64x304xf32, #tpu.memory_space<vmem>>) offsets(%dma_start3A_929 : memref<64xi32, #tpu.memory_space<vmem>>) semaphore(%arg17 : memref<!tpu.dma_semaphore, #tpu.memory_space<semaphore_mem>>) {add = true}
      %dma_wait3A_933 = arith.constant 2 : i32
      %dma_wait3A_934 = arith.constant 2 : i32
      %dma_wait3A_935 = arith.constant 2 : i32
      %dma_wait3A_936 = arith.constant 0 : i32
      %dma_wait3A_937 = arith.constant 0 : i32
      %dma_wait3A_938 = tpu.memref_slice %arg9[%dma_wait3A_935, %dma_wait3A_936, %dma_wait3A_937] : memref<3x64x304xf32, #tpu.memory_space<vmem>> -> memref<1x64x304xf32, #tpu.memory_space<vmem>>
      %dma_wait3A_939 = tpu.memref_squeeze %dma_wait3A_938 : memref<1x64x304xf32, #tpu.memory_space<vmem>> -> memref<64x304xf32, #tpu.memory_space<vmem>>
      %dma_wait3A_940 = arith.constant 0 : i32
      %dma_wait3A_941 = tpu.memref_slice %arg8[%dma_wait3A_933, %dma_wait3A_934, %dma_wait3A_940] : memref<4x5x64xi32, #tpu.memory_space<vmem>> -> memref<1x1x64xi32, #tpu.memory_space<vmem>>
      %dma_wait3A_942 = tpu.memref_squeeze %dma_wait3A_941 : memref<1x1x64xi32, #tpu.memory_space<vmem>> -> memref<64xi32, #tpu.memory_space<vmem>>
      %dma_wait3A_943 = arith.constant 0 : i32
      %dma_wait3A_944 = arith.constant 0 : i32
      %dma_wait3A_945 = tpu.memref_slice %arg4[%dma_wait3A_943, %dma_wait3A_944] : memref<2048x304xf32, #tpu.memory_space<hbm>> -> memref<2048x304xf32, #tpu.memory_space<hbm>>
      tpu.wait_indirect_dma semaphore(%arg19 : memref<!tpu.dma_semaphore, #tpu.memory_space<semaphore_mem>>) src(%dma_wait3A_945 : memref<2048x304xf32, #tpu.memory_space<hbm>>) dst(%dma_wait3A_939 : memref<64x304xf32, #tpu.memory_space<vmem>>)
      %dma_wait3A_946 = arith.constant 2 : i32
      %dma_wait3A_947 = arith.constant 3 : i32
      %dma_wait3A_948 = arith.constant 2 : i32
      %dma_wait3A_949 = arith.constant 0 : i32
      %dma_wait3A_950 = arith.constant 0 : i32
      %dma_wait3A_951 = tpu.memref_slice %arg9[%dma_wait3A_948, %dma_wait3A_949, %dma_wait3A_950] : memref<3x64x304xf32, #tpu.memory_space<vmem>> -> memref<1x64x304xf32, #tpu.memory_space<vmem>>
      %dma_wait3A_952 = tpu.memref_squeeze %dma_wait3A_951 : memref<1x64x304xf32, #tpu.memory_space<vmem>> -> memref<64x304xf32, #tpu.memory_space<vmem>>
      %dma_wait3A_953 = arith.constant 0 : i32
      %dma_wait3A_954 = tpu.memref_slice %arg8[%dma_wait3A_946, %dma_wait3A_947, %dma_wait3A_953] : memref<4x5x64xi32, #tpu.memory_space<vmem>> -> memref<1x1x64xi32, #tpu.memory_space<vmem>>
      %dma_wait3A_955 = tpu.memref_squeeze %dma_wait3A_954 : memref<1x1x64xi32, #tpu.memory_space<vmem>> -> memref<64xi32, #tpu.memory_space<vmem>>
      %dma_wait3A_956 = arith.constant 0 : i32
      %dma_wait3A_957 = arith.constant 0 : i32
      %dma_wait3A_958 = tpu.memref_slice %arg5[%dma_wait3A_956, %dma_wait3A_957] : memref<2048x304xf32, #tpu.memory_space<hbm>> -> memref<2048x304xf32, #tpu.memory_space<hbm>>
      tpu.wait_indirect_dma semaphore(%arg19 : memref<!tpu.dma_semaphore, #tpu.memory_space<semaphore_mem>>) src(%dma_wait3A_958 : memref<2048x304xf32, #tpu.memory_space<hbm>>) dst(%dma_wait3A_952 : memref<64x304xf32, #tpu.memory_space<vmem>>)
      %dma_wait3A_959 = arith.constant 2 : i32
      %dma_wait3A_960 = arith.constant 4 : i32
      %dma_wait3A_961 = arith.constant 2 : i32
      %dma_wait3A_962 = arith.constant 0 : i32
      %dma_wait3A_963 = arith.constant 0 : i32
      %dma_wait3A_964 = tpu.memref_slice %arg9[%dma_wait3A_961, %dma_wait3A_962, %dma_wait3A_963] : memref<3x64x304xf32, #tpu.memory_space<vmem>> -> memref<1x64x304xf32, #tpu.memory_space<vmem>>
      %dma_wait3A_965 = tpu.memref_squeeze %dma_wait3A_964 : memref<1x64x304xf32, #tpu.memory_space<vmem>> -> memref<64x304xf32, #tpu.memory_space<vmem>>
      %dma_wait3A_966 = arith.constant 0 : i32
      %dma_wait3A_967 = tpu.memref_slice %arg8[%dma_wait3A_959, %dma_wait3A_960, %dma_wait3A_966] : memref<4x5x64xi32, #tpu.memory_space<vmem>> -> memref<1x1x64xi32, #tpu.memory_space<vmem>>
      %dma_wait3A_968 = tpu.memref_squeeze %dma_wait3A_967 : memref<1x1x64xi32, #tpu.memory_space<vmem>> -> memref<64xi32, #tpu.memory_space<vmem>>
      %dma_wait3A_969 = arith.constant 0 : i32
      %dma_wait3A_970 = arith.constant 0 : i32
      %dma_wait3A_971 = tpu.memref_slice %arg6[%dma_wait3A_969, %dma_wait3A_970] : memref<2048x304xf32, #tpu.memory_space<hbm>> -> memref<2048x304xf32, #tpu.memory_space<hbm>>
      tpu.wait_indirect_dma semaphore(%arg19 : memref<!tpu.dma_semaphore, #tpu.memory_space<semaphore_mem>>) src(%dma_wait3A_971 : memref<2048x304xf32, #tpu.memory_space<hbm>>) dst(%dma_wait3A_965 : memref<64x304xf32, #tpu.memory_space<vmem>>)
      %mul3A_972 = arith.constant 64 : i32
      %mul3A_973 = arith.muli %add3A_860, %mul3A_972 : i32
      %add3A_974 = arith.addi %mul3A_2, %mul3A_973 : i32
      %dma_start3A_975 = arith.constant 2 : i32
      %dma_start3A_976 = arith.constant 0 : i32
      %dma_start3A_977 = arith.constant 0 : i32
      %dma_start3A_978 = tpu.memref_slice %arg9[%dma_start3A_975, %dma_start3A_976, %dma_start3A_977] : memref<3x64x304xf32, #tpu.memory_space<vmem>> -> memref<1x64x304xf32, #tpu.memory_space<vmem>>
      %dma_start3A_979 = tpu.memref_squeeze %dma_start3A_978 : memref<1x64x304xf32, #tpu.memory_space<vmem>> -> memref<64x304xf32, #tpu.memory_space<vmem>>
      %dma_start3A_980 = arith.constant 0 : i32
      %dma_start3A_981 = tpu.memref_slice %arg7[%add3A_974, %dma_start3A_980] : memref<131072x304xf32, #tpu.memory_space<hbm>> -> memref<64x304xf32, #tpu.memory_space<hbm>>
      %dma_start3A_982 = arith.constant 0 : i32
      %dma_start3A_983 = tpu.memref_slice %arg7[%add3A_974, %dma_start3A_982] : memref<131072x304xf32, #tpu.memory_space<hbm>> -> memref<64x304xf32, #tpu.memory_space<hbm>>
      %dma_start3A_984 = arith.constant 0 : i32
      %dma_start3A_985 = arith.constant 0 : i32
      %dma_start3A_986 = tpu.memref_slice %arg9[%dma_start3A_975, %dma_start3A_984, %dma_start3A_985] : memref<3x64x304xf32, #tpu.memory_space<vmem>> -> memref<1x64x304xf32, #tpu.memory_space<vmem>>
      %dma_start3A_987 = tpu.memref_squeeze %dma_start3A_986 : memref<1x64x304xf32, #tpu.memory_space<vmem>> -> memref<64x304xf32, #tpu.memory_space<vmem>>
      tpu.enqueue_dma source(%dma_start3A_987 : memref<64x304xf32, #tpu.memory_space<vmem>>) target(%dma_start3A_983 : memref<64x304xf32, #tpu.memory_space<hbm>>) target_semaphore(%arg22 : memref<!tpu.dma_semaphore, #tpu.memory_space<semaphore_mem>>)
      %dma_wait3A_988 = arith.constant 1 : i32
      %dma_wait3A_989 = arith.constant 0 : i32
      %dma_wait3A_990 = arith.constant 0 : i32
      %dma_wait3A_991 = tpu.memref_slice %arg9[%dma_wait3A_988, %dma_wait3A_989, %dma_wait3A_990] : memref<3x64x304xf32, #tpu.memory_space<vmem>> -> memref<1x64x304xf32, #tpu.memory_space<vmem>>
      %dma_wait3A_992 = tpu.memref_squeeze %dma_wait3A_991 : memref<1x64x304xf32, #tpu.memory_space<vmem>> -> memref<64x304xf32, #tpu.memory_space<vmem>>
      %dma_wait3A_993 = arith.constant 0 : i32
      %dma_wait3A_994 = tpu.memref_slice %arg7[%mul3A_2, %dma_wait3A_993] : memref<131072x304xf32, #tpu.memory_space<hbm>> -> memref<64x304xf32, #tpu.memory_space<hbm>>
      %dma_wait3A_995 = arith.constant 0 : i32
      %dma_wait3A_996 = tpu.memref_slice %arg7[%mul3A_2, %dma_wait3A_995] : memref<131072x304xf32, #tpu.memory_space<hbm>> -> memref<64x304xf32, #tpu.memory_space<hbm>>
      %dma_wait3A_997 = arith.constant 0 : i32
      %dma_wait3A_998 = arith.constant 0 : i32
      %dma_wait3A_999 = tpu.memref_slice %arg9[%dma_wait3A_988, %dma_wait3A_997, %dma_wait3A_998] : memref<3x64x304xf32, #tpu.memory_space<vmem>> -> memref<1x64x304xf32, #tpu.memory_space<vmem>>
      %dma_wait3A_1000 = tpu.memref_squeeze %dma_wait3A_999 : memref<1x64x304xf32, #tpu.memory_space<vmem>> -> memref<64x304xf32, #tpu.memory_space<vmem>>
      tpu.wait_dma2 semaphore(%arg21 : memref<!tpu.dma_semaphore, #tpu.memory_space<semaphore_mem>>) src(%dma_wait3A_1000 : memref<64x304xf32, #tpu.memory_space<vmem>>) dst(%dma_wait3A_996 : memref<64x304xf32, #tpu.memory_space<hbm>>)
      %dma_wait3A_1001 = arith.constant 0 : i32
      %dma_wait3A_1002 = arith.constant 0 : i32
      %dma_wait3A_1003 = arith.constant 0 : i32
      %dma_wait3A_1004 = tpu.memref_slice %arg8[%dma_wait3A_1001, %dma_wait3A_1002, %dma_wait3A_1003] : memref<4x5x64xi32, #tpu.memory_space<vmem>> -> memref<1x5x64xi32, #tpu.memory_space<vmem>>
      %dma_wait3A_1005 = tpu.memref_squeeze %dma_wait3A_1004 : memref<1x5x64xi32, #tpu.memory_space<vmem>> -> memref<5x64xi32, #tpu.memory_space<vmem>>
      %dma_wait3A_1006 = arith.constant 0 : i32
      %dma_wait3A_1007 = arith.constant 0 : i32
      %dma_wait3A_1008 = tpu.memref_slice %arg2[%mul3A_4, %dma_wait3A_1006, %dma_wait3A_1007] : memref<2048x5x64xi32, #tpu.memory_space<hbm>> -> memref<1x5x64xi32, #tpu.memory_space<hbm>>
      %dma_wait3A_1009 = tpu.memref_squeeze %dma_wait3A_1008 : memref<1x5x64xi32, #tpu.memory_space<hbm>> -> memref<5x64xi32, #tpu.memory_space<hbm>>
      %dma_wait3A_1010 = arith.constant 0 : i32
      %dma_wait3A_1011 = arith.constant 0 : i32
      %dma_wait3A_1012 = tpu.memref_slice %arg8[%dma_wait3A_1001, %dma_wait3A_1010, %dma_wait3A_1011] : memref<4x5x64xi32, #tpu.memory_space<vmem>> -> memref<1x5x64xi32, #tpu.memory_space<vmem>>
      %dma_wait3A_1013 = tpu.memref_squeeze %dma_wait3A_1012 : memref<1x5x64xi32, #tpu.memory_space<vmem>> -> memref<5x64xi32, #tpu.memory_space<vmem>>
      %dma_wait3A_1014 = arith.constant 0 : i32
      %dma_wait3A_1015 = arith.constant 0 : i32
      %dma_wait3A_1016 = tpu.memref_slice %arg2[%mul3A_4, %dma_wait3A_1014, %dma_wait3A_1015] : memref<2048x5x64xi32, #tpu.memory_space<hbm>> -> memref<1x5x64xi32, #tpu.memory_space<hbm>>
      %dma_wait3A_1017 = tpu.memref_squeeze %dma_wait3A_1016 : memref<1x5x64xi32, #tpu.memory_space<hbm>> -> memref<5x64xi32, #tpu.memory_space<hbm>>
      tpu.wait_dma2 semaphore(%arg10 : memref<!tpu.dma_semaphore, #tpu.memory_space<semaphore_mem>>) src(%dma_wait3A_1017 : memref<5x64xi32, #tpu.memory_space<hbm>>) dst(%dma_wait3A_1013 : memref<5x64xi32, #tpu.memory_space<vmem>>)
      %add3A_1018 = arith.constant 2 : i32
      %add3A_1019 = arith.addi %add3A_860, %add3A_1018 : i32
      %dma_start3A_1020 = arith.constant 0 : i32
      %dma_start3A_1021 = arith.constant 0 : i32
      %dma_start3A_1022 = arith.constant 1 : i32
      %dma_start3A_1023 = arith.constant 0 : i32
      %dma_start3A_1024 = arith.constant 0 : i32
      %dma_start3A_1025 = tpu.memref_slice %arg9[%dma_start3A_1022, %dma_start3A_1023, %dma_start3A_1024] : memref<3x64x304xf32, #tpu.memory_space<vmem>> -> memref<1x64x304xf32, #tpu.memory_space<vmem>>
      %dma_start3A_1026 = tpu.memref_squeeze %dma_start3A_1025 : memref<1x64x304xf32, #tpu.memory_space<vmem>> -> memref<64x304xf32, #tpu.memory_space<vmem>>
      %dma_start3A_1027 = arith.constant 0 : i32
      %dma_start3A_1028 = tpu.memref_slice %arg8[%dma_start3A_1020, %dma_start3A_1021, %dma_start3A_1027] : memref<4x5x64xi32, #tpu.memory_space<vmem>> -> memref<1x1x64xi32, #tpu.memory_space<vmem>>
      %dma_start3A_1029 = tpu.memref_squeeze %dma_start3A_1028 : memref<1x1x64xi32, #tpu.memory_space<vmem>> -> memref<64xi32, #tpu.memory_space<vmem>>
      %dma_start3A_1030 = arith.constant 0 : i32
      %dma_start3A_1031 = arith.constant 0 : i32
      %dma_start3A_1032 = tpu.memref_slice %arg3[%dma_start3A_1030, %dma_start3A_1031] : memref<2048x304xf32, #tpu.memory_space<hbm>> -> memref<2048x304xf32, #tpu.memory_space<hbm>>
      tpu.enqueue_indirect_dma source(%dma_start3A_1032 : memref<2048x304xf32, #tpu.memory_space<hbm>>) target(%dma_start3A_1026 : memref<64x304xf32, #tpu.memory_space<vmem>>) offsets(%dma_start3A_1029 : memref<64xi32, #tpu.memory_space<vmem>>) semaphore(%arg15 : memref<!tpu.dma_semaphore, #tpu.memory_space<semaphore_mem>>)
      %add3A_1033 = arith.constant 2 : i32
      %add3A_1034 = arith.addi %add3A_684, %add3A_1033 : i32
      %add3A_1035 = arith.constant 3 : i32
      %add3A_1036 = arith.addi %add3A_1034, %add3A_1035 : i32
      %add3A_1037 = arith.addi %mul3A_4, %add3A_1036 : i32
      %dma_start3A_1038 = arith.constant 2 : i32
      %dma_start3A_1039 = arith.constant 0 : i32
      %dma_start3A_1040 = arith.constant 0 : i32
      %dma_start3A_1041 = tpu.memref_slice %arg8[%dma_start3A_1038, %dma_start3A_1039, %dma_start3A_1040] : memref<4x5x64xi32, #tpu.memory_space<vmem>> -> memref<1x5x64xi32, #tpu.memory_space<vmem>>
      %dma_start3A_1042 = tpu.memref_squeeze %dma_start3A_1041 : memref<1x5x64xi32, #tpu.memory_space<vmem>> -> memref<5x64xi32, #tpu.memory_space<vmem>>
      %dma_start3A_1043 = arith.constant 0 : i32
      %dma_start3A_1044 = arith.constant 0 : i32
      %dma_start3A_1045 = tpu.memref_slice %arg2[%add3A_1037, %dma_start3A_1043, %dma_start3A_1044] : memref<2048x5x64xi32, #tpu.memory_space<hbm>> -> memref<1x5x64xi32, #tpu.memory_space<hbm>>
      %dma_start3A_1046 = tpu.memref_squeeze %dma_start3A_1045 : memref<1x5x64xi32, #tpu.memory_space<hbm>> -> memref<5x64xi32, #tpu.memory_space<hbm>>
      %dma_start3A_1047 = arith.constant 0 : i32
      %dma_start3A_1048 = arith.constant 0 : i32
      %dma_start3A_1049 = tpu.memref_slice %arg8[%dma_start3A_1038, %dma_start3A_1047, %dma_start3A_1048] : memref<4x5x64xi32, #tpu.memory_space<vmem>> -> memref<1x5x64xi32, #tpu.memory_space<vmem>>
      %dma_start3A_1050 = tpu.memref_squeeze %dma_start3A_1049 : memref<1x5x64xi32, #tpu.memory_space<vmem>> -> memref<5x64xi32, #tpu.memory_space<vmem>>
      %dma_start3A_1051 = arith.constant 0 : i32
      %dma_start3A_1052 = arith.constant 0 : i32
      %dma_start3A_1053 = tpu.memref_slice %arg2[%add3A_1037, %dma_start3A_1051, %dma_start3A_1052] : memref<2048x5x64xi32, #tpu.memory_space<hbm>> -> memref<1x5x64xi32, #tpu.memory_space<hbm>>
      %dma_start3A_1054 = tpu.memref_squeeze %dma_start3A_1053 : memref<1x5x64xi32, #tpu.memory_space<hbm>> -> memref<5x64xi32, #tpu.memory_space<hbm>>
      tpu.enqueue_dma source(%dma_start3A_1054 : memref<5x64xi32, #tpu.memory_space<hbm>>) target(%dma_start3A_1050 : memref<5x64xi32, #tpu.memory_space<vmem>>) target_semaphore(%arg12 : memref<!tpu.dma_semaphore, #tpu.memory_space<semaphore_mem>>)
      %dma_wait3A_1055 = arith.constant 0 : i32
      %dma_wait3A_1056 = arith.constant 0 : i32
      %dma_wait3A_1057 = arith.constant 1 : i32
      %dma_wait3A_1058 = arith.constant 0 : i32
      %dma_wait3A_1059 = arith.constant 0 : i32
      %dma_wait3A_1060 = tpu.memref_slice %arg9[%dma_wait3A_1057, %dma_wait3A_1058, %dma_wait3A_1059] : memref<3x64x304xf32, #tpu.memory_space<vmem>> -> memref<1x64x304xf32, #tpu.memory_space<vmem>>
      %dma_wait3A_1061 = tpu.memref_squeeze %dma_wait3A_1060 : memref<1x64x304xf32, #tpu.memory_space<vmem>> -> memref<64x304xf32, #tpu.memory_space<vmem>>
      %dma_wait3A_1062 = arith.constant 0 : i32
      %dma_wait3A_1063 = tpu.memref_slice %arg8[%dma_wait3A_1055, %dma_wait3A_1056, %dma_wait3A_1062] : memref<4x5x64xi32, #tpu.memory_space<vmem>> -> memref<1x1x64xi32, #tpu.memory_space<vmem>>
      %dma_wait3A_1064 = tpu.memref_squeeze %dma_wait3A_1063 : memref<1x1x64xi32, #tpu.memory_space<vmem>> -> memref<64xi32, #tpu.memory_space<vmem>>
      %dma_wait3A_1065 = arith.constant 0 : i32
      %dma_wait3A_1066 = arith.constant 0 : i32
      %dma_wait3A_1067 = tpu.memref_slice %arg3[%dma_wait3A_1065, %dma_wait3A_1066] : memref<2048x304xf32, #tpu.memory_space<hbm>> -> memref<2048x304xf32, #tpu.memory_space<hbm>>
      tpu.wait_indirect_dma semaphore(%arg15 : memref<!tpu.dma_semaphore, #tpu.memory_space<semaphore_mem>>) src(%dma_wait3A_1067 : memref<2048x304xf32, #tpu.memory_space<hbm>>) dst(%dma_wait3A_1061 : memref<64x304xf32, #tpu.memory_space<vmem>>)
      %dma_start3A_1068 = arith.constant 0 : i32
      %dma_start3A_1069 = arith.constant 2 : i32
      %dma_start3A_1070 = arith.constant 1 : i32
      %dma_start3A_1071 = arith.constant 0 : i32
      %dma_start3A_1072 = arith.constant 0 : i32
      %dma_start3A_1073 = tpu.memref_slice %arg9[%dma_start3A_1070, %dma_start3A_1071, %dma_start3A_1072] : memref<3x64x304xf32, #tpu.memory_space<vmem>> -> memref<1x64x304xf32, #tpu.memory_space<vmem>>
      %dma_start3A_1074 = tpu.memref_squeeze %dma_start3A_1073 : memref<1x64x304xf32, #tpu.memory_space<vmem>> -> memref<64x304xf32, #tpu.memory_space<vmem>>
      %dma_start3A_1075 = arith.constant 0 : i32
      %dma_start3A_1076 = tpu.memref_slice %arg8[%dma_start3A_1068, %dma_start3A_1069, %dma_start3A_1075] : memref<4x5x64xi32, #tpu.memory_space<vmem>> -> memref<1x1x64xi32, #tpu.memory_space<vmem>>
      %dma_start3A_1077 = tpu.memref_squeeze %dma_start3A_1076 : memref<1x1x64xi32, #tpu.memory_space<vmem>> -> memref<64xi32, #tpu.memory_space<vmem>>
      %dma_start3A_1078 = arith.constant 0 : i32
      %dma_start3A_1079 = arith.constant 0 : i32
      %dma_start3A_1080 = tpu.memref_slice %arg4[%dma_start3A_1078, %dma_start3A_1079] : memref<2048x304xf32, #tpu.memory_space<hbm>> -> memref<2048x304xf32, #tpu.memory_space<hbm>>
      tpu.enqueue_indirect_dma source(%dma_start3A_1080 : memref<2048x304xf32, #tpu.memory_space<hbm>>) target(%dma_start3A_1074 : memref<64x304xf32, #tpu.memory_space<vmem>>) offsets(%dma_start3A_1077 : memref<64xi32, #tpu.memory_space<vmem>>) semaphore(%arg18 : memref<!tpu.dma_semaphore, #tpu.memory_space<semaphore_mem>>) {add = true}
      %dma_start3A_1081 = arith.constant 0 : i32
      %dma_start3A_1082 = arith.constant 3 : i32
      %dma_start3A_1083 = arith.constant 1 : i32
      %dma_start3A_1084 = arith.constant 0 : i32
      %dma_start3A_1085 = arith.constant 0 : i32
      %dma_start3A_1086 = tpu.memref_slice %arg9[%dma_start3A_1083, %dma_start3A_1084, %dma_start3A_1085] : memref<3x64x304xf32, #tpu.memory_space<vmem>> -> memref<1x64x304xf32, #tpu.memory_space<vmem>>
      %dma_start3A_1087 = tpu.memref_squeeze %dma_start3A_1086 : memref<1x64x304xf32, #tpu.memory_space<vmem>> -> memref<64x304xf32, #tpu.memory_space<vmem>>
      %dma_start3A_1088 = arith.constant 0 : i32
      %dma_start3A_1089 = tpu.memref_slice %arg8[%dma_start3A_1081, %dma_start3A_1082, %dma_start3A_1088] : memref<4x5x64xi32, #tpu.memory_space<vmem>> -> memref<1x1x64xi32, #tpu.memory_space<vmem>>
      %dma_start3A_1090 = tpu.memref_squeeze %dma_start3A_1089 : memref<1x1x64xi32, #tpu.memory_space<vmem>> -> memref<64xi32, #tpu.memory_space<vmem>>
      %dma_start3A_1091 = arith.constant 0 : i32
      %dma_start3A_1092 = arith.constant 0 : i32
      %dma_start3A_1093 = tpu.memref_slice %arg5[%dma_start3A_1091, %dma_start3A_1092] : memref<2048x304xf32, #tpu.memory_space<hbm>> -> memref<2048x304xf32, #tpu.memory_space<hbm>>
      tpu.enqueue_indirect_dma source(%dma_start3A_1093 : memref<2048x304xf32, #tpu.memory_space<hbm>>) target(%dma_start3A_1087 : memref<64x304xf32, #tpu.memory_space<vmem>>) offsets(%dma_start3A_1090 : memref<64xi32, #tpu.memory_space<vmem>>) semaphore(%arg18 : memref<!tpu.dma_semaphore, #tpu.memory_space<semaphore_mem>>) {add = true}
      %dma_start3A_1094 = arith.constant 0 : i32
      %dma_start3A_1095 = arith.constant 4 : i32
      %dma_start3A_1096 = arith.constant 1 : i32
      %dma_start3A_1097 = arith.constant 0 : i32
      %dma_start3A_1098 = arith.constant 0 : i32
      %dma_start3A_1099 = tpu.memref_slice %arg9[%dma_start3A_1096, %dma_start3A_1097, %dma_start3A_1098] : memref<3x64x304xf32, #tpu.memory_space<vmem>> -> memref<1x64x304xf32, #tpu.memory_space<vmem>>
      %dma_start3A_1100 = tpu.memref_squeeze %dma_start3A_1099 : memref<1x64x304xf32, #tpu.memory_space<vmem>> -> memref<64x304xf32, #tpu.memory_space<vmem>>
      %dma_start3A_1101 = arith.constant 0 : i32
      %dma_start3A_1102 = tpu.memref_slice %arg8[%dma_start3A_1094, %dma_start3A_1095, %dma_start3A_1101] : memref<4x5x64xi32, #tpu.memory_space<vmem>> -> memref<1x1x64xi32, #tpu.memory_space<vmem>>
      %dma_start3A_1103 = tpu.memref_squeeze %dma_start3A_1102 : memref<1x1x64xi32, #tpu.memory_space<vmem>> -> memref<64xi32, #tpu.memory_space<vmem>>
      %dma_start3A_1104 = arith.constant 0 : i32
      %dma_start3A_1105 = arith.constant 0 : i32
      %dma_start3A_1106 = tpu.memref_slice %arg6[%dma_start3A_1104, %dma_start3A_1105] : memref<2048x304xf32, #tpu.memory_space<hbm>> -> memref<2048x304xf32, #tpu.memory_space<hbm>>
      tpu.enqueue_indirect_dma source(%dma_start3A_1106 : memref<2048x304xf32, #tpu.memory_space<hbm>>) target(%dma_start3A_1100 : memref<64x304xf32, #tpu.memory_space<vmem>>) offsets(%dma_start3A_1103 : memref<64xi32, #tpu.memory_space<vmem>>) semaphore(%arg18 : memref<!tpu.dma_semaphore, #tpu.memory_space<semaphore_mem>>) {add = true}
      %dma_wait3A_1107 = arith.constant 3 : i32
      %dma_wait3A_1108 = arith.constant 2 : i32
      %dma_wait3A_1109 = arith.constant 0 : i32
      %dma_wait3A_1110 = arith.constant 0 : i32
      %dma_wait3A_1111 = arith.constant 0 : i32
      %dma_wait3A_1112 = tpu.memref_slice %arg9[%dma_wait3A_1109, %dma_wait3A_1110, %dma_wait3A_1111] : memref<3x64x304xf32, #tpu.memory_space<vmem>> -> memref<1x64x304xf32, #tpu.memory_space<vmem>>
      %dma_wait3A_1113 = tpu.memref_squeeze %dma_wait3A_1112 : memref<1x64x304xf32, #tpu.memory_space<vmem>> -> memref<64x304xf32, #tpu.memory_space<vmem>>
      %dma_wait3A_1114 = arith.constant 0 : i32
      %dma_wait3A_1115 = tpu.memref_slice %arg8[%dma_wait3A_1107, %dma_wait3A_1108, %dma_wait3A_1114] : memref<4x5x64xi32, #tpu.memory_space<vmem>> -> memref<1x1x64xi32, #tpu.memory_space<vmem>>
      %dma_wait3A_1116 = tpu.memref_squeeze %dma_wait3A_1115 : memref<1x1x64xi32, #tpu.memory_space<vmem>> -> memref<64xi32, #tpu.memory_space<vmem>>
      %dma_wait3A_1117 = arith.constant 0 : i32
      %dma_wait3A_1118 = arith.constant 0 : i32
      %dma_wait3A_1119 = tpu.memref_slice %arg4[%dma_wait3A_1117, %dma_wait3A_1118] : memref<2048x304xf32, #tpu.memory_space<hbm>> -> memref<2048x304xf32, #tpu.memory_space<hbm>>
      tpu.wait_indirect_dma semaphore(%arg17 : memref<!tpu.dma_semaphore, #tpu.memory_space<semaphore_mem>>) src(%dma_wait3A_1119 : memref<2048x304xf32, #tpu.memory_space<hbm>>) dst(%dma_wait3A_1113 : memref<64x304xf32, #tpu.memory_space<vmem>>)
      %dma_wait3A_1120 = arith.constant 3 : i32
      %dma_wait3A_1121 = arith.constant 3 : i32
      %dma_wait3A_1122 = arith.constant 0 : i32
      %dma_wait3A_1123 = arith.constant 0 : i32
      %dma_wait3A_1124 = arith.constant 0 : i32
      %dma_wait3A_1125 = tpu.memref_slice %arg9[%dma_wait3A_1122, %dma_wait3A_1123, %dma_wait3A_1124] : memref<3x64x304xf32, #tpu.memory_space<vmem>> -> memref<1x64x304xf32, #tpu.memory_space<vmem>>
      %dma_wait3A_1126 = tpu.memref_squeeze %dma_wait3A_1125 : memref<1x64x304xf32, #tpu.memory_space<vmem>> -> memref<64x304xf32, #tpu.memory_space<vmem>>
      %dma_wait3A_1127 = arith.constant 0 : i32
      %dma_wait3A_1128 = tpu.memref_slice %arg8[%dma_wait3A_1120, %dma_wait3A_1121, %dma_wait3A_1127] : memref<4x5x64xi32, #tpu.memory_space<vmem>> -> memref<1x1x64xi32, #tpu.memory_space<vmem>>
      %dma_wait3A_1129 = tpu.memref_squeeze %dma_wait3A_1128 : memref<1x1x64xi32, #tpu.memory_space<vmem>> -> memref<64xi32, #tpu.memory_space<vmem>>
      %dma_wait3A_1130 = arith.constant 0 : i32
      %dma_wait3A_1131 = arith.constant 0 : i32
      %dma_wait3A_1132 = tpu.memref_slice %arg5[%dma_wait3A_1130, %dma_wait3A_1131] : memref<2048x304xf32, #tpu.memory_space<hbm>> -> memref<2048x304xf32, #tpu.memory_space<hbm>>
      tpu.wait_indirect_dma semaphore(%arg17 : memref<!tpu.dma_semaphore, #tpu.memory_space<semaphore_mem>>) src(%dma_wait3A_1132 : memref<2048x304xf32, #tpu.memory_space<hbm>>) dst(%dma_wait3A_1126 : memref<64x304xf32, #tpu.memory_space<vmem>>)
      %dma_wait3A_1133 = arith.constant 3 : i32
      %dma_wait3A_1134 = arith.constant 4 : i32
      %dma_wait3A_1135 = arith.constant 0 : i32
      %dma_wait3A_1136 = arith.constant 0 : i32
      %dma_wait3A_1137 = arith.constant 0 : i32
      %dma_wait3A_1138 = tpu.memref_slice %arg9[%dma_wait3A_1135, %dma_wait3A_1136, %dma_wait3A_1137] : memref<3x64x304xf32, #tpu.memory_space<vmem>> -> memref<1x64x304xf32, #tpu.memory_space<vmem>>
      %dma_wait3A_1139 = tpu.memref_squeeze %dma_wait3A_1138 : memref<1x64x304xf32, #tpu.memory_space<vmem>> -> memref<64x304xf32, #tpu.memory_space<vmem>>
      %dma_wait3A_1140 = arith.constant 0 : i32
      %dma_wait3A_1141 = tpu.memref_slice %arg8[%dma_wait3A_1133, %dma_wait3A_1134, %dma_wait3A_1140] : memref<4x5x64xi32, #tpu.memory_space<vmem>> -> memref<1x1x64xi32, #tpu.memory_space<vmem>>
      %dma_wait3A_1142 = tpu.memref_squeeze %dma_wait3A_1141 : memref<1x1x64xi32, #tpu.memory_space<vmem>> -> memref<64xi32, #tpu.memory_space<vmem>>
      %dma_wait3A_1143 = arith.constant 0 : i32
      %dma_wait3A_1144 = arith.constant 0 : i32
      %dma_wait3A_1145 = tpu.memref_slice %arg6[%dma_wait3A_1143, %dma_wait3A_1144] : memref<2048x304xf32, #tpu.memory_space<hbm>> -> memref<2048x304xf32, #tpu.memory_space<hbm>>
      tpu.wait_indirect_dma semaphore(%arg17 : memref<!tpu.dma_semaphore, #tpu.memory_space<semaphore_mem>>) src(%dma_wait3A_1145 : memref<2048x304xf32, #tpu.memory_space<hbm>>) dst(%dma_wait3A_1139 : memref<64x304xf32, #tpu.memory_space<vmem>>)
      %mul3A_1146 = arith.constant 64 : i32
      %mul3A_1147 = arith.muli %add3A_1034, %mul3A_1146 : i32
      %add3A_1148 = arith.addi %mul3A_2, %mul3A_1147 : i32
      %dma_start3A_1149 = arith.constant 0 : i32
      %dma_start3A_1150 = arith.constant 0 : i32
      %dma_start3A_1151 = arith.constant 0 : i32
      %dma_start3A_1152 = tpu.memref_slice %arg9[%dma_start3A_1149, %dma_start3A_1150, %dma_start3A_1151] : memref<3x64x304xf32, #tpu.memory_space<vmem>> -> memref<1x64x304xf32, #tpu.memory_space<vmem>>
      %dma_start3A_1153 = tpu.memref_squeeze %dma_start3A_1152 : memref<1x64x304xf32, #tpu.memory_space<vmem>> -> memref<64x304xf32, #tpu.memory_space<vmem>>
      %dma_start3A_1154 = arith.constant 0 : i32
      %dma_start3A_1155 = tpu.memref_slice %arg7[%add3A_1148, %dma_start3A_1154] : memref<131072x304xf32, #tpu.memory_space<hbm>> -> memref<64x304xf32, #tpu.memory_space<hbm>>
      %dma_start3A_1156 = arith.constant 0 : i32
      %dma_start3A_1157 = tpu.memref_slice %arg7[%add3A_1148, %dma_start3A_1156] : memref<131072x304xf32, #tpu.memory_space<hbm>> -> memref<64x304xf32, #tpu.memory_space<hbm>>
      %dma_start3A_1158 = arith.constant 0 : i32
      %dma_start3A_1159 = arith.constant 0 : i32
      %dma_start3A_1160 = tpu.memref_slice %arg9[%dma_start3A_1149, %dma_start3A_1158, %dma_start3A_1159] : memref<3x64x304xf32, #tpu.memory_space<vmem>> -> memref<1x64x304xf32, #tpu.memory_space<vmem>>
      %dma_start3A_1161 = tpu.memref_squeeze %dma_start3A_1160 : memref<1x64x304xf32, #tpu.memory_space<vmem>> -> memref<64x304xf32, #tpu.memory_space<vmem>>
      tpu.enqueue_dma source(%dma_start3A_1161 : memref<64x304xf32, #tpu.memory_space<vmem>>) target(%dma_start3A_1157 : memref<64x304xf32, #tpu.memory_space<hbm>>) target_semaphore(%arg20 : memref<!tpu.dma_semaphore, #tpu.memory_space<semaphore_mem>>)
      %dma_wait3A_1162 = arith.constant 2 : i32
      %dma_wait3A_1163 = arith.constant 0 : i32
      %dma_wait3A_1164 = arith.constant 0 : i32
      %dma_wait3A_1165 = tpu.memref_slice %arg9[%dma_wait3A_1162, %dma_wait3A_1163, %dma_wait3A_1164] : memref<3x64x304xf32, #tpu.memory_space<vmem>> -> memref<1x64x304xf32, #tpu.memory_space<vmem>>
      %dma_wait3A_1166 = tpu.memref_squeeze %dma_wait3A_1165 : memref<1x64x304xf32, #tpu.memory_space<vmem>> -> memref<64x304xf32, #tpu.memory_space<vmem>>
      %dma_wait3A_1167 = arith.constant 0 : i32
      %dma_wait3A_1168 = tpu.memref_slice %arg7[%mul3A_2, %dma_wait3A_1167] : memref<131072x304xf32, #tpu.memory_space<hbm>> -> memref<64x304xf32, #tpu.memory_space<hbm>>
      %dma_wait3A_1169 = arith.constant 0 : i32
      %dma_wait3A_1170 = tpu.memref_slice %arg7[%mul3A_2, %dma_wait3A_1169] : memref<131072x304xf32, #tpu.memory_space<hbm>> -> memref<64x304xf32, #tpu.memory_space<hbm>>
      %dma_wait3A_1171 = arith.constant 0 : i32
      %dma_wait3A_1172 = arith.constant 0 : i32
      %dma_wait3A_1173 = tpu.memref_slice %arg9[%dma_wait3A_1162, %dma_wait3A_1171, %dma_wait3A_1172] : memref<3x64x304xf32, #tpu.memory_space<vmem>> -> memref<1x64x304xf32, #tpu.memory_space<vmem>>
      %dma_wait3A_1174 = tpu.memref_squeeze %dma_wait3A_1173 : memref<1x64x304xf32, #tpu.memory_space<vmem>> -> memref<64x304xf32, #tpu.memory_space<vmem>>
      tpu.wait_dma2 semaphore(%arg22 : memref<!tpu.dma_semaphore, #tpu.memory_space<semaphore_mem>>) src(%dma_wait3A_1174 : memref<64x304xf32, #tpu.memory_space<vmem>>) dst(%dma_wait3A_1170 : memref<64x304xf32, #tpu.memory_space<hbm>>)
      %dma_wait3A_1175 = arith.constant 1 : i32
      %dma_wait3A_1176 = arith.constant 0 : i32
      %dma_wait3A_1177 = arith.constant 0 : i32
      %dma_wait3A_1178 = tpu.memref_slice %arg8[%dma_wait3A_1175, %dma_wait3A_1176, %dma_wait3A_1177] : memref<4x5x64xi32, #tpu.memory_space<vmem>> -> memref<1x5x64xi32, #tpu.memory_space<vmem>>
      %dma_wait3A_1179 = tpu.memref_squeeze %dma_wait3A_1178 : memref<1x5x64xi32, #tpu.memory_space<vmem>> -> memref<5x64xi32, #tpu.memory_space<vmem>>
      %dma_wait3A_1180 = arith.constant 0 : i32
      %dma_wait3A_1181 = arith.constant 0 : i32
      %dma_wait3A_1182 = tpu.memref_slice %arg2[%mul3A_4, %dma_wait3A_1180, %dma_wait3A_1181] : memref<2048x5x64xi32, #tpu.memory_space<hbm>> -> memref<1x5x64xi32, #tpu.memory_space<hbm>>
      %dma_wait3A_1183 = tpu.memref_squeeze %dma_wait3A_1182 : memref<1x5x64xi32, #tpu.memory_space<hbm>> -> memref<5x64xi32, #tpu.memory_space<hbm>>
      %dma_wait3A_1184 = arith.constant 0 : i32
      %dma_wait3A_1185 = arith.constant 0 : i32
      %dma_wait3A_1186 = tpu.memref_slice %arg8[%dma_wait3A_1175, %dma_wait3A_1184, %dma_wait3A_1185] : memref<4x5x64xi32, #tpu.memory_space<vmem>> -> memref<1x5x64xi32, #tpu.memory_space<vmem>>
      %dma_wait3A_1187 = tpu.memref_squeeze %dma_wait3A_1186 : memref<1x5x64xi32, #tpu.memory_space<vmem>> -> memref<5x64xi32, #tpu.memory_space<vmem>>
      %dma_wait3A_1188 = arith.constant 0 : i32
      %dma_wait3A_1189 = arith.constant 0 : i32
      %dma_wait3A_1190 = tpu.memref_slice %arg2[%mul3A_4, %dma_wait3A_1188, %dma_wait3A_1189] : memref<2048x5x64xi32, #tpu.memory_space<hbm>> -> memref<1x5x64xi32, #tpu.memory_space<hbm>>
      %dma_wait3A_1191 = tpu.memref_squeeze %dma_wait3A_1190 : memref<1x5x64xi32, #tpu.memory_space<hbm>> -> memref<5x64xi32, #tpu.memory_space<hbm>>
      tpu.wait_dma2 semaphore(%arg11 : memref<!tpu.dma_semaphore, #tpu.memory_space<semaphore_mem>>) src(%dma_wait3A_1191 : memref<5x64xi32, #tpu.memory_space<hbm>>) dst(%dma_wait3A_1187 : memref<5x64xi32, #tpu.memory_space<vmem>>)
      %add3A_1192 = arith.constant 2 : i32
      %add3A_1193 = arith.addi %add3A_1034, %add3A_1192 : i32
      %dma_start3A_1194 = arith.constant 1 : i32
      %dma_start3A_1195 = arith.constant 0 : i32
      %dma_start3A_1196 = arith.constant 2 : i32
      %dma_start3A_1197 = arith.constant 0 : i32
      %dma_start3A_1198 = arith.constant 0 : i32
      %dma_start3A_1199 = tpu.memref_slice %arg9[%dma_start3A_1196, %dma_start3A_1197, %dma_start3A_1198] : memref<3x64x304xf32, #tpu.memory_space<vmem>> -> memref<1x64x304xf32, #tpu.memory_space<vmem>>
      %dma_start3A_1200 = tpu.memref_squeeze %dma_start3A_1199 : memref<1x64x304xf32, #tpu.memory_space<vmem>> -> memref<64x304xf32, #tpu.memory_space<vmem>>
      %dma_start3A_1201 = arith.constant 0 : i32
      %dma_start3A_1202 = tpu.memref_slice %arg8[%dma_start3A_1194, %dma_start3A_1195, %dma_start3A_1201] : memref<4x5x64xi32, #tpu.memory_space<vmem>> -> memref<1x1x64xi32, #tpu.memory_space<vmem>>
      %dma_start3A_1203 = tpu.memref_squeeze %dma_start3A_1202 : memref<1x1x64xi32, #tpu.memory_space<vmem>> -> memref<64xi32, #tpu.memory_space<vmem>>
      %dma_start3A_1204 = arith.constant 0 : i32
      %dma_start3A_1205 = arith.constant 0 : i32
      %dma_start3A_1206 = tpu.memref_slice %arg3[%dma_start3A_1204, %dma_start3A_1205] : memref<2048x304xf32, #tpu.memory_space<hbm>> -> memref<2048x304xf32, #tpu.memory_space<hbm>>
      tpu.enqueue_indirect_dma source(%dma_start3A_1206 : memref<2048x304xf32, #tpu.memory_space<hbm>>) target(%dma_start3A_1200 : memref<64x304xf32, #tpu.memory_space<vmem>>) offsets(%dma_start3A_1203 : memref<64xi32, #tpu.memory_space<vmem>>) semaphore(%arg16 : memref<!tpu.dma_semaphore, #tpu.memory_space<semaphore_mem>>)
      %add3A_1207 = arith.constant 3 : i32
      %add3A_1208 = arith.addi %add3A_684, %add3A_1207 : i32
      %add3A_1209 = arith.constant 3 : i32
      %add3A_1210 = arith.addi %add3A_1208, %add3A_1209 : i32
      %add3A_1211 = arith.addi %mul3A_4, %add3A_1210 : i32
      %dma_start3A_1212 = arith.constant 3 : i32
      %dma_start3A_1213 = arith.constant 0 : i32
      %dma_start3A_1214 = arith.constant 0 : i32
      %dma_start3A_1215 = tpu.memref_slice %arg8[%dma_start3A_1212, %dma_start3A_1213, %dma_start3A_1214] : memref<4x5x64xi32, #tpu.memory_space<vmem>> -> memref<1x5x64xi32, #tpu.memory_space<vmem>>
      %dma_start3A_1216 = tpu.memref_squeeze %dma_start3A_1215 : memref<1x5x64xi32, #tpu.memory_space<vmem>> -> memref<5x64xi32, #tpu.memory_space<vmem>>
      %dma_start3A_1217 = arith.constant 0 : i32
      %dma_start3A_1218 = arith.constant 0 : i32
      %dma_start3A_1219 = tpu.memref_slice %arg2[%add3A_1211, %dma_start3A_1217, %dma_start3A_1218] : memref<2048x5x64xi32, #tpu.memory_space<hbm>> -> memref<1x5x64xi32, #tpu.memory_space<hbm>>
      %dma_start3A_1220 = tpu.memref_squeeze %dma_start3A_1219 : memref<1x5x64xi32, #tpu.memory_space<hbm>> -> memref<5x64xi32, #tpu.memory_space<hbm>>
      %dma_start3A_1221 = arith.constant 0 : i32
      %dma_start3A_1222 = arith.constant 0 : i32
      %dma_start3A_1223 = tpu.memref_slice %arg8[%dma_start3A_1212, %dma_start3A_1221, %dma_start3A_1222] : memref<4x5x64xi32, #tpu.memory_space<vmem>> -> memref<1x5x64xi32, #tpu.memory_space<vmem>>
      %dma_start3A_1224 = tpu.memref_squeeze %dma_start3A_1223 : memref<1x5x64xi32, #tpu.memory_space<vmem>> -> memref<5x64xi32, #tpu.memory_space<vmem>>
      %dma_start3A_1225 = arith.constant 0 : i32
      %dma_start3A_1226 = arith.constant 0 : i32
      %dma_start3A_1227 = tpu.memref_slice %arg2[%add3A_1211, %dma_start3A_1225, %dma_start3A_1226] : memref<2048x5x64xi32, #tpu.memory_space<hbm>> -> memref<1x5x64xi32, #tpu.memory_space<hbm>>
      %dma_start3A_1228 = tpu.memref_squeeze %dma_start3A_1227 : memref<1x5x64xi32, #tpu.memory_space<hbm>> -> memref<5x64xi32, #tpu.memory_space<hbm>>
      tpu.enqueue_dma source(%dma_start3A_1228 : memref<5x64xi32, #tpu.memory_space<hbm>>) target(%dma_start3A_1224 : memref<5x64xi32, #tpu.memory_space<vmem>>) target_semaphore(%arg13 : memref<!tpu.dma_semaphore, #tpu.memory_space<semaphore_mem>>)
      %dma_wait3A_1229 = arith.constant 1 : i32
      %dma_wait3A_1230 = arith.constant 0 : i32
      %dma_wait3A_1231 = arith.constant 2 : i32
      %dma_wait3A_1232 = arith.constant 0 : i32
      %dma_wait3A_1233 = arith.constant 0 : i32
      %dma_wait3A_1234 = tpu.memref_slice %arg9[%dma_wait3A_1231, %dma_wait3A_1232, %dma_wait3A_1233] : memref<3x64x304xf32, #tpu.memory_space<vmem>> -> memref<1x64x304xf32, #tpu.memory_space<vmem>>
      %dma_wait3A_1235 = tpu.memref_squeeze %dma_wait3A_1234 : memref<1x64x304xf32, #tpu.memory_space<vmem>> -> memref<64x304xf32, #tpu.memory_space<vmem>>
      %dma_wait3A_1236 = arith.constant 0 : i32
      %dma_wait3A_1237 = tpu.memref_slice %arg8[%dma_wait3A_1229, %dma_wait3A_1230, %dma_wait3A_1236] : memref<4x5x64xi32, #tpu.memory_space<vmem>> -> memref<1x1x64xi32, #tpu.memory_space<vmem>>
      %dma_wait3A_1238 = tpu.memref_squeeze %dma_wait3A_1237 : memref<1x1x64xi32, #tpu.memory_space<vmem>> -> memref<64xi32, #tpu.memory_space<vmem>>
      %dma_wait3A_1239 = arith.constant 0 : i32
      %dma_wait3A_1240 = arith.constant 0 : i32
      %dma_wait3A_1241 = tpu.memref_slice %arg3[%dma_wait3A_1239, %dma_wait3A_1240] : memref<2048x304xf32, #tpu.memory_space<hbm>> -> memref<2048x304xf32, #tpu.memory_space<hbm>>
      tpu.wait_indirect_dma semaphore(%arg16 : memref<!tpu.dma_semaphore, #tpu.memory_space<semaphore_mem>>) src(%dma_wait3A_1241 : memref<2048x304xf32, #tpu.memory_space<hbm>>) dst(%dma_wait3A_1235 : memref<64x304xf32, #tpu.memory_space<vmem>>)
      %dma_start3A_1242 = arith.constant 1 : i32
      %dma_start3A_1243 = arith.constant 2 : i32
      %dma_start3A_1244 = arith.constant 2 : i32
      %dma_start3A_1245 = arith.constant 0 : i32
      %dma_start3A_1246 = arith.constant 0 : i32
      %dma_start3A_1247 = tpu.memref_slice %arg9[%dma_start3A_1244, %dma_start3A_1245, %dma_start3A_1246] : memref<3x64x304xf32, #tpu.memory_space<vmem>> -> memref<1x64x304xf32, #tpu.memory_space<vmem>>
      %dma_start3A_1248 = tpu.memref_squeeze %dma_start3A_1247 : memref<1x64x304xf32, #tpu.memory_space<vmem>> -> memref<64x304xf32, #tpu.memory_space<vmem>>
      %dma_start3A_1249 = arith.constant 0 : i32
      %dma_start3A_1250 = tpu.memref_slice %arg8[%dma_start3A_1242, %dma_start3A_1243, %dma_start3A_1249] : memref<4x5x64xi32, #tpu.memory_space<vmem>> -> memref<1x1x64xi32, #tpu.memory_space<vmem>>
      %dma_start3A_1251 = tpu.memref_squeeze %dma_start3A_1250 : memref<1x1x64xi32, #tpu.memory_space<vmem>> -> memref<64xi32, #tpu.memory_space<vmem>>
      %dma_start3A_1252 = arith.constant 0 : i32
      %dma_start3A_1253 = arith.constant 0 : i32
      %dma_start3A_1254 = tpu.memref_slice %arg4[%dma_start3A_1252, %dma_start3A_1253] : memref<2048x304xf32, #tpu.memory_space<hbm>> -> memref<2048x304xf32, #tpu.memory_space<hbm>>
      tpu.enqueue_indirect_dma source(%dma_start3A_1254 : memref<2048x304xf32, #tpu.memory_space<hbm>>) target(%dma_start3A_1248 : memref<64x304xf32, #tpu.memory_space<vmem>>) offsets(%dma_start3A_1251 : memref<64xi32, #tpu.memory_space<vmem>>) semaphore(%arg19 : memref<!tpu.dma_semaphore, #tpu.memory_space<semaphore_mem>>) {add = true}
      %dma_start3A_1255 = arith.constant 1 : i32
      %dma_start3A_1256 = arith.constant 3 : i32
      %dma_start3A_1257 = arith.constant 2 : i32
      %dma_start3A_1258 = arith.constant 0 : i32
      %dma_start3A_1259 = arith.constant 0 : i32
      %dma_start3A_1260 = tpu.memref_slice %arg9[%dma_start3A_1257, %dma_start3A_1258, %dma_start3A_1259] : memref<3x64x304xf32, #tpu.memory_space<vmem>> -> memref<1x64x304xf32, #tpu.memory_space<vmem>>
      %dma_start3A_1261 = tpu.memref_squeeze %dma_start3A_1260 : memref<1x64x304xf32, #tpu.memory_space<vmem>> -> memref<64x304xf32, #tpu.memory_space<vmem>>
      %dma_start3A_1262 = arith.constant 0 : i32
      %dma_start3A_1263 = tpu.memref_slice %arg8[%dma_start3A_1255, %dma_start3A_1256, %dma_start3A_1262] : memref<4x5x64xi32, #tpu.memory_space<vmem>> -> memref<1x1x64xi32, #tpu.memory_space<vmem>>
      %dma_start3A_1264 = tpu.memref_squeeze %dma_start3A_1263 : memref<1x1x64xi32, #tpu.memory_space<vmem>> -> memref<64xi32, #tpu.memory_space<vmem>>
      %dma_start3A_1265 = arith.constant 0 : i32
      %dma_start3A_1266 = arith.constant 0 : i32
      %dma_start3A_1267 = tpu.memref_slice %arg5[%dma_start3A_1265, %dma_start3A_1266] : memref<2048x304xf32, #tpu.memory_space<hbm>> -> memref<2048x304xf32, #tpu.memory_space<hbm>>
      tpu.enqueue_indirect_dma source(%dma_start3A_1267 : memref<2048x304xf32, #tpu.memory_space<hbm>>) target(%dma_start3A_1261 : memref<64x304xf32, #tpu.memory_space<vmem>>) offsets(%dma_start3A_1264 : memref<64xi32, #tpu.memory_space<vmem>>) semaphore(%arg19 : memref<!tpu.dma_semaphore, #tpu.memory_space<semaphore_mem>>) {add = true}
      %dma_start3A_1268 = arith.constant 1 : i32
      %dma_start3A_1269 = arith.constant 4 : i32
      %dma_start3A_1270 = arith.constant 2 : i32
      %dma_start3A_1271 = arith.constant 0 : i32
      %dma_start3A_1272 = arith.constant 0 : i32
      %dma_start3A_1273 = tpu.memref_slice %arg9[%dma_start3A_1270, %dma_start3A_1271, %dma_start3A_1272] : memref<3x64x304xf32, #tpu.memory_space<vmem>> -> memref<1x64x304xf32, #tpu.memory_space<vmem>>
      %dma_start3A_1274 = tpu.memref_squeeze %dma_start3A_1273 : memref<1x64x304xf32, #tpu.memory_space<vmem>> -> memref<64x304xf32, #tpu.memory_space<vmem>>
      %dma_start3A_1275 = arith.constant 0 : i32
      %dma_start3A_1276 = tpu.memref_slice %arg8[%dma_start3A_1268, %dma_start3A_1269, %dma_start3A_1275] : memref<4x5x64xi32, #tpu.memory_space<vmem>> -> memref<1x1x64xi32, #tpu.memory_space<vmem>>
      %dma_start3A_1277 = tpu.memref_squeeze %dma_start3A_1276 : memref<1x1x64xi32, #tpu.memory_space<vmem>> -> memref<64xi32, #tpu.memory_space<vmem>>
      %dma_start3A_1278 = arith.constant 0 : i32
      %dma_start3A_1279 = arith.constant 0 : i32
      %dma_start3A_1280 = tpu.memref_slice %arg6[%dma_start3A_1278, %dma_start3A_1279] : memref<2048x304xf32, #tpu.memory_space<hbm>> -> memref<2048x304xf32, #tpu.memory_space<hbm>>
      tpu.enqueue_indirect_dma source(%dma_start3A_1280 : memref<2048x304xf32, #tpu.memory_space<hbm>>) target(%dma_start3A_1274 : memref<64x304xf32, #tpu.memory_space<vmem>>) offsets(%dma_start3A_1277 : memref<64xi32, #tpu.memory_space<vmem>>) semaphore(%arg19 : memref<!tpu.dma_semaphore, #tpu.memory_space<semaphore_mem>>) {add = true}
      %dma_wait3A_1281 = arith.constant 0 : i32
      %dma_wait3A_1282 = arith.constant 2 : i32
      %dma_wait3A_1283 = arith.constant 1 : i32
      %dma_wait3A_1284 = arith.constant 0 : i32
      %dma_wait3A_1285 = arith.constant 0 : i32
      %dma_wait3A_1286 = tpu.memref_slice %arg9[%dma_wait3A_1283, %dma_wait3A_1284, %dma_wait3A_1285] : memref<3x64x304xf32, #tpu.memory_space<vmem>> -> memref<1x64x304xf32, #tpu.memory_space<vmem>>
      %dma_wait3A_1287 = tpu.memref_squeeze %dma_wait3A_1286 : memref<1x64x304xf32, #tpu.memory_space<vmem>> -> memref<64x304xf32, #tpu.memory_space<vmem>>
      %dma_wait3A_1288 = arith.constant 0 : i32
      %dma_wait3A_1289 = tpu.memref_slice %arg8[%dma_wait3A_1281, %dma_wait3A_1282, %dma_wait3A_1288] : memref<4x5x64xi32, #tpu.memory_space<vmem>> -> memref<1x1x64xi32, #tpu.memory_space<vmem>>
      %dma_wait3A_1290 = tpu.memref_squeeze %dma_wait3A_1289 : memref<1x1x64xi32, #tpu.memory_space<vmem>> -> memref<64xi32, #tpu.memory_space<vmem>>
      %dma_wait3A_1291 = arith.constant 0 : i32
      %dma_wait3A_1292 = arith.constant 0 : i32
      %dma_wait3A_1293 = tpu.memref_slice %arg4[%dma_wait3A_1291, %dma_wait3A_1292] : memref<2048x304xf32, #tpu.memory_space<hbm>> -> memref<2048x304xf32, #tpu.memory_space<hbm>>
      tpu.wait_indirect_dma semaphore(%arg18 : memref<!tpu.dma_semaphore, #tpu.memory_space<semaphore_mem>>) src(%dma_wait3A_1293 : memref<2048x304xf32, #tpu.memory_space<hbm>>) dst(%dma_wait3A_1287 : memref<64x304xf32, #tpu.memory_space<vmem>>)
      %dma_wait3A_1294 = arith.constant 0 : i32
      %dma_wait3A_1295 = arith.constant 3 : i32
      %dma_wait3A_1296 = arith.constant 1 : i32
      %dma_wait3A_1297 = arith.constant 0 : i32
      %dma_wait3A_1298 = arith.constant 0 : i32
      %dma_wait3A_1299 = tpu.memref_slice %arg9[%dma_wait3A_1296, %dma_wait3A_1297, %dma_wait3A_1298] : memref<3x64x304xf32, #tpu.memory_space<vmem>> -> memref<1x64x304xf32, #tpu.memory_space<vmem>>
      %dma_wait3A_1300 = tpu.memref_squeeze %dma_wait3A_1299 : memref<1x64x304xf32, #tpu.memory_space<vmem>> -> memref<64x304xf32, #tpu.memory_space<vmem>>
      %dma_wait3A_1301 = arith.constant 0 : i32
      %dma_wait3A_1302 = tpu.memref_slice %arg8[%dma_wait3A_1294, %dma_wait3A_1295, %dma_wait3A_1301] : memref<4x5x64xi32, #tpu.memory_space<vmem>> -> memref<1x1x64xi32, #tpu.memory_space<vmem>>
      %dma_wait3A_1303 = tpu.memref_squeeze %dma_wait3A_1302 : memref<1x1x64xi32, #tpu.memory_space<vmem>> -> memref<64xi32, #tpu.memory_space<vmem>>
      %dma_wait3A_1304 = arith.constant 0 : i32
      %dma_wait3A_1305 = arith.constant 0 : i32
      %dma_wait3A_1306 = tpu.memref_slice %arg5[%dma_wait3A_1304, %dma_wait3A_1305] : memref<2048x304xf32, #tpu.memory_space<hbm>> -> memref<2048x304xf32, #tpu.memory_space<hbm>>
      tpu.wait_indirect_dma semaphore(%arg18 : memref<!tpu.dma_semaphore, #tpu.memory_space<semaphore_mem>>) src(%dma_wait3A_1306 : memref<2048x304xf32, #tpu.memory_space<hbm>>) dst(%dma_wait3A_1300 : memref<64x304xf32, #tpu.memory_space<vmem>>)
      %dma_wait3A_1307 = arith.constant 0 : i32
      %dma_wait3A_1308 = arith.constant 4 : i32
      %dma_wait3A_1309 = arith.constant 1 : i32
      %dma_wait3A_1310 = arith.constant 0 : i32
      %dma_wait3A_1311 = arith.constant 0 : i32
      %dma_wait3A_1312 = tpu.memref_slice %arg9[%dma_wait3A_1309, %dma_wait3A_1310, %dma_wait3A_1311] : memref<3x64x304xf32, #tpu.memory_space<vmem>> -> memref<1x64x304xf32, #tpu.memory_space<vmem>>
      %dma_wait3A_1313 = tpu.memref_squeeze %dma_wait3A_1312 : memref<1x64x304xf32, #tpu.memory_space<vmem>> -> memref<64x304xf32, #tpu.memory_space<vmem>>
      %dma_wait3A_1314 = arith.constant 0 : i32
      %dma_wait3A_1315 = tpu.memref_slice %arg8[%dma_wait3A_1307, %dma_wait3A_1308, %dma_wait3A_1314] : memref<4x5x64xi32, #tpu.memory_space<vmem>> -> memref<1x1x64xi32, #tpu.memory_space<vmem>>
      %dma_wait3A_1316 = tpu.memref_squeeze %dma_wait3A_1315 : memref<1x1x64xi32, #tpu.memory_space<vmem>> -> memref<64xi32, #tpu.memory_space<vmem>>
      %dma_wait3A_1317 = arith.constant 0 : i32
      %dma_wait3A_1318 = arith.constant 0 : i32
      %dma_wait3A_1319 = tpu.memref_slice %arg6[%dma_wait3A_1317, %dma_wait3A_1318] : memref<2048x304xf32, #tpu.memory_space<hbm>> -> memref<2048x304xf32, #tpu.memory_space<hbm>>
      tpu.wait_indirect_dma semaphore(%arg18 : memref<!tpu.dma_semaphore, #tpu.memory_space<semaphore_mem>>) src(%dma_wait3A_1319 : memref<2048x304xf32, #tpu.memory_space<hbm>>) dst(%dma_wait3A_1313 : memref<64x304xf32, #tpu.memory_space<vmem>>)
      %mul3A_1320 = arith.constant 64 : i32
      %mul3A_1321 = arith.muli %add3A_1208, %mul3A_1320 : i32
      %add3A_1322 = arith.addi %mul3A_2, %mul3A_1321 : i32
      %dma_start3A_1323 = arith.constant 1 : i32
      %dma_start3A_1324 = arith.constant 0 : i32
      %dma_start3A_1325 = arith.constant 0 : i32
      %dma_start3A_1326 = tpu.memref_slice %arg9[%dma_start3A_1323, %dma_start3A_1324, %dma_start3A_1325] : memref<3x64x304xf32, #tpu.memory_space<vmem>> -> memref<1x64x304xf32, #tpu.memory_space<vmem>>
      %dma_start3A_1327 = tpu.memref_squeeze %dma_start3A_1326 : memref<1x64x304xf32, #tpu.memory_space<vmem>> -> memref<64x304xf32, #tpu.memory_space<vmem>>
      %dma_start3A_1328 = arith.constant 0 : i32
      %dma_start3A_1329 = tpu.memref_slice %arg7[%add3A_1322, %dma_start3A_1328] : memref<131072x304xf32, #tpu.memory_space<hbm>> -> memref<64x304xf32, #tpu.memory_space<hbm>>
      %dma_start3A_1330 = arith.constant 0 : i32
      %dma_start3A_1331 = tpu.memref_slice %arg7[%add3A_1322, %dma_start3A_1330] : memref<131072x304xf32, #tpu.memory_space<hbm>> -> memref<64x304xf32, #tpu.memory_space<hbm>>
      %dma_start3A_1332 = arith.constant 0 : i32
      %dma_start3A_1333 = arith.constant 0 : i32
      %dma_start3A_1334 = tpu.memref_slice %arg9[%dma_start3A_1323, %dma_start3A_1332, %dma_start3A_1333] : memref<3x64x304xf32, #tpu.memory_space<vmem>> -> memref<1x64x304xf32, #tpu.memory_space<vmem>>
      %dma_start3A_1335 = tpu.memref_squeeze %dma_start3A_1334 : memref<1x64x304xf32, #tpu.memory_space<vmem>> -> memref<64x304xf32, #tpu.memory_space<vmem>>
      tpu.enqueue_dma source(%dma_start3A_1335 : memref<64x304xf32, #tpu.memory_space<vmem>>) target(%dma_start3A_1331 : memref<64x304xf32, #tpu.memory_space<hbm>>) target_semaphore(%arg21 : memref<!tpu.dma_semaphore, #tpu.memory_space<semaphore_mem>>)
      %dma_wait3A_1336 = arith.constant 0 : i32
      %dma_wait3A_1337 = arith.constant 0 : i32
      %dma_wait3A_1338 = arith.constant 0 : i32
      %dma_wait3A_1339 = tpu.memref_slice %arg9[%dma_wait3A_1336, %dma_wait3A_1337, %dma_wait3A_1338] : memref<3x64x304xf32, #tpu.memory_space<vmem>> -> memref<1x64x304xf32, #tpu.memory_space<vmem>>
      %dma_wait3A_1340 = tpu.memref_squeeze %dma_wait3A_1339 : memref<1x64x304xf32, #tpu.memory_space<vmem>> -> memref<64x304xf32, #tpu.memory_space<vmem>>
      %dma_wait3A_1341 = arith.constant 0 : i32
      %dma_wait3A_1342 = tpu.memref_slice %arg7[%mul3A_2, %dma_wait3A_1341] : memref<131072x304xf32, #tpu.memory_space<hbm>> -> memref<64x304xf32, #tpu.memory_space<hbm>>
      %dma_wait3A_1343 = arith.constant 0 : i32
      %dma_wait3A_1344 = tpu.memref_slice %arg7[%mul3A_2, %dma_wait3A_1343] : memref<131072x304xf32, #tpu.memory_space<hbm>> -> memref<64x304xf32, #tpu.memory_space<hbm>>
      %dma_wait3A_1345 = arith.constant 0 : i32
      %dma_wait3A_1346 = arith.constant 0 : i32
      %dma_wait3A_1347 = tpu.memref_slice %arg9[%dma_wait3A_1336, %dma_wait3A_1345, %dma_wait3A_1346] : memref<3x64x304xf32, #tpu.memory_space<vmem>> -> memref<1x64x304xf32, #tpu.memory_space<vmem>>
      %dma_wait3A_1348 = tpu.memref_squeeze %dma_wait3A_1347 : memref<1x64x304xf32, #tpu.memory_space<vmem>> -> memref<64x304xf32, #tpu.memory_space<vmem>>
      tpu.wait_dma2 semaphore(%arg20 : memref<!tpu.dma_semaphore, #tpu.memory_space<semaphore_mem>>) src(%dma_wait3A_1348 : memref<64x304xf32, #tpu.memory_space<vmem>>) dst(%dma_wait3A_1344 : memref<64x304xf32, #tpu.memory_space<hbm>>)
      %dma_wait3A_1349 = arith.constant 2 : i32
      %dma_wait3A_1350 = arith.constant 0 : i32
      %dma_wait3A_1351 = arith.constant 0 : i32
      %dma_wait3A_1352 = tpu.memref_slice %arg8[%dma_wait3A_1349, %dma_wait3A_1350, %dma_wait3A_1351] : memref<4x5x64xi32, #tpu.memory_space<vmem>> -> memref<1x5x64xi32, #tpu.memory_space<vmem>>
      %dma_wait3A_1353 = tpu.memref_squeeze %dma_wait3A_1352 : memref<1x5x64xi32, #tpu.memory_space<vmem>> -> memref<5x64xi32, #tpu.memory_space<vmem>>
      %dma_wait3A_1354 = arith.constant 0 : i32
      %dma_wait3A_1355 = arith.constant 0 : i32
      %dma_wait3A_1356 = tpu.memref_slice %arg2[%mul3A_4, %dma_wait3A_1354, %dma_wait3A_1355] : memref<2048x5x64xi32, #tpu.memory_space<hbm>> -> memref<1x5x64xi32, #tpu.memory_space<hbm>>
      %dma_wait3A_1357 = tpu.memref_squeeze %dma_wait3A_1356 : memref<1x5x64xi32, #tpu.memory_space<hbm>> -> memref<5x64xi32, #tpu.memory_space<hbm>>
      %dma_wait3A_1358 = arith.constant 0 : i32
      %dma_wait3A_1359 = arith.constant 0 : i32
      %dma_wait3A_1360 = tpu.memref_slice %arg8[%dma_wait3A_1349, %dma_wait3A_1358, %dma_wait3A_1359] : memref<4x5x64xi32, #tpu.memory_space<vmem>> -> memref<1x5x64xi32, #tpu.memory_space<vmem>>
      %dma_wait3A_1361 = tpu.memref_squeeze %dma_wait3A_1360 : memref<1x5x64xi32, #tpu.memory_space<vmem>> -> memref<5x64xi32, #tpu.memory_space<vmem>>
      %dma_wait3A_1362 = arith.constant 0 : i32
      %dma_wait3A_1363 = arith.constant 0 : i32
      %dma_wait3A_1364 = tpu.memref_slice %arg2[%mul3A_4, %dma_wait3A_1362, %dma_wait3A_1363] : memref<2048x5x64xi32, #tpu.memory_space<hbm>> -> memref<1x5x64xi32, #tpu.memory_space<hbm>>
      %dma_wait3A_1365 = tpu.memref_squeeze %dma_wait3A_1364 : memref<1x5x64xi32, #tpu.memory_space<hbm>> -> memref<5x64xi32, #tpu.memory_space<hbm>>
      tpu.wait_dma2 semaphore(%arg12 : memref<!tpu.dma_semaphore, #tpu.memory_space<semaphore_mem>>) src(%dma_wait3A_1365 : memref<5x64xi32, #tpu.memory_space<hbm>>) dst(%dma_wait3A_1361 : memref<5x64xi32, #tpu.memory_space<vmem>>)
      %add3A_1366 = arith.constant 2 : i32
      %add3A_1367 = arith.addi %add3A_1208, %add3A_1366 : i32
      %dma_start3A_1368 = arith.constant 2 : i32
      %dma_start3A_1369 = arith.constant 0 : i32
      %dma_start3A_1370 = arith.constant 0 : i32
      %dma_start3A_1371 = arith.constant 0 : i32
      %dma_start3A_1372 = arith.constant 0 : i32
      %dma_start3A_1373 = tpu.memref_slice %arg9[%dma_start3A_1370, %dma_start3A_1371, %dma_start3A_1372] : memref<3x64x304xf32, #tpu.memory_space<vmem>> -> memref<1x64x304xf32, #tpu.memory_space<vmem>>
      %dma_start3A_1374 = tpu.memref_squeeze %dma_start3A_1373 : memref<1x64x304xf32, #tpu.memory_space<vmem>> -> memref<64x304xf32, #tpu.memory_space<vmem>>
      %dma_start3A_1375 = arith.constant 0 : i32
      %dma_start3A_1376 = tpu.memref_slice %arg8[%dma_start3A_1368, %dma_start3A_1369, %dma_start3A_1375] : memref<4x5x64xi32, #tpu.memory_space<vmem>> -> memref<1x1x64xi32, #tpu.memory_space<vmem>>
      %dma_start3A_1377 = tpu.memref_squeeze %dma_start3A_1376 : memref<1x1x64xi32, #tpu.memory_space<vmem>> -> memref<64xi32, #tpu.memory_space<vmem>>
      %dma_start3A_1378 = arith.constant 0 : i32
      %dma_start3A_1379 = arith.constant 0 : i32
      %dma_start3A_1380 = tpu.memref_slice %arg3[%dma_start3A_1378, %dma_start3A_1379] : memref<2048x304xf32, #tpu.memory_space<hbm>> -> memref<2048x304xf32, #tpu.memory_space<hbm>>
      tpu.enqueue_indirect_dma source(%dma_start3A_1380 : memref<2048x304xf32, #tpu.memory_space<hbm>>) target(%dma_start3A_1374 : memref<64x304xf32, #tpu.memory_space<vmem>>) offsets(%dma_start3A_1377 : memref<64xi32, #tpu.memory_space<vmem>>) semaphore(%arg14 : memref<!tpu.dma_semaphore, #tpu.memory_space<semaphore_mem>>)
      %add3A_1381 = arith.constant 4 : i32
      %add3A_1382 = arith.addi %add3A_684, %add3A_1381 : i32
      %add3A_1383 = arith.constant 3 : i32
      %add3A_1384 = arith.addi %add3A_1382, %add3A_1383 : i32
      %add3A_1385 = arith.addi %mul3A_4, %add3A_1384 : i32
      %dma_start3A_1386 = arith.constant 0 : i32
      %dma_start3A_1387 = arith.constant 0 : i32
      %dma_start3A_1388 = arith.constant 0 : i32
      %dma_start3A_1389 = tpu.memref_slice %arg8[%dma_start3A_1386, %dma_start3A_1387, %dma_start3A_1388] : memref<4x5x64xi32, #tpu.memory_space<vmem>> -> memref<1x5x64xi32, #tpu.memory_space<vmem>>
      %dma_start3A_1390 = tpu.memref_squeeze %dma_start3A_1389 : memref<1x5x64xi32, #tpu.memory_space<vmem>> -> memref<5x64xi32, #tpu.memory_space<vmem>>
      %dma_start3A_1391 = arith.constant 0 : i32
      %dma_start3A_1392 = arith.constant 0 : i32
      %dma_start3A_1393 = tpu.memref_slice %arg2[%add3A_1385, %dma_start3A_1391, %dma_start3A_1392] : memref<2048x5x64xi32, #tpu.memory_space<hbm>> -> memref<1x5x64xi32, #tpu.memory_space<hbm>>
      %dma_start3A_1394 = tpu.memref_squeeze %dma_start3A_1393 : memref<1x5x64xi32, #tpu.memory_space<hbm>> -> memref<5x64xi32, #tpu.memory_space<hbm>>
      %dma_start3A_1395 = arith.constant 0 : i32
      %dma_start3A_1396 = arith.constant 0 : i32
      %dma_start3A_1397 = tpu.memref_slice %arg8[%dma_start3A_1386, %dma_start3A_1395, %dma_start3A_1396] : memref<4x5x64xi32, #tpu.memory_space<vmem>> -> memref<1x5x64xi32, #tpu.memory_space<vmem>>
      %dma_start3A_1398 = tpu.memref_squeeze %dma_start3A_1397 : memref<1x5x64xi32, #tpu.memory_space<vmem>> -> memref<5x64xi32, #tpu.memory_space<vmem>>
      %dma_start3A_1399 = arith.constant 0 : i32
      %dma_start3A_1400 = arith.constant 0 : i32
      %dma_start3A_1401 = tpu.memref_slice %arg2[%add3A_1385, %dma_start3A_1399, %dma_start3A_1400] : memref<2048x5x64xi32, #tpu.memory_space<hbm>> -> memref<1x5x64xi32, #tpu.memory_space<hbm>>
      %dma_start3A_1402 = tpu.memref_squeeze %dma_start3A_1401 : memref<1x5x64xi32, #tpu.memory_space<hbm>> -> memref<5x64xi32, #tpu.memory_space<hbm>>
      tpu.enqueue_dma source(%dma_start3A_1402 : memref<5x64xi32, #tpu.memory_space<hbm>>) target(%dma_start3A_1398 : memref<5x64xi32, #tpu.memory_space<vmem>>) target_semaphore(%arg10 : memref<!tpu.dma_semaphore, #tpu.memory_space<semaphore_mem>>)
      %dma_wait3A_1403 = arith.constant 2 : i32
      %dma_wait3A_1404 = arith.constant 0 : i32
      %dma_wait3A_1405 = arith.constant 0 : i32
      %dma_wait3A_1406 = arith.constant 0 : i32
      %dma_wait3A_1407 = arith.constant 0 : i32
      %dma_wait3A_1408 = tpu.memref_slice %arg9[%dma_wait3A_1405, %dma_wait3A_1406, %dma_wait3A_1407] : memref<3x64x304xf32, #tpu.memory_space<vmem>> -> memref<1x64x304xf32, #tpu.memory_space<vmem>>
      %dma_wait3A_1409 = tpu.memref_squeeze %dma_wait3A_1408 : memref<1x64x304xf32, #tpu.memory_space<vmem>> -> memref<64x304xf32, #tpu.memory_space<vmem>>
      %dma_wait3A_1410 = arith.constant 0 : i32
      %dma_wait3A_1411 = tpu.memref_slice %arg8[%dma_wait3A_1403, %dma_wait3A_1404, %dma_wait3A_1410] : memref<4x5x64xi32, #tpu.memory_space<vmem>> -> memref<1x1x64xi32, #tpu.memory_space<vmem>>
      %dma_wait3A_1412 = tpu.memref_squeeze %dma_wait3A_1411 : memref<1x1x64xi32, #tpu.memory_space<vmem>> -> memref<64xi32, #tpu.memory_space<vmem>>
      %dma_wait3A_1413 = arith.constant 0 : i32
      %dma_wait3A_1414 = arith.constant 0 : i32
      %dma_wait3A_1415 = tpu.memref_slice %arg3[%dma_wait3A_1413, %dma_wait3A_1414] : memref<2048x304xf32, #tpu.memory_space<hbm>> -> memref<2048x304xf32, #tpu.memory_space<hbm>>
      tpu.wait_indirect_dma semaphore(%arg14 : memref<!tpu.dma_semaphore, #tpu.memory_space<semaphore_mem>>) src(%dma_wait3A_1415 : memref<2048x304xf32, #tpu.memory_space<hbm>>) dst(%dma_wait3A_1409 : memref<64x304xf32, #tpu.memory_space<vmem>>)
      %dma_start3A_1416 = arith.constant 2 : i32
      %dma_start3A_1417 = arith.constant 2 : i32
      %dma_start3A_1418 = arith.constant 0 : i32
      %dma_start3A_1419 = arith.constant 0 : i32
      %dma_start3A_1420 = arith.constant 0 : i32
      %dma_start3A_1421 = tpu.memref_slice %arg9[%dma_start3A_1418, %dma_start3A_1419, %dma_start3A_1420] : memref<3x64x304xf32, #tpu.memory_space<vmem>> -> memref<1x64x304xf32, #tpu.memory_space<vmem>>
      %dma_start3A_1422 = tpu.memref_squeeze %dma_start3A_1421 : memref<1x64x304xf32, #tpu.memory_space<vmem>> -> memref<64x304xf32, #tpu.memory_space<vmem>>
      %dma_start3A_1423 = arith.constant 0 : i32
      %dma_start3A_1424 = tpu.memref_slice %arg8[%dma_start3A_1416, %dma_start3A_1417, %dma_start3A_1423] : memref<4x5x64xi32, #tpu.memory_space<vmem>> -> memref<1x1x64xi32, #tpu.memory_space<vmem>>
      %dma_start3A_1425 = tpu.memref_squeeze %dma_start3A_1424 : memref<1x1x64xi32, #tpu.memory_space<vmem>> -> memref<64xi32, #tpu.memory_space<vmem>>
      %dma_start3A_1426 = arith.constant 0 : i32
      %dma_start3A_1427 = arith.constant 0 : i32
      %dma_start3A_1428 = tpu.memref_slice %arg4[%dma_start3A_1426, %dma_start3A_1427] : memref<2048x304xf32, #tpu.memory_space<hbm>> -> memref<2048x304xf32, #tpu.memory_space<hbm>>
      tpu.enqueue_indirect_dma source(%dma_start3A_1428 : memref<2048x304xf32, #tpu.memory_space<hbm>>) target(%dma_start3A_1422 : memref<64x304xf32, #tpu.memory_space<vmem>>) offsets(%dma_start3A_1425 : memref<64xi32, #tpu.memory_space<vmem>>) semaphore(%arg17 : memref<!tpu.dma_semaphore, #tpu.memory_space<semaphore_mem>>) {add = true}
      %dma_start3A_1429 = arith.constant 2 : i32
      %dma_start3A_1430 = arith.constant 3 : i32
      %dma_start3A_1431 = arith.constant 0 : i32
      %dma_start3A_1432 = arith.constant 0 : i32
      %dma_start3A_1433 = arith.constant 0 : i32
      %dma_start3A_1434 = tpu.memref_slice %arg9[%dma_start3A_1431, %dma_start3A_1432, %dma_start3A_1433] : memref<3x64x304xf32, #tpu.memory_space<vmem>> -> memref<1x64x304xf32, #tpu.memory_space<vmem>>
      %dma_start3A_1435 = tpu.memref_squeeze %dma_start3A_1434 : memref<1x64x304xf32, #tpu.memory_space<vmem>> -> memref<64x304xf32, #tpu.memory_space<vmem>>
      %dma_start3A_1436 = arith.constant 0 : i32
      %dma_start3A_1437 = tpu.memref_slice %arg8[%dma_start3A_1429, %dma_start3A_1430, %dma_start3A_1436] : memref<4x5x64xi32, #tpu.memory_space<vmem>> -> memref<1x1x64xi32, #tpu.memory_space<vmem>>
      %dma_start3A_1438 = tpu.memref_squeeze %dma_start3A_1437 : memref<1x1x64xi32, #tpu.memory_space<vmem>> -> memref<64xi32, #tpu.memory_space<vmem>>
      %dma_start3A_1439 = arith.constant 0 : i32
      %dma_start3A_1440 = arith.constant 0 : i32
      %dma_start3A_1441 = tpu.memref_slice %arg5[%dma_start3A_1439, %dma_start3A_1440] : memref<2048x304xf32, #tpu.memory_space<hbm>> -> memref<2048x304xf32, #tpu.memory_space<hbm>>
      tpu.enqueue_indirect_dma source(%dma_start3A_1441 : memref<2048x304xf32, #tpu.memory_space<hbm>>) target(%dma_start3A_1435 : memref<64x304xf32, #tpu.memory_space<vmem>>) offsets(%dma_start3A_1438 : memref<64xi32, #tpu.memory_space<vmem>>) semaphore(%arg17 : memref<!tpu.dma_semaphore, #tpu.memory_space<semaphore_mem>>) {add = true}
      %dma_start3A_1442 = arith.constant 2 : i32
      %dma_start3A_1443 = arith.constant 4 : i32
      %dma_start3A_1444 = arith.constant 0 : i32
      %dma_start3A_1445 = arith.constant 0 : i32
      %dma_start3A_1446 = arith.constant 0 : i32
      %dma_start3A_1447 = tpu.memref_slice %arg9[%dma_start3A_1444, %dma_start3A_1445, %dma_start3A_1446] : memref<3x64x304xf32, #tpu.memory_space<vmem>> -> memref<1x64x304xf32, #tpu.memory_space<vmem>>
      %dma_start3A_1448 = tpu.memref_squeeze %dma_start3A_1447 : memref<1x64x304xf32, #tpu.memory_space<vmem>> -> memref<64x304xf32, #tpu.memory_space<vmem>>
      %dma_start3A_1449 = arith.constant 0 : i32
      %dma_start3A_1450 = tpu.memref_slice %arg8[%dma_start3A_1442, %dma_start3A_1443, %dma_start3A_1449] : memref<4x5x64xi32, #tpu.memory_space<vmem>> -> memref<1x1x64xi32, #tpu.memory_space<vmem>>
      %dma_start3A_1451 = tpu.memref_squeeze %dma_start3A_1450 : memref<1x1x64xi32, #tpu.memory_space<vmem>> -> memref<64xi32, #tpu.memory_space<vmem>>
      %dma_start3A_1452 = arith.constant 0 : i32
      %dma_start3A_1453 = arith.constant 0 : i32
      %dma_start3A_1454 = tpu.memref_slice %arg6[%dma_start3A_1452, %dma_start3A_1453] : memref<2048x304xf32, #tpu.memory_space<hbm>> -> memref<2048x304xf32, #tpu.memory_space<hbm>>
      tpu.enqueue_indirect_dma source(%dma_start3A_1454 : memref<2048x304xf32, #tpu.memory_space<hbm>>) target(%dma_start3A_1448 : memref<64x304xf32, #tpu.memory_space<vmem>>) offsets(%dma_start3A_1451 : memref<64xi32, #tpu.memory_space<vmem>>) semaphore(%arg17 : memref<!tpu.dma_semaphore, #tpu.memory_space<semaphore_mem>>) {add = true}
      %dma_wait3A_1455 = arith.constant 1 : i32
      %dma_wait3A_1456 = arith.constant 2 : i32
      %dma_wait3A_1457 = arith.constant 2 : i32
      %dma_wait3A_1458 = arith.constant 0 : i32
      %dma_wait3A_1459 = arith.constant 0 : i32
      %dma_wait3A_1460 = tpu.memref_slice %arg9[%dma_wait3A_1457, %dma_wait3A_1458, %dma_wait3A_1459] : memref<3x64x304xf32, #tpu.memory_space<vmem>> -> memref<1x64x304xf32, #tpu.memory_space<vmem>>
      %dma_wait3A_1461 = tpu.memref_squeeze %dma_wait3A_1460 : memref<1x64x304xf32, #tpu.memory_space<vmem>> -> memref<64x304xf32, #tpu.memory_space<vmem>>
      %dma_wait3A_1462 = arith.constant 0 : i32
      %dma_wait3A_1463 = tpu.memref_slice %arg8[%dma_wait3A_1455, %dma_wait3A_1456, %dma_wait3A_1462] : memref<4x5x64xi32, #tpu.memory_space<vmem>> -> memref<1x1x64xi32, #tpu.memory_space<vmem>>
      %dma_wait3A_1464 = tpu.memref_squeeze %dma_wait3A_1463 : memref<1x1x64xi32, #tpu.memory_space<vmem>> -> memref<64xi32, #tpu.memory_space<vmem>>
      %dma_wait3A_1465 = arith.constant 0 : i32
      %dma_wait3A_1466 = arith.constant 0 : i32
      %dma_wait3A_1467 = tpu.memref_slice %arg4[%dma_wait3A_1465, %dma_wait3A_1466] : memref<2048x304xf32, #tpu.memory_space<hbm>> -> memref<2048x304xf32, #tpu.memory_space<hbm>>
      tpu.wait_indirect_dma semaphore(%arg19 : memref<!tpu.dma_semaphore, #tpu.memory_space<semaphore_mem>>) src(%dma_wait3A_1467 : memref<2048x304xf32, #tpu.memory_space<hbm>>) dst(%dma_wait3A_1461 : memref<64x304xf32, #tpu.memory_space<vmem>>)
      %dma_wait3A_1468 = arith.constant 1 : i32
      %dma_wait3A_1469 = arith.constant 3 : i32
      %dma_wait3A_1470 = arith.constant 2 : i32
      %dma_wait3A_1471 = arith.constant 0 : i32
      %dma_wait3A_1472 = arith.constant 0 : i32
      %dma_wait3A_1473 = tpu.memref_slice %arg9[%dma_wait3A_1470, %dma_wait3A_1471, %dma_wait3A_1472] : memref<3x64x304xf32, #tpu.memory_space<vmem>> -> memref<1x64x304xf32, #tpu.memory_space<vmem>>
      %dma_wait3A_1474 = tpu.memref_squeeze %dma_wait3A_1473 : memref<1x64x304xf32, #tpu.memory_space<vmem>> -> memref<64x304xf32, #tpu.memory_space<vmem>>
      %dma_wait3A_1475 = arith.constant 0 : i32
      %dma_wait3A_1476 = tpu.memref_slice %arg8[%dma_wait3A_1468, %dma_wait3A_1469, %dma_wait3A_1475] : memref<4x5x64xi32, #tpu.memory_space<vmem>> -> memref<1x1x64xi32, #tpu.memory_space<vmem>>
      %dma_wait3A_1477 = tpu.memref_squeeze %dma_wait3A_1476 : memref<1x1x64xi32, #tpu.memory_space<vmem>> -> memref<64xi32, #tpu.memory_space<vmem>>
      %dma_wait3A_1478 = arith.constant 0 : i32
      %dma_wait3A_1479 = arith.constant 0 : i32
      %dma_wait3A_1480 = tpu.memref_slice %arg5[%dma_wait3A_1478, %dma_wait3A_1479] : memref<2048x304xf32, #tpu.memory_space<hbm>> -> memref<2048x304xf32, #tpu.memory_space<hbm>>
      tpu.wait_indirect_dma semaphore(%arg19 : memref<!tpu.dma_semaphore, #tpu.memory_space<semaphore_mem>>) src(%dma_wait3A_1480 : memref<2048x304xf32, #tpu.memory_space<hbm>>) dst(%dma_wait3A_1474 : memref<64x304xf32, #tpu.memory_space<vmem>>)
      %dma_wait3A_1481 = arith.constant 1 : i32
      %dma_wait3A_1482 = arith.constant 4 : i32
      %dma_wait3A_1483 = arith.constant 2 : i32
      %dma_wait3A_1484 = arith.constant 0 : i32
      %dma_wait3A_1485 = arith.constant 0 : i32
      %dma_wait3A_1486 = tpu.memref_slice %arg9[%dma_wait3A_1483, %dma_wait3A_1484, %dma_wait3A_1485] : memref<3x64x304xf32, #tpu.memory_space<vmem>> -> memref<1x64x304xf32, #tpu.memory_space<vmem>>
      %dma_wait3A_1487 = tpu.memref_squeeze %dma_wait3A_1486 : memref<1x64x304xf32, #tpu.memory_space<vmem>> -> memref<64x304xf32, #tpu.memory_space<vmem>>
      %dma_wait3A_1488 = arith.constant 0 : i32
      %dma_wait3A_1489 = tpu.memref_slice %arg8[%dma_wait3A_1481, %dma_wait3A_1482, %dma_wait3A_1488] : memref<4x5x64xi32, #tpu.memory_space<vmem>> -> memref<1x1x64xi32, #tpu.memory_space<vmem>>
      %dma_wait3A_1490 = tpu.memref_squeeze %dma_wait3A_1489 : memref<1x1x64xi32, #tpu.memory_space<vmem>> -> memref<64xi32, #tpu.memory_space<vmem>>
      %dma_wait3A_1491 = arith.constant 0 : i32
      %dma_wait3A_1492 = arith.constant 0 : i32
      %dma_wait3A_1493 = tpu.memref_slice %arg6[%dma_wait3A_1491, %dma_wait3A_1492] : memref<2048x304xf32, #tpu.memory_space<hbm>> -> memref<2048x304xf32, #tpu.memory_space<hbm>>
      tpu.wait_indirect_dma semaphore(%arg19 : memref<!tpu.dma_semaphore, #tpu.memory_space<semaphore_mem>>) src(%dma_wait3A_1493 : memref<2048x304xf32, #tpu.memory_space<hbm>>) dst(%dma_wait3A_1487 : memref<64x304xf32, #tpu.memory_space<vmem>>)
      %mul3A_1494 = arith.constant 64 : i32
      %mul3A_1495 = arith.muli %add3A_1382, %mul3A_1494 : i32
      %add3A_1496 = arith.addi %mul3A_2, %mul3A_1495 : i32
      %dma_start3A_1497 = arith.constant 2 : i32
      %dma_start3A_1498 = arith.constant 0 : i32
      %dma_start3A_1499 = arith.constant 0 : i32
      %dma_start3A_1500 = tpu.memref_slice %arg9[%dma_start3A_1497, %dma_start3A_1498, %dma_start3A_1499] : memref<3x64x304xf32, #tpu.memory_space<vmem>> -> memref<1x64x304xf32, #tpu.memory_space<vmem>>
      %dma_start3A_1501 = tpu.memref_squeeze %dma_start3A_1500 : memref<1x64x304xf32, #tpu.memory_space<vmem>> -> memref<64x304xf32, #tpu.memory_space<vmem>>
      %dma_start3A_1502 = arith.constant 0 : i32
      %dma_start3A_1503 = tpu.memref_slice %arg7[%add3A_1496, %dma_start3A_1502] : memref<131072x304xf32, #tpu.memory_space<hbm>> -> memref<64x304xf32, #tpu.memory_space<hbm>>
      %dma_start3A_1504 = arith.constant 0 : i32
      %dma_start3A_1505 = tpu.memref_slice %arg7[%add3A_1496, %dma_start3A_1504] : memref<131072x304xf32, #tpu.memory_space<hbm>> -> memref<64x304xf32, #tpu.memory_space<hbm>>
      %dma_start3A_1506 = arith.constant 0 : i32
      %dma_start3A_1507 = arith.constant 0 : i32
      %dma_start3A_1508 = tpu.memref_slice %arg9[%dma_start3A_1497, %dma_start3A_1506, %dma_start3A_1507] : memref<3x64x304xf32, #tpu.memory_space<vmem>> -> memref<1x64x304xf32, #tpu.memory_space<vmem>>
      %dma_start3A_1509 = tpu.memref_squeeze %dma_start3A_1508 : memref<1x64x304xf32, #tpu.memory_space<vmem>> -> memref<64x304xf32, #tpu.memory_space<vmem>>
      tpu.enqueue_dma source(%dma_start3A_1509 : memref<64x304xf32, #tpu.memory_space<vmem>>) target(%dma_start3A_1505 : memref<64x304xf32, #tpu.memory_space<hbm>>) target_semaphore(%arg22 : memref<!tpu.dma_semaphore, #tpu.memory_space<semaphore_mem>>)
      %dma_wait3A_1510 = arith.constant 1 : i32
      %dma_wait3A_1511 = arith.constant 0 : i32
      %dma_wait3A_1512 = arith.constant 0 : i32
      %dma_wait3A_1513 = tpu.memref_slice %arg9[%dma_wait3A_1510, %dma_wait3A_1511, %dma_wait3A_1512] : memref<3x64x304xf32, #tpu.memory_space<vmem>> -> memref<1x64x304xf32, #tpu.memory_space<vmem>>
      %dma_wait3A_1514 = tpu.memref_squeeze %dma_wait3A_1513 : memref<1x64x304xf32, #tpu.memory_space<vmem>> -> memref<64x304xf32, #tpu.memory_space<vmem>>
      %dma_wait3A_1515 = arith.constant 0 : i32
      %dma_wait3A_1516 = tpu.memref_slice %arg7[%mul3A_2, %dma_wait3A_1515] : memref<131072x304xf32, #tpu.memory_space<hbm>> -> memref<64x304xf32, #tpu.memory_space<hbm>>
      %dma_wait3A_1517 = arith.constant 0 : i32
      %dma_wait3A_1518 = tpu.memref_slice %arg7[%mul3A_2, %dma_wait3A_1517] : memref<131072x304xf32, #tpu.memory_space<hbm>> -> memref<64x304xf32, #tpu.memory_space<hbm>>
      %dma_wait3A_1519 = arith.constant 0 : i32
      %dma_wait3A_1520 = arith.constant 0 : i32
      %dma_wait3A_1521 = tpu.memref_slice %arg9[%dma_wait3A_1510, %dma_wait3A_1519, %dma_wait3A_1520] : memref<3x64x304xf32, #tpu.memory_space<vmem>> -> memref<1x64x304xf32, #tpu.memory_space<vmem>>
      %dma_wait3A_1522 = tpu.memref_squeeze %dma_wait3A_1521 : memref<1x64x304xf32, #tpu.memory_space<vmem>> -> memref<64x304xf32, #tpu.memory_space<vmem>>
      tpu.wait_dma2 semaphore(%arg21 : memref<!tpu.dma_semaphore, #tpu.memory_space<semaphore_mem>>) src(%dma_wait3A_1522 : memref<64x304xf32, #tpu.memory_space<vmem>>) dst(%dma_wait3A_1518 : memref<64x304xf32, #tpu.memory_space<hbm>>)
      %dma_wait3A_1523 = arith.constant 3 : i32
      %dma_wait3A_1524 = arith.constant 0 : i32
      %dma_wait3A_1525 = arith.constant 0 : i32
      %dma_wait3A_1526 = tpu.memref_slice %arg8[%dma_wait3A_1523, %dma_wait3A_1524, %dma_wait3A_1525] : memref<4x5x64xi32, #tpu.memory_space<vmem>> -> memref<1x5x64xi32, #tpu.memory_space<vmem>>
      %dma_wait3A_1527 = tpu.memref_squeeze %dma_wait3A_1526 : memref<1x5x64xi32, #tpu.memory_space<vmem>> -> memref<5x64xi32, #tpu.memory_space<vmem>>
      %dma_wait3A_1528 = arith.constant 0 : i32
      %dma_wait3A_1529 = arith.constant 0 : i32
      %dma_wait3A_1530 = tpu.memref_slice %arg2[%mul3A_4, %dma_wait3A_1528, %dma_wait3A_1529] : memref<2048x5x64xi32, #tpu.memory_space<hbm>> -> memref<1x5x64xi32, #tpu.memory_space<hbm>>
      %dma_wait3A_1531 = tpu.memref_squeeze %dma_wait3A_1530 : memref<1x5x64xi32, #tpu.memory_space<hbm>> -> memref<5x64xi32, #tpu.memory_space<hbm>>
      %dma_wait3A_1532 = arith.constant 0 : i32
      %dma_wait3A_1533 = arith.constant 0 : i32
      %dma_wait3A_1534 = tpu.memref_slice %arg8[%dma_wait3A_1523, %dma_wait3A_1532, %dma_wait3A_1533] : memref<4x5x64xi32, #tpu.memory_space<vmem>> -> memref<1x5x64xi32, #tpu.memory_space<vmem>>
      %dma_wait3A_1535 = tpu.memref_squeeze %dma_wait3A_1534 : memref<1x5x64xi32, #tpu.memory_space<vmem>> -> memref<5x64xi32, #tpu.memory_space<vmem>>
      %dma_wait3A_1536 = arith.constant 0 : i32
      %dma_wait3A_1537 = arith.constant 0 : i32
      %dma_wait3A_1538 = tpu.memref_slice %arg2[%mul3A_4, %dma_wait3A_1536, %dma_wait3A_1537] : memref<2048x5x64xi32, #tpu.memory_space<hbm>> -> memref<1x5x64xi32, #tpu.memory_space<hbm>>
      %dma_wait3A_1539 = tpu.memref_squeeze %dma_wait3A_1538 : memref<1x5x64xi32, #tpu.memory_space<hbm>> -> memref<5x64xi32, #tpu.memory_space<hbm>>
      tpu.wait_dma2 semaphore(%arg13 : memref<!tpu.dma_semaphore, #tpu.memory_space<semaphore_mem>>) src(%dma_wait3A_1539 : memref<5x64xi32, #tpu.memory_space<hbm>>) dst(%dma_wait3A_1535 : memref<5x64xi32, #tpu.memory_space<vmem>>)
      %add3A_1540 = arith.constant 2 : i32
      %add3A_1541 = arith.addi %add3A_1382, %add3A_1540 : i32
      %dma_start3A_1542 = arith.constant 3 : i32
      %dma_start3A_1543 = arith.constant 0 : i32
      %dma_start3A_1544 = arith.constant 1 : i32
      %dma_start3A_1545 = arith.constant 0 : i32
      %dma_start3A_1546 = arith.constant 0 : i32
      %dma_start3A_1547 = tpu.memref_slice %arg9[%dma_start3A_1544, %dma_start3A_1545, %dma_start3A_1546] : memref<3x64x304xf32, #tpu.memory_space<vmem>> -> memref<1x64x304xf32, #tpu.memory_space<vmem>>
      %dma_start3A_1548 = tpu.memref_squeeze %dma_start3A_1547 : memref<1x64x304xf32, #tpu.memory_space<vmem>> -> memref<64x304xf32, #tpu.memory_space<vmem>>
      %dma_start3A_1549 = arith.constant 0 : i32
      %dma_start3A_1550 = tpu.memref_slice %arg8[%dma_start3A_1542, %dma_start3A_1543, %dma_start3A_1549] : memref<4x5x64xi32, #tpu.memory_space<vmem>> -> memref<1x1x64xi32, #tpu.memory_space<vmem>>
      %dma_start3A_1551 = tpu.memref_squeeze %dma_start3A_1550 : memref<1x1x64xi32, #tpu.memory_space<vmem>> -> memref<64xi32, #tpu.memory_space<vmem>>
      %dma_start3A_1552 = arith.constant 0 : i32
      %dma_start3A_1553 = arith.constant 0 : i32
      %dma_start3A_1554 = tpu.memref_slice %arg3[%dma_start3A_1552, %dma_start3A_1553] : memref<2048x304xf32, #tpu.memory_space<hbm>> -> memref<2048x304xf32, #tpu.memory_space<hbm>>
      tpu.enqueue_indirect_dma source(%dma_start3A_1554 : memref<2048x304xf32, #tpu.memory_space<hbm>>) target(%dma_start3A_1548 : memref<64x304xf32, #tpu.memory_space<vmem>>) offsets(%dma_start3A_1551 : memref<64xi32, #tpu.memory_space<vmem>>) semaphore(%arg15 : memref<!tpu.dma_semaphore, #tpu.memory_space<semaphore_mem>>)
      %add3A_1555 = arith.constant 5 : i32
      %add3A_1556 = arith.addi %add3A_684, %add3A_1555 : i32
      %add3A_1557 = arith.constant 3 : i32
      %add3A_1558 = arith.addi %add3A_1556, %add3A_1557 : i32
      %add3A_1559 = arith.addi %mul3A_4, %add3A_1558 : i32
      %dma_start3A_1560 = arith.constant 1 : i32
      %dma_start3A_1561 = arith.constant 0 : i32
      %dma_start3A_1562 = arith.constant 0 : i32
      %dma_start3A_1563 = tpu.memref_slice %arg8[%dma_start3A_1560, %dma_start3A_1561, %dma_start3A_1562] : memref<4x5x64xi32, #tpu.memory_space<vmem>> -> memref<1x5x64xi32, #tpu.memory_space<vmem>>
      %dma_start3A_1564 = tpu.memref_squeeze %dma_start3A_1563 : memref<1x5x64xi32, #tpu.memory_space<vmem>> -> memref<5x64xi32, #tpu.memory_space<vmem>>
      %dma_start3A_1565 = arith.constant 0 : i32
      %dma_start3A_1566 = arith.constant 0 : i32
      %dma_start3A_1567 = tpu.memref_slice %arg2[%add3A_1559, %dma_start3A_1565, %dma_start3A_1566] : memref<2048x5x64xi32, #tpu.memory_space<hbm>> -> memref<1x5x64xi32, #tpu.memory_space<hbm>>
      %dma_start3A_1568 = tpu.memref_squeeze %dma_start3A_1567 : memref<1x5x64xi32, #tpu.memory_space<hbm>> -> memref<5x64xi32, #tpu.memory_space<hbm>>
      %dma_start3A_1569 = arith.constant 0 : i32
      %dma_start3A_1570 = arith.constant 0 : i32
      %dma_start3A_1571 = tpu.memref_slice %arg8[%dma_start3A_1560, %dma_start3A_1569, %dma_start3A_1570] : memref<4x5x64xi32, #tpu.memory_space<vmem>> -> memref<1x5x64xi32, #tpu.memory_space<vmem>>
      %dma_start3A_1572 = tpu.memref_squeeze %dma_start3A_1571 : memref<1x5x64xi32, #tpu.memory_space<vmem>> -> memref<5x64xi32, #tpu.memory_space<vmem>>
      %dma_start3A_1573 = arith.constant 0 : i32
      %dma_start3A_1574 = arith.constant 0 : i32
      %dma_start3A_1575 = tpu.memref_slice %arg2[%add3A_1559, %dma_start3A_1573, %dma_start3A_1574] : memref<2048x5x64xi32, #tpu.memory_space<hbm>> -> memref<1x5x64xi32, #tpu.memory_space<hbm>>
      %dma_start3A_1576 = tpu.memref_squeeze %dma_start3A_1575 : memref<1x5x64xi32, #tpu.memory_space<hbm>> -> memref<5x64xi32, #tpu.memory_space<hbm>>
      tpu.enqueue_dma source(%dma_start3A_1576 : memref<5x64xi32, #tpu.memory_space<hbm>>) target(%dma_start3A_1572 : memref<5x64xi32, #tpu.memory_space<vmem>>) target_semaphore(%arg11 : memref<!tpu.dma_semaphore, #tpu.memory_space<semaphore_mem>>)
      %dma_wait3A_1577 = arith.constant 3 : i32
      %dma_wait3A_1578 = arith.constant 0 : i32
      %dma_wait3A_1579 = arith.constant 1 : i32
      %dma_wait3A_1580 = arith.constant 0 : i32
      %dma_wait3A_1581 = arith.constant 0 : i32
      %dma_wait3A_1582 = tpu.memref_slice %arg9[%dma_wait3A_1579, %dma_wait3A_1580, %dma_wait3A_1581] : memref<3x64x304xf32, #tpu.memory_space<vmem>> -> memref<1x64x304xf32, #tpu.memory_space<vmem>>
      %dma_wait3A_1583 = tpu.memref_squeeze %dma_wait3A_1582 : memref<1x64x304xf32, #tpu.memory_space<vmem>> -> memref<64x304xf32, #tpu.memory_space<vmem>>
      %dma_wait3A_1584 = arith.constant 0 : i32
      %dma_wait3A_1585 = tpu.memref_slice %arg8[%dma_wait3A_1577, %dma_wait3A_1578, %dma_wait3A_1584] : memref<4x5x64xi32, #tpu.memory_space<vmem>> -> memref<1x1x64xi32, #tpu.memory_space<vmem>>
      %dma_wait3A_1586 = tpu.memref_squeeze %dma_wait3A_1585 : memref<1x1x64xi32, #tpu.memory_space<vmem>> -> memref<64xi32, #tpu.memory_space<vmem>>
      %dma_wait3A_1587 = arith.constant 0 : i32
      %dma_wait3A_1588 = arith.constant 0 : i32
      %dma_wait3A_1589 = tpu.memref_slice %arg3[%dma_wait3A_1587, %dma_wait3A_1588] : memref<2048x304xf32, #tpu.memory_space<hbm>> -> memref<2048x304xf32, #tpu.memory_space<hbm>>
      tpu.wait_indirect_dma semaphore(%arg15 : memref<!tpu.dma_semaphore, #tpu.memory_space<semaphore_mem>>) src(%dma_wait3A_1589 : memref<2048x304xf32, #tpu.memory_space<hbm>>) dst(%dma_wait3A_1583 : memref<64x304xf32, #tpu.memory_space<vmem>>)
      %dma_start3A_1590 = arith.constant 3 : i32
      %dma_start3A_1591 = arith.constant 2 : i32
      %dma_start3A_1592 = arith.constant 1 : i32
      %dma_start3A_1593 = arith.constant 0 : i32
      %dma_start3A_1594 = arith.constant 0 : i32
      %dma_start3A_1595 = tpu.memref_slice %arg9[%dma_start3A_1592, %dma_start3A_1593, %dma_start3A_1594] : memref<3x64x304xf32, #tpu.memory_space<vmem>> -> memref<1x64x304xf32, #tpu.memory_space<vmem>>
      %dma_start3A_1596 = tpu.memref_squeeze %dma_start3A_1595 : memref<1x64x304xf32, #tpu.memory_space<vmem>> -> memref<64x304xf32, #tpu.memory_space<vmem>>
      %dma_start3A_1597 = arith.constant 0 : i32
      %dma_start3A_1598 = tpu.memref_slice %arg8[%dma_start3A_1590, %dma_start3A_1591, %dma_start3A_1597] : memref<4x5x64xi32, #tpu.memory_space<vmem>> -> memref<1x1x64xi32, #tpu.memory_space<vmem>>
      %dma_start3A_1599 = tpu.memref_squeeze %dma_start3A_1598 : memref<1x1x64xi32, #tpu.memory_space<vmem>> -> memref<64xi32, #tpu.memory_space<vmem>>
      %dma_start3A_1600 = arith.constant 0 : i32
      %dma_start3A_1601 = arith.constant 0 : i32
      %dma_start3A_1602 = tpu.memref_slice %arg4[%dma_start3A_1600, %dma_start3A_1601] : memref<2048x304xf32, #tpu.memory_space<hbm>> -> memref<2048x304xf32, #tpu.memory_space<hbm>>
      tpu.enqueue_indirect_dma source(%dma_start3A_1602 : memref<2048x304xf32, #tpu.memory_space<hbm>>) target(%dma_start3A_1596 : memref<64x304xf32, #tpu.memory_space<vmem>>) offsets(%dma_start3A_1599 : memref<64xi32, #tpu.memory_space<vmem>>) semaphore(%arg18 : memref<!tpu.dma_semaphore, #tpu.memory_space<semaphore_mem>>) {add = true}
      %dma_start3A_1603 = arith.constant 3 : i32
      %dma_start3A_1604 = arith.constant 3 : i32
      %dma_start3A_1605 = arith.constant 1 : i32
      %dma_start3A_1606 = arith.constant 0 : i32
      %dma_start3A_1607 = arith.constant 0 : i32
      %dma_start3A_1608 = tpu.memref_slice %arg9[%dma_start3A_1605, %dma_start3A_1606, %dma_start3A_1607] : memref<3x64x304xf32, #tpu.memory_space<vmem>> -> memref<1x64x304xf32, #tpu.memory_space<vmem>>
      %dma_start3A_1609 = tpu.memref_squeeze %dma_start3A_1608 : memref<1x64x304xf32, #tpu.memory_space<vmem>> -> memref<64x304xf32, #tpu.memory_space<vmem>>
      %dma_start3A_1610 = arith.constant 0 : i32
      %dma_start3A_1611 = tpu.memref_slice %arg8[%dma_start3A_1603, %dma_start3A_1604, %dma_start3A_1610] : memref<4x5x64xi32, #tpu.memory_space<vmem>> -> memref<1x1x64xi32, #tpu.memory_space<vmem>>
      %dma_start3A_1612 = tpu.memref_squeeze %dma_start3A_1611 : memref<1x1x64xi32, #tpu.memory_space<vmem>> -> memref<64xi32, #tpu.memory_space<vmem>>
      %dma_start3A_1613 = arith.constant 0 : i32
      %dma_start3A_1614 = arith.constant 0 : i32
      %dma_start3A_1615 = tpu.memref_slice %arg5[%dma_start3A_1613, %dma_start3A_1614] : memref<2048x304xf32, #tpu.memory_space<hbm>> -> memref<2048x304xf32, #tpu.memory_space<hbm>>
      tpu.enqueue_indirect_dma source(%dma_start3A_1615 : memref<2048x304xf32, #tpu.memory_space<hbm>>) target(%dma_start3A_1609 : memref<64x304xf32, #tpu.memory_space<vmem>>) offsets(%dma_start3A_1612 : memref<64xi32, #tpu.memory_space<vmem>>) semaphore(%arg18 : memref<!tpu.dma_semaphore, #tpu.memory_space<semaphore_mem>>) {add = true}
      %dma_start3A_1616 = arith.constant 3 : i32
      %dma_start3A_1617 = arith.constant 4 : i32
      %dma_start3A_1618 = arith.constant 1 : i32
      %dma_start3A_1619 = arith.constant 0 : i32
      %dma_start3A_1620 = arith.constant 0 : i32
      %dma_start3A_1621 = tpu.memref_slice %arg9[%dma_start3A_1618, %dma_start3A_1619, %dma_start3A_1620] : memref<3x64x304xf32, #tpu.memory_space<vmem>> -> memref<1x64x304xf32, #tpu.memory_space<vmem>>
      %dma_start3A_1622 = tpu.memref_squeeze %dma_start3A_1621 : memref<1x64x304xf32, #tpu.memory_space<vmem>> -> memref<64x304xf32, #tpu.memory_space<vmem>>
      %dma_start3A_1623 = arith.constant 0 : i32
      %dma_start3A_1624 = tpu.memref_slice %arg8[%dma_start3A_1616, %dma_start3A_1617, %dma_start3A_1623] : memref<4x5x64xi32, #tpu.memory_space<vmem>> -> memref<1x1x64xi32, #tpu.memory_space<vmem>>
      %dma_start3A_1625 = tpu.memref_squeeze %dma_start3A_1624 : memref<1x1x64xi32, #tpu.memory_space<vmem>> -> memref<64xi32, #tpu.memory_space<vmem>>
      %dma_start3A_1626 = arith.constant 0 : i32
      %dma_start3A_1627 = arith.constant 0 : i32
      %dma_start3A_1628 = tpu.memref_slice %arg6[%dma_start3A_1626, %dma_start3A_1627] : memref<2048x304xf32, #tpu.memory_space<hbm>> -> memref<2048x304xf32, #tpu.memory_space<hbm>>
      tpu.enqueue_indirect_dma source(%dma_start3A_1628 : memref<2048x304xf32, #tpu.memory_space<hbm>>) target(%dma_start3A_1622 : memref<64x304xf32, #tpu.memory_space<vmem>>) offsets(%dma_start3A_1625 : memref<64xi32, #tpu.memory_space<vmem>>) semaphore(%arg18 : memref<!tpu.dma_semaphore, #tpu.memory_space<semaphore_mem>>) {add = true}
      %dma_wait3A_1629 = arith.constant 2 : i32
      %dma_wait3A_1630 = arith.constant 2 : i32
      %dma_wait3A_1631 = arith.constant 0 : i32
      %dma_wait3A_1632 = arith.constant 0 : i32
      %dma_wait3A_1633 = arith.constant 0 : i32
      %dma_wait3A_1634 = tpu.memref_slice %arg9[%dma_wait3A_1631, %dma_wait3A_1632, %dma_wait3A_1633] : memref<3x64x304xf32, #tpu.memory_space<vmem>> -> memref<1x64x304xf32, #tpu.memory_space<vmem>>
      %dma_wait3A_1635 = tpu.memref_squeeze %dma_wait3A_1634 : memref<1x64x304xf32, #tpu.memory_space<vmem>> -> memref<64x304xf32, #tpu.memory_space<vmem>>
      %dma_wait3A_1636 = arith.constant 0 : i32
      %dma_wait3A_1637 = tpu.memref_slice %arg8[%dma_wait3A_1629, %dma_wait3A_1630, %dma_wait3A_1636] : memref<4x5x64xi32, #tpu.memory_space<vmem>> -> memref<1x1x64xi32, #tpu.memory_space<vmem>>
      %dma_wait3A_1638 = tpu.memref_squeeze %dma_wait3A_1637 : memref<1x1x64xi32, #tpu.memory_space<vmem>> -> memref<64xi32, #tpu.memory_space<vmem>>
      %dma_wait3A_1639 = arith.constant 0 : i32
      %dma_wait3A_1640 = arith.constant 0 : i32
      %dma_wait3A_1641 = tpu.memref_slice %arg4[%dma_wait3A_1639, %dma_wait3A_1640] : memref<2048x304xf32, #tpu.memory_space<hbm>> -> memref<2048x304xf32, #tpu.memory_space<hbm>>
      tpu.wait_indirect_dma semaphore(%arg17 : memref<!tpu.dma_semaphore, #tpu.memory_space<semaphore_mem>>) src(%dma_wait3A_1641 : memref<2048x304xf32, #tpu.memory_space<hbm>>) dst(%dma_wait3A_1635 : memref<64x304xf32, #tpu.memory_space<vmem>>)
      %dma_wait3A_1642 = arith.constant 2 : i32
      %dma_wait3A_1643 = arith.constant 3 : i32
      %dma_wait3A_1644 = arith.constant 0 : i32
      %dma_wait3A_1645 = arith.constant 0 : i32
      %dma_wait3A_1646 = arith.constant 0 : i32
      %dma_wait3A_1647 = tpu.memref_slice %arg9[%dma_wait3A_1644, %dma_wait3A_1645, %dma_wait3A_1646] : memref<3x64x304xf32, #tpu.memory_space<vmem>> -> memref<1x64x304xf32, #tpu.memory_space<vmem>>
      %dma_wait3A_1648 = tpu.memref_squeeze %dma_wait3A_1647 : memref<1x64x304xf32, #tpu.memory_space<vmem>> -> memref<64x304xf32, #tpu.memory_space<vmem>>
      %dma_wait3A_1649 = arith.constant 0 : i32
      %dma_wait3A_1650 = tpu.memref_slice %arg8[%dma_wait3A_1642, %dma_wait3A_1643, %dma_wait3A_1649] : memref<4x5x64xi32, #tpu.memory_space<vmem>> -> memref<1x1x64xi32, #tpu.memory_space<vmem>>
      %dma_wait3A_1651 = tpu.memref_squeeze %dma_wait3A_1650 : memref<1x1x64xi32, #tpu.memory_space<vmem>> -> memref<64xi32, #tpu.memory_space<vmem>>
      %dma_wait3A_1652 = arith.constant 0 : i32
      %dma_wait3A_1653 = arith.constant 0 : i32
      %dma_wait3A_1654 = tpu.memref_slice %arg5[%dma_wait3A_1652, %dma_wait3A_1653] : memref<2048x304xf32, #tpu.memory_space<hbm>> -> memref<2048x304xf32, #tpu.memory_space<hbm>>
      tpu.wait_indirect_dma semaphore(%arg17 : memref<!tpu.dma_semaphore, #tpu.memory_space<semaphore_mem>>) src(%dma_wait3A_1654 : memref<2048x304xf32, #tpu.memory_space<hbm>>) dst(%dma_wait3A_1648 : memref<64x304xf32, #tpu.memory_space<vmem>>)
      %dma_wait3A_1655 = arith.constant 2 : i32
      %dma_wait3A_1656 = arith.constant 4 : i32
      %dma_wait3A_1657 = arith.constant 0 : i32
      %dma_wait3A_1658 = arith.constant 0 : i32
      %dma_wait3A_1659 = arith.constant 0 : i32
      %dma_wait3A_1660 = tpu.memref_slice %arg9[%dma_wait3A_1657, %dma_wait3A_1658, %dma_wait3A_1659] : memref<3x64x304xf32, #tpu.memory_space<vmem>> -> memref<1x64x304xf32, #tpu.memory_space<vmem>>
      %dma_wait3A_1661 = tpu.memref_squeeze %dma_wait3A_1660 : memref<1x64x304xf32, #tpu.memory_space<vmem>> -> memref<64x304xf32, #tpu.memory_space<vmem>>
      %dma_wait3A_1662 = arith.constant 0 : i32
      %dma_wait3A_1663 = tpu.memref_slice %arg8[%dma_wait3A_1655, %dma_wait3A_1656, %dma_wait3A_1662] : memref<4x5x64xi32, #tpu.memory_space<vmem>> -> memref<1x1x64xi32, #tpu.memory_space<vmem>>
      %dma_wait3A_1664 = tpu.memref_squeeze %dma_wait3A_1663 : memref<1x1x64xi32, #tpu.memory_space<vmem>> -> memref<64xi32, #tpu.memory_space<vmem>>
      %dma_wait3A_1665 = arith.constant 0 : i32
      %dma_wait3A_1666 = arith.constant 0 : i32
      %dma_wait3A_1667 = tpu.memref_slice %arg6[%dma_wait3A_1665, %dma_wait3A_1666] : memref<2048x304xf32, #tpu.memory_space<hbm>> -> memref<2048x304xf32, #tpu.memory_space<hbm>>
      tpu.wait_indirect_dma semaphore(%arg17 : memref<!tpu.dma_semaphore, #tpu.memory_space<semaphore_mem>>) src(%dma_wait3A_1667 : memref<2048x304xf32, #tpu.memory_space<hbm>>) dst(%dma_wait3A_1661 : memref<64x304xf32, #tpu.memory_space<vmem>>)
      %mul3A_1668 = arith.constant 64 : i32
      %mul3A_1669 = arith.muli %add3A_1556, %mul3A_1668 : i32
      %add3A_1670 = arith.addi %mul3A_2, %mul3A_1669 : i32
      %dma_start3A_1671 = arith.constant 0 : i32
      %dma_start3A_1672 = arith.constant 0 : i32
      %dma_start3A_1673 = arith.constant 0 : i32
      %dma_start3A_1674 = tpu.memref_slice %arg9[%dma_start3A_1671, %dma_start3A_1672, %dma_start3A_1673] : memref<3x64x304xf32, #tpu.memory_space<vmem>> -> memref<1x64x304xf32, #tpu.memory_space<vmem>>
      %dma_start3A_1675 = tpu.memref_squeeze %dma_start3A_1674 : memref<1x64x304xf32, #tpu.memory_space<vmem>> -> memref<64x304xf32, #tpu.memory_space<vmem>>
      %dma_start3A_1676 = arith.constant 0 : i32
      %dma_start3A_1677 = tpu.memref_slice %arg7[%add3A_1670, %dma_start3A_1676] : memref<131072x304xf32, #tpu.memory_space<hbm>> -> memref<64x304xf32, #tpu.memory_space<hbm>>
      %dma_start3A_1678 = arith.constant 0 : i32
      %dma_start3A_1679 = tpu.memref_slice %arg7[%add3A_1670, %dma_start3A_1678] : memref<131072x304xf32, #tpu.memory_space<hbm>> -> memref<64x304xf32, #tpu.memory_space<hbm>>
      %dma_start3A_1680 = arith.constant 0 : i32
      %dma_start3A_1681 = arith.constant 0 : i32
      %dma_start3A_1682 = tpu.memref_slice %arg9[%dma_start3A_1671, %dma_start3A_1680, %dma_start3A_1681] : memref<3x64x304xf32, #tpu.memory_space<vmem>> -> memref<1x64x304xf32, #tpu.memory_space<vmem>>
      %dma_start3A_1683 = tpu.memref_squeeze %dma_start3A_1682 : memref<1x64x304xf32, #tpu.memory_space<vmem>> -> memref<64x304xf32, #tpu.memory_space<vmem>>
      tpu.enqueue_dma source(%dma_start3A_1683 : memref<64x304xf32, #tpu.memory_space<vmem>>) target(%dma_start3A_1679 : memref<64x304xf32, #tpu.memory_space<hbm>>) target_semaphore(%arg20 : memref<!tpu.dma_semaphore, #tpu.memory_space<semaphore_mem>>)
      %dma_wait3A_1684 = arith.constant 2 : i32
      %dma_wait3A_1685 = arith.constant 0 : i32
      %dma_wait3A_1686 = arith.constant 0 : i32
      %dma_wait3A_1687 = tpu.memref_slice %arg9[%dma_wait3A_1684, %dma_wait3A_1685, %dma_wait3A_1686] : memref<3x64x304xf32, #tpu.memory_space<vmem>> -> memref<1x64x304xf32, #tpu.memory_space<vmem>>
      %dma_wait3A_1688 = tpu.memref_squeeze %dma_wait3A_1687 : memref<1x64x304xf32, #tpu.memory_space<vmem>> -> memref<64x304xf32, #tpu.memory_space<vmem>>
      %dma_wait3A_1689 = arith.constant 0 : i32
      %dma_wait3A_1690 = tpu.memref_slice %arg7[%mul3A_2, %dma_wait3A_1689] : memref<131072x304xf32, #tpu.memory_space<hbm>> -> memref<64x304xf32, #tpu.memory_space<hbm>>
      %dma_wait3A_1691 = arith.constant 0 : i32
      %dma_wait3A_1692 = tpu.memref_slice %arg7[%mul3A_2, %dma_wait3A_1691] : memref<131072x304xf32, #tpu.memory_space<hbm>> -> memref<64x304xf32, #tpu.memory_space<hbm>>
      %dma_wait3A_1693 = arith.constant 0 : i32
      %dma_wait3A_1694 = arith.constant 0 : i32
      %dma_wait3A_1695 = tpu.memref_slice %arg9[%dma_wait3A_1684, %dma_wait3A_1693, %dma_wait3A_1694] : memref<3x64x304xf32, #tpu.memory_space<vmem>> -> memref<1x64x304xf32, #tpu.memory_space<vmem>>
      %dma_wait3A_1696 = tpu.memref_squeeze %dma_wait3A_1695 : memref<1x64x304xf32, #tpu.memory_space<vmem>> -> memref<64x304xf32, #tpu.memory_space<vmem>>
      tpu.wait_dma2 semaphore(%arg22 : memref<!tpu.dma_semaphore, #tpu.memory_space<semaphore_mem>>) src(%dma_wait3A_1696 : memref<64x304xf32, #tpu.memory_space<vmem>>) dst(%dma_wait3A_1692 : memref<64x304xf32, #tpu.memory_space<hbm>>)
      %dma_wait3A_1697 = arith.constant 0 : i32
      %dma_wait3A_1698 = arith.constant 0 : i32
      %dma_wait3A_1699 = arith.constant 0 : i32
      %dma_wait3A_1700 = tpu.memref_slice %arg8[%dma_wait3A_1697, %dma_wait3A_1698, %dma_wait3A_1699] : memref<4x5x64xi32, #tpu.memory_space<vmem>> -> memref<1x5x64xi32, #tpu.memory_space<vmem>>
      %dma_wait3A_1701 = tpu.memref_squeeze %dma_wait3A_1700 : memref<1x5x64xi32, #tpu.memory_space<vmem>> -> memref<5x64xi32, #tpu.memory_space<vmem>>
      %dma_wait3A_1702 = arith.constant 0 : i32
      %dma_wait3A_1703 = arith.constant 0 : i32
      %dma_wait3A_1704 = tpu.memref_slice %arg2[%mul3A_4, %dma_wait3A_1702, %dma_wait3A_1703] : memref<2048x5x64xi32, #tpu.memory_space<hbm>> -> memref<1x5x64xi32, #tpu.memory_space<hbm>>
      %dma_wait3A_1705 = tpu.memref_squeeze %dma_wait3A_1704 : memref<1x5x64xi32, #tpu.memory_space<hbm>> -> memref<5x64xi32, #tpu.memory_space<hbm>>
      %dma_wait3A_1706 = arith.constant 0 : i32
      %dma_wait3A_1707 = arith.constant 0 : i32
      %dma_wait3A_1708 = tpu.memref_slice %arg8[%dma_wait3A_1697, %dma_wait3A_1706, %dma_wait3A_1707] : memref<4x5x64xi32, #tpu.memory_space<vmem>> -> memref<1x5x64xi32, #tpu.memory_space<vmem>>
      %dma_wait3A_1709 = tpu.memref_squeeze %dma_wait3A_1708 : memref<1x5x64xi32, #tpu.memory_space<vmem>> -> memref<5x64xi32, #tpu.memory_space<vmem>>
      %dma_wait3A_1710 = arith.constant 0 : i32
      %dma_wait3A_1711 = arith.constant 0 : i32
      %dma_wait3A_1712 = tpu.memref_slice %arg2[%mul3A_4, %dma_wait3A_1710, %dma_wait3A_1711] : memref<2048x5x64xi32, #tpu.memory_space<hbm>> -> memref<1x5x64xi32, #tpu.memory_space<hbm>>
      %dma_wait3A_1713 = tpu.memref_squeeze %dma_wait3A_1712 : memref<1x5x64xi32, #tpu.memory_space<hbm>> -> memref<5x64xi32, #tpu.memory_space<hbm>>
      tpu.wait_dma2 semaphore(%arg10 : memref<!tpu.dma_semaphore, #tpu.memory_space<semaphore_mem>>) src(%dma_wait3A_1713 : memref<5x64xi32, #tpu.memory_space<hbm>>) dst(%dma_wait3A_1709 : memref<5x64xi32, #tpu.memory_space<vmem>>)
      %add3A_1714 = arith.constant 2 : i32
      %add3A_1715 = arith.addi %add3A_1556, %add3A_1714 : i32
      %dma_start3A_1716 = arith.constant 0 : i32
      %dma_start3A_1717 = arith.constant 0 : i32
      %dma_start3A_1718 = arith.constant 2 : i32
      %dma_start3A_1719 = arith.constant 0 : i32
      %dma_start3A_1720 = arith.constant 0 : i32
      %dma_start3A_1721 = tpu.memref_slice %arg9[%dma_start3A_1718, %dma_start3A_1719, %dma_start3A_1720] : memref<3x64x304xf32, #tpu.memory_space<vmem>> -> memref<1x64x304xf32, #tpu.memory_space<vmem>>
      %dma_start3A_1722 = tpu.memref_squeeze %dma_start3A_1721 : memref<1x64x304xf32, #tpu.memory_space<vmem>> -> memref<64x304xf32, #tpu.memory_space<vmem>>
      %dma_start3A_1723 = arith.constant 0 : i32
      %dma_start3A_1724 = tpu.memref_slice %arg8[%dma_start3A_1716, %dma_start3A_1717, %dma_start3A_1723] : memref<4x5x64xi32, #tpu.memory_space<vmem>> -> memref<1x1x64xi32, #tpu.memory_space<vmem>>
      %dma_start3A_1725 = tpu.memref_squeeze %dma_start3A_1724 : memref<1x1x64xi32, #tpu.memory_space<vmem>> -> memref<64xi32, #tpu.memory_space<vmem>>
      %dma_start3A_1726 = arith.constant 0 : i32
      %dma_start3A_1727 = arith.constant 0 : i32
      %dma_start3A_1728 = tpu.memref_slice %arg3[%dma_start3A_1726, %dma_start3A_1727] : memref<2048x304xf32, #tpu.memory_space<hbm>> -> memref<2048x304xf32, #tpu.memory_space<hbm>>
      tpu.enqueue_indirect_dma source(%dma_start3A_1728 : memref<2048x304xf32, #tpu.memory_space<hbm>>) target(%dma_start3A_1722 : memref<64x304xf32, #tpu.memory_space<vmem>>) offsets(%dma_start3A_1725 : memref<64xi32, #tpu.memory_space<vmem>>) semaphore(%arg16 : memref<!tpu.dma_semaphore, #tpu.memory_space<semaphore_mem>>)
      %add3A_1729 = arith.constant 6 : i32
      %add3A_1730 = arith.addi %add3A_684, %add3A_1729 : i32
      %add3A_1731 = arith.constant 3 : i32
      %add3A_1732 = arith.addi %add3A_1730, %add3A_1731 : i32
      %add3A_1733 = arith.addi %mul3A_4, %add3A_1732 : i32
      %dma_start3A_1734 = arith.constant 2 : i32
      %dma_start3A_1735 = arith.constant 0 : i32
      %dma_start3A_1736 = arith.constant 0 : i32
      %dma_start3A_1737 = tpu.memref_slice %arg8[%dma_start3A_1734, %dma_start3A_1735, %dma_start3A_1736] : memref<4x5x64xi32, #tpu.memory_space<vmem>> -> memref<1x5x64xi32, #tpu.memory_space<vmem>>
      %dma_start3A_1738 = tpu.memref_squeeze %dma_start3A_1737 : memref<1x5x64xi32, #tpu.memory_space<vmem>> -> memref<5x64xi32, #tpu.memory_space<vmem>>
      %dma_start3A_1739 = arith.constant 0 : i32
      %dma_start3A_1740 = arith.constant 0 : i32
      %dma_start3A_1741 = tpu.memref_slice %arg2[%add3A_1733, %dma_start3A_1739, %dma_start3A_1740] : memref<2048x5x64xi32, #tpu.memory_space<hbm>> -> memref<1x5x64xi32, #tpu.memory_space<hbm>>
      %dma_start3A_1742 = tpu.memref_squeeze %dma_start3A_1741 : memref<1x5x64xi32, #tpu.memory_space<hbm>> -> memref<5x64xi32, #tpu.memory_space<hbm>>
      %dma_start3A_1743 = arith.constant 0 : i32
      %dma_start3A_1744 = arith.constant 0 : i32
      %dma_start3A_1745 = tpu.memref_slice %arg8[%dma_start3A_1734, %dma_start3A_1743, %dma_start3A_1744] : memref<4x5x64xi32, #tpu.memory_space<vmem>> -> memref<1x5x64xi32, #tpu.memory_space<vmem>>
      %dma_start3A_1746 = tpu.memref_squeeze %dma_start3A_1745 : memref<1x5x64xi32, #tpu.memory_space<vmem>> -> memref<5x64xi32, #tpu.memory_space<vmem>>
      %dma_start3A_1747 = arith.constant 0 : i32
      %dma_start3A_1748 = arith.constant 0 : i32
      %dma_start3A_1749 = tpu.memref_slice %arg2[%add3A_1733, %dma_start3A_1747, %dma_start3A_1748] : memref<2048x5x64xi32, #tpu.memory_space<hbm>> -> memref<1x5x64xi32, #tpu.memory_space<hbm>>
      %dma_start3A_1750 = tpu.memref_squeeze %dma_start3A_1749 : memref<1x5x64xi32, #tpu.memory_space<hbm>> -> memref<5x64xi32, #tpu.memory_space<hbm>>
      tpu.enqueue_dma source(%dma_start3A_1750 : memref<5x64xi32, #tpu.memory_space<hbm>>) target(%dma_start3A_1746 : memref<5x64xi32, #tpu.memory_space<vmem>>) target_semaphore(%arg12 : memref<!tpu.dma_semaphore, #tpu.memory_space<semaphore_mem>>)
      %dma_wait3A_1751 = arith.constant 0 : i32
      %dma_wait3A_1752 = arith.constant 0 : i32
      %dma_wait3A_1753 = arith.constant 2 : i32
      %dma_wait3A_1754 = arith.constant 0 : i32
      %dma_wait3A_1755 = arith.constant 0 : i32
      %dma_wait3A_1756 = tpu.memref_slice %arg9[%dma_wait3A_1753, %dma_wait3A_1754, %dma_wait3A_1755] : memref<3x64x304xf32, #tpu.memory_space<vmem>> -> memref<1x64x304xf32, #tpu.memory_space<vmem>>
      %dma_wait3A_1757 = tpu.memref_squeeze %dma_wait3A_1756 : memref<1x64x304xf32, #tpu.memory_space<vmem>> -> memref<64x304xf32, #tpu.memory_space<vmem>>
      %dma_wait3A_1758 = arith.constant 0 : i32
      %dma_wait3A_1759 = tpu.memref_slice %arg8[%dma_wait3A_1751, %dma_wait3A_1752, %dma_wait3A_1758] : memref<4x5x64xi32, #tpu.memory_space<vmem>> -> memref<1x1x64xi32, #tpu.memory_space<vmem>>
      %dma_wait3A_1760 = tpu.memref_squeeze %dma_wait3A_1759 : memref<1x1x64xi32, #tpu.memory_space<vmem>> -> memref<64xi32, #tpu.memory_space<vmem>>
      %dma_wait3A_1761 = arith.constant 0 : i32
      %dma_wait3A_1762 = arith.constant 0 : i32
      %dma_wait3A_1763 = tpu.memref_slice %arg3[%dma_wait3A_1761, %dma_wait3A_1762] : memref<2048x304xf32, #tpu.memory_space<hbm>> -> memref<2048x304xf32, #tpu.memory_space<hbm>>
      tpu.wait_indirect_dma semaphore(%arg16 : memref<!tpu.dma_semaphore, #tpu.memory_space<semaphore_mem>>) src(%dma_wait3A_1763 : memref<2048x304xf32, #tpu.memory_space<hbm>>) dst(%dma_wait3A_1757 : memref<64x304xf32, #tpu.memory_space<vmem>>)
      %dma_start3A_1764 = arith.constant 0 : i32
      %dma_start3A_1765 = arith.constant 2 : i32
      %dma_start3A_1766 = arith.constant 2 : i32
      %dma_start3A_1767 = arith.constant 0 : i32
      %dma_start3A_1768 = arith.constant 0 : i32
      %dma_start3A_1769 = tpu.memref_slice %arg9[%dma_start3A_1766, %dma_start3A_1767, %dma_start3A_1768] : memref<3x64x304xf32, #tpu.memory_space<vmem>> -> memref<1x64x304xf32, #tpu.memory_space<vmem>>
      %dma_start3A_1770 = tpu.memref_squeeze %dma_start3A_1769 : memref<1x64x304xf32, #tpu.memory_space<vmem>> -> memref<64x304xf32, #tpu.memory_space<vmem>>
      %dma_start3A_1771 = arith.constant 0 : i32
      %dma_start3A_1772 = tpu.memref_slice %arg8[%dma_start3A_1764, %dma_start3A_1765, %dma_start3A_1771] : memref<4x5x64xi32, #tpu.memory_space<vmem>> -> memref<1x1x64xi32, #tpu.memory_space<vmem>>
      %dma_start3A_1773 = tpu.memref_squeeze %dma_start3A_1772 : memref<1x1x64xi32, #tpu.memory_space<vmem>> -> memref<64xi32, #tpu.memory_space<vmem>>
      %dma_start3A_1774 = arith.constant 0 : i32
      %dma_start3A_1775 = arith.constant 0 : i32
      %dma_start3A_1776 = tpu.memref_slice %arg4[%dma_start3A_1774, %dma_start3A_1775] : memref<2048x304xf32, #tpu.memory_space<hbm>> -> memref<2048x304xf32, #tpu.memory_space<hbm>>
      tpu.enqueue_indirect_dma source(%dma_start3A_1776 : memref<2048x304xf32, #tpu.memory_space<hbm>>) target(%dma_start3A_1770 : memref<64x304xf32, #tpu.memory_space<vmem>>) offsets(%dma_start3A_1773 : memref<64xi32, #tpu.memory_space<vmem>>) semaphore(%arg19 : memref<!tpu.dma_semaphore, #tpu.memory_space<semaphore_mem>>) {add = true}
      %dma_start3A_1777 = arith.constant 0 : i32
      %dma_start3A_1778 = arith.constant 3 : i32
      %dma_start3A_1779 = arith.constant 2 : i32
      %dma_start3A_1780 = arith.constant 0 : i32
      %dma_start3A_1781 = arith.constant 0 : i32
      %dma_start3A_1782 = tpu.memref_slice %arg9[%dma_start3A_1779, %dma_start3A_1780, %dma_start3A_1781] : memref<3x64x304xf32, #tpu.memory_space<vmem>> -> memref<1x64x304xf32, #tpu.memory_space<vmem>>
      %dma_start3A_1783 = tpu.memref_squeeze %dma_start3A_1782 : memref<1x64x304xf32, #tpu.memory_space<vmem>> -> memref<64x304xf32, #tpu.memory_space<vmem>>
      %dma_start3A_1784 = arith.constant 0 : i32
      %dma_start3A_1785 = tpu.memref_slice %arg8[%dma_start3A_1777, %dma_start3A_1778, %dma_start3A_1784] : memref<4x5x64xi32, #tpu.memory_space<vmem>> -> memref<1x1x64xi32, #tpu.memory_space<vmem>>
      %dma_start3A_1786 = tpu.memref_squeeze %dma_start3A_1785 : memref<1x1x64xi32, #tpu.memory_space<vmem>> -> memref<64xi32, #tpu.memory_space<vmem>>
      %dma_start3A_1787 = arith.constant 0 : i32
      %dma_start3A_1788 = arith.constant 0 : i32
      %dma_start3A_1789 = tpu.memref_slice %arg5[%dma_start3A_1787, %dma_start3A_1788] : memref<2048x304xf32, #tpu.memory_space<hbm>> -> memref<2048x304xf32, #tpu.memory_space<hbm>>
      tpu.enqueue_indirect_dma source(%dma_start3A_1789 : memref<2048x304xf32, #tpu.memory_space<hbm>>) target(%dma_start3A_1783 : memref<64x304xf32, #tpu.memory_space<vmem>>) offsets(%dma_start3A_1786 : memref<64xi32, #tpu.memory_space<vmem>>) semaphore(%arg19 : memref<!tpu.dma_semaphore, #tpu.memory_space<semaphore_mem>>) {add = true}
      %dma_start3A_1790 = arith.constant 0 : i32
      %dma_start3A_1791 = arith.constant 4 : i32
      %dma_start3A_1792 = arith.constant 2 : i32
      %dma_start3A_1793 = arith.constant 0 : i32
      %dma_start3A_1794 = arith.constant 0 : i32
      %dma_start3A_1795 = tpu.memref_slice %arg9[%dma_start3A_1792, %dma_start3A_1793, %dma_start3A_1794] : memref<3x64x304xf32, #tpu.memory_space<vmem>> -> memref<1x64x304xf32, #tpu.memory_space<vmem>>
      %dma_start3A_1796 = tpu.memref_squeeze %dma_start3A_1795 : memref<1x64x304xf32, #tpu.memory_space<vmem>> -> memref<64x304xf32, #tpu.memory_space<vmem>>
      %dma_start3A_1797 = arith.constant 0 : i32
      %dma_start3A_1798 = tpu.memref_slice %arg8[%dma_start3A_1790, %dma_start3A_1791, %dma_start3A_1797] : memref<4x5x64xi32, #tpu.memory_space<vmem>> -> memref<1x1x64xi32, #tpu.memory_space<vmem>>
      %dma_start3A_1799 = tpu.memref_squeeze %dma_start3A_1798 : memref<1x1x64xi32, #tpu.memory_space<vmem>> -> memref<64xi32, #tpu.memory_space<vmem>>
      %dma_start3A_1800 = arith.constant 0 : i32
      %dma_start3A_1801 = arith.constant 0 : i32
      %dma_start3A_1802 = tpu.memref_slice %arg6[%dma_start3A_1800, %dma_start3A_1801] : memref<2048x304xf32, #tpu.memory_space<hbm>> -> memref<2048x304xf32, #tpu.memory_space<hbm>>
      tpu.enqueue_indirect_dma source(%dma_start3A_1802 : memref<2048x304xf32, #tpu.memory_space<hbm>>) target(%dma_start3A_1796 : memref<64x304xf32, #tpu.memory_space<vmem>>) offsets(%dma_start3A_1799 : memref<64xi32, #tpu.memory_space<vmem>>) semaphore(%arg19 : memref<!tpu.dma_semaphore, #tpu.memory_space<semaphore_mem>>) {add = true}
      %dma_wait3A_1803 = arith.constant 3 : i32
      %dma_wait3A_1804 = arith.constant 2 : i32
      %dma_wait3A_1805 = arith.constant 1 : i32
      %dma_wait3A_1806 = arith.constant 0 : i32
      %dma_wait3A_1807 = arith.constant 0 : i32
      %dma_wait3A_1808 = tpu.memref_slice %arg9[%dma_wait3A_1805, %dma_wait3A_1806, %dma_wait3A_1807] : memref<3x64x304xf32, #tpu.memory_space<vmem>> -> memref<1x64x304xf32, #tpu.memory_space<vmem>>
      %dma_wait3A_1809 = tpu.memref_squeeze %dma_wait3A_1808 : memref<1x64x304xf32, #tpu.memory_space<vmem>> -> memref<64x304xf32, #tpu.memory_space<vmem>>
      %dma_wait3A_1810 = arith.constant 0 : i32
      %dma_wait3A_1811 = tpu.memref_slice %arg8[%dma_wait3A_1803, %dma_wait3A_1804, %dma_wait3A_1810] : memref<4x5x64xi32, #tpu.memory_space<vmem>> -> memref<1x1x64xi32, #tpu.memory_space<vmem>>
      %dma_wait3A_1812 = tpu.memref_squeeze %dma_wait3A_1811 : memref<1x1x64xi32, #tpu.memory_space<vmem>> -> memref<64xi32, #tpu.memory_space<vmem>>
      %dma_wait3A_1813 = arith.constant 0 : i32
      %dma_wait3A_1814 = arith.constant 0 : i32
      %dma_wait3A_1815 = tpu.memref_slice %arg4[%dma_wait3A_1813, %dma_wait3A_1814] : memref<2048x304xf32, #tpu.memory_space<hbm>> -> memref<2048x304xf32, #tpu.memory_space<hbm>>
      tpu.wait_indirect_dma semaphore(%arg18 : memref<!tpu.dma_semaphore, #tpu.memory_space<semaphore_mem>>) src(%dma_wait3A_1815 : memref<2048x304xf32, #tpu.memory_space<hbm>>) dst(%dma_wait3A_1809 : memref<64x304xf32, #tpu.memory_space<vmem>>)
      %dma_wait3A_1816 = arith.constant 3 : i32
      %dma_wait3A_1817 = arith.constant 3 : i32
      %dma_wait3A_1818 = arith.constant 1 : i32
      %dma_wait3A_1819 = arith.constant 0 : i32
      %dma_wait3A_1820 = arith.constant 0 : i32
      %dma_wait3A_1821 = tpu.memref_slice %arg9[%dma_wait3A_1818, %dma_wait3A_1819, %dma_wait3A_1820] : memref<3x64x304xf32, #tpu.memory_space<vmem>> -> memref<1x64x304xf32, #tpu.memory_space<vmem>>
      %dma_wait3A_1822 = tpu.memref_squeeze %dma_wait3A_1821 : memref<1x64x304xf32, #tpu.memory_space<vmem>> -> memref<64x304xf32, #tpu.memory_space<vmem>>
      %dma_wait3A_1823 = arith.constant 0 : i32
      %dma_wait3A_1824 = tpu.memref_slice %arg8[%dma_wait3A_1816, %dma_wait3A_1817, %dma_wait3A_1823] : memref<4x5x64xi32, #tpu.memory_space<vmem>> -> memref<1x1x64xi32, #tpu.memory_space<vmem>>
      %dma_wait3A_1825 = tpu.memref_squeeze %dma_wait3A_1824 : memref<1x1x64xi32, #tpu.memory_space<vmem>> -> memref<64xi32, #tpu.memory_space<vmem>>
      %dma_wait3A_1826 = arith.constant 0 : i32
      %dma_wait3A_1827 = arith.constant 0 : i32
      %dma_wait3A_1828 = tpu.memref_slice %arg5[%dma_wait3A_1826, %dma_wait3A_1827] : memref<2048x304xf32, #tpu.memory_space<hbm>> -> memref<2048x304xf32, #tpu.memory_space<hbm>>
      tpu.wait_indirect_dma semaphore(%arg18 : memref<!tpu.dma_semaphore, #tpu.memory_space<semaphore_mem>>) src(%dma_wait3A_1828 : memref<2048x304xf32, #tpu.memory_space<hbm>>) dst(%dma_wait3A_1822 : memref<64x304xf32, #tpu.memory_space<vmem>>)
      %dma_wait3A_1829 = arith.constant 3 : i32
      %dma_wait3A_1830 = arith.constant 4 : i32
      %dma_wait3A_1831 = arith.constant 1 : i32
      %dma_wait3A_1832 = arith.constant 0 : i32
      %dma_wait3A_1833 = arith.constant 0 : i32
      %dma_wait3A_1834 = tpu.memref_slice %arg9[%dma_wait3A_1831, %dma_wait3A_1832, %dma_wait3A_1833] : memref<3x64x304xf32, #tpu.memory_space<vmem>> -> memref<1x64x304xf32, #tpu.memory_space<vmem>>
      %dma_wait3A_1835 = tpu.memref_squeeze %dma_wait3A_1834 : memref<1x64x304xf32, #tpu.memory_space<vmem>> -> memref<64x304xf32, #tpu.memory_space<vmem>>
      %dma_wait3A_1836 = arith.constant 0 : i32
      %dma_wait3A_1837 = tpu.memref_slice %arg8[%dma_wait3A_1829, %dma_wait3A_1830, %dma_wait3A_1836] : memref<4x5x64xi32, #tpu.memory_space<vmem>> -> memref<1x1x64xi32, #tpu.memory_space<vmem>>
      %dma_wait3A_1838 = tpu.memref_squeeze %dma_wait3A_1837 : memref<1x1x64xi32, #tpu.memory_space<vmem>> -> memref<64xi32, #tpu.memory_space<vmem>>
      %dma_wait3A_1839 = arith.constant 0 : i32
      %dma_wait3A_1840 = arith.constant 0 : i32
      %dma_wait3A_1841 = tpu.memref_slice %arg6[%dma_wait3A_1839, %dma_wait3A_1840] : memref<2048x304xf32, #tpu.memory_space<hbm>> -> memref<2048x304xf32, #tpu.memory_space<hbm>>
      tpu.wait_indirect_dma semaphore(%arg18 : memref<!tpu.dma_semaphore, #tpu.memory_space<semaphore_mem>>) src(%dma_wait3A_1841 : memref<2048x304xf32, #tpu.memory_space<hbm>>) dst(%dma_wait3A_1835 : memref<64x304xf32, #tpu.memory_space<vmem>>)
      %mul3A_1842 = arith.constant 64 : i32
      %mul3A_1843 = arith.muli %add3A_1730, %mul3A_1842 : i32
      %add3A_1844 = arith.addi %mul3A_2, %mul3A_1843 : i32
      %dma_start3A_1845 = arith.constant 1 : i32
      %dma_start3A_1846 = arith.constant 0 : i32
      %dma_start3A_1847 = arith.constant 0 : i32
      %dma_start3A_1848 = tpu.memref_slice %arg9[%dma_start3A_1845, %dma_start3A_1846, %dma_start3A_1847] : memref<3x64x304xf32, #tpu.memory_space<vmem>> -> memref<1x64x304xf32, #tpu.memory_space<vmem>>
      %dma_start3A_1849 = tpu.memref_squeeze %dma_start3A_1848 : memref<1x64x304xf32, #tpu.memory_space<vmem>> -> memref<64x304xf32, #tpu.memory_space<vmem>>
      %dma_start3A_1850 = arith.constant 0 : i32
      %dma_start3A_1851 = tpu.memref_slice %arg7[%add3A_1844, %dma_start3A_1850] : memref<131072x304xf32, #tpu.memory_space<hbm>> -> memref<64x304xf32, #tpu.memory_space<hbm>>
      %dma_start3A_1852 = arith.constant 0 : i32
      %dma_start3A_1853 = tpu.memref_slice %arg7[%add3A_1844, %dma_start3A_1852] : memref<131072x304xf32, #tpu.memory_space<hbm>> -> memref<64x304xf32, #tpu.memory_space<hbm>>
      %dma_start3A_1854 = arith.constant 0 : i32
      %dma_start3A_1855 = arith.constant 0 : i32
      %dma_start3A_1856 = tpu.memref_slice %arg9[%dma_start3A_1845, %dma_start3A_1854, %dma_start3A_1855] : memref<3x64x304xf32, #tpu.memory_space<vmem>> -> memref<1x64x304xf32, #tpu.memory_space<vmem>>
      %dma_start3A_1857 = tpu.memref_squeeze %dma_start3A_1856 : memref<1x64x304xf32, #tpu.memory_space<vmem>> -> memref<64x304xf32, #tpu.memory_space<vmem>>
      tpu.enqueue_dma source(%dma_start3A_1857 : memref<64x304xf32, #tpu.memory_space<vmem>>) target(%dma_start3A_1853 : memref<64x304xf32, #tpu.memory_space<hbm>>) target_semaphore(%arg21 : memref<!tpu.dma_semaphore, #tpu.memory_space<semaphore_mem>>)
      %dma_wait3A_1858 = arith.constant 0 : i32
      %dma_wait3A_1859 = arith.constant 0 : i32
      %dma_wait3A_1860 = arith.constant 0 : i32
      %dma_wait3A_1861 = tpu.memref_slice %arg9[%dma_wait3A_1858, %dma_wait3A_1859, %dma_wait3A_1860] : memref<3x64x304xf32, #tpu.memory_space<vmem>> -> memref<1x64x304xf32, #tpu.memory_space<vmem>>
      %dma_wait3A_1862 = tpu.memref_squeeze %dma_wait3A_1861 : memref<1x64x304xf32, #tpu.memory_space<vmem>> -> memref<64x304xf32, #tpu.memory_space<vmem>>
      %dma_wait3A_1863 = arith.constant 0 : i32
      %dma_wait3A_1864 = tpu.memref_slice %arg7[%mul3A_2, %dma_wait3A_1863] : memref<131072x304xf32, #tpu.memory_space<hbm>> -> memref<64x304xf32, #tpu.memory_space<hbm>>
      %dma_wait3A_1865 = arith.constant 0 : i32
      %dma_wait3A_1866 = tpu.memref_slice %arg7[%mul3A_2, %dma_wait3A_1865] : memref<131072x304xf32, #tpu.memory_space<hbm>> -> memref<64x304xf32, #tpu.memory_space<hbm>>
      %dma_wait3A_1867 = arith.constant 0 : i32
      %dma_wait3A_1868 = arith.constant 0 : i32
      %dma_wait3A_1869 = tpu.memref_slice %arg9[%dma_wait3A_1858, %dma_wait3A_1867, %dma_wait3A_1868] : memref<3x64x304xf32, #tpu.memory_space<vmem>> -> memref<1x64x304xf32, #tpu.memory_space<vmem>>
      %dma_wait3A_1870 = tpu.memref_squeeze %dma_wait3A_1869 : memref<1x64x304xf32, #tpu.memory_space<vmem>> -> memref<64x304xf32, #tpu.memory_space<vmem>>
      tpu.wait_dma2 semaphore(%arg20 : memref<!tpu.dma_semaphore, #tpu.memory_space<semaphore_mem>>) src(%dma_wait3A_1870 : memref<64x304xf32, #tpu.memory_space<vmem>>) dst(%dma_wait3A_1866 : memref<64x304xf32, #tpu.memory_space<hbm>>)
      %dma_wait3A_1871 = arith.constant 1 : i32
      %dma_wait3A_1872 = arith.constant 0 : i32
      %dma_wait3A_1873 = arith.constant 0 : i32
      %dma_wait3A_1874 = tpu.memref_slice %arg8[%dma_wait3A_1871, %dma_wait3A_1872, %dma_wait3A_1873] : memref<4x5x64xi32, #tpu.memory_space<vmem>> -> memref<1x5x64xi32, #tpu.memory_space<vmem>>
      %dma_wait3A_1875 = tpu.memref_squeeze %dma_wait3A_1874 : memref<1x5x64xi32, #tpu.memory_space<vmem>> -> memref<5x64xi32, #tpu.memory_space<vmem>>
      %dma_wait3A_1876 = arith.constant 0 : i32
      %dma_wait3A_1877 = arith.constant 0 : i32
      %dma_wait3A_1878 = tpu.memref_slice %arg2[%mul3A_4, %dma_wait3A_1876, %dma_wait3A_1877] : memref<2048x5x64xi32, #tpu.memory_space<hbm>> -> memref<1x5x64xi32, #tpu.memory_space<hbm>>
      %dma_wait3A_1879 = tpu.memref_squeeze %dma_wait3A_1878 : memref<1x5x64xi32, #tpu.memory_space<hbm>> -> memref<5x64xi32, #tpu.memory_space<hbm>>
      %dma_wait3A_1880 = arith.constant 0 : i32
      %dma_wait3A_1881 = arith.constant 0 : i32
      %dma_wait3A_1882 = tpu.memref_slice %arg8[%dma_wait3A_1871, %dma_wait3A_1880, %dma_wait3A_1881] : memref<4x5x64xi32, #tpu.memory_space<vmem>> -> memref<1x5x64xi32, #tpu.memory_space<vmem>>
      %dma_wait3A_1883 = tpu.memref_squeeze %dma_wait3A_1882 : memref<1x5x64xi32, #tpu.memory_space<vmem>> -> memref<5x64xi32, #tpu.memory_space<vmem>>
      %dma_wait3A_1884 = arith.constant 0 : i32
      %dma_wait3A_1885 = arith.constant 0 : i32
      %dma_wait3A_1886 = tpu.memref_slice %arg2[%mul3A_4, %dma_wait3A_1884, %dma_wait3A_1885] : memref<2048x5x64xi32, #tpu.memory_space<hbm>> -> memref<1x5x64xi32, #tpu.memory_space<hbm>>
      %dma_wait3A_1887 = tpu.memref_squeeze %dma_wait3A_1886 : memref<1x5x64xi32, #tpu.memory_space<hbm>> -> memref<5x64xi32, #tpu.memory_space<hbm>>
      tpu.wait_dma2 semaphore(%arg11 : memref<!tpu.dma_semaphore, #tpu.memory_space<semaphore_mem>>) src(%dma_wait3A_1887 : memref<5x64xi32, #tpu.memory_space<hbm>>) dst(%dma_wait3A_1883 : memref<5x64xi32, #tpu.memory_space<vmem>>)
      %add3A_1888 = arith.constant 2 : i32
      %add3A_1889 = arith.addi %add3A_1730, %add3A_1888 : i32
      %dma_start3A_1890 = arith.constant 1 : i32
      %dma_start3A_1891 = arith.constant 0 : i32
      %dma_start3A_1892 = arith.constant 0 : i32
      %dma_start3A_1893 = arith.constant 0 : i32
      %dma_start3A_1894 = arith.constant 0 : i32
      %dma_start3A_1895 = tpu.memref_slice %arg9[%dma_start3A_1892, %dma_start3A_1893, %dma_start3A_1894] : memref<3x64x304xf32, #tpu.memory_space<vmem>> -> memref<1x64x304xf32, #tpu.memory_space<vmem>>
      %dma_start3A_1896 = tpu.memref_squeeze %dma_start3A_1895 : memref<1x64x304xf32, #tpu.memory_space<vmem>> -> memref<64x304xf32, #tpu.memory_space<vmem>>
      %dma_start3A_1897 = arith.constant 0 : i32
      %dma_start3A_1898 = tpu.memref_slice %arg8[%dma_start3A_1890, %dma_start3A_1891, %dma_start3A_1897] : memref<4x5x64xi32, #tpu.memory_space<vmem>> -> memref<1x1x64xi32, #tpu.memory_space<vmem>>
      %dma_start3A_1899 = tpu.memref_squeeze %dma_start3A_1898 : memref<1x1x64xi32, #tpu.memory_space<vmem>> -> memref<64xi32, #tpu.memory_space<vmem>>
      %dma_start3A_1900 = arith.constant 0 : i32
      %dma_start3A_1901 = arith.constant 0 : i32
      %dma_start3A_1902 = tpu.memref_slice %arg3[%dma_start3A_1900, %dma_start3A_1901] : memref<2048x304xf32, #tpu.memory_space<hbm>> -> memref<2048x304xf32, #tpu.memory_space<hbm>>
      tpu.enqueue_indirect_dma source(%dma_start3A_1902 : memref<2048x304xf32, #tpu.memory_space<hbm>>) target(%dma_start3A_1896 : memref<64x304xf32, #tpu.memory_space<vmem>>) offsets(%dma_start3A_1899 : memref<64xi32, #tpu.memory_space<vmem>>) semaphore(%arg14 : memref<!tpu.dma_semaphore, #tpu.memory_space<semaphore_mem>>)
      %add3A_1903 = arith.constant 7 : i32
      %add3A_1904 = arith.addi %add3A_684, %add3A_1903 : i32
      %add3A_1905 = arith.constant 3 : i32
      %add3A_1906 = arith.addi %add3A_1904, %add3A_1905 : i32
      %add3A_1907 = arith.addi %mul3A_4, %add3A_1906 : i32
      %dma_start3A_1908 = arith.constant 3 : i32
      %dma_start3A_1909 = arith.constant 0 : i32
      %dma_start3A_1910 = arith.constant 0 : i32
      %dma_start3A_1911 = tpu.memref_slice %arg8[%dma_start3A_1908, %dma_start3A_1909, %dma_start3A_1910] : memref<4x5x64xi32, #tpu.memory_space<vmem>> -> memref<1x5x64xi32, #tpu.memory_space<vmem>>
      %dma_start3A_1912 = tpu.memref_squeeze %dma_start3A_1911 : memref<1x5x64xi32, #tpu.memory_space<vmem>> -> memref<5x64xi32, #tpu.memory_space<vmem>>
      %dma_start3A_1913 = arith.constant 0 : i32
      %dma_start3A_1914 = arith.constant 0 : i32
      %dma_start3A_1915 = tpu.memref_slice %arg2[%add3A_1907, %dma_start3A_1913, %dma_start3A_1914] : memref<2048x5x64xi32, #tpu.memory_space<hbm>> -> memref<1x5x64xi32, #tpu.memory_space<hbm>>
      %dma_start3A_1916 = tpu.memref_squeeze %dma_start3A_1915 : memref<1x5x64xi32, #tpu.memory_space<hbm>> -> memref<5x64xi32, #tpu.memory_space<hbm>>
      %dma_start3A_1917 = arith.constant 0 : i32
      %dma_start3A_1918 = arith.constant 0 : i32
      %dma_start3A_1919 = tpu.memref_slice %arg8[%dma_start3A_1908, %dma_start3A_1917, %dma_start3A_1918] : memref<4x5x64xi32, #tpu.memory_space<vmem>> -> memref<1x5x64xi32, #tpu.memory_space<vmem>>
      %dma_start3A_1920 = tpu.memref_squeeze %dma_start3A_1919 : memref<1x5x64xi32, #tpu.memory_space<vmem>> -> memref<5x64xi32, #tpu.memory_space<vmem>>
      %dma_start3A_1921 = arith.constant 0 : i32
      %dma_start3A_1922 = arith.constant 0 : i32
      %dma_start3A_1923 = tpu.memref_slice %arg2[%add3A_1907, %dma_start3A_1921, %dma_start3A_1922] : memref<2048x5x64xi32, #tpu.memory_space<hbm>> -> memref<1x5x64xi32, #tpu.memory_space<hbm>>
      %dma_start3A_1924 = tpu.memref_squeeze %dma_start3A_1923 : memref<1x5x64xi32, #tpu.memory_space<hbm>> -> memref<5x64xi32, #tpu.memory_space<hbm>>
      tpu.enqueue_dma source(%dma_start3A_1924 : memref<5x64xi32, #tpu.memory_space<hbm>>) target(%dma_start3A_1920 : memref<5x64xi32, #tpu.memory_space<vmem>>) target_semaphore(%arg13 : memref<!tpu.dma_semaphore, #tpu.memory_space<semaphore_mem>>)
      %dma_wait3A_1925 = arith.constant 1 : i32
      %dma_wait3A_1926 = arith.constant 0 : i32
      %dma_wait3A_1927 = arith.constant 0 : i32
      %dma_wait3A_1928 = arith.constant 0 : i32
      %dma_wait3A_1929 = arith.constant 0 : i32
      %dma_wait3A_1930 = tpu.memref_slice %arg9[%dma_wait3A_1927, %dma_wait3A_1928, %dma_wait3A_1929] : memref<3x64x304xf32, #tpu.memory_space<vmem>> -> memref<1x64x304xf32, #tpu.memory_space<vmem>>
      %dma_wait3A_1931 = tpu.memref_squeeze %dma_wait3A_1930 : memref<1x64x304xf32, #tpu.memory_space<vmem>> -> memref<64x304xf32, #tpu.memory_space<vmem>>
      %dma_wait3A_1932 = arith.constant 0 : i32
      %dma_wait3A_1933 = tpu.memref_slice %arg8[%dma_wait3A_1925, %dma_wait3A_1926, %dma_wait3A_1932] : memref<4x5x64xi32, #tpu.memory_space<vmem>> -> memref<1x1x64xi32, #tpu.memory_space<vmem>>
      %dma_wait3A_1934 = tpu.memref_squeeze %dma_wait3A_1933 : memref<1x1x64xi32, #tpu.memory_space<vmem>> -> memref<64xi32, #tpu.memory_space<vmem>>
      %dma_wait3A_1935 = arith.constant 0 : i32
      %dma_wait3A_1936 = arith.constant 0 : i32
      %dma_wait3A_1937 = tpu.memref_slice %arg3[%dma_wait3A_1935, %dma_wait3A_1936] : memref<2048x304xf32, #tpu.memory_space<hbm>> -> memref<2048x304xf32, #tpu.memory_space<hbm>>
      tpu.wait_indirect_dma semaphore(%arg14 : memref<!tpu.dma_semaphore, #tpu.memory_space<semaphore_mem>>) src(%dma_wait3A_1937 : memref<2048x304xf32, #tpu.memory_space<hbm>>) dst(%dma_wait3A_1931 : memref<64x304xf32, #tpu.memory_space<vmem>>)
      %dma_start3A_1938 = arith.constant 1 : i32
      %dma_start3A_1939 = arith.constant 2 : i32
      %dma_start3A_1940 = arith.constant 0 : i32
      %dma_start3A_1941 = arith.constant 0 : i32
      %dma_start3A_1942 = arith.constant 0 : i32
      %dma_start3A_1943 = tpu.memref_slice %arg9[%dma_start3A_1940, %dma_start3A_1941, %dma_start3A_1942] : memref<3x64x304xf32, #tpu.memory_space<vmem>> -> memref<1x64x304xf32, #tpu.memory_space<vmem>>
      %dma_start3A_1944 = tpu.memref_squeeze %dma_start3A_1943 : memref<1x64x304xf32, #tpu.memory_space<vmem>> -> memref<64x304xf32, #tpu.memory_space<vmem>>
      %dma_start3A_1945 = arith.constant 0 : i32
      %dma_start3A_1946 = tpu.memref_slice %arg8[%dma_start3A_1938, %dma_start3A_1939, %dma_start3A_1945] : memref<4x5x64xi32, #tpu.memory_space<vmem>> -> memref<1x1x64xi32, #tpu.memory_space<vmem>>
      %dma_start3A_1947 = tpu.memref_squeeze %dma_start3A_1946 : memref<1x1x64xi32, #tpu.memory_space<vmem>> -> memref<64xi32, #tpu.memory_space<vmem>>
      %dma_start3A_1948 = arith.constant 0 : i32
      %dma_start3A_1949 = arith.constant 0 : i32
      %dma_start3A_1950 = tpu.memref_slice %arg4[%dma_start3A_1948, %dma_start3A_1949] : memref<2048x304xf32, #tpu.memory_space<hbm>> -> memref<2048x304xf32, #tpu.memory_space<hbm>>
      tpu.enqueue_indirect_dma source(%dma_start3A_1950 : memref<2048x304xf32, #tpu.memory_space<hbm>>) target(%dma_start3A_1944 : memref<64x304xf32, #tpu.memory_space<vmem>>) offsets(%dma_start3A_1947 : memref<64xi32, #tpu.memory_space<vmem>>) semaphore(%arg17 : memref<!tpu.dma_semaphore, #tpu.memory_space<semaphore_mem>>) {add = true}
      %dma_start3A_1951 = arith.constant 1 : i32
      %dma_start3A_1952 = arith.constant 3 : i32
      %dma_start3A_1953 = arith.constant 0 : i32
      %dma_start3A_1954 = arith.constant 0 : i32
      %dma_start3A_1955 = arith.constant 0 : i32
      %dma_start3A_1956 = tpu.memref_slice %arg9[%dma_start3A_1953, %dma_start3A_1954, %dma_start3A_1955] : memref<3x64x304xf32, #tpu.memory_space<vmem>> -> memref<1x64x304xf32, #tpu.memory_space<vmem>>
      %dma_start3A_1957 = tpu.memref_squeeze %dma_start3A_1956 : memref<1x64x304xf32, #tpu.memory_space<vmem>> -> memref<64x304xf32, #tpu.memory_space<vmem>>
      %dma_start3A_1958 = arith.constant 0 : i32
      %dma_start3A_1959 = tpu.memref_slice %arg8[%dma_start3A_1951, %dma_start3A_1952, %dma_start3A_1958] : memref<4x5x64xi32, #tpu.memory_space<vmem>> -> memref<1x1x64xi32, #tpu.memory_space<vmem>>
      %dma_start3A_1960 = tpu.memref_squeeze %dma_start3A_1959 : memref<1x1x64xi32, #tpu.memory_space<vmem>> -> memref<64xi32, #tpu.memory_space<vmem>>
      %dma_start3A_1961 = arith.constant 0 : i32
      %dma_start3A_1962 = arith.constant 0 : i32
      %dma_start3A_1963 = tpu.memref_slice %arg5[%dma_start3A_1961, %dma_start3A_1962] : memref<2048x304xf32, #tpu.memory_space<hbm>> -> memref<2048x304xf32, #tpu.memory_space<hbm>>
      tpu.enqueue_indirect_dma source(%dma_start3A_1963 : memref<2048x304xf32, #tpu.memory_space<hbm>>) target(%dma_start3A_1957 : memref<64x304xf32, #tpu.memory_space<vmem>>) offsets(%dma_start3A_1960 : memref<64xi32, #tpu.memory_space<vmem>>) semaphore(%arg17 : memref<!tpu.dma_semaphore, #tpu.memory_space<semaphore_mem>>) {add = true}
      %dma_start3A_1964 = arith.constant 1 : i32
      %dma_start3A_1965 = arith.constant 4 : i32
      %dma_start3A_1966 = arith.constant 0 : i32
      %dma_start3A_1967 = arith.constant 0 : i32
      %dma_start3A_1968 = arith.constant 0 : i32
      %dma_start3A_1969 = tpu.memref_slice %arg9[%dma_start3A_1966, %dma_start3A_1967, %dma_start3A_1968] : memref<3x64x304xf32, #tpu.memory_space<vmem>> -> memref<1x64x304xf32, #tpu.memory_space<vmem>>
      %dma_start3A_1970 = tpu.memref_squeeze %dma_start3A_1969 : memref<1x64x304xf32, #tpu.memory_space<vmem>> -> memref<64x304xf32, #tpu.memory_space<vmem>>
      %dma_start3A_1971 = arith.constant 0 : i32
      %dma_start3A_1972 = tpu.memref_slice %arg8[%dma_start3A_1964, %dma_start3A_1965, %dma_start3A_1971] : memref<4x5x64xi32, #tpu.memory_space<vmem>> -> memref<1x1x64xi32, #tpu.memory_space<vmem>>
      %dma_start3A_1973 = tpu.memref_squeeze %dma_start3A_1972 : memref<1x1x64xi32, #tpu.memory_space<vmem>> -> memref<64xi32, #tpu.memory_space<vmem>>
      %dma_start3A_1974 = arith.constant 0 : i32
      %dma_start3A_1975 = arith.constant 0 : i32
      %dma_start3A_1976 = tpu.memref_slice %arg6[%dma_start3A_1974, %dma_start3A_1975] : memref<2048x304xf32, #tpu.memory_space<hbm>> -> memref<2048x304xf32, #tpu.memory_space<hbm>>
      tpu.enqueue_indirect_dma source(%dma_start3A_1976 : memref<2048x304xf32, #tpu.memory_space<hbm>>) target(%dma_start3A_1970 : memref<64x304xf32, #tpu.memory_space<vmem>>) offsets(%dma_start3A_1973 : memref<64xi32, #tpu.memory_space<vmem>>) semaphore(%arg17 : memref<!tpu.dma_semaphore, #tpu.memory_space<semaphore_mem>>) {add = true}
      %dma_wait3A_1977 = arith.constant 0 : i32
      %dma_wait3A_1978 = arith.constant 2 : i32
      %dma_wait3A_1979 = arith.constant 2 : i32
      %dma_wait3A_1980 = arith.constant 0 : i32
      %dma_wait3A_1981 = arith.constant 0 : i32
      %dma_wait3A_1982 = tpu.memref_slice %arg9[%dma_wait3A_1979, %dma_wait3A_1980, %dma_wait3A_1981] : memref<3x64x304xf32, #tpu.memory_space<vmem>> -> memref<1x64x304xf32, #tpu.memory_space<vmem>>
      %dma_wait3A_1983 = tpu.memref_squeeze %dma_wait3A_1982 : memref<1x64x304xf32, #tpu.memory_space<vmem>> -> memref<64x304xf32, #tpu.memory_space<vmem>>
      %dma_wait3A_1984 = arith.constant 0 : i32
      %dma_wait3A_1985 = tpu.memref_slice %arg8[%dma_wait3A_1977, %dma_wait3A_1978, %dma_wait3A_1984] : memref<4x5x64xi32, #tpu.memory_space<vmem>> -> memref<1x1x64xi32, #tpu.memory_space<vmem>>
      %dma_wait3A_1986 = tpu.memref_squeeze %dma_wait3A_1985 : memref<1x1x64xi32, #tpu.memory_space<vmem>> -> memref<64xi32, #tpu.memory_space<vmem>>
      %dma_wait3A_1987 = arith.constant 0 : i32
      %dma_wait3A_1988 = arith.constant 0 : i32
      %dma_wait3A_1989 = tpu.memref_slice %arg4[%dma_wait3A_1987, %dma_wait3A_1988] : memref<2048x304xf32, #tpu.memory_space<hbm>> -> memref<2048x304xf32, #tpu.memory_space<hbm>>
      tpu.wait_indirect_dma semaphore(%arg19 : memref<!tpu.dma_semaphore, #tpu.memory_space<semaphore_mem>>) src(%dma_wait3A_1989 : memref<2048x304xf32, #tpu.memory_space<hbm>>) dst(%dma_wait3A_1983 : memref<64x304xf32, #tpu.memory_space<vmem>>)
      %dma_wait3A_1990 = arith.constant 0 : i32
      %dma_wait3A_1991 = arith.constant 3 : i32
      %dma_wait3A_1992 = arith.constant 2 : i32
      %dma_wait3A_1993 = arith.constant 0 : i32
      %dma_wait3A_1994 = arith.constant 0 : i32
      %dma_wait3A_1995 = tpu.memref_slice %arg9[%dma_wait3A_1992, %dma_wait3A_1993, %dma_wait3A_1994] : memref<3x64x304xf32, #tpu.memory_space<vmem>> -> memref<1x64x304xf32, #tpu.memory_space<vmem>>
      %dma_wait3A_1996 = tpu.memref_squeeze %dma_wait3A_1995 : memref<1x64x304xf32, #tpu.memory_space<vmem>> -> memref<64x304xf32, #tpu.memory_space<vmem>>
      %dma_wait3A_1997 = arith.constant 0 : i32
      %dma_wait3A_1998 = tpu.memref_slice %arg8[%dma_wait3A_1990, %dma_wait3A_1991, %dma_wait3A_1997] : memref<4x5x64xi32, #tpu.memory_space<vmem>> -> memref<1x1x64xi32, #tpu.memory_space<vmem>>
      %dma_wait3A_1999 = tpu.memref_squeeze %dma_wait3A_1998 : memref<1x1x64xi32, #tpu.memory_space<vmem>> -> memref<64xi32, #tpu.memory_space<vmem>>
      %dma_wait3A_2000 = arith.constant 0 : i32
      %dma_wait3A_2001 = arith.constant 0 : i32
      %dma_wait3A_2002 = tpu.memref_slice %arg5[%dma_wait3A_2000, %dma_wait3A_2001] : memref<2048x304xf32, #tpu.memory_space<hbm>> -> memref<2048x304xf32, #tpu.memory_space<hbm>>
      tpu.wait_indirect_dma semaphore(%arg19 : memref<!tpu.dma_semaphore, #tpu.memory_space<semaphore_mem>>) src(%dma_wait3A_2002 : memref<2048x304xf32, #tpu.memory_space<hbm>>) dst(%dma_wait3A_1996 : memref<64x304xf32, #tpu.memory_space<vmem>>)
      %dma_wait3A_2003 = arith.constant 0 : i32
      %dma_wait3A_2004 = arith.constant 4 : i32
      %dma_wait3A_2005 = arith.constant 2 : i32
      %dma_wait3A_2006 = arith.constant 0 : i32
      %dma_wait3A_2007 = arith.constant 0 : i32
      %dma_wait3A_2008 = tpu.memref_slice %arg9[%dma_wait3A_2005, %dma_wait3A_2006, %dma_wait3A_2007] : memref<3x64x304xf32, #tpu.memory_space<vmem>> -> memref<1x64x304xf32, #tpu.memory_space<vmem>>
      %dma_wait3A_2009 = tpu.memref_squeeze %dma_wait3A_2008 : memref<1x64x304xf32, #tpu.memory_space<vmem>> -> memref<64x304xf32, #tpu.memory_space<vmem>>
      %dma_wait3A_2010 = arith.constant 0 : i32
      %dma_wait3A_2011 = tpu.memref_slice %arg8[%dma_wait3A_2003, %dma_wait3A_2004, %dma_wait3A_2010] : memref<4x5x64xi32, #tpu.memory_space<vmem>> -> memref<1x1x64xi32, #tpu.memory_space<vmem>>
      %dma_wait3A_2012 = tpu.memref_squeeze %dma_wait3A_2011 : memref<1x1x64xi32, #tpu.memory_space<vmem>> -> memref<64xi32, #tpu.memory_space<vmem>>
      %dma_wait3A_2013 = arith.constant 0 : i32
      %dma_wait3A_2014 = arith.constant 0 : i32
      %dma_wait3A_2015 = tpu.memref_slice %arg6[%dma_wait3A_2013, %dma_wait3A_2014] : memref<2048x304xf32, #tpu.memory_space<hbm>> -> memref<2048x304xf32, #tpu.memory_space<hbm>>
      tpu.wait_indirect_dma semaphore(%arg19 : memref<!tpu.dma_semaphore, #tpu.memory_space<semaphore_mem>>) src(%dma_wait3A_2015 : memref<2048x304xf32, #tpu.memory_space<hbm>>) dst(%dma_wait3A_2009 : memref<64x304xf32, #tpu.memory_space<vmem>>)
      %mul3A_2016 = arith.constant 64 : i32
      %mul3A_2017 = arith.muli %add3A_1904, %mul3A_2016 : i32
      %add3A_2018 = arith.addi %mul3A_2, %mul3A_2017 : i32
      %dma_start3A_2019 = arith.constant 2 : i32
      %dma_start3A_2020 = arith.constant 0 : i32
      %dma_start3A_2021 = arith.constant 0 : i32
      %dma_start3A_2022 = tpu.memref_slice %arg9[%dma_start3A_2019, %dma_start3A_2020, %dma_start3A_2021] : memref<3x64x304xf32, #tpu.memory_space<vmem>> -> memref<1x64x304xf32, #tpu.memory_space<vmem>>
      %dma_start3A_2023 = tpu.memref_squeeze %dma_start3A_2022 : memref<1x64x304xf32, #tpu.memory_space<vmem>> -> memref<64x304xf32, #tpu.memory_space<vmem>>
      %dma_start3A_2024 = arith.constant 0 : i32
      %dma_start3A_2025 = tpu.memref_slice %arg7[%add3A_2018, %dma_start3A_2024] : memref<131072x304xf32, #tpu.memory_space<hbm>> -> memref<64x304xf32, #tpu.memory_space<hbm>>
      %dma_start3A_2026 = arith.constant 0 : i32
      %dma_start3A_2027 = tpu.memref_slice %arg7[%add3A_2018, %dma_start3A_2026] : memref<131072x304xf32, #tpu.memory_space<hbm>> -> memref<64x304xf32, #tpu.memory_space<hbm>>
      %dma_start3A_2028 = arith.constant 0 : i32
      %dma_start3A_2029 = arith.constant 0 : i32
      %dma_start3A_2030 = tpu.memref_slice %arg9[%dma_start3A_2019, %dma_start3A_2028, %dma_start3A_2029] : memref<3x64x304xf32, #tpu.memory_space<vmem>> -> memref<1x64x304xf32, #tpu.memory_space<vmem>>
      %dma_start3A_2031 = tpu.memref_squeeze %dma_start3A_2030 : memref<1x64x304xf32, #tpu.memory_space<vmem>> -> memref<64x304xf32, #tpu.memory_space<vmem>>
      tpu.enqueue_dma source(%dma_start3A_2031 : memref<64x304xf32, #tpu.memory_space<vmem>>) target(%dma_start3A_2027 : memref<64x304xf32, #tpu.memory_space<hbm>>) target_semaphore(%arg22 : memref<!tpu.dma_semaphore, #tpu.memory_space<semaphore_mem>>)
      %dma_wait3A_2032 = arith.constant 1 : i32
      %dma_wait3A_2033 = arith.constant 0 : i32
      %dma_wait3A_2034 = arith.constant 0 : i32
      %dma_wait3A_2035 = tpu.memref_slice %arg9[%dma_wait3A_2032, %dma_wait3A_2033, %dma_wait3A_2034] : memref<3x64x304xf32, #tpu.memory_space<vmem>> -> memref<1x64x304xf32, #tpu.memory_space<vmem>>
      %dma_wait3A_2036 = tpu.memref_squeeze %dma_wait3A_2035 : memref<1x64x304xf32, #tpu.memory_space<vmem>> -> memref<64x304xf32, #tpu.memory_space<vmem>>
      %dma_wait3A_2037 = arith.constant 0 : i32
      %dma_wait3A_2038 = tpu.memref_slice %arg7[%mul3A_2, %dma_wait3A_2037] : memref<131072x304xf32, #tpu.memory_space<hbm>> -> memref<64x304xf32, #tpu.memory_space<hbm>>
      %dma_wait3A_2039 = arith.constant 0 : i32
      %dma_wait3A_2040 = tpu.memref_slice %arg7[%mul3A_2, %dma_wait3A_2039] : memref<131072x304xf32, #tpu.memory_space<hbm>> -> memref<64x304xf32, #tpu.memory_space<hbm>>
      %dma_wait3A_2041 = arith.constant 0 : i32
      %dma_wait3A_2042 = arith.constant 0 : i32
      %dma_wait3A_2043 = tpu.memref_slice %arg9[%dma_wait3A_2032, %dma_wait3A_2041, %dma_wait3A_2042] : memref<3x64x304xf32, #tpu.memory_space<vmem>> -> memref<1x64x304xf32, #tpu.memory_space<vmem>>
      %dma_wait3A_2044 = tpu.memref_squeeze %dma_wait3A_2043 : memref<1x64x304xf32, #tpu.memory_space<vmem>> -> memref<64x304xf32, #tpu.memory_space<vmem>>
      tpu.wait_dma2 semaphore(%arg21 : memref<!tpu.dma_semaphore, #tpu.memory_space<semaphore_mem>>) src(%dma_wait3A_2044 : memref<64x304xf32, #tpu.memory_space<vmem>>) dst(%dma_wait3A_2040 : memref<64x304xf32, #tpu.memory_space<hbm>>)
      %dma_wait3A_2045 = arith.constant 2 : i32
      %dma_wait3A_2046 = arith.constant 0 : i32
      %dma_wait3A_2047 = arith.constant 0 : i32
      %dma_wait3A_2048 = tpu.memref_slice %arg8[%dma_wait3A_2045, %dma_wait3A_2046, %dma_wait3A_2047] : memref<4x5x64xi32, #tpu.memory_space<vmem>> -> memref<1x5x64xi32, #tpu.memory_space<vmem>>
      %dma_wait3A_2049 = tpu.memref_squeeze %dma_wait3A_2048 : memref<1x5x64xi32, #tpu.memory_space<vmem>> -> memref<5x64xi32, #tpu.memory_space<vmem>>
      %dma_wait3A_2050 = arith.constant 0 : i32
      %dma_wait3A_2051 = arith.constant 0 : i32
      %dma_wait3A_2052 = tpu.memref_slice %arg2[%mul3A_4, %dma_wait3A_2050, %dma_wait3A_2051] : memref<2048x5x64xi32, #tpu.memory_space<hbm>> -> memref<1x5x64xi32, #tpu.memory_space<hbm>>
      %dma_wait3A_2053 = tpu.memref_squeeze %dma_wait3A_2052 : memref<1x5x64xi32, #tpu.memory_space<hbm>> -> memref<5x64xi32, #tpu.memory_space<hbm>>
      %dma_wait3A_2054 = arith.constant 0 : i32
      %dma_wait3A_2055 = arith.constant 0 : i32
      %dma_wait3A_2056 = tpu.memref_slice %arg8[%dma_wait3A_2045, %dma_wait3A_2054, %dma_wait3A_2055] : memref<4x5x64xi32, #tpu.memory_space<vmem>> -> memref<1x5x64xi32, #tpu.memory_space<vmem>>
      %dma_wait3A_2057 = tpu.memref_squeeze %dma_wait3A_2056 : memref<1x5x64xi32, #tpu.memory_space<vmem>> -> memref<5x64xi32, #tpu.memory_space<vmem>>
      %dma_wait3A_2058 = arith.constant 0 : i32
      %dma_wait3A_2059 = arith.constant 0 : i32
      %dma_wait3A_2060 = tpu.memref_slice %arg2[%mul3A_4, %dma_wait3A_2058, %dma_wait3A_2059] : memref<2048x5x64xi32, #tpu.memory_space<hbm>> -> memref<1x5x64xi32, #tpu.memory_space<hbm>>
      %dma_wait3A_2061 = tpu.memref_squeeze %dma_wait3A_2060 : memref<1x5x64xi32, #tpu.memory_space<hbm>> -> memref<5x64xi32, #tpu.memory_space<hbm>>
      tpu.wait_dma2 semaphore(%arg12 : memref<!tpu.dma_semaphore, #tpu.memory_space<semaphore_mem>>) src(%dma_wait3A_2061 : memref<5x64xi32, #tpu.memory_space<hbm>>) dst(%dma_wait3A_2057 : memref<5x64xi32, #tpu.memory_space<vmem>>)
      %add3A_2062 = arith.constant 2 : i32
      %add3A_2063 = arith.addi %add3A_1904, %add3A_2062 : i32
      %dma_start3A_2064 = arith.constant 2 : i32
      %dma_start3A_2065 = arith.constant 0 : i32
      %dma_start3A_2066 = arith.constant 1 : i32
      %dma_start3A_2067 = arith.constant 0 : i32
      %dma_start3A_2068 = arith.constant 0 : i32
      %dma_start3A_2069 = tpu.memref_slice %arg9[%dma_start3A_2066, %dma_start3A_2067, %dma_start3A_2068] : memref<3x64x304xf32, #tpu.memory_space<vmem>> -> memref<1x64x304xf32, #tpu.memory_space<vmem>>
      %dma_start3A_2070 = tpu.memref_squeeze %dma_start3A_2069 : memref<1x64x304xf32, #tpu.memory_space<vmem>> -> memref<64x304xf32, #tpu.memory_space<vmem>>
      %dma_start3A_2071 = arith.constant 0 : i32
      %dma_start3A_2072 = tpu.memref_slice %arg8[%dma_start3A_2064, %dma_start3A_2065, %dma_start3A_2071] : memref<4x5x64xi32, #tpu.memory_space<vmem>> -> memref<1x1x64xi32, #tpu.memory_space<vmem>>
      %dma_start3A_2073 = tpu.memref_squeeze %dma_start3A_2072 : memref<1x1x64xi32, #tpu.memory_space<vmem>> -> memref<64xi32, #tpu.memory_space<vmem>>
      %dma_start3A_2074 = arith.constant 0 : i32
      %dma_start3A_2075 = arith.constant 0 : i32
      %dma_start3A_2076 = tpu.memref_slice %arg3[%dma_start3A_2074, %dma_start3A_2075] : memref<2048x304xf32, #tpu.memory_space<hbm>> -> memref<2048x304xf32, #tpu.memory_space<hbm>>
      tpu.enqueue_indirect_dma source(%dma_start3A_2076 : memref<2048x304xf32, #tpu.memory_space<hbm>>) target(%dma_start3A_2070 : memref<64x304xf32, #tpu.memory_space<vmem>>) offsets(%dma_start3A_2073 : memref<64xi32, #tpu.memory_space<vmem>>) semaphore(%arg15 : memref<!tpu.dma_semaphore, #tpu.memory_space<semaphore_mem>>)
      %add3A_2077 = arith.constant 8 : i32
      %add3A_2078 = arith.addi %add3A_684, %add3A_2077 : i32
      %add3A_2079 = arith.constant 3 : i32
      %add3A_2080 = arith.addi %add3A_2078, %add3A_2079 : i32
      %add3A_2081 = arith.addi %mul3A_4, %add3A_2080 : i32
      %dma_start3A_2082 = arith.constant 0 : i32
      %dma_start3A_2083 = arith.constant 0 : i32
      %dma_start3A_2084 = arith.constant 0 : i32
      %dma_start3A_2085 = tpu.memref_slice %arg8[%dma_start3A_2082, %dma_start3A_2083, %dma_start3A_2084] : memref<4x5x64xi32, #tpu.memory_space<vmem>> -> memref<1x5x64xi32, #tpu.memory_space<vmem>>
      %dma_start3A_2086 = tpu.memref_squeeze %dma_start3A_2085 : memref<1x5x64xi32, #tpu.memory_space<vmem>> -> memref<5x64xi32, #tpu.memory_space<vmem>>
      %dma_start3A_2087 = arith.constant 0 : i32
      %dma_start3A_2088 = arith.constant 0 : i32
      %dma_start3A_2089 = tpu.memref_slice %arg2[%add3A_2081, %dma_start3A_2087, %dma_start3A_2088] : memref<2048x5x64xi32, #tpu.memory_space<hbm>> -> memref<1x5x64xi32, #tpu.memory_space<hbm>>
      %dma_start3A_2090 = tpu.memref_squeeze %dma_start3A_2089 : memref<1x5x64xi32, #tpu.memory_space<hbm>> -> memref<5x64xi32, #tpu.memory_space<hbm>>
      %dma_start3A_2091 = arith.constant 0 : i32
      %dma_start3A_2092 = arith.constant 0 : i32
      %dma_start3A_2093 = tpu.memref_slice %arg8[%dma_start3A_2082, %dma_start3A_2091, %dma_start3A_2092] : memref<4x5x64xi32, #tpu.memory_space<vmem>> -> memref<1x5x64xi32, #tpu.memory_space<vmem>>
      %dma_start3A_2094 = tpu.memref_squeeze %dma_start3A_2093 : memref<1x5x64xi32, #tpu.memory_space<vmem>> -> memref<5x64xi32, #tpu.memory_space<vmem>>
      %dma_start3A_2095 = arith.constant 0 : i32
      %dma_start3A_2096 = arith.constant 0 : i32
      %dma_start3A_2097 = tpu.memref_slice %arg2[%add3A_2081, %dma_start3A_2095, %dma_start3A_2096] : memref<2048x5x64xi32, #tpu.memory_space<hbm>> -> memref<1x5x64xi32, #tpu.memory_space<hbm>>
      %dma_start3A_2098 = tpu.memref_squeeze %dma_start3A_2097 : memref<1x5x64xi32, #tpu.memory_space<hbm>> -> memref<5x64xi32, #tpu.memory_space<hbm>>
      tpu.enqueue_dma source(%dma_start3A_2098 : memref<5x64xi32, #tpu.memory_space<hbm>>) target(%dma_start3A_2094 : memref<5x64xi32, #tpu.memory_space<vmem>>) target_semaphore(%arg10 : memref<!tpu.dma_semaphore, #tpu.memory_space<semaphore_mem>>)
      %dma_wait3A_2099 = arith.constant 2 : i32
      %dma_wait3A_2100 = arith.constant 0 : i32
      %dma_wait3A_2101 = arith.constant 1 : i32
      %dma_wait3A_2102 = arith.constant 0 : i32
      %dma_wait3A_2103 = arith.constant 0 : i32
      %dma_wait3A_2104 = tpu.memref_slice %arg9[%dma_wait3A_2101, %dma_wait3A_2102, %dma_wait3A_2103] : memref<3x64x304xf32, #tpu.memory_space<vmem>> -> memref<1x64x304xf32, #tpu.memory_space<vmem>>
      %dma_wait3A_2105 = tpu.memref_squeeze %dma_wait3A_2104 : memref<1x64x304xf32, #tpu.memory_space<vmem>> -> memref<64x304xf32, #tpu.memory_space<vmem>>
      %dma_wait3A_2106 = arith.constant 0 : i32
      %dma_wait3A_2107 = tpu.memref_slice %arg8[%dma_wait3A_2099, %dma_wait3A_2100, %dma_wait3A_2106] : memref<4x5x64xi32, #tpu.memory_space<vmem>> -> memref<1x1x64xi32, #tpu.memory_space<vmem>>
      %dma_wait3A_2108 = tpu.memref_squeeze %dma_wait3A_2107 : memref<1x1x64xi32, #tpu.memory_space<vmem>> -> memref<64xi32, #tpu.memory_space<vmem>>
      %dma_wait3A_2109 = arith.constant 0 : i32
      %dma_wait3A_2110 = arith.constant 0 : i32
      %dma_wait3A_2111 = tpu.memref_slice %arg3[%dma_wait3A_2109, %dma_wait3A_2110] : memref<2048x304xf32, #tpu.memory_space<hbm>> -> memref<2048x304xf32, #tpu.memory_space<hbm>>
      tpu.wait_indirect_dma semaphore(%arg15 : memref<!tpu.dma_semaphore, #tpu.memory_space<semaphore_mem>>) src(%dma_wait3A_2111 : memref<2048x304xf32, #tpu.memory_space<hbm>>) dst(%dma_wait3A_2105 : memref<64x304xf32, #tpu.memory_space<vmem>>)
      %dma_start3A_2112 = arith.constant 2 : i32
      %dma_start3A_2113 = arith.constant 2 : i32
      %dma_start3A_2114 = arith.constant 1 : i32
      %dma_start3A_2115 = arith.constant 0 : i32
      %dma_start3A_2116 = arith.constant 0 : i32
      %dma_start3A_2117 = tpu.memref_slice %arg9[%dma_start3A_2114, %dma_start3A_2115, %dma_start3A_2116] : memref<3x64x304xf32, #tpu.memory_space<vmem>> -> memref<1x64x304xf32, #tpu.memory_space<vmem>>
      %dma_start3A_2118 = tpu.memref_squeeze %dma_start3A_2117 : memref<1x64x304xf32, #tpu.memory_space<vmem>> -> memref<64x304xf32, #tpu.memory_space<vmem>>
      %dma_start3A_2119 = arith.constant 0 : i32
      %dma_start3A_2120 = tpu.memref_slice %arg8[%dma_start3A_2112, %dma_start3A_2113, %dma_start3A_2119] : memref<4x5x64xi32, #tpu.memory_space<vmem>> -> memref<1x1x64xi32, #tpu.memory_space<vmem>>
      %dma_start3A_2121 = tpu.memref_squeeze %dma_start3A_2120 : memref<1x1x64xi32, #tpu.memory_space<vmem>> -> memref<64xi32, #tpu.memory_space<vmem>>
      %dma_start3A_2122 = arith.constant 0 : i32
      %dma_start3A_2123 = arith.constant 0 : i32
      %dma_start3A_2124 = tpu.memref_slice %arg4[%dma_start3A_2122, %dma_start3A_2123] : memref<2048x304xf32, #tpu.memory_space<hbm>> -> memref<2048x304xf32, #tpu.memory_space<hbm>>
      tpu.enqueue_indirect_dma source(%dma_start3A_2124 : memref<2048x304xf32, #tpu.memory_space<hbm>>) target(%dma_start3A_2118 : memref<64x304xf32, #tpu.memory_space<vmem>>) offsets(%dma_start3A_2121 : memref<64xi32, #tpu.memory_space<vmem>>) semaphore(%arg18 : memref<!tpu.dma_semaphore, #tpu.memory_space<semaphore_mem>>) {add = true}
      %dma_start3A_2125 = arith.constant 2 : i32
      %dma_start3A_2126 = arith.constant 3 : i32
      %dma_start3A_2127 = arith.constant 1 : i32
      %dma_start3A_2128 = arith.constant 0 : i32
      %dma_start3A_2129 = arith.constant 0 : i32
      %dma_start3A_2130 = tpu.memref_slice %arg9[%dma_start3A_2127, %dma_start3A_2128, %dma_start3A_2129] : memref<3x64x304xf32, #tpu.memory_space<vmem>> -> memref<1x64x304xf32, #tpu.memory_space<vmem>>
      %dma_start3A_2131 = tpu.memref_squeeze %dma_start3A_2130 : memref<1x64x304xf32, #tpu.memory_space<vmem>> -> memref<64x304xf32, #tpu.memory_space<vmem>>
      %dma_start3A_2132 = arith.constant 0 : i32
      %dma_start3A_2133 = tpu.memref_slice %arg8[%dma_start3A_2125, %dma_start3A_2126, %dma_start3A_2132] : memref<4x5x64xi32, #tpu.memory_space<vmem>> -> memref<1x1x64xi32, #tpu.memory_space<vmem>>
      %dma_start3A_2134 = tpu.memref_squeeze %dma_start3A_2133 : memref<1x1x64xi32, #tpu.memory_space<vmem>> -> memref<64xi32, #tpu.memory_space<vmem>>
      %dma_start3A_2135 = arith.constant 0 : i32
      %dma_start3A_2136 = arith.constant 0 : i32
      %dma_start3A_2137 = tpu.memref_slice %arg5[%dma_start3A_2135, %dma_start3A_2136] : memref<2048x304xf32, #tpu.memory_space<hbm>> -> memref<2048x304xf32, #tpu.memory_space<hbm>>
      tpu.enqueue_indirect_dma source(%dma_start3A_2137 : memref<2048x304xf32, #tpu.memory_space<hbm>>) target(%dma_start3A_2131 : memref<64x304xf32, #tpu.memory_space<vmem>>) offsets(%dma_start3A_2134 : memref<64xi32, #tpu.memory_space<vmem>>) semaphore(%arg18 : memref<!tpu.dma_semaphore, #tpu.memory_space<semaphore_mem>>) {add = true}
      %dma_start3A_2138 = arith.constant 2 : i32
      %dma_start3A_2139 = arith.constant 4 : i32
      %dma_start3A_2140 = arith.constant 1 : i32
      %dma_start3A_2141 = arith.constant 0 : i32
      %dma_start3A_2142 = arith.constant 0 : i32
      %dma_start3A_2143 = tpu.memref_slice %arg9[%dma_start3A_2140, %dma_start3A_2141, %dma_start3A_2142] : memref<3x64x304xf32, #tpu.memory_space<vmem>> -> memref<1x64x304xf32, #tpu.memory_space<vmem>>
      %dma_start3A_2144 = tpu.memref_squeeze %dma_start3A_2143 : memref<1x64x304xf32, #tpu.memory_space<vmem>> -> memref<64x304xf32, #tpu.memory_space<vmem>>
      %dma_start3A_2145 = arith.constant 0 : i32
      %dma_start3A_2146 = tpu.memref_slice %arg8[%dma_start3A_2138, %dma_start3A_2139, %dma_start3A_2145] : memref<4x5x64xi32, #tpu.memory_space<vmem>> -> memref<1x1x64xi32, #tpu.memory_space<vmem>>
      %dma_start3A_2147 = tpu.memref_squeeze %dma_start3A_2146 : memref<1x1x64xi32, #tpu.memory_space<vmem>> -> memref<64xi32, #tpu.memory_space<vmem>>
      %dma_start3A_2148 = arith.constant 0 : i32
      %dma_start3A_2149 = arith.constant 0 : i32
      %dma_start3A_2150 = tpu.memref_slice %arg6[%dma_start3A_2148, %dma_start3A_2149] : memref<2048x304xf32, #tpu.memory_space<hbm>> -> memref<2048x304xf32, #tpu.memory_space<hbm>>
      tpu.enqueue_indirect_dma source(%dma_start3A_2150 : memref<2048x304xf32, #tpu.memory_space<hbm>>) target(%dma_start3A_2144 : memref<64x304xf32, #tpu.memory_space<vmem>>) offsets(%dma_start3A_2147 : memref<64xi32, #tpu.memory_space<vmem>>) semaphore(%arg18 : memref<!tpu.dma_semaphore, #tpu.memory_space<semaphore_mem>>) {add = true}
      %dma_wait3A_2151 = arith.constant 1 : i32
      %dma_wait3A_2152 = arith.constant 2 : i32
      %dma_wait3A_2153 = arith.constant 0 : i32
      %dma_wait3A_2154 = arith.constant 0 : i32
      %dma_wait3A_2155 = arith.constant 0 : i32
      %dma_wait3A_2156 = tpu.memref_slice %arg9[%dma_wait3A_2153, %dma_wait3A_2154, %dma_wait3A_2155] : memref<3x64x304xf32, #tpu.memory_space<vmem>> -> memref<1x64x304xf32, #tpu.memory_space<vmem>>
      %dma_wait3A_2157 = tpu.memref_squeeze %dma_wait3A_2156 : memref<1x64x304xf32, #tpu.memory_space<vmem>> -> memref<64x304xf32, #tpu.memory_space<vmem>>
      %dma_wait3A_2158 = arith.constant 0 : i32
      %dma_wait3A_2159 = tpu.memref_slice %arg8[%dma_wait3A_2151, %dma_wait3A_2152, %dma_wait3A_2158] : memref<4x5x64xi32, #tpu.memory_space<vmem>> -> memref<1x1x64xi32, #tpu.memory_space<vmem>>
      %dma_wait3A_2160 = tpu.memref_squeeze %dma_wait3A_2159 : memref<1x1x64xi32, #tpu.memory_space<vmem>> -> memref<64xi32, #tpu.memory_space<vmem>>
      %dma_wait3A_2161 = arith.constant 0 : i32
      %dma_wait3A_2162 = arith.constant 0 : i32
      %dma_wait3A_2163 = tpu.memref_slice %arg4[%dma_wait3A_2161, %dma_wait3A_2162] : memref<2048x304xf32, #tpu.memory_space<hbm>> -> memref<2048x304xf32, #tpu.memory_space<hbm>>
      tpu.wait_indirect_dma semaphore(%arg17 : memref<!tpu.dma_semaphore, #tpu.memory_space<semaphore_mem>>) src(%dma_wait3A_2163 : memref<2048x304xf32, #tpu.memory_space<hbm>>) dst(%dma_wait3A_2157 : memref<64x304xf32, #tpu.memory_space<vmem>>)
      %dma_wait3A_2164 = arith.constant 1 : i32
      %dma_wait3A_2165 = arith.constant 3 : i32
      %dma_wait3A_2166 = arith.constant 0 : i32
      %dma_wait3A_2167 = arith.constant 0 : i32
      %dma_wait3A_2168 = arith.constant 0 : i32
      %dma_wait3A_2169 = tpu.memref_slice %arg9[%dma_wait3A_2166, %dma_wait3A_2167, %dma_wait3A_2168] : memref<3x64x304xf32, #tpu.memory_space<vmem>> -> memref<1x64x304xf32, #tpu.memory_space<vmem>>
      %dma_wait3A_2170 = tpu.memref_squeeze %dma_wait3A_2169 : memref<1x64x304xf32, #tpu.memory_space<vmem>> -> memref<64x304xf32, #tpu.memory_space<vmem>>
      %dma_wait3A_2171 = arith.constant 0 : i32
      %dma_wait3A_2172 = tpu.memref_slice %arg8[%dma_wait3A_2164, %dma_wait3A_2165, %dma_wait3A_2171] : memref<4x5x64xi32, #tpu.memory_space<vmem>> -> memref<1x1x64xi32, #tpu.memory_space<vmem>>
      %dma_wait3A_2173 = tpu.memref_squeeze %dma_wait3A_2172 : memref<1x1x64xi32, #tpu.memory_space<vmem>> -> memref<64xi32, #tpu.memory_space<vmem>>
      %dma_wait3A_2174 = arith.constant 0 : i32
      %dma_wait3A_2175 = arith.constant 0 : i32
      %dma_wait3A_2176 = tpu.memref_slice %arg5[%dma_wait3A_2174, %dma_wait3A_2175] : memref<2048x304xf32, #tpu.memory_space<hbm>> -> memref<2048x304xf32, #tpu.memory_space<hbm>>
      tpu.wait_indirect_dma semaphore(%arg17 : memref<!tpu.dma_semaphore, #tpu.memory_space<semaphore_mem>>) src(%dma_wait3A_2176 : memref<2048x304xf32, #tpu.memory_space<hbm>>) dst(%dma_wait3A_2170 : memref<64x304xf32, #tpu.memory_space<vmem>>)
      %dma_wait3A_2177 = arith.constant 1 : i32
      %dma_wait3A_2178 = arith.constant 4 : i32
      %dma_wait3A_2179 = arith.constant 0 : i32
      %dma_wait3A_2180 = arith.constant 0 : i32
      %dma_wait3A_2181 = arith.constant 0 : i32
      %dma_wait3A_2182 = tpu.memref_slice %arg9[%dma_wait3A_2179, %dma_wait3A_2180, %dma_wait3A_2181] : memref<3x64x304xf32, #tpu.memory_space<vmem>> -> memref<1x64x304xf32, #tpu.memory_space<vmem>>
      %dma_wait3A_2183 = tpu.memref_squeeze %dma_wait3A_2182 : memref<1x64x304xf32, #tpu.memory_space<vmem>> -> memref<64x304xf32, #tpu.memory_space<vmem>>
      %dma_wait3A_2184 = arith.constant 0 : i32
      %dma_wait3A_2185 = tpu.memref_slice %arg8[%dma_wait3A_2177, %dma_wait3A_2178, %dma_wait3A_2184] : memref<4x5x64xi32, #tpu.memory_space<vmem>> -> memref<1x1x64xi32, #tpu.memory_space<vmem>>
      %dma_wait3A_2186 = tpu.memref_squeeze %dma_wait3A_2185 : memref<1x1x64xi32, #tpu.memory_space<vmem>> -> memref<64xi32, #tpu.memory_space<vmem>>
      %dma_wait3A_2187 = arith.constant 0 : i32
      %dma_wait3A_2188 = arith.constant 0 : i32
      %dma_wait3A_2189 = tpu.memref_slice %arg6[%dma_wait3A_2187, %dma_wait3A_2188] : memref<2048x304xf32, #tpu.memory_space<hbm>> -> memref<2048x304xf32, #tpu.memory_space<hbm>>
      tpu.wait_indirect_dma semaphore(%arg17 : memref<!tpu.dma_semaphore, #tpu.memory_space<semaphore_mem>>) src(%dma_wait3A_2189 : memref<2048x304xf32, #tpu.memory_space<hbm>>) dst(%dma_wait3A_2183 : memref<64x304xf32, #tpu.memory_space<vmem>>)
      %mul3A_2190 = arith.constant 64 : i32
      %mul3A_2191 = arith.muli %add3A_2078, %mul3A_2190 : i32
      %add3A_2192 = arith.addi %mul3A_2, %mul3A_2191 : i32
      %dma_start3A_2193 = arith.constant 0 : i32
      %dma_start3A_2194 = arith.constant 0 : i32
      %dma_start3A_2195 = arith.constant 0 : i32
      %dma_start3A_2196 = tpu.memref_slice %arg9[%dma_start3A_2193, %dma_start3A_2194, %dma_start3A_2195] : memref<3x64x304xf32, #tpu.memory_space<vmem>> -> memref<1x64x304xf32, #tpu.memory_space<vmem>>
      %dma_start3A_2197 = tpu.memref_squeeze %dma_start3A_2196 : memref<1x64x304xf32, #tpu.memory_space<vmem>> -> memref<64x304xf32, #tpu.memory_space<vmem>>
      %dma_start3A_2198 = arith.constant 0 : i32
      %dma_start3A_2199 = tpu.memref_slice %arg7[%add3A_2192, %dma_start3A_2198] : memref<131072x304xf32, #tpu.memory_space<hbm>> -> memref<64x304xf32, #tpu.memory_space<hbm>>
      %dma_start3A_2200 = arith.constant 0 : i32
      %dma_start3A_2201 = tpu.memref_slice %arg7[%add3A_2192, %dma_start3A_2200] : memref<131072x304xf32, #tpu.memory_space<hbm>> -> memref<64x304xf32, #tpu.memory_space<hbm>>
      %dma_start3A_2202 = arith.constant 0 : i32
      %dma_start3A_2203 = arith.constant 0 : i32
      %dma_start3A_2204 = tpu.memref_slice %arg9[%dma_start3A_2193, %dma_start3A_2202, %dma_start3A_2203] : memref<3x64x304xf32, #tpu.memory_space<vmem>> -> memref<1x64x304xf32, #tpu.memory_space<vmem>>
      %dma_start3A_2205 = tpu.memref_squeeze %dma_start3A_2204 : memref<1x64x304xf32, #tpu.memory_space<vmem>> -> memref<64x304xf32, #tpu.memory_space<vmem>>
      tpu.enqueue_dma source(%dma_start3A_2205 : memref<64x304xf32, #tpu.memory_space<vmem>>) target(%dma_start3A_2201 : memref<64x304xf32, #tpu.memory_space<hbm>>) target_semaphore(%arg20 : memref<!tpu.dma_semaphore, #tpu.memory_space<semaphore_mem>>)
      %dma_wait3A_2206 = arith.constant 2 : i32
      %dma_wait3A_2207 = arith.constant 0 : i32
      %dma_wait3A_2208 = arith.constant 0 : i32
      %dma_wait3A_2209 = tpu.memref_slice %arg9[%dma_wait3A_2206, %dma_wait3A_2207, %dma_wait3A_2208] : memref<3x64x304xf32, #tpu.memory_space<vmem>> -> memref<1x64x304xf32, #tpu.memory_space<vmem>>
      %dma_wait3A_2210 = tpu.memref_squeeze %dma_wait3A_2209 : memref<1x64x304xf32, #tpu.memory_space<vmem>> -> memref<64x304xf32, #tpu.memory_space<vmem>>
      %dma_wait3A_2211 = arith.constant 0 : i32
      %dma_wait3A_2212 = tpu.memref_slice %arg7[%mul3A_2, %dma_wait3A_2211] : memref<131072x304xf32, #tpu.memory_space<hbm>> -> memref<64x304xf32, #tpu.memory_space<hbm>>
      %dma_wait3A_2213 = arith.constant 0 : i32
      %dma_wait3A_2214 = tpu.memref_slice %arg7[%mul3A_2, %dma_wait3A_2213] : memref<131072x304xf32, #tpu.memory_space<hbm>> -> memref<64x304xf32, #tpu.memory_space<hbm>>
      %dma_wait3A_2215 = arith.constant 0 : i32
      %dma_wait3A_2216 = arith.constant 0 : i32
      %dma_wait3A_2217 = tpu.memref_slice %arg9[%dma_wait3A_2206, %dma_wait3A_2215, %dma_wait3A_2216] : memref<3x64x304xf32, #tpu.memory_space<vmem>> -> memref<1x64x304xf32, #tpu.memory_space<vmem>>
      %dma_wait3A_2218 = tpu.memref_squeeze %dma_wait3A_2217 : memref<1x64x304xf32, #tpu.memory_space<vmem>> -> memref<64x304xf32, #tpu.memory_space<vmem>>
      tpu.wait_dma2 semaphore(%arg22 : memref<!tpu.dma_semaphore, #tpu.memory_space<semaphore_mem>>) src(%dma_wait3A_2218 : memref<64x304xf32, #tpu.memory_space<vmem>>) dst(%dma_wait3A_2214 : memref<64x304xf32, #tpu.memory_space<hbm>>)
      %dma_wait3A_2219 = arith.constant 3 : i32
      %dma_wait3A_2220 = arith.constant 0 : i32
      %dma_wait3A_2221 = arith.constant 0 : i32
      %dma_wait3A_2222 = tpu.memref_slice %arg8[%dma_wait3A_2219, %dma_wait3A_2220, %dma_wait3A_2221] : memref<4x5x64xi32, #tpu.memory_space<vmem>> -> memref<1x5x64xi32, #tpu.memory_space<vmem>>
      %dma_wait3A_2223 = tpu.memref_squeeze %dma_wait3A_2222 : memref<1x5x64xi32, #tpu.memory_space<vmem>> -> memref<5x64xi32, #tpu.memory_space<vmem>>
      %dma_wait3A_2224 = arith.constant 0 : i32
      %dma_wait3A_2225 = arith.constant 0 : i32
      %dma_wait3A_2226 = tpu.memref_slice %arg2[%mul3A_4, %dma_wait3A_2224, %dma_wait3A_2225] : memref<2048x5x64xi32, #tpu.memory_space<hbm>> -> memref<1x5x64xi32, #tpu.memory_space<hbm>>
      %dma_wait3A_2227 = tpu.memref_squeeze %dma_wait3A_2226 : memref<1x5x64xi32, #tpu.memory_space<hbm>> -> memref<5x64xi32, #tpu.memory_space<hbm>>
      %dma_wait3A_2228 = arith.constant 0 : i32
      %dma_wait3A_2229 = arith.constant 0 : i32
      %dma_wait3A_2230 = tpu.memref_slice %arg8[%dma_wait3A_2219, %dma_wait3A_2228, %dma_wait3A_2229] : memref<4x5x64xi32, #tpu.memory_space<vmem>> -> memref<1x5x64xi32, #tpu.memory_space<vmem>>
      %dma_wait3A_2231 = tpu.memref_squeeze %dma_wait3A_2230 : memref<1x5x64xi32, #tpu.memory_space<vmem>> -> memref<5x64xi32, #tpu.memory_space<vmem>>
      %dma_wait3A_2232 = arith.constant 0 : i32
      %dma_wait3A_2233 = arith.constant 0 : i32
      %dma_wait3A_2234 = tpu.memref_slice %arg2[%mul3A_4, %dma_wait3A_2232, %dma_wait3A_2233] : memref<2048x5x64xi32, #tpu.memory_space<hbm>> -> memref<1x5x64xi32, #tpu.memory_space<hbm>>
      %dma_wait3A_2235 = tpu.memref_squeeze %dma_wait3A_2234 : memref<1x5x64xi32, #tpu.memory_space<hbm>> -> memref<5x64xi32, #tpu.memory_space<hbm>>
      tpu.wait_dma2 semaphore(%arg13 : memref<!tpu.dma_semaphore, #tpu.memory_space<semaphore_mem>>) src(%dma_wait3A_2235 : memref<5x64xi32, #tpu.memory_space<hbm>>) dst(%dma_wait3A_2231 : memref<5x64xi32, #tpu.memory_space<vmem>>)
      %add3A_2236 = arith.constant 2 : i32
      %add3A_2237 = arith.addi %add3A_2078, %add3A_2236 : i32
      %dma_start3A_2238 = arith.constant 3 : i32
      %dma_start3A_2239 = arith.constant 0 : i32
      %dma_start3A_2240 = arith.constant 2 : i32
      %dma_start3A_2241 = arith.constant 0 : i32
      %dma_start3A_2242 = arith.constant 0 : i32
      %dma_start3A_2243 = tpu.memref_slice %arg9[%dma_start3A_2240, %dma_start3A_2241, %dma_start3A_2242] : memref<3x64x304xf32, #tpu.memory_space<vmem>> -> memref<1x64x304xf32, #tpu.memory_space<vmem>>
      %dma_start3A_2244 = tpu.memref_squeeze %dma_start3A_2243 : memref<1x64x304xf32, #tpu.memory_space<vmem>> -> memref<64x304xf32, #tpu.memory_space<vmem>>
      %dma_start3A_2245 = arith.constant 0 : i32
      %dma_start3A_2246 = tpu.memref_slice %arg8[%dma_start3A_2238, %dma_start3A_2239, %dma_start3A_2245] : memref<4x5x64xi32, #tpu.memory_space<vmem>> -> memref<1x1x64xi32, #tpu.memory_space<vmem>>
      %dma_start3A_2247 = tpu.memref_squeeze %dma_start3A_2246 : memref<1x1x64xi32, #tpu.memory_space<vmem>> -> memref<64xi32, #tpu.memory_space<vmem>>
      %dma_start3A_2248 = arith.constant 0 : i32
      %dma_start3A_2249 = arith.constant 0 : i32
      %dma_start3A_2250 = tpu.memref_slice %arg3[%dma_start3A_2248, %dma_start3A_2249] : memref<2048x304xf32, #tpu.memory_space<hbm>> -> memref<2048x304xf32, #tpu.memory_space<hbm>>
      tpu.enqueue_indirect_dma source(%dma_start3A_2250 : memref<2048x304xf32, #tpu.memory_space<hbm>>) target(%dma_start3A_2244 : memref<64x304xf32, #tpu.memory_space<vmem>>) offsets(%dma_start3A_2247 : memref<64xi32, #tpu.memory_space<vmem>>) semaphore(%arg16 : memref<!tpu.dma_semaphore, #tpu.memory_space<semaphore_mem>>)
      %add3A_2251 = arith.constant 9 : i32
      %add3A_2252 = arith.addi %add3A_684, %add3A_2251 : i32
      %add3A_2253 = arith.constant 3 : i32
      %add3A_2254 = arith.addi %add3A_2252, %add3A_2253 : i32
      %add3A_2255 = arith.addi %mul3A_4, %add3A_2254 : i32
      %dma_start3A_2256 = arith.constant 1 : i32
      %dma_start3A_2257 = arith.constant 0 : i32
      %dma_start3A_2258 = arith.constant 0 : i32
      %dma_start3A_2259 = tpu.memref_slice %arg8[%dma_start3A_2256, %dma_start3A_2257, %dma_start3A_2258] : memref<4x5x64xi32, #tpu.memory_space<vmem>> -> memref<1x5x64xi32, #tpu.memory_space<vmem>>
      %dma_start3A_2260 = tpu.memref_squeeze %dma_start3A_2259 : memref<1x5x64xi32, #tpu.memory_space<vmem>> -> memref<5x64xi32, #tpu.memory_space<vmem>>
      %dma_start3A_2261 = arith.constant 0 : i32
      %dma_start3A_2262 = arith.constant 0 : i32
      %dma_start3A_2263 = tpu.memref_slice %arg2[%add3A_2255, %dma_start3A_2261, %dma_start3A_2262] : memref<2048x5x64xi32, #tpu.memory_space<hbm>> -> memref<1x5x64xi32, #tpu.memory_space<hbm>>
      %dma_start3A_2264 = tpu.memref_squeeze %dma_start3A_2263 : memref<1x5x64xi32, #tpu.memory_space<hbm>> -> memref<5x64xi32, #tpu.memory_space<hbm>>
      %dma_start3A_2265 = arith.constant 0 : i32
      %dma_start3A_2266 = arith.constant 0 : i32
      %dma_start3A_2267 = tpu.memref_slice %arg8[%dma_start3A_2256, %dma_start3A_2265, %dma_start3A_2266] : memref<4x5x64xi32, #tpu.memory_space<vmem>> -> memref<1x5x64xi32, #tpu.memory_space<vmem>>
      %dma_start3A_2268 = tpu.memref_squeeze %dma_start3A_2267 : memref<1x5x64xi32, #tpu.memory_space<vmem>> -> memref<5x64xi32, #tpu.memory_space<vmem>>
      %dma_start3A_2269 = arith.constant 0 : i32
      %dma_start3A_2270 = arith.constant 0 : i32
      %dma_start3A_2271 = tpu.memref_slice %arg2[%add3A_2255, %dma_start3A_2269, %dma_start3A_2270] : memref<2048x5x64xi32, #tpu.memory_space<hbm>> -> memref<1x5x64xi32, #tpu.memory_space<hbm>>
      %dma_start3A_2272 = tpu.memref_squeeze %dma_start3A_2271 : memref<1x5x64xi32, #tpu.memory_space<hbm>> -> memref<5x64xi32, #tpu.memory_space<hbm>>
      tpu.enqueue_dma source(%dma_start3A_2272 : memref<5x64xi32, #tpu.memory_space<hbm>>) target(%dma_start3A_2268 : memref<5x64xi32, #tpu.memory_space<vmem>>) target_semaphore(%arg11 : memref<!tpu.dma_semaphore, #tpu.memory_space<semaphore_mem>>)
      %dma_wait3A_2273 = arith.constant 3 : i32
      %dma_wait3A_2274 = arith.constant 0 : i32
      %dma_wait3A_2275 = arith.constant 2 : i32
      %dma_wait3A_2276 = arith.constant 0 : i32
      %dma_wait3A_2277 = arith.constant 0 : i32
      %dma_wait3A_2278 = tpu.memref_slice %arg9[%dma_wait3A_2275, %dma_wait3A_2276, %dma_wait3A_2277] : memref<3x64x304xf32, #tpu.memory_space<vmem>> -> memref<1x64x304xf32, #tpu.memory_space<vmem>>
      %dma_wait3A_2279 = tpu.memref_squeeze %dma_wait3A_2278 : memref<1x64x304xf32, #tpu.memory_space<vmem>> -> memref<64x304xf32, #tpu.memory_space<vmem>>
      %dma_wait3A_2280 = arith.constant 0 : i32
      %dma_wait3A_2281 = tpu.memref_slice %arg8[%dma_wait3A_2273, %dma_wait3A_2274, %dma_wait3A_2280] : memref<4x5x64xi32, #tpu.memory_space<vmem>> -> memref<1x1x64xi32, #tpu.memory_space<vmem>>
      %dma_wait3A_2282 = tpu.memref_squeeze %dma_wait3A_2281 : memref<1x1x64xi32, #tpu.memory_space<vmem>> -> memref<64xi32, #tpu.memory_space<vmem>>
      %dma_wait3A_2283 = arith.constant 0 : i32
      %dma_wait3A_2284 = arith.constant 0 : i32
      %dma_wait3A_2285 = tpu.memref_slice %arg3[%dma_wait3A_2283, %dma_wait3A_2284] : memref<2048x304xf32, #tpu.memory_space<hbm>> -> memref<2048x304xf32, #tpu.memory_space<hbm>>
      tpu.wait_indirect_dma semaphore(%arg16 : memref<!tpu.dma_semaphore, #tpu.memory_space<semaphore_mem>>) src(%dma_wait3A_2285 : memref<2048x304xf32, #tpu.memory_space<hbm>>) dst(%dma_wait3A_2279 : memref<64x304xf32, #tpu.memory_space<vmem>>)
      %dma_start3A_2286 = arith.constant 3 : i32
      %dma_start3A_2287 = arith.constant 2 : i32
      %dma_start3A_2288 = arith.constant 2 : i32
      %dma_start3A_2289 = arith.constant 0 : i32
      %dma_start3A_2290 = arith.constant 0 : i32
      %dma_start3A_2291 = tpu.memref_slice %arg9[%dma_start3A_2288, %dma_start3A_2289, %dma_start3A_2290] : memref<3x64x304xf32, #tpu.memory_space<vmem>> -> memref<1x64x304xf32, #tpu.memory_space<vmem>>
      %dma_start3A_2292 = tpu.memref_squeeze %dma_start3A_2291 : memref<1x64x304xf32, #tpu.memory_space<vmem>> -> memref<64x304xf32, #tpu.memory_space<vmem>>
      %dma_start3A_2293 = arith.constant 0 : i32
      %dma_start3A_2294 = tpu.memref_slice %arg8[%dma_start3A_2286, %dma_start3A_2287, %dma_start3A_2293] : memref<4x5x64xi32, #tpu.memory_space<vmem>> -> memref<1x1x64xi32, #tpu.memory_space<vmem>>
      %dma_start3A_2295 = tpu.memref_squeeze %dma_start3A_2294 : memref<1x1x64xi32, #tpu.memory_space<vmem>> -> memref<64xi32, #tpu.memory_space<vmem>>
      %dma_start3A_2296 = arith.constant 0 : i32
      %dma_start3A_2297 = arith.constant 0 : i32
      %dma_start3A_2298 = tpu.memref_slice %arg4[%dma_start3A_2296, %dma_start3A_2297] : memref<2048x304xf32, #tpu.memory_space<hbm>> -> memref<2048x304xf32, #tpu.memory_space<hbm>>
      tpu.enqueue_indirect_dma source(%dma_start3A_2298 : memref<2048x304xf32, #tpu.memory_space<hbm>>) target(%dma_start3A_2292 : memref<64x304xf32, #tpu.memory_space<vmem>>) offsets(%dma_start3A_2295 : memref<64xi32, #tpu.memory_space<vmem>>) semaphore(%arg19 : memref<!tpu.dma_semaphore, #tpu.memory_space<semaphore_mem>>) {add = true}
      %dma_start3A_2299 = arith.constant 3 : i32
      %dma_start3A_2300 = arith.constant 3 : i32
      %dma_start3A_2301 = arith.constant 2 : i32
      %dma_start3A_2302 = arith.constant 0 : i32
      %dma_start3A_2303 = arith.constant 0 : i32
      %dma_start3A_2304 = tpu.memref_slice %arg9[%dma_start3A_2301, %dma_start3A_2302, %dma_start3A_2303] : memref<3x64x304xf32, #tpu.memory_space<vmem>> -> memref<1x64x304xf32, #tpu.memory_space<vmem>>
      %dma_start3A_2305 = tpu.memref_squeeze %dma_start3A_2304 : memref<1x64x304xf32, #tpu.memory_space<vmem>> -> memref<64x304xf32, #tpu.memory_space<vmem>>
      %dma_start3A_2306 = arith.constant 0 : i32
      %dma_start3A_2307 = tpu.memref_slice %arg8[%dma_start3A_2299, %dma_start3A_2300, %dma_start3A_2306] : memref<4x5x64xi32, #tpu.memory_space<vmem>> -> memref<1x1x64xi32, #tpu.memory_space<vmem>>
      %dma_start3A_2308 = tpu.memref_squeeze %dma_start3A_2307 : memref<1x1x64xi32, #tpu.memory_space<vmem>> -> memref<64xi32, #tpu.memory_space<vmem>>
      %dma_start3A_2309 = arith.constant 0 : i32
      %dma_start3A_2310 = arith.constant 0 : i32
      %dma_start3A_2311 = tpu.memref_slice %arg5[%dma_start3A_2309, %dma_start3A_2310] : memref<2048x304xf32, #tpu.memory_space<hbm>> -> memref<2048x304xf32, #tpu.memory_space<hbm>>
      tpu.enqueue_indirect_dma source(%dma_start3A_2311 : memref<2048x304xf32, #tpu.memory_space<hbm>>) target(%dma_start3A_2305 : memref<64x304xf32, #tpu.memory_space<vmem>>) offsets(%dma_start3A_2308 : memref<64xi32, #tpu.memory_space<vmem>>) semaphore(%arg19 : memref<!tpu.dma_semaphore, #tpu.memory_space<semaphore_mem>>) {add = true}
      %dma_start3A_2312 = arith.constant 3 : i32
      %dma_start3A_2313 = arith.constant 4 : i32
      %dma_start3A_2314 = arith.constant 2 : i32
      %dma_start3A_2315 = arith.constant 0 : i32
      %dma_start3A_2316 = arith.constant 0 : i32
      %dma_start3A_2317 = tpu.memref_slice %arg9[%dma_start3A_2314, %dma_start3A_2315, %dma_start3A_2316] : memref<3x64x304xf32, #tpu.memory_space<vmem>> -> memref<1x64x304xf32, #tpu.memory_space<vmem>>
      %dma_start3A_2318 = tpu.memref_squeeze %dma_start3A_2317 : memref<1x64x304xf32, #tpu.memory_space<vmem>> -> memref<64x304xf32, #tpu.memory_space<vmem>>
      %dma_start3A_2319 = arith.constant 0 : i32
      %dma_start3A_2320 = tpu.memref_slice %arg8[%dma_start3A_2312, %dma_start3A_2313, %dma_start3A_2319] : memref<4x5x64xi32, #tpu.memory_space<vmem>> -> memref<1x1x64xi32, #tpu.memory_space<vmem>>
      %dma_start3A_2321 = tpu.memref_squeeze %dma_start3A_2320 : memref<1x1x64xi32, #tpu.memory_space<vmem>> -> memref<64xi32, #tpu.memory_space<vmem>>
      %dma_start3A_2322 = arith.constant 0 : i32
      %dma_start3A_2323 = arith.constant 0 : i32
      %dma_start3A_2324 = tpu.memref_slice %arg6[%dma_start3A_2322, %dma_start3A_2323] : memref<2048x304xf32, #tpu.memory_space<hbm>> -> memref<2048x304xf32, #tpu.memory_space<hbm>>
      tpu.enqueue_indirect_dma source(%dma_start3A_2324 : memref<2048x304xf32, #tpu.memory_space<hbm>>) target(%dma_start3A_2318 : memref<64x304xf32, #tpu.memory_space<vmem>>) offsets(%dma_start3A_2321 : memref<64xi32, #tpu.memory_space<vmem>>) semaphore(%arg19 : memref<!tpu.dma_semaphore, #tpu.memory_space<semaphore_mem>>) {add = true}
      %dma_wait3A_2325 = arith.constant 2 : i32
      %dma_wait3A_2326 = arith.constant 2 : i32
      %dma_wait3A_2327 = arith.constant 1 : i32
      %dma_wait3A_2328 = arith.constant 0 : i32
      %dma_wait3A_2329 = arith.constant 0 : i32
      %dma_wait3A_2330 = tpu.memref_slice %arg9[%dma_wait3A_2327, %dma_wait3A_2328, %dma_wait3A_2329] : memref<3x64x304xf32, #tpu.memory_space<vmem>> -> memref<1x64x304xf32, #tpu.memory_space<vmem>>
      %dma_wait3A_2331 = tpu.memref_squeeze %dma_wait3A_2330 : memref<1x64x304xf32, #tpu.memory_space<vmem>> -> memref<64x304xf32, #tpu.memory_space<vmem>>
      %dma_wait3A_2332 = arith.constant 0 : i32
      %dma_wait3A_2333 = tpu.memref_slice %arg8[%dma_wait3A_2325, %dma_wait3A_2326, %dma_wait3A_2332] : memref<4x5x64xi32, #tpu.memory_space<vmem>> -> memref<1x1x64xi32, #tpu.memory_space<vmem>>
      %dma_wait3A_2334 = tpu.memref_squeeze %dma_wait3A_2333 : memref<1x1x64xi32, #tpu.memory_space<vmem>> -> memref<64xi32, #tpu.memory_space<vmem>>
      %dma_wait3A_2335 = arith.constant 0 : i32
      %dma_wait3A_2336 = arith.constant 0 : i32
      %dma_wait3A_2337 = tpu.memref_slice %arg4[%dma_wait3A_2335, %dma_wait3A_2336] : memref<2048x304xf32, #tpu.memory_space<hbm>> -> memref<2048x304xf32, #tpu.memory_space<hbm>>
      tpu.wait_indirect_dma semaphore(%arg18 : memref<!tpu.dma_semaphore, #tpu.memory_space<semaphore_mem>>) src(%dma_wait3A_2337 : memref<2048x304xf32, #tpu.memory_space<hbm>>) dst(%dma_wait3A_2331 : memref<64x304xf32, #tpu.memory_space<vmem>>)
      %dma_wait3A_2338 = arith.constant 2 : i32
      %dma_wait3A_2339 = arith.constant 3 : i32
      %dma_wait3A_2340 = arith.constant 1 : i32
      %dma_wait3A_2341 = arith.constant 0 : i32
      %dma_wait3A_2342 = arith.constant 0 : i32
      %dma_wait3A_2343 = tpu.memref_slice %arg9[%dma_wait3A_2340, %dma_wait3A_2341, %dma_wait3A_2342] : memref<3x64x304xf32, #tpu.memory_space<vmem>> -> memref<1x64x304xf32, #tpu.memory_space<vmem>>
      %dma_wait3A_2344 = tpu.memref_squeeze %dma_wait3A_2343 : memref<1x64x304xf32, #tpu.memory_space<vmem>> -> memref<64x304xf32, #tpu.memory_space<vmem>>
      %dma_wait3A_2345 = arith.constant 0 : i32
      %dma_wait3A_2346 = tpu.memref_slice %arg8[%dma_wait3A_2338, %dma_wait3A_2339, %dma_wait3A_2345] : memref<4x5x64xi32, #tpu.memory_space<vmem>> -> memref<1x1x64xi32, #tpu.memory_space<vmem>>
      %dma_wait3A_2347 = tpu.memref_squeeze %dma_wait3A_2346 : memref<1x1x64xi32, #tpu.memory_space<vmem>> -> memref<64xi32, #tpu.memory_space<vmem>>
      %dma_wait3A_2348 = arith.constant 0 : i32
      %dma_wait3A_2349 = arith.constant 0 : i32
      %dma_wait3A_2350 = tpu.memref_slice %arg5[%dma_wait3A_2348, %dma_wait3A_2349] : memref<2048x304xf32, #tpu.memory_space<hbm>> -> memref<2048x304xf32, #tpu.memory_space<hbm>>
      tpu.wait_indirect_dma semaphore(%arg18 : memref<!tpu.dma_semaphore, #tpu.memory_space<semaphore_mem>>) src(%dma_wait3A_2350 : memref<2048x304xf32, #tpu.memory_space<hbm>>) dst(%dma_wait3A_2344 : memref<64x304xf32, #tpu.memory_space<vmem>>)
      %dma_wait3A_2351 = arith.constant 2 : i32
      %dma_wait3A_2352 = arith.constant 4 : i32
      %dma_wait3A_2353 = arith.constant 1 : i32
      %dma_wait3A_2354 = arith.constant 0 : i32
      %dma_wait3A_2355 = arith.constant 0 : i32
      %dma_wait3A_2356 = tpu.memref_slice %arg9[%dma_wait3A_2353, %dma_wait3A_2354, %dma_wait3A_2355] : memref<3x64x304xf32, #tpu.memory_space<vmem>> -> memref<1x64x304xf32, #tpu.memory_space<vmem>>
      %dma_wait3A_2357 = tpu.memref_squeeze %dma_wait3A_2356 : memref<1x64x304xf32, #tpu.memory_space<vmem>> -> memref<64x304xf32, #tpu.memory_space<vmem>>
      %dma_wait3A_2358 = arith.constant 0 : i32
      %dma_wait3A_2359 = tpu.memref_slice %arg8[%dma_wait3A_2351, %dma_wait3A_2352, %dma_wait3A_2358] : memref<4x5x64xi32, #tpu.memory_space<vmem>> -> memref<1x1x64xi32, #tpu.memory_space<vmem>>
      %dma_wait3A_2360 = tpu.memref_squeeze %dma_wait3A_2359 : memref<1x1x64xi32, #tpu.memory_space<vmem>> -> memref<64xi32, #tpu.memory_space<vmem>>
      %dma_wait3A_2361 = arith.constant 0 : i32
      %dma_wait3A_2362 = arith.constant 0 : i32
      %dma_wait3A_2363 = tpu.memref_slice %arg6[%dma_wait3A_2361, %dma_wait3A_2362] : memref<2048x304xf32, #tpu.memory_space<hbm>> -> memref<2048x304xf32, #tpu.memory_space<hbm>>
      tpu.wait_indirect_dma semaphore(%arg18 : memref<!tpu.dma_semaphore, #tpu.memory_space<semaphore_mem>>) src(%dma_wait3A_2363 : memref<2048x304xf32, #tpu.memory_space<hbm>>) dst(%dma_wait3A_2357 : memref<64x304xf32, #tpu.memory_space<vmem>>)
      %mul3A_2364 = arith.constant 64 : i32
      %mul3A_2365 = arith.muli %add3A_2252, %mul3A_2364 : i32
      %add3A_2366 = arith.addi %mul3A_2, %mul3A_2365 : i32
      %dma_start3A_2367 = arith.constant 1 : i32
      %dma_start3A_2368 = arith.constant 0 : i32
      %dma_start3A_2369 = arith.constant 0 : i32
      %dma_start3A_2370 = tpu.memref_slice %arg9[%dma_start3A_2367, %dma_start3A_2368, %dma_start3A_2369] : memref<3x64x304xf32, #tpu.memory_space<vmem>> -> memref<1x64x304xf32, #tpu.memory_space<vmem>>
      %dma_start3A_2371 = tpu.memref_squeeze %dma_start3A_2370 : memref<1x64x304xf32, #tpu.memory_space<vmem>> -> memref<64x304xf32, #tpu.memory_space<vmem>>
      %dma_start3A_2372 = arith.constant 0 : i32
      %dma_start3A_2373 = tpu.memref_slice %arg7[%add3A_2366, %dma_start3A_2372] : memref<131072x304xf32, #tpu.memory_space<hbm>> -> memref<64x304xf32, #tpu.memory_space<hbm>>
      %dma_start3A_2374 = arith.constant 0 : i32
      %dma_start3A_2375 = tpu.memref_slice %arg7[%add3A_2366, %dma_start3A_2374] : memref<131072x304xf32, #tpu.memory_space<hbm>> -> memref<64x304xf32, #tpu.memory_space<hbm>>
      %dma_start3A_2376 = arith.constant 0 : i32
      %dma_start3A_2377 = arith.constant 0 : i32
      %dma_start3A_2378 = tpu.memref_slice %arg9[%dma_start3A_2367, %dma_start3A_2376, %dma_start3A_2377] : memref<3x64x304xf32, #tpu.memory_space<vmem>> -> memref<1x64x304xf32, #tpu.memory_space<vmem>>
      %dma_start3A_2379 = tpu.memref_squeeze %dma_start3A_2378 : memref<1x64x304xf32, #tpu.memory_space<vmem>> -> memref<64x304xf32, #tpu.memory_space<vmem>>
      tpu.enqueue_dma source(%dma_start3A_2379 : memref<64x304xf32, #tpu.memory_space<vmem>>) target(%dma_start3A_2375 : memref<64x304xf32, #tpu.memory_space<hbm>>) target_semaphore(%arg21 : memref<!tpu.dma_semaphore, #tpu.memory_space<semaphore_mem>>)
      %dma_wait3A_2380 = arith.constant 0 : i32
      %dma_wait3A_2381 = arith.constant 0 : i32
      %dma_wait3A_2382 = arith.constant 0 : i32
      %dma_wait3A_2383 = tpu.memref_slice %arg9[%dma_wait3A_2380, %dma_wait3A_2381, %dma_wait3A_2382] : memref<3x64x304xf32, #tpu.memory_space<vmem>> -> memref<1x64x304xf32, #tpu.memory_space<vmem>>
      %dma_wait3A_2384 = tpu.memref_squeeze %dma_wait3A_2383 : memref<1x64x304xf32, #tpu.memory_space<vmem>> -> memref<64x304xf32, #tpu.memory_space<vmem>>
      %dma_wait3A_2385 = arith.constant 0 : i32
      %dma_wait3A_2386 = tpu.memref_slice %arg7[%mul3A_2, %dma_wait3A_2385] : memref<131072x304xf32, #tpu.memory_space<hbm>> -> memref<64x304xf32, #tpu.memory_space<hbm>>
      %dma_wait3A_2387 = arith.constant 0 : i32
      %dma_wait3A_2388 = tpu.memref_slice %arg7[%mul3A_2, %dma_wait3A_2387] : memref<131072x304xf32, #tpu.memory_space<hbm>> -> memref<64x304xf32, #tpu.memory_space<hbm>>
      %dma_wait3A_2389 = arith.constant 0 : i32
      %dma_wait3A_2390 = arith.constant 0 : i32
      %dma_wait3A_2391 = tpu.memref_slice %arg9[%dma_wait3A_2380, %dma_wait3A_2389, %dma_wait3A_2390] : memref<3x64x304xf32, #tpu.memory_space<vmem>> -> memref<1x64x304xf32, #tpu.memory_space<vmem>>
      %dma_wait3A_2392 = tpu.memref_squeeze %dma_wait3A_2391 : memref<1x64x304xf32, #tpu.memory_space<vmem>> -> memref<64x304xf32, #tpu.memory_space<vmem>>
      tpu.wait_dma2 semaphore(%arg20 : memref<!tpu.dma_semaphore, #tpu.memory_space<semaphore_mem>>) src(%dma_wait3A_2392 : memref<64x304xf32, #tpu.memory_space<vmem>>) dst(%dma_wait3A_2388 : memref<64x304xf32, #tpu.memory_space<hbm>>)
      %dma_wait3A_2393 = arith.constant 0 : i32
      %dma_wait3A_2394 = arith.constant 0 : i32
      %dma_wait3A_2395 = arith.constant 0 : i32
      %dma_wait3A_2396 = tpu.memref_slice %arg8[%dma_wait3A_2393, %dma_wait3A_2394, %dma_wait3A_2395] : memref<4x5x64xi32, #tpu.memory_space<vmem>> -> memref<1x5x64xi32, #tpu.memory_space<vmem>>
      %dma_wait3A_2397 = tpu.memref_squeeze %dma_wait3A_2396 : memref<1x5x64xi32, #tpu.memory_space<vmem>> -> memref<5x64xi32, #tpu.memory_space<vmem>>
      %dma_wait3A_2398 = arith.constant 0 : i32
      %dma_wait3A_2399 = arith.constant 0 : i32
      %dma_wait3A_2400 = tpu.memref_slice %arg2[%mul3A_4, %dma_wait3A_2398, %dma_wait3A_2399] : memref<2048x5x64xi32, #tpu.memory_space<hbm>> -> memref<1x5x64xi32, #tpu.memory_space<hbm>>
      %dma_wait3A_2401 = tpu.memref_squeeze %dma_wait3A_2400 : memref<1x5x64xi32, #tpu.memory_space<hbm>> -> memref<5x64xi32, #tpu.memory_space<hbm>>
      %dma_wait3A_2402 = arith.constant 0 : i32
      %dma_wait3A_2403 = arith.constant 0 : i32
      %dma_wait3A_2404 = tpu.memref_slice %arg8[%dma_wait3A_2393, %dma_wait3A_2402, %dma_wait3A_2403] : memref<4x5x64xi32, #tpu.memory_space<vmem>> -> memref<1x5x64xi32, #tpu.memory_space<vmem>>
      %dma_wait3A_2405 = tpu.memref_squeeze %dma_wait3A_2404 : memref<1x5x64xi32, #tpu.memory_space<vmem>> -> memref<5x64xi32, #tpu.memory_space<vmem>>
      %dma_wait3A_2406 = arith.constant 0 : i32
      %dma_wait3A_2407 = arith.constant 0 : i32
      %dma_wait3A_2408 = tpu.memref_slice %arg2[%mul3A_4, %dma_wait3A_2406, %dma_wait3A_2407] : memref<2048x5x64xi32, #tpu.memory_space<hbm>> -> memref<1x5x64xi32, #tpu.memory_space<hbm>>
      %dma_wait3A_2409 = tpu.memref_squeeze %dma_wait3A_2408 : memref<1x5x64xi32, #tpu.memory_space<hbm>> -> memref<5x64xi32, #tpu.memory_space<hbm>>
      tpu.wait_dma2 semaphore(%arg10 : memref<!tpu.dma_semaphore, #tpu.memory_space<semaphore_mem>>) src(%dma_wait3A_2409 : memref<5x64xi32, #tpu.memory_space<hbm>>) dst(%dma_wait3A_2405 : memref<5x64xi32, #tpu.memory_space<vmem>>)
      %add3A_2410 = arith.constant 2 : i32
      %add3A_2411 = arith.addi %add3A_2252, %add3A_2410 : i32
      %dma_start3A_2412 = arith.constant 0 : i32
      %dma_start3A_2413 = arith.constant 0 : i32
      %dma_start3A_2414 = arith.constant 0 : i32
      %dma_start3A_2415 = arith.constant 0 : i32
      %dma_start3A_2416 = arith.constant 0 : i32
      %dma_start3A_2417 = tpu.memref_slice %arg9[%dma_start3A_2414, %dma_start3A_2415, %dma_start3A_2416] : memref<3x64x304xf32, #tpu.memory_space<vmem>> -> memref<1x64x304xf32, #tpu.memory_space<vmem>>
      %dma_start3A_2418 = tpu.memref_squeeze %dma_start3A_2417 : memref<1x64x304xf32, #tpu.memory_space<vmem>> -> memref<64x304xf32, #tpu.memory_space<vmem>>
      %dma_start3A_2419 = arith.constant 0 : i32
      %dma_start3A_2420 = tpu.memref_slice %arg8[%dma_start3A_2412, %dma_start3A_2413, %dma_start3A_2419] : memref<4x5x64xi32, #tpu.memory_space<vmem>> -> memref<1x1x64xi32, #tpu.memory_space<vmem>>
      %dma_start3A_2421 = tpu.memref_squeeze %dma_start3A_2420 : memref<1x1x64xi32, #tpu.memory_space<vmem>> -> memref<64xi32, #tpu.memory_space<vmem>>
      %dma_start3A_2422 = arith.constant 0 : i32
      %dma_start3A_2423 = arith.constant 0 : i32
      %dma_start3A_2424 = tpu.memref_slice %arg3[%dma_start3A_2422, %dma_start3A_2423] : memref<2048x304xf32, #tpu.memory_space<hbm>> -> memref<2048x304xf32, #tpu.memory_space<hbm>>
      tpu.enqueue_indirect_dma source(%dma_start3A_2424 : memref<2048x304xf32, #tpu.memory_space<hbm>>) target(%dma_start3A_2418 : memref<64x304xf32, #tpu.memory_space<vmem>>) offsets(%dma_start3A_2421 : memref<64xi32, #tpu.memory_space<vmem>>) semaphore(%arg14 : memref<!tpu.dma_semaphore, #tpu.memory_space<semaphore_mem>>)
      %add3A_2425 = arith.constant 10 : i32
      %add3A_2426 = arith.addi %add3A_684, %add3A_2425 : i32
      %add3A_2427 = arith.constant 3 : i32
      %add3A_2428 = arith.addi %add3A_2426, %add3A_2427 : i32
      %add3A_2429 = arith.addi %mul3A_4, %add3A_2428 : i32
      %dma_start3A_2430 = arith.constant 2 : i32
      %dma_start3A_2431 = arith.constant 0 : i32
      %dma_start3A_2432 = arith.constant 0 : i32
      %dma_start3A_2433 = tpu.memref_slice %arg8[%dma_start3A_2430, %dma_start3A_2431, %dma_start3A_2432] : memref<4x5x64xi32, #tpu.memory_space<vmem>> -> memref<1x5x64xi32, #tpu.memory_space<vmem>>
      %dma_start3A_2434 = tpu.memref_squeeze %dma_start3A_2433 : memref<1x5x64xi32, #tpu.memory_space<vmem>> -> memref<5x64xi32, #tpu.memory_space<vmem>>
      %dma_start3A_2435 = arith.constant 0 : i32
      %dma_start3A_2436 = arith.constant 0 : i32
      %dma_start3A_2437 = tpu.memref_slice %arg2[%add3A_2429, %dma_start3A_2435, %dma_start3A_2436] : memref<2048x5x64xi32, #tpu.memory_space<hbm>> -> memref<1x5x64xi32, #tpu.memory_space<hbm>>
      %dma_start3A_2438 = tpu.memref_squeeze %dma_start3A_2437 : memref<1x5x64xi32, #tpu.memory_space<hbm>> -> memref<5x64xi32, #tpu.memory_space<hbm>>
      %dma_start3A_2439 = arith.constant 0 : i32
      %dma_start3A_2440 = arith.constant 0 : i32
      %dma_start3A_2441 = tpu.memref_slice %arg8[%dma_start3A_2430, %dma_start3A_2439, %dma_start3A_2440] : memref<4x5x64xi32, #tpu.memory_space<vmem>> -> memref<1x5x64xi32, #tpu.memory_space<vmem>>
      %dma_start3A_2442 = tpu.memref_squeeze %dma_start3A_2441 : memref<1x5x64xi32, #tpu.memory_space<vmem>> -> memref<5x64xi32, #tpu.memory_space<vmem>>
      %dma_start3A_2443 = arith.constant 0 : i32
      %dma_start3A_2444 = arith.constant 0 : i32
      %dma_start3A_2445 = tpu.memref_slice %arg2[%add3A_2429, %dma_start3A_2443, %dma_start3A_2444] : memref<2048x5x64xi32, #tpu.memory_space<hbm>> -> memref<1x5x64xi32, #tpu.memory_space<hbm>>
      %dma_start3A_2446 = tpu.memref_squeeze %dma_start3A_2445 : memref<1x5x64xi32, #tpu.memory_space<hbm>> -> memref<5x64xi32, #tpu.memory_space<hbm>>
      tpu.enqueue_dma source(%dma_start3A_2446 : memref<5x64xi32, #tpu.memory_space<hbm>>) target(%dma_start3A_2442 : memref<5x64xi32, #tpu.memory_space<vmem>>) target_semaphore(%arg12 : memref<!tpu.dma_semaphore, #tpu.memory_space<semaphore_mem>>)
      %dma_wait3A_2447 = arith.constant 0 : i32
      %dma_wait3A_2448 = arith.constant 0 : i32
      %dma_wait3A_2449 = arith.constant 0 : i32
      %dma_wait3A_2450 = arith.constant 0 : i32
      %dma_wait3A_2451 = arith.constant 0 : i32
      %dma_wait3A_2452 = tpu.memref_slice %arg9[%dma_wait3A_2449, %dma_wait3A_2450, %dma_wait3A_2451] : memref<3x64x304xf32, #tpu.memory_space<vmem>> -> memref<1x64x304xf32, #tpu.memory_space<vmem>>
      %dma_wait3A_2453 = tpu.memref_squeeze %dma_wait3A_2452 : memref<1x64x304xf32, #tpu.memory_space<vmem>> -> memref<64x304xf32, #tpu.memory_space<vmem>>
      %dma_wait3A_2454 = arith.constant 0 : i32
      %dma_wait3A_2455 = tpu.memref_slice %arg8[%dma_wait3A_2447, %dma_wait3A_2448, %dma_wait3A_2454] : memref<4x5x64xi32, #tpu.memory_space<vmem>> -> memref<1x1x64xi32, #tpu.memory_space<vmem>>
      %dma_wait3A_2456 = tpu.memref_squeeze %dma_wait3A_2455 : memref<1x1x64xi32, #tpu.memory_space<vmem>> -> memref<64xi32, #tpu.memory_space<vmem>>
      %dma_wait3A_2457 = arith.constant 0 : i32
      %dma_wait3A_2458 = arith.constant 0 : i32
      %dma_wait3A_2459 = tpu.memref_slice %arg3[%dma_wait3A_2457, %dma_wait3A_2458] : memref<2048x304xf32, #tpu.memory_space<hbm>> -> memref<2048x304xf32, #tpu.memory_space<hbm>>
      tpu.wait_indirect_dma semaphore(%arg14 : memref<!tpu.dma_semaphore, #tpu.memory_space<semaphore_mem>>) src(%dma_wait3A_2459 : memref<2048x304xf32, #tpu.memory_space<hbm>>) dst(%dma_wait3A_2453 : memref<64x304xf32, #tpu.memory_space<vmem>>)
      %dma_start3A_2460 = arith.constant 0 : i32
      %dma_start3A_2461 = arith.constant 2 : i32
      %dma_start3A_2462 = arith.constant 0 : i32
      %dma_start3A_2463 = arith.constant 0 : i32
      %dma_start3A_2464 = arith.constant 0 : i32
      %dma_start3A_2465 = tpu.memref_slice %arg9[%dma_start3A_2462, %dma_start3A_2463, %dma_start3A_2464] : memref<3x64x304xf32, #tpu.memory_space<vmem>> -> memref<1x64x304xf32, #tpu.memory_space<vmem>>
      %dma_start3A_2466 = tpu.memref_squeeze %dma_start3A_2465 : memref<1x64x304xf32, #tpu.memory_space<vmem>> -> memref<64x304xf32, #tpu.memory_space<vmem>>
      %dma_start3A_2467 = arith.constant 0 : i32
      %dma_start3A_2468 = tpu.memref_slice %arg8[%dma_start3A_2460, %dma_start3A_2461, %dma_start3A_2467] : memref<4x5x64xi32, #tpu.memory_space<vmem>> -> memref<1x1x64xi32, #tpu.memory_space<vmem>>
      %dma_start3A_2469 = tpu.memref_squeeze %dma_start3A_2468 : memref<1x1x64xi32, #tpu.memory_space<vmem>> -> memref<64xi32, #tpu.memory_space<vmem>>
      %dma_start3A_2470 = arith.constant 0 : i32
      %dma_start3A_2471 = arith.constant 0 : i32
      %dma_start3A_2472 = tpu.memref_slice %arg4[%dma_start3A_2470, %dma_start3A_2471] : memref<2048x304xf32, #tpu.memory_space<hbm>> -> memref<2048x304xf32, #tpu.memory_space<hbm>>
      tpu.enqueue_indirect_dma source(%dma_start3A_2472 : memref<2048x304xf32, #tpu.memory_space<hbm>>) target(%dma_start3A_2466 : memref<64x304xf32, #tpu.memory_space<vmem>>) offsets(%dma_start3A_2469 : memref<64xi32, #tpu.memory_space<vmem>>) semaphore(%arg17 : memref<!tpu.dma_semaphore, #tpu.memory_space<semaphore_mem>>) {add = true}
      %dma_start3A_2473 = arith.constant 0 : i32
      %dma_start3A_2474 = arith.constant 3 : i32
      %dma_start3A_2475 = arith.constant 0 : i32
      %dma_start3A_2476 = arith.constant 0 : i32
      %dma_start3A_2477 = arith.constant 0 : i32
      %dma_start3A_2478 = tpu.memref_slice %arg9[%dma_start3A_2475, %dma_start3A_2476, %dma_start3A_2477] : memref<3x64x304xf32, #tpu.memory_space<vmem>> -> memref<1x64x304xf32, #tpu.memory_space<vmem>>
      %dma_start3A_2479 = tpu.memref_squeeze %dma_start3A_2478 : memref<1x64x304xf32, #tpu.memory_space<vmem>> -> memref<64x304xf32, #tpu.memory_space<vmem>>
      %dma_start3A_2480 = arith.constant 0 : i32
      %dma_start3A_2481 = tpu.memref_slice %arg8[%dma_start3A_2473, %dma_start3A_2474, %dma_start3A_2480] : memref<4x5x64xi32, #tpu.memory_space<vmem>> -> memref<1x1x64xi32, #tpu.memory_space<vmem>>
      %dma_start3A_2482 = tpu.memref_squeeze %dma_start3A_2481 : memref<1x1x64xi32, #tpu.memory_space<vmem>> -> memref<64xi32, #tpu.memory_space<vmem>>
      %dma_start3A_2483 = arith.constant 0 : i32
      %dma_start3A_2484 = arith.constant 0 : i32
      %dma_start3A_2485 = tpu.memref_slice %arg5[%dma_start3A_2483, %dma_start3A_2484] : memref<2048x304xf32, #tpu.memory_space<hbm>> -> memref<2048x304xf32, #tpu.memory_space<hbm>>
      tpu.enqueue_indirect_dma source(%dma_start3A_2485 : memref<2048x304xf32, #tpu.memory_space<hbm>>) target(%dma_start3A_2479 : memref<64x304xf32, #tpu.memory_space<vmem>>) offsets(%dma_start3A_2482 : memref<64xi32, #tpu.memory_space<vmem>>) semaphore(%arg17 : memref<!tpu.dma_semaphore, #tpu.memory_space<semaphore_mem>>) {add = true}
      %dma_start3A_2486 = arith.constant 0 : i32
      %dma_start3A_2487 = arith.constant 4 : i32
      %dma_start3A_2488 = arith.constant 0 : i32
      %dma_start3A_2489 = arith.constant 0 : i32
      %dma_start3A_2490 = arith.constant 0 : i32
      %dma_start3A_2491 = tpu.memref_slice %arg9[%dma_start3A_2488, %dma_start3A_2489, %dma_start3A_2490] : memref<3x64x304xf32, #tpu.memory_space<vmem>> -> memref<1x64x304xf32, #tpu.memory_space<vmem>>
      %dma_start3A_2492 = tpu.memref_squeeze %dma_start3A_2491 : memref<1x64x304xf32, #tpu.memory_space<vmem>> -> memref<64x304xf32, #tpu.memory_space<vmem>>
      %dma_start3A_2493 = arith.constant 0 : i32
      %dma_start3A_2494 = tpu.memref_slice %arg8[%dma_start3A_2486, %dma_start3A_2487, %dma_start3A_2493] : memref<4x5x64xi32, #tpu.memory_space<vmem>> -> memref<1x1x64xi32, #tpu.memory_space<vmem>>
      %dma_start3A_2495 = tpu.memref_squeeze %dma_start3A_2494 : memref<1x1x64xi32, #tpu.memory_space<vmem>> -> memref<64xi32, #tpu.memory_space<vmem>>
      %dma_start3A_2496 = arith.constant 0 : i32
      %dma_start3A_2497 = arith.constant 0 : i32
      %dma_start3A_2498 = tpu.memref_slice %arg6[%dma_start3A_2496, %dma_start3A_2497] : memref<2048x304xf32, #tpu.memory_space<hbm>> -> memref<2048x304xf32, #tpu.memory_space<hbm>>
      tpu.enqueue_indirect_dma source(%dma_start3A_2498 : memref<2048x304xf32, #tpu.memory_space<hbm>>) target(%dma_start3A_2492 : memref<64x304xf32, #tpu.memory_space<vmem>>) offsets(%dma_start3A_2495 : memref<64xi32, #tpu.memory_space<vmem>>) semaphore(%arg17 : memref<!tpu.dma_semaphore, #tpu.memory_space<semaphore_mem>>) {add = true}
      %dma_wait3A_2499 = arith.constant 3 : i32
      %dma_wait3A_2500 = arith.constant 2 : i32
      %dma_wait3A_2501 = arith.constant 2 : i32
      %dma_wait3A_2502 = arith.constant 0 : i32
      %dma_wait3A_2503 = arith.constant 0 : i32
      %dma_wait3A_2504 = tpu.memref_slice %arg9[%dma_wait3A_2501, %dma_wait3A_2502, %dma_wait3A_2503] : memref<3x64x304xf32, #tpu.memory_space<vmem>> -> memref<1x64x304xf32, #tpu.memory_space<vmem>>
      %dma_wait3A_2505 = tpu.memref_squeeze %dma_wait3A_2504 : memref<1x64x304xf32, #tpu.memory_space<vmem>> -> memref<64x304xf32, #tpu.memory_space<vmem>>
      %dma_wait3A_2506 = arith.constant 0 : i32
      %dma_wait3A_2507 = tpu.memref_slice %arg8[%dma_wait3A_2499, %dma_wait3A_2500, %dma_wait3A_2506] : memref<4x5x64xi32, #tpu.memory_space<vmem>> -> memref<1x1x64xi32, #tpu.memory_space<vmem>>
      %dma_wait3A_2508 = tpu.memref_squeeze %dma_wait3A_2507 : memref<1x1x64xi32, #tpu.memory_space<vmem>> -> memref<64xi32, #tpu.memory_space<vmem>>
      %dma_wait3A_2509 = arith.constant 0 : i32
      %dma_wait3A_2510 = arith.constant 0 : i32
      %dma_wait3A_2511 = tpu.memref_slice %arg4[%dma_wait3A_2509, %dma_wait3A_2510] : memref<2048x304xf32, #tpu.memory_space<hbm>> -> memref<2048x304xf32, #tpu.memory_space<hbm>>
      tpu.wait_indirect_dma semaphore(%arg19 : memref<!tpu.dma_semaphore, #tpu.memory_space<semaphore_mem>>) src(%dma_wait3A_2511 : memref<2048x304xf32, #tpu.memory_space<hbm>>) dst(%dma_wait3A_2505 : memref<64x304xf32, #tpu.memory_space<vmem>>)
      %dma_wait3A_2512 = arith.constant 3 : i32
      %dma_wait3A_2513 = arith.constant 3 : i32
      %dma_wait3A_2514 = arith.constant 2 : i32
      %dma_wait3A_2515 = arith.constant 0 : i32
      %dma_wait3A_2516 = arith.constant 0 : i32
      %dma_wait3A_2517 = tpu.memref_slice %arg9[%dma_wait3A_2514, %dma_wait3A_2515, %dma_wait3A_2516] : memref<3x64x304xf32, #tpu.memory_space<vmem>> -> memref<1x64x304xf32, #tpu.memory_space<vmem>>
      %dma_wait3A_2518 = tpu.memref_squeeze %dma_wait3A_2517 : memref<1x64x304xf32, #tpu.memory_space<vmem>> -> memref<64x304xf32, #tpu.memory_space<vmem>>
      %dma_wait3A_2519 = arith.constant 0 : i32
      %dma_wait3A_2520 = tpu.memref_slice %arg8[%dma_wait3A_2512, %dma_wait3A_2513, %dma_wait3A_2519] : memref<4x5x64xi32, #tpu.memory_space<vmem>> -> memref<1x1x64xi32, #tpu.memory_space<vmem>>
      %dma_wait3A_2521 = tpu.memref_squeeze %dma_wait3A_2520 : memref<1x1x64xi32, #tpu.memory_space<vmem>> -> memref<64xi32, #tpu.memory_space<vmem>>
      %dma_wait3A_2522 = arith.constant 0 : i32
      %dma_wait3A_2523 = arith.constant 0 : i32
      %dma_wait3A_2524 = tpu.memref_slice %arg5[%dma_wait3A_2522, %dma_wait3A_2523] : memref<2048x304xf32, #tpu.memory_space<hbm>> -> memref<2048x304xf32, #tpu.memory_space<hbm>>
      tpu.wait_indirect_dma semaphore(%arg19 : memref<!tpu.dma_semaphore, #tpu.memory_space<semaphore_mem>>) src(%dma_wait3A_2524 : memref<2048x304xf32, #tpu.memory_space<hbm>>) dst(%dma_wait3A_2518 : memref<64x304xf32, #tpu.memory_space<vmem>>)
      %dma_wait3A_2525 = arith.constant 3 : i32
      %dma_wait3A_2526 = arith.constant 4 : i32
      %dma_wait3A_2527 = arith.constant 2 : i32
      %dma_wait3A_2528 = arith.constant 0 : i32
      %dma_wait3A_2529 = arith.constant 0 : i32
      %dma_wait3A_2530 = tpu.memref_slice %arg9[%dma_wait3A_2527, %dma_wait3A_2528, %dma_wait3A_2529] : memref<3x64x304xf32, #tpu.memory_space<vmem>> -> memref<1x64x304xf32, #tpu.memory_space<vmem>>
      %dma_wait3A_2531 = tpu.memref_squeeze %dma_wait3A_2530 : memref<1x64x304xf32, #tpu.memory_space<vmem>> -> memref<64x304xf32, #tpu.memory_space<vmem>>
      %dma_wait3A_2532 = arith.constant 0 : i32
      %dma_wait3A_2533 = tpu.memref_slice %arg8[%dma_wait3A_2525, %dma_wait3A_2526, %dma_wait3A_2532] : memref<4x5x64xi32, #tpu.memory_space<vmem>> -> memref<1x1x64xi32, #tpu.memory_space<vmem>>
      %dma_wait3A_2534 = tpu.memref_squeeze %dma_wait3A_2533 : memref<1x1x64xi32, #tpu.memory_space<vmem>> -> memref<64xi32, #tpu.memory_space<vmem>>
      %dma_wait3A_2535 = arith.constant 0 : i32
      %dma_wait3A_2536 = arith.constant 0 : i32
      %dma_wait3A_2537 = tpu.memref_slice %arg6[%dma_wait3A_2535, %dma_wait3A_2536] : memref<2048x304xf32, #tpu.memory_space<hbm>> -> memref<2048x304xf32, #tpu.memory_space<hbm>>
      tpu.wait_indirect_dma semaphore(%arg19 : memref<!tpu.dma_semaphore, #tpu.memory_space<semaphore_mem>>) src(%dma_wait3A_2537 : memref<2048x304xf32, #tpu.memory_space<hbm>>) dst(%dma_wait3A_2531 : memref<64x304xf32, #tpu.memory_space<vmem>>)
      %mul3A_2538 = arith.constant 64 : i32
      %mul3A_2539 = arith.muli %add3A_2426, %mul3A_2538 : i32
      %add3A_2540 = arith.addi %mul3A_2, %mul3A_2539 : i32
      %dma_start3A_2541 = arith.constant 2 : i32
      %dma_start3A_2542 = arith.constant 0 : i32
      %dma_start3A_2543 = arith.constant 0 : i32
      %dma_start3A_2544 = tpu.memref_slice %arg9[%dma_start3A_2541, %dma_start3A_2542, %dma_start3A_2543] : memref<3x64x304xf32, #tpu.memory_space<vmem>> -> memref<1x64x304xf32, #tpu.memory_space<vmem>>
      %dma_start3A_2545 = tpu.memref_squeeze %dma_start3A_2544 : memref<1x64x304xf32, #tpu.memory_space<vmem>> -> memref<64x304xf32, #tpu.memory_space<vmem>>
      %dma_start3A_2546 = arith.constant 0 : i32
      %dma_start3A_2547 = tpu.memref_slice %arg7[%add3A_2540, %dma_start3A_2546] : memref<131072x304xf32, #tpu.memory_space<hbm>> -> memref<64x304xf32, #tpu.memory_space<hbm>>
      %dma_start3A_2548 = arith.constant 0 : i32
      %dma_start3A_2549 = tpu.memref_slice %arg7[%add3A_2540, %dma_start3A_2548] : memref<131072x304xf32, #tpu.memory_space<hbm>> -> memref<64x304xf32, #tpu.memory_space<hbm>>
      %dma_start3A_2550 = arith.constant 0 : i32
      %dma_start3A_2551 = arith.constant 0 : i32
      %dma_start3A_2552 = tpu.memref_slice %arg9[%dma_start3A_2541, %dma_start3A_2550, %dma_start3A_2551] : memref<3x64x304xf32, #tpu.memory_space<vmem>> -> memref<1x64x304xf32, #tpu.memory_space<vmem>>
      %dma_start3A_2553 = tpu.memref_squeeze %dma_start3A_2552 : memref<1x64x304xf32, #tpu.memory_space<vmem>> -> memref<64x304xf32, #tpu.memory_space<vmem>>
      tpu.enqueue_dma source(%dma_start3A_2553 : memref<64x304xf32, #tpu.memory_space<vmem>>) target(%dma_start3A_2549 : memref<64x304xf32, #tpu.memory_space<hbm>>) target_semaphore(%arg22 : memref<!tpu.dma_semaphore, #tpu.memory_space<semaphore_mem>>)
      %dma_wait3A_2554 = arith.constant 1 : i32
      %dma_wait3A_2555 = arith.constant 0 : i32
      %dma_wait3A_2556 = arith.constant 0 : i32
      %dma_wait3A_2557 = tpu.memref_slice %arg9[%dma_wait3A_2554, %dma_wait3A_2555, %dma_wait3A_2556] : memref<3x64x304xf32, #tpu.memory_space<vmem>> -> memref<1x64x304xf32, #tpu.memory_space<vmem>>
      %dma_wait3A_2558 = tpu.memref_squeeze %dma_wait3A_2557 : memref<1x64x304xf32, #tpu.memory_space<vmem>> -> memref<64x304xf32, #tpu.memory_space<vmem>>
      %dma_wait3A_2559 = arith.constant 0 : i32
      %dma_wait3A_2560 = tpu.memref_slice %arg7[%mul3A_2, %dma_wait3A_2559] : memref<131072x304xf32, #tpu.memory_space<hbm>> -> memref<64x304xf32, #tpu.memory_space<hbm>>
      %dma_wait3A_2561 = arith.constant 0 : i32
      %dma_wait3A_2562 = tpu.memref_slice %arg7[%mul3A_2, %dma_wait3A_2561] : memref<131072x304xf32, #tpu.memory_space<hbm>> -> memref<64x304xf32, #tpu.memory_space<hbm>>
      %dma_wait3A_2563 = arith.constant 0 : i32
      %dma_wait3A_2564 = arith.constant 0 : i32
      %dma_wait3A_2565 = tpu.memref_slice %arg9[%dma_wait3A_2554, %dma_wait3A_2563, %dma_wait3A_2564] : memref<3x64x304xf32, #tpu.memory_space<vmem>> -> memref<1x64x304xf32, #tpu.memory_space<vmem>>
      %dma_wait3A_2566 = tpu.memref_squeeze %dma_wait3A_2565 : memref<1x64x304xf32, #tpu.memory_space<vmem>> -> memref<64x304xf32, #tpu.memory_space<vmem>>
      tpu.wait_dma2 semaphore(%arg21 : memref<!tpu.dma_semaphore, #tpu.memory_space<semaphore_mem>>) src(%dma_wait3A_2566 : memref<64x304xf32, #tpu.memory_space<vmem>>) dst(%dma_wait3A_2562 : memref<64x304xf32, #tpu.memory_space<hbm>>)
      %dma_wait3A_2567 = arith.constant 1 : i32
      %dma_wait3A_2568 = arith.constant 0 : i32
      %dma_wait3A_2569 = arith.constant 0 : i32
      %dma_wait3A_2570 = tpu.memref_slice %arg8[%dma_wait3A_2567, %dma_wait3A_2568, %dma_wait3A_2569] : memref<4x5x64xi32, #tpu.memory_space<vmem>> -> memref<1x5x64xi32, #tpu.memory_space<vmem>>
      %dma_wait3A_2571 = tpu.memref_squeeze %dma_wait3A_2570 : memref<1x5x64xi32, #tpu.memory_space<vmem>> -> memref<5x64xi32, #tpu.memory_space<vmem>>
      %dma_wait3A_2572 = arith.constant 0 : i32
      %dma_wait3A_2573 = arith.constant 0 : i32
      %dma_wait3A_2574 = tpu.memref_slice %arg2[%mul3A_4, %dma_wait3A_2572, %dma_wait3A_2573] : memref<2048x5x64xi32, #tpu.memory_space<hbm>> -> memref<1x5x64xi32, #tpu.memory_space<hbm>>
      %dma_wait3A_2575 = tpu.memref_squeeze %dma_wait3A_2574 : memref<1x5x64xi32, #tpu.memory_space<hbm>> -> memref<5x64xi32, #tpu.memory_space<hbm>>
      %dma_wait3A_2576 = arith.constant 0 : i32
      %dma_wait3A_2577 = arith.constant 0 : i32
      %dma_wait3A_2578 = tpu.memref_slice %arg8[%dma_wait3A_2567, %dma_wait3A_2576, %dma_wait3A_2577] : memref<4x5x64xi32, #tpu.memory_space<vmem>> -> memref<1x5x64xi32, #tpu.memory_space<vmem>>
      %dma_wait3A_2579 = tpu.memref_squeeze %dma_wait3A_2578 : memref<1x5x64xi32, #tpu.memory_space<vmem>> -> memref<5x64xi32, #tpu.memory_space<vmem>>
      %dma_wait3A_2580 = arith.constant 0 : i32
      %dma_wait3A_2581 = arith.constant 0 : i32
      %dma_wait3A_2582 = tpu.memref_slice %arg2[%mul3A_4, %dma_wait3A_2580, %dma_wait3A_2581] : memref<2048x5x64xi32, #tpu.memory_space<hbm>> -> memref<1x5x64xi32, #tpu.memory_space<hbm>>
      %dma_wait3A_2583 = tpu.memref_squeeze %dma_wait3A_2582 : memref<1x5x64xi32, #tpu.memory_space<hbm>> -> memref<5x64xi32, #tpu.memory_space<hbm>>
      tpu.wait_dma2 semaphore(%arg11 : memref<!tpu.dma_semaphore, #tpu.memory_space<semaphore_mem>>) src(%dma_wait3A_2583 : memref<5x64xi32, #tpu.memory_space<hbm>>) dst(%dma_wait3A_2579 : memref<5x64xi32, #tpu.memory_space<vmem>>)
      %add3A_2584 = arith.constant 2 : i32
      %add3A_2585 = arith.addi %add3A_2426, %add3A_2584 : i32
      %dma_start3A_2586 = arith.constant 1 : i32
      %dma_start3A_2587 = arith.constant 0 : i32
      %dma_start3A_2588 = arith.constant 1 : i32
      %dma_start3A_2589 = arith.constant 0 : i32
      %dma_start3A_2590 = arith.constant 0 : i32
      %dma_start3A_2591 = tpu.memref_slice %arg9[%dma_start3A_2588, %dma_start3A_2589, %dma_start3A_2590] : memref<3x64x304xf32, #tpu.memory_space<vmem>> -> memref<1x64x304xf32, #tpu.memory_space<vmem>>
      %dma_start3A_2592 = tpu.memref_squeeze %dma_start3A_2591 : memref<1x64x304xf32, #tpu.memory_space<vmem>> -> memref<64x304xf32, #tpu.memory_space<vmem>>
      %dma_start3A_2593 = arith.constant 0 : i32
      %dma_start3A_2594 = tpu.memref_slice %arg8[%dma_start3A_2586, %dma_start3A_2587, %dma_start3A_2593] : memref<4x5x64xi32, #tpu.memory_space<vmem>> -> memref<1x1x64xi32, #tpu.memory_space<vmem>>
      %dma_start3A_2595 = tpu.memref_squeeze %dma_start3A_2594 : memref<1x1x64xi32, #tpu.memory_space<vmem>> -> memref<64xi32, #tpu.memory_space<vmem>>
      %dma_start3A_2596 = arith.constant 0 : i32
      %dma_start3A_2597 = arith.constant 0 : i32
      %dma_start3A_2598 = tpu.memref_slice %arg3[%dma_start3A_2596, %dma_start3A_2597] : memref<2048x304xf32, #tpu.memory_space<hbm>> -> memref<2048x304xf32, #tpu.memory_space<hbm>>
      tpu.enqueue_indirect_dma source(%dma_start3A_2598 : memref<2048x304xf32, #tpu.memory_space<hbm>>) target(%dma_start3A_2592 : memref<64x304xf32, #tpu.memory_space<vmem>>) offsets(%dma_start3A_2595 : memref<64xi32, #tpu.memory_space<vmem>>) semaphore(%arg15 : memref<!tpu.dma_semaphore, #tpu.memory_space<semaphore_mem>>)
      %add3A_2599 = arith.constant 11 : i32
      %add3A_2600 = arith.addi %add3A_684, %add3A_2599 : i32
      %add3A_2601 = arith.constant 3 : i32
      %add3A_2602 = arith.addi %add3A_2600, %add3A_2601 : i32
      %add3A_2603 = arith.addi %mul3A_4, %add3A_2602 : i32
      %dma_start3A_2604 = arith.constant 3 : i32
      %dma_start3A_2605 = arith.constant 0 : i32
      %dma_start3A_2606 = arith.constant 0 : i32
      %dma_start3A_2607 = tpu.memref_slice %arg8[%dma_start3A_2604, %dma_start3A_2605, %dma_start3A_2606] : memref<4x5x64xi32, #tpu.memory_space<vmem>> -> memref<1x5x64xi32, #tpu.memory_space<vmem>>
      %dma_start3A_2608 = tpu.memref_squeeze %dma_start3A_2607 : memref<1x5x64xi32, #tpu.memory_space<vmem>> -> memref<5x64xi32, #tpu.memory_space<vmem>>
      %dma_start3A_2609 = arith.constant 0 : i32
      %dma_start3A_2610 = arith.constant 0 : i32
      %dma_start3A_2611 = tpu.memref_slice %arg2[%add3A_2603, %dma_start3A_2609, %dma_start3A_2610] : memref<2048x5x64xi32, #tpu.memory_space<hbm>> -> memref<1x5x64xi32, #tpu.memory_space<hbm>>
      %dma_start3A_2612 = tpu.memref_squeeze %dma_start3A_2611 : memref<1x5x64xi32, #tpu.memory_space<hbm>> -> memref<5x64xi32, #tpu.memory_space<hbm>>
      %dma_start3A_2613 = arith.constant 0 : i32
      %dma_start3A_2614 = arith.constant 0 : i32
      %dma_start3A_2615 = tpu.memref_slice %arg8[%dma_start3A_2604, %dma_start3A_2613, %dma_start3A_2614] : memref<4x5x64xi32, #tpu.memory_space<vmem>> -> memref<1x5x64xi32, #tpu.memory_space<vmem>>
      %dma_start3A_2616 = tpu.memref_squeeze %dma_start3A_2615 : memref<1x5x64xi32, #tpu.memory_space<vmem>> -> memref<5x64xi32, #tpu.memory_space<vmem>>
      %dma_start3A_2617 = arith.constant 0 : i32
      %dma_start3A_2618 = arith.constant 0 : i32
      %dma_start3A_2619 = tpu.memref_slice %arg2[%add3A_2603, %dma_start3A_2617, %dma_start3A_2618] : memref<2048x5x64xi32, #tpu.memory_space<hbm>> -> memref<1x5x64xi32, #tpu.memory_space<hbm>>
      %dma_start3A_2620 = tpu.memref_squeeze %dma_start3A_2619 : memref<1x5x64xi32, #tpu.memory_space<hbm>> -> memref<5x64xi32, #tpu.memory_space<hbm>>
      tpu.enqueue_dma source(%dma_start3A_2620 : memref<5x64xi32, #tpu.memory_space<hbm>>) target(%dma_start3A_2616 : memref<5x64xi32, #tpu.memory_space<vmem>>) target_semaphore(%arg13 : memref<!tpu.dma_semaphore, #tpu.memory_space<semaphore_mem>>)
      %dma_wait3A_2621 = arith.constant 1 : i32
      %dma_wait3A_2622 = arith.constant 0 : i32
      %dma_wait3A_2623 = arith.constant 1 : i32
      %dma_wait3A_2624 = arith.constant 0 : i32
      %dma_wait3A_2625 = arith.constant 0 : i32
      %dma_wait3A_2626 = tpu.memref_slice %arg9[%dma_wait3A_2623, %dma_wait3A_2624, %dma_wait3A_2625] : memref<3x64x304xf32, #tpu.memory_space<vmem>> -> memref<1x64x304xf32, #tpu.memory_space<vmem>>
      %dma_wait3A_2627 = tpu.memref_squeeze %dma_wait3A_2626 : memref<1x64x304xf32, #tpu.memory_space<vmem>> -> memref<64x304xf32, #tpu.memory_space<vmem>>
      %dma_wait3A_2628 = arith.constant 0 : i32
      %dma_wait3A_2629 = tpu.memref_slice %arg8[%dma_wait3A_2621, %dma_wait3A_2622, %dma_wait3A_2628] : memref<4x5x64xi32, #tpu.memory_space<vmem>> -> memref<1x1x64xi32, #tpu.memory_space<vmem>>
      %dma_wait3A_2630 = tpu.memref_squeeze %dma_wait3A_2629 : memref<1x1x64xi32, #tpu.memory_space<vmem>> -> memref<64xi32, #tpu.memory_space<vmem>>
      %dma_wait3A_2631 = arith.constant 0 : i32
      %dma_wait3A_2632 = arith.constant 0 : i32
      %dma_wait3A_2633 = tpu.memref_slice %arg3[%dma_wait3A_2631, %dma_wait3A_2632] : memref<2048x304xf32, #tpu.memory_space<hbm>> -> memref<2048x304xf32, #tpu.memory_space<hbm>>
      tpu.wait_indirect_dma semaphore(%arg15 : memref<!tpu.dma_semaphore, #tpu.memory_space<semaphore_mem>>) src(%dma_wait3A_2633 : memref<2048x304xf32, #tpu.memory_space<hbm>>) dst(%dma_wait3A_2627 : memref<64x304xf32, #tpu.memory_space<vmem>>)
      %dma_start3A_2634 = arith.constant 1 : i32
      %dma_start3A_2635 = arith.constant 2 : i32
      %dma_start3A_2636 = arith.constant 1 : i32
      %dma_start3A_2637 = arith.constant 0 : i32
      %dma_start3A_2638 = arith.constant 0 : i32
      %dma_start3A_2639 = tpu.memref_slice %arg9[%dma_start3A_2636, %dma_start3A_2637, %dma_start3A_2638] : memref<3x64x304xf32, #tpu.memory_space<vmem>> -> memref<1x64x304xf32, #tpu.memory_space<vmem>>
      %dma_start3A_2640 = tpu.memref_squeeze %dma_start3A_2639 : memref<1x64x304xf32, #tpu.memory_space<vmem>> -> memref<64x304xf32, #tpu.memory_space<vmem>>
      %dma_start3A_2641 = arith.constant 0 : i32
      %dma_start3A_2642 = tpu.memref_slice %arg8[%dma_start3A_2634, %dma_start3A_2635, %dma_start3A_2641] : memref<4x5x64xi32, #tpu.memory_space<vmem>> -> memref<1x1x64xi32, #tpu.memory_space<vmem>>
      %dma_start3A_2643 = tpu.memref_squeeze %dma_start3A_2642 : memref<1x1x64xi32, #tpu.memory_space<vmem>> -> memref<64xi32, #tpu.memory_space<vmem>>
      %dma_start3A_2644 = arith.constant 0 : i32
      %dma_start3A_2645 = arith.constant 0 : i32
      %dma_start3A_2646 = tpu.memref_slice %arg4[%dma_start3A_2644, %dma_start3A_2645] : memref<2048x304xf32, #tpu.memory_space<hbm>> -> memref<2048x304xf32, #tpu.memory_space<hbm>>
      tpu.enqueue_indirect_dma source(%dma_start3A_2646 : memref<2048x304xf32, #tpu.memory_space<hbm>>) target(%dma_start3A_2640 : memref<64x304xf32, #tpu.memory_space<vmem>>) offsets(%dma_start3A_2643 : memref<64xi32, #tpu.memory_space<vmem>>) semaphore(%arg18 : memref<!tpu.dma_semaphore, #tpu.memory_space<semaphore_mem>>) {add = true}
      %dma_start3A_2647 = arith.constant 1 : i32
      %dma_start3A_2648 = arith.constant 3 : i32
      %dma_start3A_2649 = arith.constant 1 : i32
      %dma_start3A_2650 = arith.constant 0 : i32
      %dma_start3A_2651 = arith.constant 0 : i32
      %dma_start3A_2652 = tpu.memref_slice %arg9[%dma_start3A_2649, %dma_start3A_2650, %dma_start3A_2651] : memref<3x64x304xf32, #tpu.memory_space<vmem>> -> memref<1x64x304xf32, #tpu.memory_space<vmem>>
      %dma_start3A_2653 = tpu.memref_squeeze %dma_start3A_2652 : memref<1x64x304xf32, #tpu.memory_space<vmem>> -> memref<64x304xf32, #tpu.memory_space<vmem>>
      %dma_start3A_2654 = arith.constant 0 : i32
      %dma_start3A_2655 = tpu.memref_slice %arg8[%dma_start3A_2647, %dma_start3A_2648, %dma_start3A_2654] : memref<4x5x64xi32, #tpu.memory_space<vmem>> -> memref<1x1x64xi32, #tpu.memory_space<vmem>>
      %dma_start3A_2656 = tpu.memref_squeeze %dma_start3A_2655 : memref<1x1x64xi32, #tpu.memory_space<vmem>> -> memref<64xi32, #tpu.memory_space<vmem>>
      %dma_start3A_2657 = arith.constant 0 : i32
      %dma_start3A_2658 = arith.constant 0 : i32
      %dma_start3A_2659 = tpu.memref_slice %arg5[%dma_start3A_2657, %dma_start3A_2658] : memref<2048x304xf32, #tpu.memory_space<hbm>> -> memref<2048x304xf32, #tpu.memory_space<hbm>>
      tpu.enqueue_indirect_dma source(%dma_start3A_2659 : memref<2048x304xf32, #tpu.memory_space<hbm>>) target(%dma_start3A_2653 : memref<64x304xf32, #tpu.memory_space<vmem>>) offsets(%dma_start3A_2656 : memref<64xi32, #tpu.memory_space<vmem>>) semaphore(%arg18 : memref<!tpu.dma_semaphore, #tpu.memory_space<semaphore_mem>>) {add = true}
      %dma_start3A_2660 = arith.constant 1 : i32
      %dma_start3A_2661 = arith.constant 4 : i32
      %dma_start3A_2662 = arith.constant 1 : i32
      %dma_start3A_2663 = arith.constant 0 : i32
      %dma_start3A_2664 = arith.constant 0 : i32
      %dma_start3A_2665 = tpu.memref_slice %arg9[%dma_start3A_2662, %dma_start3A_2663, %dma_start3A_2664] : memref<3x64x304xf32, #tpu.memory_space<vmem>> -> memref<1x64x304xf32, #tpu.memory_space<vmem>>
      %dma_start3A_2666 = tpu.memref_squeeze %dma_start3A_2665 : memref<1x64x304xf32, #tpu.memory_space<vmem>> -> memref<64x304xf32, #tpu.memory_space<vmem>>
      %dma_start3A_2667 = arith.constant 0 : i32
      %dma_start3A_2668 = tpu.memref_slice %arg8[%dma_start3A_2660, %dma_start3A_2661, %dma_start3A_2667] : memref<4x5x64xi32, #tpu.memory_space<vmem>> -> memref<1x1x64xi32, #tpu.memory_space<vmem>>
      %dma_start3A_2669 = tpu.memref_squeeze %dma_start3A_2668 : memref<1x1x64xi32, #tpu.memory_space<vmem>> -> memref<64xi32, #tpu.memory_space<vmem>>
      %dma_start3A_2670 = arith.constant 0 : i32
      %dma_start3A_2671 = arith.constant 0 : i32
      %dma_start3A_2672 = tpu.memref_slice %arg6[%dma_start3A_2670, %dma_start3A_2671] : memref<2048x304xf32, #tpu.memory_space<hbm>> -> memref<2048x304xf32, #tpu.memory_space<hbm>>
      tpu.enqueue_indirect_dma source(%dma_start3A_2672 : memref<2048x304xf32, #tpu.memory_space<hbm>>) target(%dma_start3A_2666 : memref<64x304xf32, #tpu.memory_space<vmem>>) offsets(%dma_start3A_2669 : memref<64xi32, #tpu.memory_space<vmem>>) semaphore(%arg18 : memref<!tpu.dma_semaphore, #tpu.memory_space<semaphore_mem>>) {add = true}
      %dma_wait3A_2673 = arith.constant 0 : i32
      %dma_wait3A_2674 = arith.constant 2 : i32
      %dma_wait3A_2675 = arith.constant 0 : i32
      %dma_wait3A_2676 = arith.constant 0 : i32
      %dma_wait3A_2677 = arith.constant 0 : i32
      %dma_wait3A_2678 = tpu.memref_slice %arg9[%dma_wait3A_2675, %dma_wait3A_2676, %dma_wait3A_2677] : memref<3x64x304xf32, #tpu.memory_space<vmem>> -> memref<1x64x304xf32, #tpu.memory_space<vmem>>
      %dma_wait3A_2679 = tpu.memref_squeeze %dma_wait3A_2678 : memref<1x64x304xf32, #tpu.memory_space<vmem>> -> memref<64x304xf32, #tpu.memory_space<vmem>>
      %dma_wait3A_2680 = arith.constant 0 : i32
      %dma_wait3A_2681 = tpu.memref_slice %arg8[%dma_wait3A_2673, %dma_wait3A_2674, %dma_wait3A_2680] : memref<4x5x64xi32, #tpu.memory_space<vmem>> -> memref<1x1x64xi32, #tpu.memory_space<vmem>>
      %dma_wait3A_2682 = tpu.memref_squeeze %dma_wait3A_2681 : memref<1x1x64xi32, #tpu.memory_space<vmem>> -> memref<64xi32, #tpu.memory_space<vmem>>
      %dma_wait3A_2683 = arith.constant 0 : i32
      %dma_wait3A_2684 = arith.constant 0 : i32
      %dma_wait3A_2685 = tpu.memref_slice %arg4[%dma_wait3A_2683, %dma_wait3A_2684] : memref<2048x304xf32, #tpu.memory_space<hbm>> -> memref<2048x304xf32, #tpu.memory_space<hbm>>
      tpu.wait_indirect_dma semaphore(%arg17 : memref<!tpu.dma_semaphore, #tpu.memory_space<semaphore_mem>>) src(%dma_wait3A_2685 : memref<2048x304xf32, #tpu.memory_space<hbm>>) dst(%dma_wait3A_2679 : memref<64x304xf32, #tpu.memory_space<vmem>>)
      %dma_wait3A_2686 = arith.constant 0 : i32
      %dma_wait3A_2687 = arith.constant 3 : i32
      %dma_wait3A_2688 = arith.constant 0 : i32
      %dma_wait3A_2689 = arith.constant 0 : i32
      %dma_wait3A_2690 = arith.constant 0 : i32
      %dma_wait3A_2691 = tpu.memref_slice %arg9[%dma_wait3A_2688, %dma_wait3A_2689, %dma_wait3A_2690] : memref<3x64x304xf32, #tpu.memory_space<vmem>> -> memref<1x64x304xf32, #tpu.memory_space<vmem>>
      %dma_wait3A_2692 = tpu.memref_squeeze %dma_wait3A_2691 : memref<1x64x304xf32, #tpu.memory_space<vmem>> -> memref<64x304xf32, #tpu.memory_space<vmem>>
      %dma_wait3A_2693 = arith.constant 0 : i32
      %dma_wait3A_2694 = tpu.memref_slice %arg8[%dma_wait3A_2686, %dma_wait3A_2687, %dma_wait3A_2693] : memref<4x5x64xi32, #tpu.memory_space<vmem>> -> memref<1x1x64xi32, #tpu.memory_space<vmem>>
      %dma_wait3A_2695 = tpu.memref_squeeze %dma_wait3A_2694 : memref<1x1x64xi32, #tpu.memory_space<vmem>> -> memref<64xi32, #tpu.memory_space<vmem>>
      %dma_wait3A_2696 = arith.constant 0 : i32
      %dma_wait3A_2697 = arith.constant 0 : i32
      %dma_wait3A_2698 = tpu.memref_slice %arg5[%dma_wait3A_2696, %dma_wait3A_2697] : memref<2048x304xf32, #tpu.memory_space<hbm>> -> memref<2048x304xf32, #tpu.memory_space<hbm>>
      tpu.wait_indirect_dma semaphore(%arg17 : memref<!tpu.dma_semaphore, #tpu.memory_space<semaphore_mem>>) src(%dma_wait3A_2698 : memref<2048x304xf32, #tpu.memory_space<hbm>>) dst(%dma_wait3A_2692 : memref<64x304xf32, #tpu.memory_space<vmem>>)
      %dma_wait3A_2699 = arith.constant 0 : i32
      %dma_wait3A_2700 = arith.constant 4 : i32
      %dma_wait3A_2701 = arith.constant 0 : i32
      %dma_wait3A_2702 = arith.constant 0 : i32
      %dma_wait3A_2703 = arith.constant 0 : i32
      %dma_wait3A_2704 = tpu.memref_slice %arg9[%dma_wait3A_2701, %dma_wait3A_2702, %dma_wait3A_2703] : memref<3x64x304xf32, #tpu.memory_space<vmem>> -> memref<1x64x304xf32, #tpu.memory_space<vmem>>
      %dma_wait3A_2705 = tpu.memref_squeeze %dma_wait3A_2704 : memref<1x64x304xf32, #tpu.memory_space<vmem>> -> memref<64x304xf32, #tpu.memory_space<vmem>>
      %dma_wait3A_2706 = arith.constant 0 : i32
      %dma_wait3A_2707 = tpu.memref_slice %arg8[%dma_wait3A_2699, %dma_wait3A_2700, %dma_wait3A_2706] : memref<4x5x64xi32, #tpu.memory_space<vmem>> -> memref<1x1x64xi32, #tpu.memory_space<vmem>>
      %dma_wait3A_2708 = tpu.memref_squeeze %dma_wait3A_2707 : memref<1x1x64xi32, #tpu.memory_space<vmem>> -> memref<64xi32, #tpu.memory_space<vmem>>
      %dma_wait3A_2709 = arith.constant 0 : i32
      %dma_wait3A_2710 = arith.constant 0 : i32
      %dma_wait3A_2711 = tpu.memref_slice %arg6[%dma_wait3A_2709, %dma_wait3A_2710] : memref<2048x304xf32, #tpu.memory_space<hbm>> -> memref<2048x304xf32, #tpu.memory_space<hbm>>
      tpu.wait_indirect_dma semaphore(%arg17 : memref<!tpu.dma_semaphore, #tpu.memory_space<semaphore_mem>>) src(%dma_wait3A_2711 : memref<2048x304xf32, #tpu.memory_space<hbm>>) dst(%dma_wait3A_2705 : memref<64x304xf32, #tpu.memory_space<vmem>>)
      %mul3A_2712 = arith.constant 64 : i32
      %mul3A_2713 = arith.muli %add3A_2600, %mul3A_2712 : i32
      %add3A_2714 = arith.addi %mul3A_2, %mul3A_2713 : i32
      %dma_start3A_2715 = arith.constant 0 : i32
      %dma_start3A_2716 = arith.constant 0 : i32
      %dma_start3A_2717 = arith.constant 0 : i32
      %dma_start3A_2718 = tpu.memref_slice %arg9[%dma_start3A_2715, %dma_start3A_2716, %dma_start3A_2717] : memref<3x64x304xf32, #tpu.memory_space<vmem>> -> memref<1x64x304xf32, #tpu.memory_space<vmem>>
      %dma_start3A_2719 = tpu.memref_squeeze %dma_start3A_2718 : memref<1x64x304xf32, #tpu.memory_space<vmem>> -> memref<64x304xf32, #tpu.memory_space<vmem>>
      %dma_start3A_2720 = arith.constant 0 : i32
      %dma_start3A_2721 = tpu.memref_slice %arg7[%add3A_2714, %dma_start3A_2720] : memref<131072x304xf32, #tpu.memory_space<hbm>> -> memref<64x304xf32, #tpu.memory_space<hbm>>
      %dma_start3A_2722 = arith.constant 0 : i32
      %dma_start3A_2723 = tpu.memref_slice %arg7[%add3A_2714, %dma_start3A_2722] : memref<131072x304xf32, #tpu.memory_space<hbm>> -> memref<64x304xf32, #tpu.memory_space<hbm>>
      %dma_start3A_2724 = arith.constant 0 : i32
      %dma_start3A_2725 = arith.constant 0 : i32
      %dma_start3A_2726 = tpu.memref_slice %arg9[%dma_start3A_2715, %dma_start3A_2724, %dma_start3A_2725] : memref<3x64x304xf32, #tpu.memory_space<vmem>> -> memref<1x64x304xf32, #tpu.memory_space<vmem>>
      %dma_start3A_2727 = tpu.memref_squeeze %dma_start3A_2726 : memref<1x64x304xf32, #tpu.memory_space<vmem>> -> memref<64x304xf32, #tpu.memory_space<vmem>>
      tpu.enqueue_dma source(%dma_start3A_2727 : memref<64x304xf32, #tpu.memory_space<vmem>>) target(%dma_start3A_2723 : memref<64x304xf32, #tpu.memory_space<hbm>>) target_semaphore(%arg20 : memref<!tpu.dma_semaphore, #tpu.memory_space<semaphore_mem>>)
      %dma_wait3A_2728 = arith.constant 2 : i32
      %dma_wait3A_2729 = arith.constant 0 : i32
      %dma_wait3A_2730 = arith.constant 0 : i32
      %dma_wait3A_2731 = tpu.memref_slice %arg9[%dma_wait3A_2728, %dma_wait3A_2729, %dma_wait3A_2730] : memref<3x64x304xf32, #tpu.memory_space<vmem>> -> memref<1x64x304xf32, #tpu.memory_space<vmem>>
      %dma_wait3A_2732 = tpu.memref_squeeze %dma_wait3A_2731 : memref<1x64x304xf32, #tpu.memory_space<vmem>> -> memref<64x304xf32, #tpu.memory_space<vmem>>
      %dma_wait3A_2733 = arith.constant 0 : i32
      %dma_wait3A_2734 = tpu.memref_slice %arg7[%mul3A_2, %dma_wait3A_2733] : memref<131072x304xf32, #tpu.memory_space<hbm>> -> memref<64x304xf32, #tpu.memory_space<hbm>>
      %dma_wait3A_2735 = arith.constant 0 : i32
      %dma_wait3A_2736 = tpu.memref_slice %arg7[%mul3A_2, %dma_wait3A_2735] : memref<131072x304xf32, #tpu.memory_space<hbm>> -> memref<64x304xf32, #tpu.memory_space<hbm>>
      %dma_wait3A_2737 = arith.constant 0 : i32
      %dma_wait3A_2738 = arith.constant 0 : i32
      %dma_wait3A_2739 = tpu.memref_slice %arg9[%dma_wait3A_2728, %dma_wait3A_2737, %dma_wait3A_2738] : memref<3x64x304xf32, #tpu.memory_space<vmem>> -> memref<1x64x304xf32, #tpu.memory_space<vmem>>
      %dma_wait3A_2740 = tpu.memref_squeeze %dma_wait3A_2739 : memref<1x64x304xf32, #tpu.memory_space<vmem>> -> memref<64x304xf32, #tpu.memory_space<vmem>>
      tpu.wait_dma2 semaphore(%arg22 : memref<!tpu.dma_semaphore, #tpu.memory_space<semaphore_mem>>) src(%dma_wait3A_2740 : memref<64x304xf32, #tpu.memory_space<vmem>>) dst(%dma_wait3A_2736 : memref<64x304xf32, #tpu.memory_space<hbm>>)
      %dma_wait3A_2741 = arith.constant 2 : i32
      %dma_wait3A_2742 = arith.constant 0 : i32
      %dma_wait3A_2743 = arith.constant 0 : i32
      %dma_wait3A_2744 = tpu.memref_slice %arg8[%dma_wait3A_2741, %dma_wait3A_2742, %dma_wait3A_2743] : memref<4x5x64xi32, #tpu.memory_space<vmem>> -> memref<1x5x64xi32, #tpu.memory_space<vmem>>
      %dma_wait3A_2745 = tpu.memref_squeeze %dma_wait3A_2744 : memref<1x5x64xi32, #tpu.memory_space<vmem>> -> memref<5x64xi32, #tpu.memory_space<vmem>>
      %dma_wait3A_2746 = arith.constant 0 : i32
      %dma_wait3A_2747 = arith.constant 0 : i32
      %dma_wait3A_2748 = tpu.memref_slice %arg2[%mul3A_4, %dma_wait3A_2746, %dma_wait3A_2747] : memref<2048x5x64xi32, #tpu.memory_space<hbm>> -> memref<1x5x64xi32, #tpu.memory_space<hbm>>
      %dma_wait3A_2749 = tpu.memref_squeeze %dma_wait3A_2748 : memref<1x5x64xi32, #tpu.memory_space<hbm>> -> memref<5x64xi32, #tpu.memory_space<hbm>>
      %dma_wait3A_2750 = arith.constant 0 : i32
      %dma_wait3A_2751 = arith.constant 0 : i32
      %dma_wait3A_2752 = tpu.memref_slice %arg8[%dma_wait3A_2741, %dma_wait3A_2750, %dma_wait3A_2751] : memref<4x5x64xi32, #tpu.memory_space<vmem>> -> memref<1x5x64xi32, #tpu.memory_space<vmem>>
      %dma_wait3A_2753 = tpu.memref_squeeze %dma_wait3A_2752 : memref<1x5x64xi32, #tpu.memory_space<vmem>> -> memref<5x64xi32, #tpu.memory_space<vmem>>
      %dma_wait3A_2754 = arith.constant 0 : i32
      %dma_wait3A_2755 = arith.constant 0 : i32
      %dma_wait3A_2756 = tpu.memref_slice %arg2[%mul3A_4, %dma_wait3A_2754, %dma_wait3A_2755] : memref<2048x5x64xi32, #tpu.memory_space<hbm>> -> memref<1x5x64xi32, #tpu.memory_space<hbm>>
      %dma_wait3A_2757 = tpu.memref_squeeze %dma_wait3A_2756 : memref<1x5x64xi32, #tpu.memory_space<hbm>> -> memref<5x64xi32, #tpu.memory_space<hbm>>
      tpu.wait_dma2 semaphore(%arg12 : memref<!tpu.dma_semaphore, #tpu.memory_space<semaphore_mem>>) src(%dma_wait3A_2757 : memref<5x64xi32, #tpu.memory_space<hbm>>) dst(%dma_wait3A_2753 : memref<5x64xi32, #tpu.memory_space<vmem>>)
      %add3A_2758 = arith.constant 2 : i32
      %add3A_2759 = arith.addi %add3A_2600, %add3A_2758 : i32
      %dma_start3A_2760 = arith.constant 2 : i32
      %dma_start3A_2761 = arith.constant 0 : i32
      %dma_start3A_2762 = arith.constant 2 : i32
      %dma_start3A_2763 = arith.constant 0 : i32
      %dma_start3A_2764 = arith.constant 0 : i32
      %dma_start3A_2765 = tpu.memref_slice %arg9[%dma_start3A_2762, %dma_start3A_2763, %dma_start3A_2764] : memref<3x64x304xf32, #tpu.memory_space<vmem>> -> memref<1x64x304xf32, #tpu.memory_space<vmem>>
      %dma_start3A_2766 = tpu.memref_squeeze %dma_start3A_2765 : memref<1x64x304xf32, #tpu.memory_space<vmem>> -> memref<64x304xf32, #tpu.memory_space<vmem>>
      %dma_start3A_2767 = arith.constant 0 : i32
      %dma_start3A_2768 = tpu.memref_slice %arg8[%dma_start3A_2760, %dma_start3A_2761, %dma_start3A_2767] : memref<4x5x64xi32, #tpu.memory_space<vmem>> -> memref<1x1x64xi32, #tpu.memory_space<vmem>>
      %dma_start3A_2769 = tpu.memref_squeeze %dma_start3A_2768 : memref<1x1x64xi32, #tpu.memory_space<vmem>> -> memref<64xi32, #tpu.memory_space<vmem>>
      %dma_start3A_2770 = arith.constant 0 : i32
      %dma_start3A_2771 = arith.constant 0 : i32
      %dma_start3A_2772 = tpu.memref_slice %arg3[%dma_start3A_2770, %dma_start3A_2771] : memref<2048x304xf32, #tpu.memory_space<hbm>> -> memref<2048x304xf32, #tpu.memory_space<hbm>>
      tpu.enqueue_indirect_dma source(%dma_start3A_2772 : memref<2048x304xf32, #tpu.memory_space<hbm>>) target(%dma_start3A_2766 : memref<64x304xf32, #tpu.memory_space<vmem>>) offsets(%dma_start3A_2769 : memref<64xi32, #tpu.memory_space<vmem>>) semaphore(%arg16 : memref<!tpu.dma_semaphore, #tpu.memory_space<semaphore_mem>>)
    }
    %scan3A_331 = arith.constant 5 : i32
    %dma_wait3A_332 = arith.constant 2 : i32
    %dma_wait3A_333 = arith.constant 0 : i32
    %dma_wait3A_334 = arith.constant 2 : i32
    %dma_wait3A_335 = arith.constant 0 : i32
    %dma_wait3A_336 = arith.constant 0 : i32
    %dma_wait3A_337 = tpu.memref_slice %arg9[%dma_wait3A_334, %dma_wait3A_335, %dma_wait3A_336] : memref<3x64x304xf32, #tpu.memory_space<vmem>> -> memref<1x64x304xf32, #tpu.memory_space<vmem>>
    %dma_wait3A_338 = tpu.memref_squeeze %dma_wait3A_337 : memref<1x64x304xf32, #tpu.memory_space<vmem>> -> memref<64x304xf32, #tpu.memory_space<vmem>>
    %dma_wait3A_339 = arith.constant 0 : i32
    %dma_wait3A_340 = tpu.memref_slice %arg8[%dma_wait3A_332, %dma_wait3A_333, %dma_wait3A_339] : memref<4x5x64xi32, #tpu.memory_space<vmem>> -> memref<1x1x64xi32, #tpu.memory_space<vmem>>
    %dma_wait3A_341 = tpu.memref_squeeze %dma_wait3A_340 : memref<1x1x64xi32, #tpu.memory_space<vmem>> -> memref<64xi32, #tpu.memory_space<vmem>>
    %dma_wait3A_342 = arith.constant 0 : i32
    %dma_wait3A_343 = arith.constant 0 : i32
    %dma_wait3A_344 = tpu.memref_slice %arg3[%dma_wait3A_342, %dma_wait3A_343] : memref<2048x304xf32, #tpu.memory_space<hbm>> -> memref<2048x304xf32, #tpu.memory_space<hbm>>
    tpu.wait_indirect_dma semaphore(%arg16 : memref<!tpu.dma_semaphore, #tpu.memory_space<semaphore_mem>>) src(%dma_wait3A_344 : memref<2048x304xf32, #tpu.memory_space<hbm>>) dst(%dma_wait3A_338 : memref<64x304xf32, #tpu.memory_space<vmem>>)
    %dma_start3A_345 = arith.constant 2 : i32
    %dma_start3A_346 = arith.constant 2 : i32
    %dma_start3A_347 = arith.constant 2 : i32
    %dma_start3A_348 = arith.constant 0 : i32
    %dma_start3A_349 = arith.constant 0 : i32
    %dma_start3A_350 = tpu.memref_slice %arg9[%dma_start3A_347, %dma_start3A_348, %dma_start3A_349] : memref<3x64x304xf32, #tpu.memory_space<vmem>> -> memref<1x64x304xf32, #tpu.memory_space<vmem>>
    %dma_start3A_351 = tpu.memref_squeeze %dma_start3A_350 : memref<1x64x304xf32, #tpu.memory_space<vmem>> -> memref<64x304xf32, #tpu.memory_space<vmem>>
    %dma_start3A_352 = arith.constant 0 : i32
    %dma_start3A_353 = tpu.memref_slice %arg8[%dma_start3A_345, %dma_start3A_346, %dma_start3A_352] : memref<4x5x64xi32, #tpu.memory_space<vmem>> -> memref<1x1x64xi32, #tpu.memory_space<vmem>>
    %dma_start3A_354 = tpu.memref_squeeze %dma_start3A_353 : memref<1x1x64xi32, #tpu.memory_space<vmem>> -> memref<64xi32, #tpu.memory_space<vmem>>
    %dma_start3A_355 = arith.constant 0 : i32
    %dma_start3A_356 = arith.constant 0 : i32
    %dma_start3A_357 = tpu.memref_slice %arg4[%dma_start3A_355, %dma_start3A_356] : memref<2048x304xf32, #tpu.memory_space<hbm>> -> memref<2048x304xf32, #tpu.memory_space<hbm>>
    tpu.enqueue_indirect_dma source(%dma_start3A_357 : memref<2048x304xf32, #tpu.memory_space<hbm>>) target(%dma_start3A_351 : memref<64x304xf32, #tpu.memory_space<vmem>>) offsets(%dma_start3A_354 : memref<64xi32, #tpu.memory_space<vmem>>) semaphore(%arg19 : memref<!tpu.dma_semaphore, #tpu.memory_space<semaphore_mem>>) {add = true}
    %dma_start3A_358 = arith.constant 2 : i32
    %dma_start3A_359 = arith.constant 3 : i32
    %dma_start3A_360 = arith.constant 2 : i32
    %dma_start3A_361 = arith.constant 0 : i32
    %dma_start3A_362 = arith.constant 0 : i32
    %dma_start3A_363 = tpu.memref_slice %arg9[%dma_start3A_360, %dma_start3A_361, %dma_start3A_362] : memref<3x64x304xf32, #tpu.memory_space<vmem>> -> memref<1x64x304xf32, #tpu.memory_space<vmem>>
    %dma_start3A_364 = tpu.memref_squeeze %dma_start3A_363 : memref<1x64x304xf32, #tpu.memory_space<vmem>> -> memref<64x304xf32, #tpu.memory_space<vmem>>
    %dma_start3A_365 = arith.constant 0 : i32
    %dma_start3A_366 = tpu.memref_slice %arg8[%dma_start3A_358, %dma_start3A_359, %dma_start3A_365] : memref<4x5x64xi32, #tpu.memory_space<vmem>> -> memref<1x1x64xi32, #tpu.memory_space<vmem>>
    %dma_start3A_367 = tpu.memref_squeeze %dma_start3A_366 : memref<1x1x64xi32, #tpu.memory_space<vmem>> -> memref<64xi32, #tpu.memory_space<vmem>>
    %dma_start3A_368 = arith.constant 0 : i32
    %dma_start3A_369 = arith.constant 0 : i32
    %dma_start3A_370 = tpu.memref_slice %arg5[%dma_start3A_368, %dma_start3A_369] : memref<2048x304xf32, #tpu.memory_space<hbm>> -> memref<2048x304xf32, #tpu.memory_space<hbm>>
    tpu.enqueue_indirect_dma source(%dma_start3A_370 : memref<2048x304xf32, #tpu.memory_space<hbm>>) target(%dma_start3A_364 : memref<64x304xf32, #tpu.memory_space<vmem>>) offsets(%dma_start3A_367 : memref<64xi32, #tpu.memory_space<vmem>>) semaphore(%arg19 : memref<!tpu.dma_semaphore, #tpu.memory_space<semaphore_mem>>) {add = true}
    %dma_start3A_371 = arith.constant 2 : i32
    %dma_start3A_372 = arith.constant 4 : i32
    %dma_start3A_373 = arith.constant 2 : i32
    %dma_start3A_374 = arith.constant 0 : i32
    %dma_start3A_375 = arith.constant 0 : i32
    %dma_start3A_376 = tpu.memref_slice %arg9[%dma_start3A_373, %dma_start3A_374, %dma_start3A_375] : memref<3x64x304xf32, #tpu.memory_space<vmem>> -> memref<1x64x304xf32, #tpu.memory_space<vmem>>
    %dma_start3A_377 = tpu.memref_squeeze %dma_start3A_376 : memref<1x64x304xf32, #tpu.memory_space<vmem>> -> memref<64x304xf32, #tpu.memory_space<vmem>>
    %dma_start3A_378 = arith.constant 0 : i32
    %dma_start3A_379 = tpu.memref_slice %arg8[%dma_start3A_371, %dma_start3A_372, %dma_start3A_378] : memref<4x5x64xi32, #tpu.memory_space<vmem>> -> memref<1x1x64xi32, #tpu.memory_space<vmem>>
    %dma_start3A_380 = tpu.memref_squeeze %dma_start3A_379 : memref<1x1x64xi32, #tpu.memory_space<vmem>> -> memref<64xi32, #tpu.memory_space<vmem>>
    %dma_start3A_381 = arith.constant 0 : i32
    %dma_start3A_382 = arith.constant 0 : i32
    %dma_start3A_383 = tpu.memref_slice %arg6[%dma_start3A_381, %dma_start3A_382] : memref<2048x304xf32, #tpu.memory_space<hbm>> -> memref<2048x304xf32, #tpu.memory_space<hbm>>
    tpu.enqueue_indirect_dma source(%dma_start3A_383 : memref<2048x304xf32, #tpu.memory_space<hbm>>) target(%dma_start3A_377 : memref<64x304xf32, #tpu.memory_space<vmem>>) offsets(%dma_start3A_380 : memref<64xi32, #tpu.memory_space<vmem>>) semaphore(%arg19 : memref<!tpu.dma_semaphore, #tpu.memory_space<semaphore_mem>>) {add = true}
    %dma_wait3A_384 = arith.constant 1 : i32
    %dma_wait3A_385 = arith.constant 2 : i32
    %dma_wait3A_386 = arith.constant 1 : i32
    %dma_wait3A_387 = arith.constant 0 : i32
    %dma_wait3A_388 = arith.constant 0 : i32
    %dma_wait3A_389 = tpu.memref_slice %arg9[%dma_wait3A_386, %dma_wait3A_387, %dma_wait3A_388] : memref<3x64x304xf32, #tpu.memory_space<vmem>> -> memref<1x64x304xf32, #tpu.memory_space<vmem>>
    %dma_wait3A_390 = tpu.memref_squeeze %dma_wait3A_389 : memref<1x64x304xf32, #tpu.memory_space<vmem>> -> memref<64x304xf32, #tpu.memory_space<vmem>>
    %dma_wait3A_391 = arith.constant 0 : i32
    %dma_wait3A_392 = tpu.memref_slice %arg8[%dma_wait3A_384, %dma_wait3A_385, %dma_wait3A_391] : memref<4x5x64xi32, #tpu.memory_space<vmem>> -> memref<1x1x64xi32, #tpu.memory_space<vmem>>
    %dma_wait3A_393 = tpu.memref_squeeze %dma_wait3A_392 : memref<1x1x64xi32, #tpu.memory_space<vmem>> -> memref<64xi32, #tpu.memory_space<vmem>>
    %dma_wait3A_394 = arith.constant 0 : i32
    %dma_wait3A_395 = arith.constant 0 : i32
    %dma_wait3A_396 = tpu.memref_slice %arg4[%dma_wait3A_394, %dma_wait3A_395] : memref<2048x304xf32, #tpu.memory_space<hbm>> -> memref<2048x304xf32, #tpu.memory_space<hbm>>
    tpu.wait_indirect_dma semaphore(%arg18 : memref<!tpu.dma_semaphore, #tpu.memory_space<semaphore_mem>>) src(%dma_wait3A_396 : memref<2048x304xf32, #tpu.memory_space<hbm>>) dst(%dma_wait3A_390 : memref<64x304xf32, #tpu.memory_space<vmem>>)
    %dma_wait3A_397 = arith.constant 1 : i32
    %dma_wait3A_398 = arith.constant 3 : i32
    %dma_wait3A_399 = arith.constant 1 : i32
    %dma_wait3A_400 = arith.constant 0 : i32
    %dma_wait3A_401 = arith.constant 0 : i32
    %dma_wait3A_402 = tpu.memref_slice %arg9[%dma_wait3A_399, %dma_wait3A_400, %dma_wait3A_401] : memref<3x64x304xf32, #tpu.memory_space<vmem>> -> memref<1x64x304xf32, #tpu.memory_space<vmem>>
    %dma_wait3A_403 = tpu.memref_squeeze %dma_wait3A_402 : memref<1x64x304xf32, #tpu.memory_space<vmem>> -> memref<64x304xf32, #tpu.memory_space<vmem>>
    %dma_wait3A_404 = arith.constant 0 : i32
    %dma_wait3A_405 = tpu.memref_slice %arg8[%dma_wait3A_397, %dma_wait3A_398, %dma_wait3A_404] : memref<4x5x64xi32, #tpu.memory_space<vmem>> -> memref<1x1x64xi32, #tpu.memory_space<vmem>>
    %dma_wait3A_406 = tpu.memref_squeeze %dma_wait3A_405 : memref<1x1x64xi32, #tpu.memory_space<vmem>> -> memref<64xi32, #tpu.memory_space<vmem>>
    %dma_wait3A_407 = arith.constant 0 : i32
    %dma_wait3A_408 = arith.constant 0 : i32
    %dma_wait3A_409 = tpu.memref_slice %arg5[%dma_wait3A_407, %dma_wait3A_408] : memref<2048x304xf32, #tpu.memory_space<hbm>> -> memref<2048x304xf32, #tpu.memory_space<hbm>>
    tpu.wait_indirect_dma semaphore(%arg18 : memref<!tpu.dma_semaphore, #tpu.memory_space<semaphore_mem>>) src(%dma_wait3A_409 : memref<2048x304xf32, #tpu.memory_space<hbm>>) dst(%dma_wait3A_403 : memref<64x304xf32, #tpu.memory_space<vmem>>)
    %dma_wait3A_410 = arith.constant 1 : i32
    %dma_wait3A_411 = arith.constant 4 : i32
    %dma_wait3A_412 = arith.constant 1 : i32
    %dma_wait3A_413 = arith.constant 0 : i32
    %dma_wait3A_414 = arith.constant 0 : i32
    %dma_wait3A_415 = tpu.memref_slice %arg9[%dma_wait3A_412, %dma_wait3A_413, %dma_wait3A_414] : memref<3x64x304xf32, #tpu.memory_space<vmem>> -> memref<1x64x304xf32, #tpu.memory_space<vmem>>
    %dma_wait3A_416 = tpu.memref_squeeze %dma_wait3A_415 : memref<1x64x304xf32, #tpu.memory_space<vmem>> -> memref<64x304xf32, #tpu.memory_space<vmem>>
    %dma_wait3A_417 = arith.constant 0 : i32
    %dma_wait3A_418 = tpu.memref_slice %arg8[%dma_wait3A_410, %dma_wait3A_411, %dma_wait3A_417] : memref<4x5x64xi32, #tpu.memory_space<vmem>> -> memref<1x1x64xi32, #tpu.memory_space<vmem>>
    %dma_wait3A_419 = tpu.memref_squeeze %dma_wait3A_418 : memref<1x1x64xi32, #tpu.memory_space<vmem>> -> memref<64xi32, #tpu.memory_space<vmem>>
    %dma_wait3A_420 = arith.constant 0 : i32
    %dma_wait3A_421 = arith.constant 0 : i32
    %dma_wait3A_422 = tpu.memref_slice %arg6[%dma_wait3A_420, %dma_wait3A_421] : memref<2048x304xf32, #tpu.memory_space<hbm>> -> memref<2048x304xf32, #tpu.memory_space<hbm>>
    tpu.wait_indirect_dma semaphore(%arg18 : memref<!tpu.dma_semaphore, #tpu.memory_space<semaphore_mem>>) src(%dma_wait3A_422 : memref<2048x304xf32, #tpu.memory_space<hbm>>) dst(%dma_wait3A_416 : memref<64x304xf32, #tpu.memory_space<vmem>>)
    %add3A_423 = arith.constant 3904 : i32
    %add3A_424 = arith.addi %mul3A_2, %add3A_423 : i32
    %dma_start3A_425 = arith.constant 1 : i32
    %dma_start3A_426 = arith.constant 0 : i32
    %dma_start3A_427 = arith.constant 0 : i32
    %dma_start3A_428 = tpu.memref_slice %arg9[%dma_start3A_425, %dma_start3A_426, %dma_start3A_427] : memref<3x64x304xf32, #tpu.memory_space<vmem>> -> memref<1x64x304xf32, #tpu.memory_space<vmem>>
    %dma_start3A_429 = tpu.memref_squeeze %dma_start3A_428 : memref<1x64x304xf32, #tpu.memory_space<vmem>> -> memref<64x304xf32, #tpu.memory_space<vmem>>
    %dma_start3A_430 = arith.constant 0 : i32
    %dma_start3A_431 = tpu.memref_slice %arg7[%add3A_424, %dma_start3A_430] : memref<131072x304xf32, #tpu.memory_space<hbm>> -> memref<64x304xf32, #tpu.memory_space<hbm>>
    %dma_start3A_432 = arith.constant 0 : i32
    %dma_start3A_433 = tpu.memref_slice %arg7[%add3A_424, %dma_start3A_432] : memref<131072x304xf32, #tpu.memory_space<hbm>> -> memref<64x304xf32, #tpu.memory_space<hbm>>
    %dma_start3A_434 = arith.constant 0 : i32
    %dma_start3A_435 = arith.constant 0 : i32
    %dma_start3A_436 = tpu.memref_slice %arg9[%dma_start3A_425, %dma_start3A_434, %dma_start3A_435] : memref<3x64x304xf32, #tpu.memory_space<vmem>> -> memref<1x64x304xf32, #tpu.memory_space<vmem>>
    %dma_start3A_437 = tpu.memref_squeeze %dma_start3A_436 : memref<1x64x304xf32, #tpu.memory_space<vmem>> -> memref<64x304xf32, #tpu.memory_space<vmem>>
    tpu.enqueue_dma source(%dma_start3A_437 : memref<64x304xf32, #tpu.memory_space<vmem>>) target(%dma_start3A_433 : memref<64x304xf32, #tpu.memory_space<hbm>>) target_semaphore(%arg21 : memref<!tpu.dma_semaphore, #tpu.memory_space<semaphore_mem>>)
    %dma_wait3A_438 = arith.constant 0 : i32
    %dma_wait3A_439 = arith.constant 0 : i32
    %dma_wait3A_440 = arith.constant 0 : i32
    %dma_wait3A_441 = tpu.memref_slice %arg9[%dma_wait3A_438, %dma_wait3A_439, %dma_wait3A_440] : memref<3x64x304xf32, #tpu.memory_space<vmem>> -> memref<1x64x304xf32, #tpu.memory_space<vmem>>
    %dma_wait3A_442 = tpu.memref_squeeze %dma_wait3A_441 : memref<1x64x304xf32, #tpu.memory_space<vmem>> -> memref<64x304xf32, #tpu.memory_space<vmem>>
    %dma_wait3A_443 = arith.constant 0 : i32
    %dma_wait3A_444 = tpu.memref_slice %arg7[%mul3A_2, %dma_wait3A_443] : memref<131072x304xf32, #tpu.memory_space<hbm>> -> memref<64x304xf32, #tpu.memory_space<hbm>>
    %dma_wait3A_445 = arith.constant 0 : i32
    %dma_wait3A_446 = tpu.memref_slice %arg7[%mul3A_2, %dma_wait3A_445] : memref<131072x304xf32, #tpu.memory_space<hbm>> -> memref<64x304xf32, #tpu.memory_space<hbm>>
    %dma_wait3A_447 = arith.constant 0 : i32
    %dma_wait3A_448 = arith.constant 0 : i32
    %dma_wait3A_449 = tpu.memref_slice %arg9[%dma_wait3A_438, %dma_wait3A_447, %dma_wait3A_448] : memref<3x64x304xf32, #tpu.memory_space<vmem>> -> memref<1x64x304xf32, #tpu.memory_space<vmem>>
    %dma_wait3A_450 = tpu.memref_squeeze %dma_wait3A_449 : memref<1x64x304xf32, #tpu.memory_space<vmem>> -> memref<64x304xf32, #tpu.memory_space<vmem>>
    tpu.wait_dma2 semaphore(%arg20 : memref<!tpu.dma_semaphore, #tpu.memory_space<semaphore_mem>>) src(%dma_wait3A_450 : memref<64x304xf32, #tpu.memory_space<vmem>>) dst(%dma_wait3A_446 : memref<64x304xf32, #tpu.memory_space<hbm>>)
    %dma_wait3A_451 = arith.constant 3 : i32
    %dma_wait3A_452 = arith.constant 0 : i32
    %dma_wait3A_453 = arith.constant 0 : i32
    %dma_wait3A_454 = tpu.memref_slice %arg8[%dma_wait3A_451, %dma_wait3A_452, %dma_wait3A_453] : memref<4x5x64xi32, #tpu.memory_space<vmem>> -> memref<1x5x64xi32, #tpu.memory_space<vmem>>
    %dma_wait3A_455 = tpu.memref_squeeze %dma_wait3A_454 : memref<1x5x64xi32, #tpu.memory_space<vmem>> -> memref<5x64xi32, #tpu.memory_space<vmem>>
    %dma_wait3A_456 = arith.constant 0 : i32
    %dma_wait3A_457 = arith.constant 0 : i32
    %dma_wait3A_458 = tpu.memref_slice %arg2[%mul3A_4, %dma_wait3A_456, %dma_wait3A_457] : memref<2048x5x64xi32, #tpu.memory_space<hbm>> -> memref<1x5x64xi32, #tpu.memory_space<hbm>>
    %dma_wait3A_459 = tpu.memref_squeeze %dma_wait3A_458 : memref<1x5x64xi32, #tpu.memory_space<hbm>> -> memref<5x64xi32, #tpu.memory_space<hbm>>
    %dma_wait3A_460 = arith.constant 0 : i32
    %dma_wait3A_461 = arith.constant 0 : i32
    %dma_wait3A_462 = tpu.memref_slice %arg8[%dma_wait3A_451, %dma_wait3A_460, %dma_wait3A_461] : memref<4x5x64xi32, #tpu.memory_space<vmem>> -> memref<1x5x64xi32, #tpu.memory_space<vmem>>
    %dma_wait3A_463 = tpu.memref_squeeze %dma_wait3A_462 : memref<1x5x64xi32, #tpu.memory_space<vmem>> -> memref<5x64xi32, #tpu.memory_space<vmem>>
    %dma_wait3A_464 = arith.constant 0 : i32
    %dma_wait3A_465 = arith.constant 0 : i32
    %dma_wait3A_466 = tpu.memref_slice %arg2[%mul3A_4, %dma_wait3A_464, %dma_wait3A_465] : memref<2048x5x64xi32, #tpu.memory_space<hbm>> -> memref<1x5x64xi32, #tpu.memory_space<hbm>>
    %dma_wait3A_467 = tpu.memref_squeeze %dma_wait3A_466 : memref<1x5x64xi32, #tpu.memory_space<hbm>> -> memref<5x64xi32, #tpu.memory_space<hbm>>
    tpu.wait_dma2 semaphore(%arg13 : memref<!tpu.dma_semaphore, #tpu.memory_space<semaphore_mem>>) src(%dma_wait3A_467 : memref<5x64xi32, #tpu.memory_space<hbm>>) dst(%dma_wait3A_463 : memref<5x64xi32, #tpu.memory_space<vmem>>)
    %dma_start3A_468 = arith.constant 3 : i32
    %dma_start3A_469 = arith.constant 0 : i32
    %dma_start3A_470 = arith.constant 0 : i32
    %dma_start3A_471 = arith.constant 0 : i32
    %dma_start3A_472 = arith.constant 0 : i32
    %dma_start3A_473 = tpu.memref_slice %arg9[%dma_start3A_470, %dma_start3A_471, %dma_start3A_472] : memref<3x64x304xf32, #tpu.memory_space<vmem>> -> memref<1x64x304xf32, #tpu.memory_space<vmem>>
    %dma_start3A_474 = tpu.memref_squeeze %dma_start3A_473 : memref<1x64x304xf32, #tpu.memory_space<vmem>> -> memref<64x304xf32, #tpu.memory_space<vmem>>
    %dma_start3A_475 = arith.constant 0 : i32
    %dma_start3A_476 = tpu.memref_slice %arg8[%dma_start3A_468, %dma_start3A_469, %dma_start3A_475] : memref<4x5x64xi32, #tpu.memory_space<vmem>> -> memref<1x1x64xi32, #tpu.memory_space<vmem>>
    %dma_start3A_477 = tpu.memref_squeeze %dma_start3A_476 : memref<1x1x64xi32, #tpu.memory_space<vmem>> -> memref<64xi32, #tpu.memory_space<vmem>>
    %dma_start3A_478 = arith.constant 0 : i32
    %dma_start3A_479 = arith.constant 0 : i32
    %dma_start3A_480 = tpu.memref_slice %arg3[%dma_start3A_478, %dma_start3A_479] : memref<2048x304xf32, #tpu.memory_space<hbm>> -> memref<2048x304xf32, #tpu.memory_space<hbm>>
    tpu.enqueue_indirect_dma source(%dma_start3A_480 : memref<2048x304xf32, #tpu.memory_space<hbm>>) target(%dma_start3A_474 : memref<64x304xf32, #tpu.memory_space<vmem>>) offsets(%dma_start3A_477 : memref<64xi32, #tpu.memory_space<vmem>>) semaphore(%arg14 : memref<!tpu.dma_semaphore, #tpu.memory_space<semaphore_mem>>)
    %dma_wait3A_481 = arith.constant 3 : i32
    %dma_wait3A_482 = arith.constant 0 : i32
    %dma_wait3A_483 = arith.constant 0 : i32
    %dma_wait3A_484 = arith.constant 0 : i32
    %dma_wait3A_485 = arith.constant 0 : i32
    %dma_wait3A_486 = tpu.memref_slice %arg9[%dma_wait3A_483, %dma_wait3A_484, %dma_wait3A_485] : memref<3x64x304xf32, #tpu.memory_space<vmem>> -> memref<1x64x304xf32, #tpu.memory_space<vmem>>
    %dma_wait3A_487 = tpu.memref_squeeze %dma_wait3A_486 : memref<1x64x304xf32, #tpu.memory_space<vmem>> -> memref<64x304xf32, #tpu.memory_space<vmem>>
    %dma_wait3A_488 = arith.constant 0 : i32
    %dma_wait3A_489 = tpu.memref_slice %arg8[%dma_wait3A_481, %dma_wait3A_482, %dma_wait3A_488] : memref<4x5x64xi32, #tpu.memory_space<vmem>> -> memref<1x1x64xi32, #tpu.memory_space<vmem>>
    %dma_wait3A_490 = tpu.memref_squeeze %dma_wait3A_489 : memref<1x1x64xi32, #tpu.memory_space<vmem>> -> memref<64xi32, #tpu.memory_space<vmem>>
    %dma_wait3A_491 = arith.constant 0 : i32
    %dma_wait3A_492 = arith.constant 0 : i32
    %dma_wait3A_493 = tpu.memref_slice %arg3[%dma_wait3A_491, %dma_wait3A_492] : memref<2048x304xf32, #tpu.memory_space<hbm>> -> memref<2048x304xf32, #tpu.memory_space<hbm>>
    tpu.wait_indirect_dma semaphore(%arg14 : memref<!tpu.dma_semaphore, #tpu.memory_space<semaphore_mem>>) src(%dma_wait3A_493 : memref<2048x304xf32, #tpu.memory_space<hbm>>) dst(%dma_wait3A_487 : memref<64x304xf32, #tpu.memory_space<vmem>>)
    %dma_start3A_494 = arith.constant 3 : i32
    %dma_start3A_495 = arith.constant 2 : i32
    %dma_start3A_496 = arith.constant 0 : i32
    %dma_start3A_497 = arith.constant 0 : i32
    %dma_start3A_498 = arith.constant 0 : i32
    %dma_start3A_499 = tpu.memref_slice %arg9[%dma_start3A_496, %dma_start3A_497, %dma_start3A_498] : memref<3x64x304xf32, #tpu.memory_space<vmem>> -> memref<1x64x304xf32, #tpu.memory_space<vmem>>
    %dma_start3A_500 = tpu.memref_squeeze %dma_start3A_499 : memref<1x64x304xf32, #tpu.memory_space<vmem>> -> memref<64x304xf32, #tpu.memory_space<vmem>>
    %dma_start3A_501 = arith.constant 0 : i32
    %dma_start3A_502 = tpu.memref_slice %arg8[%dma_start3A_494, %dma_start3A_495, %dma_start3A_501] : memref<4x5x64xi32, #tpu.memory_space<vmem>> -> memref<1x1x64xi32, #tpu.memory_space<vmem>>
    %dma_start3A_503 = tpu.memref_squeeze %dma_start3A_502 : memref<1x1x64xi32, #tpu.memory_space<vmem>> -> memref<64xi32, #tpu.memory_space<vmem>>
    %dma_start3A_504 = arith.constant 0 : i32
    %dma_start3A_505 = arith.constant 0 : i32
    %dma_start3A_506 = tpu.memref_slice %arg4[%dma_start3A_504, %dma_start3A_505] : memref<2048x304xf32, #tpu.memory_space<hbm>> -> memref<2048x304xf32, #tpu.memory_space<hbm>>
    tpu.enqueue_indirect_dma source(%dma_start3A_506 : memref<2048x304xf32, #tpu.memory_space<hbm>>) target(%dma_start3A_500 : memref<64x304xf32, #tpu.memory_space<vmem>>) offsets(%dma_start3A_503 : memref<64xi32, #tpu.memory_space<vmem>>) semaphore(%arg17 : memref<!tpu.dma_semaphore, #tpu.memory_space<semaphore_mem>>) {add = true}
    %dma_start3A_507 = arith.constant 3 : i32
    %dma_start3A_508 = arith.constant 3 : i32
    %dma_start3A_509 = arith.constant 0 : i32
    %dma_start3A_510 = arith.constant 0 : i32
    %dma_start3A_511 = arith.constant 0 : i32
    %dma_start3A_512 = tpu.memref_slice %arg9[%dma_start3A_509, %dma_start3A_510, %dma_start3A_511] : memref<3x64x304xf32, #tpu.memory_space<vmem>> -> memref<1x64x304xf32, #tpu.memory_space<vmem>>
    %dma_start3A_513 = tpu.memref_squeeze %dma_start3A_512 : memref<1x64x304xf32, #tpu.memory_space<vmem>> -> memref<64x304xf32, #tpu.memory_space<vmem>>
    %dma_start3A_514 = arith.constant 0 : i32
    %dma_start3A_515 = tpu.memref_slice %arg8[%dma_start3A_507, %dma_start3A_508, %dma_start3A_514] : memref<4x5x64xi32, #tpu.memory_space<vmem>> -> memref<1x1x64xi32, #tpu.memory_space<vmem>>
    %dma_start3A_516 = tpu.memref_squeeze %dma_start3A_515 : memref<1x1x64xi32, #tpu.memory_space<vmem>> -> memref<64xi32, #tpu.memory_space<vmem>>
    %dma_start3A_517 = arith.constant 0 : i32
    %dma_start3A_518 = arith.constant 0 : i32
    %dma_start3A_519 = tpu.memref_slice %arg5[%dma_start3A_517, %dma_start3A_518] : memref<2048x304xf32, #tpu.memory_space<hbm>> -> memref<2048x304xf32, #tpu.memory_space<hbm>>
    tpu.enqueue_indirect_dma source(%dma_start3A_519 : memref<2048x304xf32, #tpu.memory_space<hbm>>) target(%dma_start3A_513 : memref<64x304xf32, #tpu.memory_space<vmem>>) offsets(%dma_start3A_516 : memref<64xi32, #tpu.memory_space<vmem>>) semaphore(%arg17 : memref<!tpu.dma_semaphore, #tpu.memory_space<semaphore_mem>>) {add = true}
    %dma_start3A_520 = arith.constant 3 : i32
    %dma_start3A_521 = arith.constant 4 : i32
    %dma_start3A_522 = arith.constant 0 : i32
    %dma_start3A_523 = arith.constant 0 : i32
    %dma_start3A_524 = arith.constant 0 : i32
    %dma_start3A_525 = tpu.memref_slice %arg9[%dma_start3A_522, %dma_start3A_523, %dma_start3A_524] : memref<3x64x304xf32, #tpu.memory_space<vmem>> -> memref<1x64x304xf32, #tpu.memory_space<vmem>>
    %dma_start3A_526 = tpu.memref_squeeze %dma_start3A_525 : memref<1x64x304xf32, #tpu.memory_space<vmem>> -> memref<64x304xf32, #tpu.memory_space<vmem>>
    %dma_start3A_527 = arith.constant 0 : i32
    %dma_start3A_528 = tpu.memref_slice %arg8[%dma_start3A_520, %dma_start3A_521, %dma_start3A_527] : memref<4x5x64xi32, #tpu.memory_space<vmem>> -> memref<1x1x64xi32, #tpu.memory_space<vmem>>
    %dma_start3A_529 = tpu.memref_squeeze %dma_start3A_528 : memref<1x1x64xi32, #tpu.memory_space<vmem>> -> memref<64xi32, #tpu.memory_space<vmem>>
    %dma_start3A_530 = arith.constant 0 : i32
    %dma_start3A_531 = arith.constant 0 : i32
    %dma_start3A_532 = tpu.memref_slice %arg6[%dma_start3A_530, %dma_start3A_531] : memref<2048x304xf32, #tpu.memory_space<hbm>> -> memref<2048x304xf32, #tpu.memory_space<hbm>>
    tpu.enqueue_indirect_dma source(%dma_start3A_532 : memref<2048x304xf32, #tpu.memory_space<hbm>>) target(%dma_start3A_526 : memref<64x304xf32, #tpu.memory_space<vmem>>) offsets(%dma_start3A_529 : memref<64xi32, #tpu.memory_space<vmem>>) semaphore(%arg17 : memref<!tpu.dma_semaphore, #tpu.memory_space<semaphore_mem>>) {add = true}
    %dma_wait3A_533 = arith.constant 2 : i32
    %dma_wait3A_534 = arith.constant 2 : i32
    %dma_wait3A_535 = arith.constant 2 : i32
    %dma_wait3A_536 = arith.constant 0 : i32
    %dma_wait3A_537 = arith.constant 0 : i32
    %dma_wait3A_538 = tpu.memref_slice %arg9[%dma_wait3A_535, %dma_wait3A_536, %dma_wait3A_537] : memref<3x64x304xf32, #tpu.memory_space<vmem>> -> memref<1x64x304xf32, #tpu.memory_space<vmem>>
    %dma_wait3A_539 = tpu.memref_squeeze %dma_wait3A_538 : memref<1x64x304xf32, #tpu.memory_space<vmem>> -> memref<64x304xf32, #tpu.memory_space<vmem>>
    %dma_wait3A_540 = arith.constant 0 : i32
    %dma_wait3A_541 = tpu.memref_slice %arg8[%dma_wait3A_533, %dma_wait3A_534, %dma_wait3A_540] : memref<4x5x64xi32, #tpu.memory_space<vmem>> -> memref<1x1x64xi32, #tpu.memory_space<vmem>>
    %dma_wait3A_542 = tpu.memref_squeeze %dma_wait3A_541 : memref<1x1x64xi32, #tpu.memory_space<vmem>> -> memref<64xi32, #tpu.memory_space<vmem>>
    %dma_wait3A_543 = arith.constant 0 : i32
    %dma_wait3A_544 = arith.constant 0 : i32
    %dma_wait3A_545 = tpu.memref_slice %arg4[%dma_wait3A_543, %dma_wait3A_544] : memref<2048x304xf32, #tpu.memory_space<hbm>> -> memref<2048x304xf32, #tpu.memory_space<hbm>>
    tpu.wait_indirect_dma semaphore(%arg19 : memref<!tpu.dma_semaphore, #tpu.memory_space<semaphore_mem>>) src(%dma_wait3A_545 : memref<2048x304xf32, #tpu.memory_space<hbm>>) dst(%dma_wait3A_539 : memref<64x304xf32, #tpu.memory_space<vmem>>)
    %dma_wait3A_546 = arith.constant 2 : i32
    %dma_wait3A_547 = arith.constant 3 : i32
    %dma_wait3A_548 = arith.constant 2 : i32
    %dma_wait3A_549 = arith.constant 0 : i32
    %dma_wait3A_550 = arith.constant 0 : i32
    %dma_wait3A_551 = tpu.memref_slice %arg9[%dma_wait3A_548, %dma_wait3A_549, %dma_wait3A_550] : memref<3x64x304xf32, #tpu.memory_space<vmem>> -> memref<1x64x304xf32, #tpu.memory_space<vmem>>
    %dma_wait3A_552 = tpu.memref_squeeze %dma_wait3A_551 : memref<1x64x304xf32, #tpu.memory_space<vmem>> -> memref<64x304xf32, #tpu.memory_space<vmem>>
    %dma_wait3A_553 = arith.constant 0 : i32
    %dma_wait3A_554 = tpu.memref_slice %arg8[%dma_wait3A_546, %dma_wait3A_547, %dma_wait3A_553] : memref<4x5x64xi32, #tpu.memory_space<vmem>> -> memref<1x1x64xi32, #tpu.memory_space<vmem>>
    %dma_wait3A_555 = tpu.memref_squeeze %dma_wait3A_554 : memref<1x1x64xi32, #tpu.memory_space<vmem>> -> memref<64xi32, #tpu.memory_space<vmem>>
    %dma_wait3A_556 = arith.constant 0 : i32
    %dma_wait3A_557 = arith.constant 0 : i32
    %dma_wait3A_558 = tpu.memref_slice %arg5[%dma_wait3A_556, %dma_wait3A_557] : memref<2048x304xf32, #tpu.memory_space<hbm>> -> memref<2048x304xf32, #tpu.memory_space<hbm>>
    tpu.wait_indirect_dma semaphore(%arg19 : memref<!tpu.dma_semaphore, #tpu.memory_space<semaphore_mem>>) src(%dma_wait3A_558 : memref<2048x304xf32, #tpu.memory_space<hbm>>) dst(%dma_wait3A_552 : memref<64x304xf32, #tpu.memory_space<vmem>>)
    %dma_wait3A_559 = arith.constant 2 : i32
    %dma_wait3A_560 = arith.constant 4 : i32
    %dma_wait3A_561 = arith.constant 2 : i32
    %dma_wait3A_562 = arith.constant 0 : i32
    %dma_wait3A_563 = arith.constant 0 : i32
    %dma_wait3A_564 = tpu.memref_slice %arg9[%dma_wait3A_561, %dma_wait3A_562, %dma_wait3A_563] : memref<3x64x304xf32, #tpu.memory_space<vmem>> -> memref<1x64x304xf32, #tpu.memory_space<vmem>>
    %dma_wait3A_565 = tpu.memref_squeeze %dma_wait3A_564 : memref<1x64x304xf32, #tpu.memory_space<vmem>> -> memref<64x304xf32, #tpu.memory_space<vmem>>
    %dma_wait3A_566 = arith.constant 0 : i32
    %dma_wait3A_567 = tpu.memref_slice %arg8[%dma_wait3A_559, %dma_wait3A_560, %dma_wait3A_566] : memref<4x5x64xi32, #tpu.memory_space<vmem>> -> memref<1x1x64xi32, #tpu.memory_space<vmem>>
    %dma_wait3A_568 = tpu.memref_squeeze %dma_wait3A_567 : memref<1x1x64xi32, #tpu.memory_space<vmem>> -> memref<64xi32, #tpu.memory_space<vmem>>
    %dma_wait3A_569 = arith.constant 0 : i32
    %dma_wait3A_570 = arith.constant 0 : i32
    %dma_wait3A_571 = tpu.memref_slice %arg6[%dma_wait3A_569, %dma_wait3A_570] : memref<2048x304xf32, #tpu.memory_space<hbm>> -> memref<2048x304xf32, #tpu.memory_space<hbm>>
    tpu.wait_indirect_dma semaphore(%arg19 : memref<!tpu.dma_semaphore, #tpu.memory_space<semaphore_mem>>) src(%dma_wait3A_571 : memref<2048x304xf32, #tpu.memory_space<hbm>>) dst(%dma_wait3A_565 : memref<64x304xf32, #tpu.memory_space<vmem>>)
    %add3A_572 = arith.constant 3968 : i32
    %add3A_573 = arith.addi %mul3A_2, %add3A_572 : i32
    %dma_start3A_574 = arith.constant 2 : i32
    %dma_start3A_575 = arith.constant 0 : i32
    %dma_start3A_576 = arith.constant 0 : i32
    %dma_start3A_577 = tpu.memref_slice %arg9[%dma_start3A_574, %dma_start3A_575, %dma_start3A_576] : memref<3x64x304xf32, #tpu.memory_space<vmem>> -> memref<1x64x304xf32, #tpu.memory_space<vmem>>
    %dma_start3A_578 = tpu.memref_squeeze %dma_start3A_577 : memref<1x64x304xf32, #tpu.memory_space<vmem>> -> memref<64x304xf32, #tpu.memory_space<vmem>>
    %dma_start3A_579 = arith.constant 0 : i32
    %dma_start3A_580 = tpu.memref_slice %arg7[%add3A_573, %dma_start3A_579] : memref<131072x304xf32, #tpu.memory_space<hbm>> -> memref<64x304xf32, #tpu.memory_space<hbm>>
    %dma_start3A_581 = arith.constant 0 : i32
    %dma_start3A_582 = tpu.memref_slice %arg7[%add3A_573, %dma_start3A_581] : memref<131072x304xf32, #tpu.memory_space<hbm>> -> memref<64x304xf32, #tpu.memory_space<hbm>>
    %dma_start3A_583 = arith.constant 0 : i32
    %dma_start3A_584 = arith.constant 0 : i32
    %dma_start3A_585 = tpu.memref_slice %arg9[%dma_start3A_574, %dma_start3A_583, %dma_start3A_584] : memref<3x64x304xf32, #tpu.memory_space<vmem>> -> memref<1x64x304xf32, #tpu.memory_space<vmem>>
    %dma_start3A_586 = tpu.memref_squeeze %dma_start3A_585 : memref<1x64x304xf32, #tpu.memory_space<vmem>> -> memref<64x304xf32, #tpu.memory_space<vmem>>
    tpu.enqueue_dma source(%dma_start3A_586 : memref<64x304xf32, #tpu.memory_space<vmem>>) target(%dma_start3A_582 : memref<64x304xf32, #tpu.memory_space<hbm>>) target_semaphore(%arg22 : memref<!tpu.dma_semaphore, #tpu.memory_space<semaphore_mem>>)
    %dma_wait3A_587 = arith.constant 3 : i32
    %dma_wait3A_588 = arith.constant 2 : i32
    %dma_wait3A_589 = arith.constant 0 : i32
    %dma_wait3A_590 = arith.constant 0 : i32
    %dma_wait3A_591 = arith.constant 0 : i32
    %dma_wait3A_592 = tpu.memref_slice %arg9[%dma_wait3A_589, %dma_wait3A_590, %dma_wait3A_591] : memref<3x64x304xf32, #tpu.memory_space<vmem>> -> memref<1x64x304xf32, #tpu.memory_space<vmem>>
    %dma_wait3A_593 = tpu.memref_squeeze %dma_wait3A_592 : memref<1x64x304xf32, #tpu.memory_space<vmem>> -> memref<64x304xf32, #tpu.memory_space<vmem>>
    %dma_wait3A_594 = arith.constant 0 : i32
    %dma_wait3A_595 = tpu.memref_slice %arg8[%dma_wait3A_587, %dma_wait3A_588, %dma_wait3A_594] : memref<4x5x64xi32, #tpu.memory_space<vmem>> -> memref<1x1x64xi32, #tpu.memory_space<vmem>>
    %dma_wait3A_596 = tpu.memref_squeeze %dma_wait3A_595 : memref<1x1x64xi32, #tpu.memory_space<vmem>> -> memref<64xi32, #tpu.memory_space<vmem>>
    %dma_wait3A_597 = arith.constant 0 : i32
    %dma_wait3A_598 = arith.constant 0 : i32
    %dma_wait3A_599 = tpu.memref_slice %arg4[%dma_wait3A_597, %dma_wait3A_598] : memref<2048x304xf32, #tpu.memory_space<hbm>> -> memref<2048x304xf32, #tpu.memory_space<hbm>>
    tpu.wait_indirect_dma semaphore(%arg17 : memref<!tpu.dma_semaphore, #tpu.memory_space<semaphore_mem>>) src(%dma_wait3A_599 : memref<2048x304xf32, #tpu.memory_space<hbm>>) dst(%dma_wait3A_593 : memref<64x304xf32, #tpu.memory_space<vmem>>)
    %dma_wait3A_600 = arith.constant 3 : i32
    %dma_wait3A_601 = arith.constant 3 : i32
    %dma_wait3A_602 = arith.constant 0 : i32
    %dma_wait3A_603 = arith.constant 0 : i32
    %dma_wait3A_604 = arith.constant 0 : i32
    %dma_wait3A_605 = tpu.memref_slice %arg9[%dma_wait3A_602, %dma_wait3A_603, %dma_wait3A_604] : memref<3x64x304xf32, #tpu.memory_space<vmem>> -> memref<1x64x304xf32, #tpu.memory_space<vmem>>
    %dma_wait3A_606 = tpu.memref_squeeze %dma_wait3A_605 : memref<1x64x304xf32, #tpu.memory_space<vmem>> -> memref<64x304xf32, #tpu.memory_space<vmem>>
    %dma_wait3A_607 = arith.constant 0 : i32
    %dma_wait3A_608 = tpu.memref_slice %arg8[%dma_wait3A_600, %dma_wait3A_601, %dma_wait3A_607] : memref<4x5x64xi32, #tpu.memory_space<vmem>> -> memref<1x1x64xi32, #tpu.memory_space<vmem>>
    %dma_wait3A_609 = tpu.memref_squeeze %dma_wait3A_608 : memref<1x1x64xi32, #tpu.memory_space<vmem>> -> memref<64xi32, #tpu.memory_space<vmem>>
    %dma_wait3A_610 = arith.constant 0 : i32
    %dma_wait3A_611 = arith.constant 0 : i32
    %dma_wait3A_612 = tpu.memref_slice %arg5[%dma_wait3A_610, %dma_wait3A_611] : memref<2048x304xf32, #tpu.memory_space<hbm>> -> memref<2048x304xf32, #tpu.memory_space<hbm>>
    tpu.wait_indirect_dma semaphore(%arg17 : memref<!tpu.dma_semaphore, #tpu.memory_space<semaphore_mem>>) src(%dma_wait3A_612 : memref<2048x304xf32, #tpu.memory_space<hbm>>) dst(%dma_wait3A_606 : memref<64x304xf32, #tpu.memory_space<vmem>>)
    %dma_wait3A_613 = arith.constant 3 : i32
    %dma_wait3A_614 = arith.constant 4 : i32
    %dma_wait3A_615 = arith.constant 0 : i32
    %dma_wait3A_616 = arith.constant 0 : i32
    %dma_wait3A_617 = arith.constant 0 : i32
    %dma_wait3A_618 = tpu.memref_slice %arg9[%dma_wait3A_615, %dma_wait3A_616, %dma_wait3A_617] : memref<3x64x304xf32, #tpu.memory_space<vmem>> -> memref<1x64x304xf32, #tpu.memory_space<vmem>>
    %dma_wait3A_619 = tpu.memref_squeeze %dma_wait3A_618 : memref<1x64x304xf32, #tpu.memory_space<vmem>> -> memref<64x304xf32, #tpu.memory_space<vmem>>
    %dma_wait3A_620 = arith.constant 0 : i32
    %dma_wait3A_621 = tpu.memref_slice %arg8[%dma_wait3A_613, %dma_wait3A_614, %dma_wait3A_620] : memref<4x5x64xi32, #tpu.memory_space<vmem>> -> memref<1x1x64xi32, #tpu.memory_space<vmem>>
    %dma_wait3A_622 = tpu.memref_squeeze %dma_wait3A_621 : memref<1x1x64xi32, #tpu.memory_space<vmem>> -> memref<64xi32, #tpu.memory_space<vmem>>
    %dma_wait3A_623 = arith.constant 0 : i32
    %dma_wait3A_624 = arith.constant 0 : i32
    %dma_wait3A_625 = tpu.memref_slice %arg6[%dma_wait3A_623, %dma_wait3A_624] : memref<2048x304xf32, #tpu.memory_space<hbm>> -> memref<2048x304xf32, #tpu.memory_space<hbm>>
    tpu.wait_indirect_dma semaphore(%arg17 : memref<!tpu.dma_semaphore, #tpu.memory_space<semaphore_mem>>) src(%dma_wait3A_625 : memref<2048x304xf32, #tpu.memory_space<hbm>>) dst(%dma_wait3A_619 : memref<64x304xf32, #tpu.memory_space<vmem>>)
    %add3A_626 = arith.constant 4032 : i32
    %add3A_627 = arith.addi %mul3A_2, %add3A_626 : i32
    %dma_start3A_628 = arith.constant 0 : i32
    %dma_start3A_629 = arith.constant 0 : i32
    %dma_start3A_630 = arith.constant 0 : i32
    %dma_start3A_631 = tpu.memref_slice %arg9[%dma_start3A_628, %dma_start3A_629, %dma_start3A_630] : memref<3x64x304xf32, #tpu.memory_space<vmem>> -> memref<1x64x304xf32, #tpu.memory_space<vmem>>
    %dma_start3A_632 = tpu.memref_squeeze %dma_start3A_631 : memref<1x64x304xf32, #tpu.memory_space<vmem>> -> memref<64x304xf32, #tpu.memory_space<vmem>>
    %dma_start3A_633 = arith.constant 0 : i32
    %dma_start3A_634 = tpu.memref_slice %arg7[%add3A_627, %dma_start3A_633] : memref<131072x304xf32, #tpu.memory_space<hbm>> -> memref<64x304xf32, #tpu.memory_space<hbm>>
    %dma_start3A_635 = arith.constant 0 : i32
    %dma_start3A_636 = tpu.memref_slice %arg7[%add3A_627, %dma_start3A_635] : memref<131072x304xf32, #tpu.memory_space<hbm>> -> memref<64x304xf32, #tpu.memory_space<hbm>>
    %dma_start3A_637 = arith.constant 0 : i32
    %dma_start3A_638 = arith.constant 0 : i32
    %dma_start3A_639 = tpu.memref_slice %arg9[%dma_start3A_628, %dma_start3A_637, %dma_start3A_638] : memref<3x64x304xf32, #tpu.memory_space<vmem>> -> memref<1x64x304xf32, #tpu.memory_space<vmem>>
    %dma_start3A_640 = tpu.memref_squeeze %dma_start3A_639 : memref<1x64x304xf32, #tpu.memory_space<vmem>> -> memref<64x304xf32, #tpu.memory_space<vmem>>
    tpu.enqueue_dma source(%dma_start3A_640 : memref<64x304xf32, #tpu.memory_space<vmem>>) target(%dma_start3A_636 : memref<64x304xf32, #tpu.memory_space<hbm>>) target_semaphore(%arg20 : memref<!tpu.dma_semaphore, #tpu.memory_space<semaphore_mem>>)
    %dma_wait3A_641 = arith.constant 1 : i32
    %dma_wait3A_642 = arith.constant 0 : i32
    %dma_wait3A_643 = arith.constant 0 : i32
    %dma_wait3A_644 = tpu.memref_slice %arg9[%dma_wait3A_641, %dma_wait3A_642, %dma_wait3A_643] : memref<3x64x304xf32, #tpu.memory_space<vmem>> -> memref<1x64x304xf32, #tpu.memory_space<vmem>>
    %dma_wait3A_645 = tpu.memref_squeeze %dma_wait3A_644 : memref<1x64x304xf32, #tpu.memory_space<vmem>> -> memref<64x304xf32, #tpu.memory_space<vmem>>
    %dma_wait3A_646 = arith.constant 0 : i32
    %dma_wait3A_647 = tpu.memref_slice %arg7[%mul3A_2, %dma_wait3A_646] : memref<131072x304xf32, #tpu.memory_space<hbm>> -> memref<64x304xf32, #tpu.memory_space<hbm>>
    %dma_wait3A_648 = arith.constant 0 : i32
    %dma_wait3A_649 = tpu.memref_slice %arg7[%mul3A_2, %dma_wait3A_648] : memref<131072x304xf32, #tpu.memory_space<hbm>> -> memref<64x304xf32, #tpu.memory_space<hbm>>
    %dma_wait3A_650 = arith.constant 0 : i32
    %dma_wait3A_651 = arith.constant 0 : i32
    %dma_wait3A_652 = tpu.memref_slice %arg9[%dma_wait3A_641, %dma_wait3A_650, %dma_wait3A_651] : memref<3x64x304xf32, #tpu.memory_space<vmem>> -> memref<1x64x304xf32, #tpu.memory_space<vmem>>
    %dma_wait3A_653 = tpu.memref_squeeze %dma_wait3A_652 : memref<1x64x304xf32, #tpu.memory_space<vmem>> -> memref<64x304xf32, #tpu.memory_space<vmem>>
    tpu.wait_dma2 semaphore(%arg21 : memref<!tpu.dma_semaphore, #tpu.memory_space<semaphore_mem>>) src(%dma_wait3A_653 : memref<64x304xf32, #tpu.memory_space<vmem>>) dst(%dma_wait3A_649 : memref<64x304xf32, #tpu.memory_space<hbm>>)
    %dma_wait3A_654 = arith.constant 2 : i32
    %dma_wait3A_655 = arith.constant 0 : i32
    %dma_wait3A_656 = arith.constant 0 : i32
    %dma_wait3A_657 = tpu.memref_slice %arg9[%dma_wait3A_654, %dma_wait3A_655, %dma_wait3A_656] : memref<3x64x304xf32, #tpu.memory_space<vmem>> -> memref<1x64x304xf32, #tpu.memory_space<vmem>>
    %dma_wait3A_658 = tpu.memref_squeeze %dma_wait3A_657 : memref<1x64x304xf32, #tpu.memory_space<vmem>> -> memref<64x304xf32, #tpu.memory_space<vmem>>
    %dma_wait3A_659 = arith.constant 0 : i32
    %dma_wait3A_660 = tpu.memref_slice %arg7[%mul3A_2, %dma_wait3A_659] : memref<131072x304xf32, #tpu.memory_space<hbm>> -> memref<64x304xf32, #tpu.memory_space<hbm>>
    %dma_wait3A_661 = arith.constant 0 : i32
    %dma_wait3A_662 = tpu.memref_slice %arg7[%mul3A_2, %dma_wait3A_661] : memref<131072x304xf32, #tpu.memory_space<hbm>> -> memref<64x304xf32, #tpu.memory_space<hbm>>
    %dma_wait3A_663 = arith.constant 0 : i32
    %dma_wait3A_664 = arith.constant 0 : i32
    %dma_wait3A_665 = tpu.memref_slice %arg9[%dma_wait3A_654, %dma_wait3A_663, %dma_wait3A_664] : memref<3x64x304xf32, #tpu.memory_space<vmem>> -> memref<1x64x304xf32, #tpu.memory_space<vmem>>
    %dma_wait3A_666 = tpu.memref_squeeze %dma_wait3A_665 : memref<1x64x304xf32, #tpu.memory_space<vmem>> -> memref<64x304xf32, #tpu.memory_space<vmem>>
    tpu.wait_dma2 semaphore(%arg22 : memref<!tpu.dma_semaphore, #tpu.memory_space<semaphore_mem>>) src(%dma_wait3A_666 : memref<64x304xf32, #tpu.memory_space<vmem>>) dst(%dma_wait3A_662 : memref<64x304xf32, #tpu.memory_space<hbm>>)
    %dma_wait3A_667 = arith.constant 0 : i32
    %dma_wait3A_668 = arith.constant 0 : i32
    %dma_wait3A_669 = arith.constant 0 : i32
    %dma_wait3A_670 = tpu.memref_slice %arg9[%dma_wait3A_667, %dma_wait3A_668, %dma_wait3A_669] : memref<3x64x304xf32, #tpu.memory_space<vmem>> -> memref<1x64x304xf32, #tpu.memory_space<vmem>>
    %dma_wait3A_671 = tpu.memref_squeeze %dma_wait3A_670 : memref<1x64x304xf32, #tpu.memory_space<vmem>> -> memref<64x304xf32, #tpu.memory_space<vmem>>
    %dma_wait3A_672 = arith.constant 0 : i32
    %dma_wait3A_673 = tpu.memref_slice %arg7[%mul3A_2, %dma_wait3A_672] : memref<131072x304xf32, #tpu.memory_space<hbm>> -> memref<64x304xf32, #tpu.memory_space<hbm>>
    %dma_wait3A_674 = arith.constant 0 : i32
    %dma_wait3A_675 = tpu.memref_slice %arg7[%mul3A_2, %dma_wait3A_674] : memref<131072x304xf32, #tpu.memory_space<hbm>> -> memref<64x304xf32, #tpu.memory_space<hbm>>
    %dma_wait3A_676 = arith.constant 0 : i32
    %dma_wait3A_677 = arith.constant 0 : i32
    %dma_wait3A_678 = tpu.memref_slice %arg9[%dma_wait3A_667, %dma_wait3A_676, %dma_wait3A_677] : memref<3x64x304xf32, #tpu.memory_space<vmem>> -> memref<1x64x304xf32, #tpu.memory_space<vmem>>
    %dma_wait3A_679 = tpu.memref_squeeze %dma_wait3A_678 : memref<1x64x304xf32, #tpu.memory_space<vmem>> -> memref<64x304xf32, #tpu.memory_space<vmem>>
    tpu.wait_dma2 semaphore(%arg20 : memref<!tpu.dma_semaphore, #tpu.memory_space<semaphore_mem>>) src(%dma_wait3A_679 : memref<64x304xf32, #tpu.memory_space<vmem>>) dst(%dma_wait3A_675 : memref<64x304xf32, #tpu.memory_space<hbm>>)
    return
  }
}

module attributes {stable_mosaic.version = 14 : i64} {
  func.func @_combine_body(%arg0: i32, %arg1: memref<1024x300xf32, #tpu.memory_space<vmem>>, %arg2: memref<1024x304xf32, #tpu.memory_space<vmem>>, %arg3: memref<1024x1xf32, #tpu.memory_space<vmem>>, %arg4: memref<1x300xf32, #tpu.memory_space<vmem>>, %arg5: memref<1024x300xf32, #tpu.memory_space<vmem>>) attributes {dimension_semantics = [#tpu.dimension_semantics<arbitrary>], iteration_bounds = array<i64: 128>, scalar_prefetch = 0 : i64, scratch_operands = 0 : i64, tpu.core_type = #tpu.core_type<tc>, window_params = [{transform_indices = @transform_0, window_bounds = array<i64: 1024, 300>}, {transform_indices = @transform_1, window_bounds = array<i64: 1024, 304>}, {transform_indices = @transform_2, window_bounds = array<i64: 1024, 1>}, {pipeline_mode = #tpu.pipeline_mode<synchronous>, transform_indices = @transform_3, window_bounds = array<i64: 1, 300>}, {transform_indices = @transform_4, window_bounds = array<i64: 1024, 300>}]} {
    %get3A = arith.constant 0 : index
    %get3A_0 = arith.constant 0 : index
    %get3A_1 = vector.load %arg1[%get3A, %get3A_0] : memref<1024x300xf32, #tpu.memory_space<vmem>>, vector<1024x300xf32>
    %get3A_2 = arith.constant 0 : index
    %get3A_3 = arith.constant 0 : index
    %get3A_4 = vector.load %arg2[%get3A_2, %get3A_3] : memref<1024x304xf32, #tpu.memory_space<vmem>>, vector<1024x300xf32>
    %add3A = arith.addf %get3A_1, %get3A_4 : vector<1024x300xf32>
    %get3A_5 = arith.constant 0 : index
    %get3A_6 = arith.constant 0 : index
    %get3A_7 = vector.load %arg3[%get3A_5, %get3A_6] : memref<1024x1xf32, #tpu.memory_space<vmem>>, vector<1024x1xf32>
    %get3A_8 = arith.constant 0 : index
    %get3A_9 = arith.constant 0 : index
    %get3A_10 = vector.load %arg4[%get3A_8, %get3A_9] : memref<1x300xf32, #tpu.memory_space<vmem>>, vector<1x300xf32>
    %mul3A = vector.broadcast %get3A_7 : vector<1024x1xf32> to vector<1024x300xf32>
    %mul3A_11 = vector.broadcast %get3A_10 : vector<1x300xf32> to vector<1024x300xf32>
    %mul3A_12 = arith.mulf %mul3A, %mul3A_11 : vector<1024x300xf32>
    %add3A_13 = arith.addf %add3A, %mul3A_12 : vector<1024x300xf32>
    %swap3A = arith.constant 0 : index
    %swap3A_14 = arith.constant 0 : index
    %swap3A_15 = vector.load %arg5[%swap3A, %swap3A_14] : memref<1024x300xf32, #tpu.memory_space<vmem>>, vector<1024x300xf32>
    tpu.vector_store %arg5[%swap3A, %swap3A_14], %add3A_13 {strides = array<i32>} : memref<1024x300xf32, #tpu.memory_space<vmem>>, vector<1024x300xf32>,
    return
  }
  func.func @transform_0(%arg0: i32) -> (i32, i32) {
    %c0_i32 = arith.constant 0 : i32
    %c0_i32_0 = arith.constant 0 : i32
    return %arg0, %c0_i32 : i32, i32
  }
  func.func @transform_1(%arg0: i32) -> (i32, i32) {
    %c0_i32 = arith.constant 0 : i32
    %c0_i32_0 = arith.constant 0 : i32
    return %arg0, %c0_i32 : i32, i32
  }
  func.func @transform_2(%arg0: i32) -> (i32, i32) {
    %c0_i32 = arith.constant 0 : i32
    %c0_i32_0 = arith.constant 0 : i32
    return %arg0, %c0_i32 : i32, i32
  }
  func.func @transform_3(%arg0: i32) -> (i32, i32) {
    %c0_i32 = arith.constant 0 : i32
    %c0_i32_0 = arith.constant 0 : i32
    %c0_i32_1 = arith.constant 0 : i32
    return %c0_i32, %c0_i32_0 : i32, i32
  }
  func.func @transform_4(%arg0: i32) -> (i32, i32) {
    %c0_i32 = arith.constant 0 : i32
    %c0_i32_0 = arith.constant 0 : i32
    return %arg0, %c0_i32 : i32, i32
  }
}

</mosaic_0001>

<sc_bundles>
// kernel: kernel.4.cloned.1.call-start
scs
__scs_entry_jumppad:
0x0: {  	(pc) =	sbr.rel $0x88, $3  }
0x1: {  	(tag) =	ssettag $0x0;
	lr =	simm.s32 $0x1  }
0x2: {  	[smem:$0x3F96] =	sst lr;
	_ =	strace $0xD0000000  }
0x3: {  	_ = 	snop  }
0x4: {  	_ = 	snop  }
0x5: {  	_ = 	snop  }
0x6: {  	_ = 	snop  }
0x7: {  	_ = 	snop  }
__scs_overlays_trampoline_lowered:
0x8: {  	[smem:$0x3FA5] =	sst s0  }
0x9: {  	[smem:$0x3FA6] =	sst s1  }
0xa: {  	[smem:$0x3FA7] =	sst s2  }
0xb: {  	[smem:$0x3FA8] =	sst s3  }
0xc: {  	[smem:$0x3FA9] =	sst s4  }
0xd: {  	[smem:$0x3FAA] =	sst s5  }
0xe: {  	[smem:$0x3FAB] =	sst s6  }
0xf: {  	[smem:$0x3FAC] =	sst s7  }
0x10: {  	[smem:$0x3FAD] =	sst s8  }
0x11: {  	[smem:$0x3FAE] =	sst s9;
	s0 =	simm.s32 @!p0 $0x0  }
0x12: {  	s1 =	sld [smem:$0x3F94];
	s0 =	simm.s32 @p0 $0x1  }
0x13: {  	[smem:$0x3FAF] =	sst s0;
	s0 =	simm.s32 @!p1 $0x0  }
0x14: {  	s2 =	sld [smem:$0x3F93];
	s0 =	simm.s32 @p1 $0x1  }
0x15: {  	[smem:$0x3FB0] =	sst s0;
	s0 =	simm.s32 @!p2 $0x0  }
0x16: {  	s3 =	sld [smem:$0x3FDB];
	s0 =	simm.s32 @p2 $0x1  }
0x17: {  	s4 =	simm.s32 $0x1BF5;
	[smem:$0x3FB2] =	sst s0  }
0x18: {  	s0 =	sld [smem:$0x3F95];
	_ =	swait.ge [sflag:s4], $0x0  }
0x19: {  	s7 =	sld [smem:$0x3F96]  }
0x1a: {  	s8 =	sadd.s32 $0xFFFFE003, lr  }
0x1b: {  	s9 =	sadd.s32 $0xFFFFFEF7, lr;
	s5 =	simm.s32 $0xFFFFFFFF;
	p2 =	slt.u32 s8, $0xFFFFF086  }
0x1c: {  	p1 =	slt.u32 s9, $0xF7A;
	s5 =	simm.s32 @!p2 $0x0  }
0x1d: {  	s5 =	simm.s32 @p1 $0x1;
	p0 =	seq.s32 s7, s2  }
0x1e: {  	s7 =	smul.u32 @!p0 $0xF7A, s2;
	p2 =	seq.s32 @!p0 s5, $0x0  }
0x1f: {  	s9 =	smul.u32 $0xF7A, s1;
	s8 =	simm.s32 @!p0 $0x1BF5;
	p2 =	por !p2, p0  }
0x20: {  	[sflag:s8] =	ssyncset.s32 @!p0 $0xFFFFF086;
	s6 =	sadd.s32 @!p0 s3, s7;
	s7 =	simm.s32 @!p0 $0x108  }
0x21: {  	s3 =	sadd.s32 s3, s9;
	s6 =	sadd.s32 @!p0 $0x88, s6;
	s7 =	simm.s32 @p2 $0x1082  }
0x22: {  	[simem:s7], [sflag:s8] =	dma.local @!p0 [hbm:s6], $0xF7A  }
0x23: {  	s9 =	sor.u32 $0xD0000000, s2;
	s6 =	simm.s32 $0x108;
	_ =	swait.ge @!p0 [sflag:s8], $0x0  }
0x24: {  	s3 =	sadd.s32 $0x88, s3;
	s6 =	simm.s32 @!p1 $0x1082;
	[sflag:s4] =	ssyncset.s32 $0xFFFFF086  }
0x25: {  	[simem:s6], [sflag:s4] =	dma.local [hbm:s3], $0xF7A  }
0x26: {  	[smem:$0x3F96] =	sst s1;
	(tag) =	ssettag s2;
	_ =	strace s9  }
0x27: {  	s1 =	sld [smem:$0x3FA6]  }
0x28: {  	s2 =	sld [smem:$0x3FA7]  }
0x29: {  	s4 =	sld [smem:$0x3FA9]  }
0x2a: {  	p0 =	seq.s32 s5, $0x0;
	s5 =	sld [smem:$0x3FAA]  }
0x2b: {  	s6 =	sld [smem:$0x3FAB]  }
0x2c: {  	s7 =	sld [smem:$0x3FAC]  }
0x2d: {  	s3 =	simm.s32 $0x108;
	s8 =	sld [smem:$0x3FAD]  }
0x2e: {  	s3 =	simm.s32 @!p0 $0x1082;
	s9 =	sld [smem:$0x3FAE]  }
0x2f: {  	lr =	sadd.s32 s0, s3;
	s0 =	sld [smem:$0x3FA5]  }
0x30: {  	s3 =	sld [smem:$0x3FA8]  }
0x31: {  	[smem:$0x3FB1] =	sst s10  }
0x32: {  	s10 =	sld [smem:$0x3FAF];
	_ =	sdelay $0x3  }
0x33: {  	p0 =	seq.s32 s10, $0x1;
	s10 =	sld [smem:$0x3FB1];
	_ =	sdelay $0x3  }
0x34: {  	[smem:$0x3FB1] =	sst s10  }
0x35: {  	s10 =	sld [smem:$0x3FB0];
	_ =	sdelay $0x3  }
0x36: {  	p1 =	seq.s32 s10, $0x1;
	s10 =	sld [smem:$0x3FB1];
	_ =	sdelay $0x3  }
0x37: {  	[smem:$0x3FB1] =	sst s10  }
0x38: {  	s10 =	sld [smem:$0x3FB2]  }
0x39: {  	_ = 	snop;
	(pc) =	sbr.ind lr, $3  }
0x3a: {  	_ = 	snop  }
0x3b: {  	_ = 	snop  }
0x3c: {  	p2 =	seq.s32 s10, $0x1;
	s10 =	sld [smem:$0x3FB1]  }
0x3d: {  	_ =	shalt  }
0x3e: {  	_ =	shalt  }
0x3f: {  	_ =	shalt  }
0x40: {  	_ =	shalt  }
0x41: {  	_ =	shalt  }
0x42: {  	_ =	shalt  }
0x43: {  	_ =	shalt  }
0x44: {  	_ =	shalt  }
0x45: {  	_ =	shalt  }
0x46: {  	_ =	shalt  }
0x47: {  	_ =	shalt  }
0x48: {  	_ =	shalt  }
0x49: {  	_ =	shalt  }
0x4a: {  	_ =	shalt  }
0x4b: {  	_ =	shalt  }
0x4c: {  	_ =	shalt  }
0x4d: {  	_ =	shalt  }
0x4e: {  	_ =	shalt  }
0x4f: {  	_ =	shalt  }
0x50: {  	_ =	shalt  }
0x51: {  	_ =	shalt  }
0x52: {  	_ =	shalt  }
0x53: {  	_ =	shalt  }
0x54: {  	_ =	shalt  }
0x55: {  	_ =	shalt  }
0x56: {  	_ =	shalt  }
0x57: {  	_ =	shalt  }
0x58: {  	_ =	shalt  }
0x59: {  	_ =	shalt  }
0x5a: {  	_ =	shalt  }
0x5b: {  	_ =	shalt  }
0x5c: {  	_ =	shalt  }
0x5d: {  	_ =	shalt  }
0x5e: {  	_ =	shalt  }
0x5f: {  	_ =	shalt  }
0x60: {  	_ =	shalt  }
0x61: {  	_ =	shalt  }
0x62: {  	_ =	shalt  }
0x63: {  	_ =	shalt  }
0x64: {  	_ =	shalt  }
0x65: {  	_ =	shalt  }
0x66: {  	_ =	shalt  }
0x67: {  	_ =	shalt  }
0x68: {  	_ =	shalt  }
0x69: {  	_ =	shalt  }
0x6a: {  	_ =	shalt  }
0x6b: {  	_ =	shalt  }
0x6c: {  	_ =	shalt  }
0x6d: {  	_ =	shalt  }
0x6e: {  	_ =	shalt  }
0x6f: {  	_ =	shalt  }
0x70: {  	_ =	shalt  }
0x71: {  	_ =	shalt  }
0x72: {  	_ =	shalt  }
0x73: {  	_ =	shalt  }
0x74: {  	_ =	shalt  }
0x75: {  	_ =	shalt  }
0x76: {  	_ =	shalt  }
0x77: {  	_ =	shalt  }
0x78: {  	_ =	shalt  }
0x79: {  	_ =	shalt  }
0x7a: {  	_ =	shalt  }
0x7b: {  	_ =	shalt  }
0x7c: {  	_ =	shalt  }
0x7d: {  	_ =	shalt  }
0x7e: {  	_ =	shalt  }
0x7f: {  	_ =	shalt  }
0x80: {  	_ =	shalt  }
0x81: {  	_ =	shalt  }
0x82: {  	_ =	shalt  }
0x83: {  	_ =	shalt  }
0x84: {  	_ =	shalt  }
0x85: {  	_ =	shalt  }
0x86: {  	_ =	shalt  }
0x87: {  	_ =	shalt  }
.Lfunc_end0:
.L_simem_size_0:
called_computation.1_lowered:
.L_overlay_start_0:
0x88: {  	s2 =	sld [smem:$0x3FD9]  }
0x89: {  	s3 =	sld [smem:$0x3FFE];
	_ =	sdelay $0x1  }
0x8a: {  	s1 =	srdreg.scid  }
0x8b: {  	s0 =	sand.u32 $0x1, s1  }
0x8c: {  	s16 =	sshll.u32 s0, $0xA;
	s2 =	sadd.s32 s3, s2  }
0x8d: {  	s2 =	sadd.s32 s2, s16  }
0x8e: {  	[smem:$0x3FBD] =	sst s2  }
0x8f: {  	_ = 	snop  }
0x90: {  	(tm) =	ssettm $0x1  }
0x91: {  	s17 =	sld [smem:$0x3FFB];
	_ =	sdelay $0x3  }
0x92: {  	_ =	strace s17  }
0x93: {  	s2 =	sld [smem:$0x3FFC];
	_ =	sdelay $0x3  }
0x94: {  	_ =	strace s2  }
0x95: {  	s2 =	sld [smem:$0x3FFD];
	_ =	sdelay $0x3  }
0x96: {  	_ =	strace s2  }
0x97: {  	_ =	strace $0x8FFFFFFF  }
0x98: {  	s18 =	sld [smem:$0x3FDB];
	_ =	sdelay $0x1  }
0x99: {  	s19 =	simm.s32 $_scs_section_size  }
0x9a: {  	s4 =	simm.s32 $_size__tile_overlayer_lowered;
	s5 =	simm.s32 $_tile_overlayer_lowered  }
0x9b: {  	s22 =	simm.s32 $0x1BFF;
	s21 =	sshll.u32 s5, $0x1;
	s2 =	sadd.s32 s19, s18  }
0x9c: {  	s6 =	simm.s32 $0x0;
	s20 =	sshll.u32 s4, $0x1;
	s4 =	sadd.s32 s21, s2  }
0x9d: {  	[timem:s6], [sflag:s22] =	dma.local [hbm:s4], s20  }
0x9e: {  	_ =	swait.ge [sflag:s22], s20  }
0x9f: {  	s3 =	ssub.s32 $0x0, s20;
	[sflag:s22] =	ssyncset.done $0x0  }
0xa0: {  	[sflag:s22] =	ssyncadd.s32 s3;
	_ =	sdelay $0x1  }
0xa1: {  	s23 =	simm.s32 $0x1B8B  }
0xa2: {  	_ =	swait.ge [sflag:s23], $0x1  }
0xa3: {  	[sflag:s23] =	ssyncset.done $0x0  }
0xa4: {  	s25 =	simm.s32 $0x1B8E;
	s24 =	sld [smem:$0x3FFE];
	[sflag:s23] =	ssyncadd.s32 $0xFFFFFFFF  }
0xa5: {  	s26 =	simm.s32 $execute0_lowered;
	[smem:$0x3FD2] =	sst s25  }
0xa6: {  	s4 =	sshll.u32 s26, $0x1;
	_ =	strace $0x80000046;
	[dreg:$0x1] =	wrdreg $0xFFFFFFFF  }
0xa7: {  	s28 =	simm.s32 $_size_execute0_lowered;
	s2 =	sadd.s32 s2, s4;
	[dreg:$0x0] =	wrdreg $0x0  }
0xa8: {  	s4 =	sshll.u32 s28, $0x1;
	[dreg:$0x2] =	wrdreg s2  }
0xa9: {  	[dreg:$0x3] =	wrdreg s4  }
0xaa: {  	[dreg:$0x4] =	wrdreg $0xC0  }
0xab: {  	_ =	task [dreg:s6], $0x5FFFF  }
0xac: {  	[dreg:$0x1] =	wrdreg $0xFFFFFFFF  }
0xad: {  	[dreg:$0x0] =	wrdreg $0x60  }
0xae: {  	[dreg:$0x2] =	wrdreg s24  }
0xaf: {  	[dreg:$0x3] =	wrdreg $0x9  }
0xb0: {  	_ =	task.clear_ibuf [dreg:s6], $0x4FFFF;
	_ =	strace $0x90000046  }
0xb1: {  	s29 =	simm.s32 $0x9;
	_ =	strace $0x80000048  }
0xb2: {  	_ =	swait.ge [sflag:s29], $0x1  }
0xb3: {  	[sflag:s29] =	ssyncadd.s32 $0xFFFFFFFF  }
0xb4: {  	_ =	strace $0x90000048  }
0xb5: {  	_ =	sfence  }
0xb6: {  	s30 =	sld [smem:$0x0];
	_ =	sdelay $0x2  }
0xb7: {  	s31 =	sshll.u32 s1, $0xD;
	s1 =	sshrl.u32 s1, $0x2  }
0xb8: {  	s3 =	sand.u32 $0x4000, s31;
	s1 =	sadd.s32 s1, s30  }
0xb9: {  	s0 =	sor.u32 s3, s0;
	s1 =	sshll.u32 s1, $0x11  }
0xba: {  	s0 =	sor.u32 s1, s0  }
0xbb: {  	s0 =	sadd.s32 $0x8F2B, s0  }
0xbc: {  	[sflag:s0] =	ssyncadd.remote.s32 $0x1  }
0xbd: {  	_ =	sfence.sel $0xFFFF  }
0xbe: {  	[dreg:$0x0] =	wrdreg $0xFFFFFFFF;
	(pc) =	sbr.abs _section_cstart, $3  }
0xbf: {  	[dreg:$0x1] =	wrdreg $0xFFFFFFFF  }
0xc0: {  	_ =	task.clear_ibuf [dreg:s6], $0x2FFFF;
	_ =	strace $0x9FFFFFFF  }
0xc1: {  	(tm) =	ssettm $0x7FFFFFFF  }
tec
execute0_lowered:
.L_overlay_start_1:
0x0: {  	(tag) =	ssettag $0x1  }
0x1: {  	s0 =	rddreg [dreg:$0x0]  }
0x2: {  	s2 =	simm.s32 $0x0;
	s1 =	srdreg.scid;
	s13 =	stileid.u32  }
0x3: {  	s17 =	simm.s32 $0x140;
	s18 =	simm.s32 $0x1;
	s28 =	simm.s32 $0x100  }
0x4: {  	s30 =	simm.s32 $0x6;
	s15 =	simm.s32 $0x9;
	s31 =	simm.s32 $0xA  }
0x5: {  	s16 =	simm.s32 $0x0;
	[smem:$0x7FF] =	sst s2;
	s21 =	smul.u32 $0x4C000, s13  }
0x6: {  	s1 =	sand.u32 $0x1, s1;
	s5 =	sshll.u32 s13, $0x1;
	s13 =	smul.u32 $0x1400, s13  }
0x7: {  	s7 =	sadd.s32 $0x1A00, s0;
	s3 =	sadd.s32 $0x15A00, s0;
	s23 =	smul.u32 $0x26000, s1  }
0x8: {  	s8 =	sor.u32 s1, s5;
	s10 =	ssub.s32 $0x2, s1;
	s1 =	smul.u32 $0xA00, s1  }
0x9: {  	s4 =	sadd.s32 $0x28A00, s0;
	s6 =	sadd.s32 $0x4EA00, s0;
	s9 =	smul.u32 $0xA00, s8  }
0xa: {  	_ =	strace $0x80000047;
	s5 =	sadd.s32 $0x3BA00, s0;
	s11 =	smul.u32 $0x26000, s8  }
0xb: {  	s0 =	sadd.s32 $0x61A00, s0;
	s12 =	sshrl.u32 s10, $0x1;
	s8 =	smul.u32 $0x130000, s8  }
0xc: {  	s19 =	ssub.s32 s10, s12;
	s10 =	simm.s32 $0x9D00;
	s14 =	sadd.s32 s7, s9  }
0xd: {  	s8 =	sshrl.u32 s8, $0x3;
	s11 =	sadd.s32 s0, s11;
	s7 =	sadd.s32 s13, s7  }
0xe: {  	s26 =	smax.u32 s19, $0x1;
	s9 =	simm.s32 $0x2;
	[dreg:$0x3] =	wrdreg s14  }
0xf: {  	s19 =	simm.s32 $0x80;
	s13 =	simm.s32 $0x1C0;
	[dreg:$0x7] =	wrdreg s11  }
0x10: {  	s20 =	sadd.s32 $0x28, s14;
	s22 =	sadd.s32 $0x50, s14;
	[dreg:$0xb] =	wrdreg s26  }
0x11: {  	s14 =	sadd.s32 $0x78, s14;
	s8 =	sadd.s32 s0, s8;
	[dreg:$0x4] =	wrdreg s20  }
0x12: {  	s0 =	sadd.s32 s21, s0;
	s1 =	sadd.s32 s1, s7;
	[dreg:$0x5] =	wrdreg s22  }
0x13: {  	s21 =	simm.s32 $0x500;
	[dreg:$0x6] =	wrdreg s14;
	s24 =	sadd.s32 $0x24380, s8  }
0x14: {  	s26 =	simm.s32 $0xC0;
	s25 =	sadd.s32 $0x24D00, s8;
	[dreg:$0x8] =	wrdreg s24  }
0x15: {  	s8 =	sadd.s32 $0x25680, s8;
	s0 =	sadd.s32 s23, s0;
	[dreg:$0x9] =	wrdreg s25  }
0x16: {  	s29 =	sadd.s32 $0x258, s1;
	s20 =	simm.s32 $0x40;
	[dreg:$0xa] =	wrdreg s8  }
0x17: {  	s23 =	simm.s32 $0x5100;
	s14 =	simm.s32 $0x200;
	[dreg:$0x2] =	wrdreg s0  }
0x18: {  	s22 =	simm.s32 $0x3;
	[dreg:$0xc] =	wrdreg s29;
	s8 =	simm.s32 $0x8  }
.LBB2_1:
0x19: {  	[dreg:$0xd] =	wrdreg s16  }
0x1a: {  	s12 =	rddreg [dreg:$0x3]  }
0x1b: {  	[tilespmem:s2], [sflag:$0x1] =	stream.linear.gather [hbm4b:s12+s2], $0x140, $0x38;
	[tilespmem:$0xE900] =	vst v63  }
0x1c: {  	s11 =	rddreg [dreg:$0x4]  }
0x1d: {  	[tilespmem:s17], [sflag:$0x2] =	stream.linear.gather [hbm4b:s11+s2], $0x140, $0x38;
	[tilespmem:$0xE900] =	vst v63  }
0x1e: {  	s16 =	rddreg [dreg:$0x5];
	s0 =	simm.s32 $0x280  }
0x1f: {  	[tilespmem:s0], [sflag:$0x3] =	stream.linear.gather [hbm4b:s16+s2], $0x140, $0x38;
	[tilespmem:$0xE900] =	vst v63  }
0x20: {  	_ =	swait.ge [sflag:s18], $0x140  }
0x21: {  	[sflag:s18] =	ssyncset.done $0x0  }
0x22: {  	[sflag:s18] =	ssyncadd.s32 $0xFFFFFEC0  }
0x23: {  	[tilespmem:s21], [sflag:$0x5] =	stream.indirect.gather [hbm4b:s3+s20], $0x130, s2, s20, $0xb8;
	[tilespmem:$0xE900] =	vst v63  }
0x24: {  	_ =	swait.ge [sflag:s9], $0x140  }
0x25: {  	[sflag:s9] =	ssyncset.done $0x0  }
0x26: {  	s24 =	simm.s32 $0x5;
	[sflag:s9] =	ssyncadd.s32 $0xFFFFFEC0  }
0x27: {  	[tilespmem:s23], [sflag:$0x6] =	stream.indirect.gather [hbm4b:s3+s20], $0x130, s17, s20, $0xb8;
	[tilespmem:$0xE900] =	vst v63  }
0x28: {  	_ =	swait.ge [sflag:s24], $0x4C00  }
0x29: {  	[sflag:s24] =	ssyncset.done $0x0  }
0x2a: {  	[sflag:s24] =	ssyncadd.s32 $0xFFFFB400  }
0x2b: {  	[tilespmem:s21], [sflag:$0x8] =	stream.indirect.gather.add.f32 [hbm:s4], $0x130, s19, s20, $0xb8;
	[tilespmem:$0xE900] =	vst v63  }
0x2c: {  	_ = 	snop  }
0x2d: {  	[tilespmem:s21], [sflag:$0x8] =	stream.indirect.gather.add.f32 [hbm:s5], $0x130, s26, s20, $0xb8;
	[tilespmem:$0xE900] =	vst v63  }
0x2e: {  	_ = 	snop  }
0x2f: {  	[tilespmem:s21], [sflag:$0x8] =	stream.indirect.gather.add.f32 [hbm:s6], $0x130, s28, s20, $0xb8;
	[tilespmem:$0xE900] =	vst v63  }
0x30: {  	s25 =	simm.s32 $0x3C0;
	s18 =	rddreg [dreg:$0x6]  }
0x31: {  	[tilespmem:s25], [sflag:$0x4] =	stream.linear.gather [hbm4b:s18+s2], $0x140, $0x38;
	[tilespmem:$0xE900] =	vst v63  }
0x32: {  	_ =	swait.ge [sflag:s30], $0x4C00  }
0x33: {  	[sflag:s30] =	ssyncset.done $0x0  }
0x34: {  	[sflag:s30] =	ssyncadd.s32 $0xFFFFB400  }
0x35: {  	[tilespmem:s23], [sflag:$0x9] =	stream.indirect.gather.add.f32 [hbm:s4], $0x130, s13, s20, $0xb8;
	[tilespmem:$0xE900] =	vst v63  }
0x36: {  	_ = 	snop  }
0x37: {  	[tilespmem:s23], [sflag:$0x9] =	stream.indirect.gather.add.f32 [hbm:s5], $0x130, s14, s20, $0xb8;
	[tilespmem:$0xE900] =	vst v63  }
0x38: {  	s29 =	simm.s32 $0x240  }
0x39: {  	[tilespmem:s23], [sflag:$0x9] =	stream.indirect.gather.add.f32 [hbm:s6], $0x130, s29, s20, $0xb8;
	[tilespmem:$0xE900] =	vst v63  }
0x3a: {  	_ =	swait.ge [sflag:s8], $0x4C00  }
0x3b: {  	[sflag:s8] =	ssyncset.done $0x0  }
0x3c: {  	[sflag:s8] =	ssyncadd.s32 $0xFFFFB400  }
0x3d: {  	_ =	swait.ge [sflag:s8], $0x4C00  }
0x3e: {  	[sflag:s8] =	ssyncset.done $0x0  }
0x3f: {  	[sflag:s8] =	ssyncadd.s32 $0xFFFFB400  }
0x40: {  	_ =	swait.ge [sflag:s8], $0x4C00  }
0x41: {  	[sflag:s8] =	ssyncset.done $0x0  }
0x42: {  	s7 =	rddreg [dreg:$0x7];
	[sflag:s8] =	ssyncadd.s32 $0xFFFFB400  }
0x43: {  	[hbm4b:s7+s2] =	stream.linear.scatter [tilespmem:s21], [sflag:$0xB], $0x4C00, $0x38;
	[tilespmem:$0xE900] =	vst v63  }
0x44: {  	_ =	swait.ge [sflag:s22], $0x140  }
0x45: {  	[sflag:s22] =	ssyncset.done $0x0  }
0x46: {  	s1 =	simm.s32 $0x280;
	s14 =	rddreg [dreg:$0xc];
	[sflag:s22] =	ssyncadd.s32 $0xFFFFFEC0  }
0x47: {  	[tilespmem:s10], [sflag:$0x7] =	stream.indirect.gather [hbm4b:s3+s20], $0x130, s1, s20, $0xb8;
	[tilespmem:$0xE900] =	vst v63  }
0x48: {  	s25 =	simm.s32 $0x7;
	s9 =	sadd.s32 $0xFFFFFE48, s14  }
0x49: {  	[tilespmem:s2], [sflag:$0x1] =	stream.linear.gather [hbm4b:s9+s2], $0x140, $0x38;
	[tilespmem:$0xE900] =	vst v63  }
0x4a: {  	_ =	swait.ge [sflag:s25], $0x4C00  }
0x4b: {  	[sflag:s25] =	ssyncset.done $0x0  }
0x4c: {  	s11 =	simm.s32 $0x300;
	[sflag:s25] =	ssyncadd.s32 $0xFFFFB400  }
0x4d: {  	[tilespmem:s10], [sflag:$0xA] =	stream.indirect.gather.add.f32 [hbm:s4], $0x130, s11, s20, $0xb8;
	[tilespmem:$0xE900] =	vst v63  }
0x4e: {  	s12 =	simm.s32 $0x340  }
0x4f: {  	[tilespmem:s10], [sflag:$0xA] =	stream.indirect.gather.add.f32 [hbm:s5], $0x130, s12, s20, $0xb8;
	[tilespmem:$0xE900] =	vst v63  }
0x50: {  	s13 =	simm.s32 $0x380  }
0x51: {  	[tilespmem:s10], [sflag:$0xA] =	stream.indirect.gather.add.f32 [hbm:s6], $0x130, s13, s20, $0xb8;
	[tilespmem:$0xE900] =	vst v63  }
0x52: {  	_ =	swait.ge [sflag:s15], $0x4C00  }
0x53: {  	[sflag:s15] =	ssyncset.done $0x0  }
0x54: {  	[sflag:s15] =	ssyncadd.s32 $0xFFFFB400  }
0x55: {  	_ =	swait.ge [sflag:s15], $0x4C00  }
0x56: {  	[sflag:s15] =	ssyncset.done $0x0  }
0x57: {  	[sflag:s15] =	ssyncadd.s32 $0xFFFFB400  }
0x58: {  	_ =	swait.ge [sflag:s15], $0x4C00  }
0x59: {  	s18 =	rddreg [dreg:$0x2]  }
0x5a: {  	[sflag:s15] =	ssyncset.done $0x0;
	s12 =	sadd.s32 $0x0, s18  }
0x5b: {  	[sflag:s15] =	ssyncadd.s32 $0xFFFFB400;
	s0 =	sadd.s32 $0x980, s12  }
0x5c: {  	[hbm4b:s0+s2] =	stream.linear.scatter [tilespmem:s23], [sflag:$0xC], $0x4C00, $0x38;
	[tilespmem:$0xE900] =	vst v63  }
0x5d: {  	s0 =	simm.s32 $0xB  }
0x5e: {  	_ =	swait.ge [sflag:s0], $0x4C00  }
0x5f: {  	[sflag:s0] =	ssyncset.done $0x0  }
0x60: {  	s9 =	simm.s32 $0x4;
	[sflag:s0] =	ssyncadd.s32 $0xFFFFB400  }
0x61: {  	_ =	swait.ge [sflag:s9], $0x140  }
0x62: {  	[sflag:s9] =	ssyncset.done $0x0  }
0x63: {  	s17 =	simm.s32 $0x3C0;
	[sflag:s9] =	ssyncadd.s32 $0xFFFFFEC0  }
0x64: {  	[tilespmem:s21], [sflag:$0x5] =	stream.indirect.gather [hbm4b:s3+s20], $0x130, s17, s20, $0xb8;
	[tilespmem:$0xE900] =	vst v63  }
0x65: {  	s22 =	simm.s32 $0x140;
	s1 =	sadd.s32 $0xFFFFFE70, s14  }
0x66: {  	[tilespmem:s22], [sflag:$0x2] =	stream.linear.gather [hbm4b:s1+s2], $0x140, $0x38;
	[tilespmem:$0xE900] =	vst v63  }
0x67: {  	_ =	swait.ge [sflag:s24], $0x4C00  }
0x68: {  	[sflag:s24] =	ssyncset.done $0x0  }
0x69: {  	s17 =	simm.s32 $0x440;
	[sflag:s24] =	ssyncadd.s32 $0xFFFFB400  }
0x6a: {  	[tilespmem:s21], [sflag:$0x8] =	stream.indirect.gather.add.f32 [hbm:s4], $0x130, s17, s20, $0xb8;
	[tilespmem:$0xE900] =	vst v63  }
0x6b: {  	s13 =	simm.s32 $0x480  }
0x6c: {  	[tilespmem:s21], [sflag:$0x8] =	stream.indirect.gather.add.f32 [hbm:s5], $0x130, s13, s20, $0xb8;
	[tilespmem:$0xE900] =	vst v63  }
0x6d: {  	s17 =	simm.s32 $0x4C0  }
0x6e: {  	[tilespmem:s21], [sflag:$0x8] =	stream.indirect.gather.add.f32 [hbm:s6], $0x130, s17, s20, $0xb8;
	[tilespmem:$0xE900] =	vst v63  }
0x6f: {  	_ =	swait.ge [sflag:s31], $0x4C00  }
0x70: {  	[sflag:s31] =	ssyncset.done $0x0  }
0x71: {  	[sflag:s31] =	ssyncadd.s32 $0xFFFFB400  }
0x72: {  	_ =	swait.ge [sflag:s31], $0x4C00  }
0x73: {  	[sflag:s31] =	ssyncset.done $0x0  }
0x74: {  	[sflag:s31] =	ssyncadd.s32 $0xFFFFB400  }
0x75: {  	_ =	swait.ge [sflag:s31], $0x4C00  }
0x76: {  	[sflag:s31] =	ssyncset.done $0x0  }
0x77: {  	s1 =	sadd.s32 $0x1300, s12;
	[sflag:s31] =	ssyncadd.s32 $0xFFFFB400  }
0x78: {  	[hbm4b:s1+s2] =	stream.linear.scatter [tilespmem:s10], [sflag:$0xD], $0x4C00, $0x38;
	[tilespmem:$0xE900] =	vst v63  }
0x79: {  	s1 =	simm.s32 $0xC  }
0x7a: {  	_ =	swait.ge [sflag:s1], $0x4C00  }
0x7b: {  	[sflag:s1] =	ssyncset.done $0x0  }
0x7c: {  	s7 =	simm.s32 $0x1;
	[sflag:s1] =	ssyncadd.s32 $0xFFFFB400  }
0x7d: {  	_ =	swait.ge [sflag:s7], $0x140  }
0x7e: {  	[sflag:s7] =	ssyncset.done $0x0  }
0x7f: {  	[sflag:s7] =	ssyncadd.s32 $0xFFFFFEC0  }
0x80: {  	[tilespmem:s23], [sflag:$0x6] =	stream.indirect.gather [hbm4b:s3+s20], $0x130, s2, s20, $0xb8;
	[tilespmem:$0xE900] =	vst v63  }
0x81: {  	s29 =	simm.s32 $0x280;
	s17 =	sadd.s32 $0xFFFFFE98, s14  }
0x82: {  	[tilespmem:s29], [sflag:$0x3] =	stream.linear.gather [hbm4b:s17+s2], $0x140, $0x38;
	[tilespmem:$0xE900] =	vst v63  }
0x83: {  	_ =	swait.ge [sflag:s30], $0x4C00  }
0x84: {  	[sflag:s30] =	ssyncset.done $0x0  }
0x85: {  	[sflag:s30] =	ssyncadd.s32 $0xFFFFB400  }
0x86: {  	[tilespmem:s23], [sflag:$0x9] =	stream.indirect.gather.add.f32 [hbm:s4], $0x130, s19, s20, $0xb8;
	[tilespmem:$0xE900] =	vst v63  }
0x87: {  	_ = 	snop  }
0x88: {  	[tilespmem:s23], [sflag:$0x9] =	stream.indirect.gather.add.f32 [hbm:s5], $0x130, s26, s20, $0xb8;
	[tilespmem:$0xE900] =	vst v63  }
0x89: {  	_ = 	snop  }
0x8a: {  	[tilespmem:s23], [sflag:$0x9] =	stream.indirect.gather.add.f32 [hbm:s6], $0x130, s28, s20, $0xb8;
	[tilespmem:$0xE900] =	vst v63  }
0x8b: {  	_ =	swait.ge [sflag:s8], $0x4C00  }
0x8c: {  	[sflag:s8] =	ssyncset.done $0x0  }
0x8d: {  	[sflag:s8] =	ssyncadd.s32 $0xFFFFB400  }
0x8e: {  	_ =	swait.ge [sflag:s8], $0x4C00  }
0x8f: {  	[sflag:s8] =	ssyncset.done $0x0  }
0x90: {  	[sflag:s8] =	ssyncadd.s32 $0xFFFFB400  }
0x91: {  	_ =	swait.ge [sflag:s8], $0x4C00  }
0x92: {  	[sflag:s8] =	ssyncset.done $0x0  }
0x93: {  	s29 =	sadd.s32 $0x1C80, s12;
	[sflag:s8] =	ssyncadd.s32 $0xFFFFB400  }
0x94: {  	[hbm4b:s29+s2] =	stream.linear.scatter [tilespmem:s21], [sflag:$0xB], $0x4C00, $0x38;
	[tilespmem:$0xE900] =	vst v63  }
0x95: {  	s29 =	simm.s32 $0xD  }
0x96: {  	_ =	swait.ge [sflag:s29], $0x4C00  }
0x97: {  	[sflag:s29] =	ssyncset.done $0x0  }
0x98: {  	s11 =	simm.s32 $0x2;
	[sflag:s29] =	ssyncadd.s32 $0xFFFFB400  }
0x99: {  	_ =	swait.ge [sflag:s11], $0x140  }
0x9a: {  	[sflag:s11] =	ssyncset.done $0x0  }
0x9b: {  	[sflag:s11] =	ssyncadd.s32 $0xFFFFFEC0  }
0x9c: {  	[tilespmem:s10], [sflag:$0x7] =	stream.indirect.gather [hbm4b:s3+s20], $0x130, s22, s20, $0xb8;
	[tilespmem:$0xE900] =	vst v63  }
0x9d: {  	s18 =	simm.s32 $0x3C0;
	s13 =	sadd.s32 $0xFFFFFEC0, s14  }
0x9e: {  	[tilespmem:s18], [sflag:$0x4] =	stream.linear.gather [hbm4b:s13+s2], $0x140, $0x38;
	[tilespmem:$0xE900] =	vst v63  }
0x9f: {  	_ =	swait.ge [sflag:s25], $0x4C00  }
0xa0: {  	[sflag:s25] =	ssyncset.done $0x0  }
0xa1: {  	s13 =	simm.s32 $0x1C0;
	[sflag:s25] =	ssyncadd.s32 $0xFFFFB400  }
0xa2: {  	[tilespmem:s10], [sflag:$0xA] =	stream.indirect.gather.add.f32 [hbm:s4], $0x130, s13, s20, $0xb8;
	[tilespmem:$0xE900] =	vst v63  }
0xa3: {  	s13 =	simm.s32 $0x200  }
0xa4: {  	[tilespmem:s10], [sflag:$0xA] =	stream.indirect.gather.add.f32 [hbm:s5], $0x130, s13, s20, $0xb8;
	[tilespmem:$0xE900] =	vst v63  }
0xa5: {  	s13 =	simm.s32 $0x240  }
0xa6: {  	[tilespmem:s10], [sflag:$0xA] =	stream.indirect.gather.add.f32 [hbm:s6], $0x130, s13, s20, $0xb8;
	[tilespmem:$0xE900] =	vst v63  }
0xa7: {  	_ =	swait.ge [sflag:s15], $0x4C00  }
0xa8: {  	[sflag:s15] =	ssyncset.done $0x0  }
0xa9: {  	[sflag:s15] =	ssyncadd.s32 $0xFFFFB400  }
0xaa: {  	_ =	swait.ge [sflag:s15], $0x4C00  }
0xab: {  	[sflag:s15] =	ssyncset.done $0x0  }
0xac: {  	[sflag:s15] =	ssyncadd.s32 $0xFFFFB400  }
0xad: {  	_ =	swait.ge [sflag:s15], $0x4C00  }
0xae: {  	[sflag:s15] =	ssyncset.done $0x0  }
0xaf: {  	s13 =	sadd.s32 $0x2600, s12;
	[sflag:s15] =	ssyncadd.s32 $0xFFFFB400  }
0xb0: {  	[hbm4b:s13+s2] =	stream.linear.scatter [tilespmem:s23], [sflag:$0xC], $0x4C00, $0x38;
	[tilespmem:$0xE900] =	vst v63  }
0xb1: {  	_ =	swait.ge [sflag:s0], $0x4C00  }
0xb2: {  	[sflag:s0] =	ssyncset.done $0x0  }
0xb3: {  	s16 =	simm.s32 $0x3;
	[sflag:s0] =	ssyncadd.s32 $0xFFFFB400  }
0xb4: {  	_ =	swait.ge [sflag:s16], $0x140  }
0xb5: {  	[sflag:s16] =	ssyncset.done $0x0  }
0xb6: {  	s17 =	simm.s32 $0x280;
	[sflag:s16] =	ssyncadd.s32 $0xFFFFFEC0  }
0xb7: {  	[tilespmem:s21], [sflag:$0x5] =	stream.indirect.gather [hbm4b:s3+s20], $0x130, s17, s20, $0xb8;
	[tilespmem:$0xE900] =	vst v63  }
0xb8: {  	s13 =	sadd.s32 $0xFFFFFEE8, s14  }
0xb9: {  	[tilespmem:s2], [sflag:$0x1] =	stream.linear.gather [hbm4b:s13+s2], $0x140, $0x38;
	[tilespmem:$0xE900] =	vst v63  }
0xba: {  	_ =	swait.ge [sflag:s24], $0x4C00  }
0xbb: {  	[sflag:s24] =	ssyncset.done $0x0  }
0xbc: {  	s13 =	simm.s32 $0x300;
	[sflag:s24] =	ssyncadd.s32 $0xFFFFB400  }
0xbd: {  	[tilespmem:s21], [sflag:$0x8] =	stream.indirect.gather.add.f32 [hbm:s4], $0x130, s13, s20, $0xb8;
	[tilespmem:$0xE900] =	vst v63  }
0xbe: {  	s13 =	simm.s32 $0x340  }
0xbf: {  	[tilespmem:s21], [sflag:$0x8] =	stream.indirect.gather.add.f32 [hbm:s5], $0x130, s13, s20, $0xb8;
	[tilespmem:$0xE900] =	vst v63  }
0xc0: {  	s13 =	simm.s32 $0x380  }
0xc1: {  	[tilespmem:s21], [sflag:$0x8] =	stream.indirect.gather.add.f32 [hbm:s6], $0x130, s13, s20, $0xb8;
	[tilespmem:$0xE900] =	vst v63  }
0xc2: {  	_ =	swait.ge [sflag:s31], $0x4C00  }
0xc3: {  	[sflag:s31] =	ssyncset.done $0x0  }
0xc4: {  	[sflag:s31] =	ssyncadd.s32 $0xFFFFB400  }
0xc5: {  	_ =	swait.ge [sflag:s31], $0x4C00  }
0xc6: {  	[sflag:s31] =	ssyncset.done $0x0  }
0xc7: {  	[sflag:s31] =	ssyncadd.s32 $0xFFFFB400  }
0xc8: {  	_ =	swait.ge [sflag:s31], $0x4C00  }
0xc9: {  	[sflag:s31] =	ssyncset.done $0x0  }
0xca: {  	s13 =	sadd.s32 $0x2F80, s12;
	[sflag:s31] =	ssyncadd.s32 $0xFFFFB400  }
0xcb: {  	[hbm4b:s13+s2] =	stream.linear.scatter [tilespmem:s10], [sflag:$0xD], $0x4C00, $0x38;
	[tilespmem:$0xE900] =	vst v63  }
0xcc: {  	_ =	swait.ge [sflag:s1], $0x4C00  }
0xcd: {  	[sflag:s1] =	ssyncset.done $0x0  }
0xce: {  	[sflag:s1] =	ssyncadd.s32 $0xFFFFB400  }
0xcf: {  	_ =	swait.ge [sflag:s9], $0x140  }
0xd0: {  	[sflag:s9] =	ssyncset.done $0x0  }
0xd1: {  	s18 =	simm.s32 $0x3C0;
	[sflag:s9] =	ssyncadd.s32 $0xFFFFFEC0  }
0xd2: {  	[tilespmem:s23], [sflag:$0x6] =	stream.indirect.gather [hbm4b:s3+s20], $0x130, s18, s20, $0xb8;
	[tilespmem:$0xE900] =	vst v63  }
0xd3: {  	s13 =	sadd.s32 $0xFFFFFF10, s14  }
0xd4: {  	[tilespmem:s22], [sflag:$0x2] =	stream.linear.gather [hbm4b:s13+s2], $0x140, $0x38;
	[tilespmem:$0xE900] =	vst v63  }
0xd5: {  	_ =	swait.ge [sflag:s30], $0x4C00  }
0xd6: {  	[sflag:s30] =	ssyncset.done $0x0  }
0xd7: {  	s13 =	simm.s32 $0x440;
	[sflag:s30] =	ssyncadd.s32 $0xFFFFB400  }
0xd8: {  	[tilespmem:s23], [sflag:$0x9] =	stream.indirect.gather.add.f32 [hbm:s4], $0x130, s13, s20, $0xb8;
	[tilespmem:$0xE900] =	vst v63  }
0xd9: {  	s13 =	simm.s32 $0x480  }
0xda: {  	[tilespmem:s23], [sflag:$0x9] =	stream.indirect.gather.add.f32 [hbm:s5], $0x130, s13, s20, $0xb8;
	[tilespmem:$0xE900] =	vst v63  }
0xdb: {  	s13 =	simm.s32 $0x4C0  }
0xdc: {  	[tilespmem:s23], [sflag:$0x9] =	stream.indirect.gather.add.f32 [hbm:s6], $0x130, s13, s20, $0xb8;
	[tilespmem:$0xE900] =	vst v63  }
0xdd: {  	_ =	swait.ge [sflag:s8], $0x4C00  }
0xde: {  	[sflag:s8] =	ssyncset.done $0x0  }
0xdf: {  	[sflag:s8] =	ssyncadd.s32 $0xFFFFB400  }
0xe0: {  	_ =	swait.ge [sflag:s8], $0x4C00  }
0xe1: {  	[sflag:s8] =	ssyncset.done $0x0  }
0xe2: {  	[sflag:s8] =	ssyncadd.s32 $0xFFFFB400  }
0xe3: {  	_ =	swait.ge [sflag:s8], $0x4C00  }
0xe4: {  	[sflag:s8] =	ssyncset.done $0x0  }
0xe5: {  	s13 =	sadd.s32 $0x3900, s12;
	[sflag:s8] =	ssyncadd.s32 $0xFFFFB400  }
0xe6: {  	[hbm4b:s13+s2] =	stream.linear.scatter [tilespmem:s21], [sflag:$0xB], $0x4C00, $0x38;
	[tilespmem:$0xE900] =	vst v63  }
0xe7: {  	_ =	swait.ge [sflag:s29], $0x4C00  }
0xe8: {  	[sflag:s29] =	ssyncset.done $0x0  }
0xe9: {  	[sflag:s29] =	ssyncadd.s32 $0xFFFFB400  }
0xea: {  	_ =	swait.ge [sflag:s7], $0x140  }
0xeb: {  	[sflag:s7] =	ssyncset.done $0x0  }
0xec: {  	[sflag:s7] =	ssyncadd.s32 $0xFFFFFEC0  }
0xed: {  	[tilespmem:s10], [sflag:$0x7] =	stream.indirect.gather [hbm4b:s3+s20], $0x130, s2, s20, $0xb8;
	[tilespmem:$0xE900] =	vst v63  }
0xee: {  	s17 =	simm.s32 $0x280;
	s13 =	sadd.s32 $0xFFFFFF38, s14  }
0xef: {  	[tilespmem:s17], [sflag:$0x3] =	stream.linear.gather [hbm4b:s13+s2], $0x140, $0x38;
	[tilespmem:$0xE900] =	vst v63  }
0xf0: {  	_ =	swait.ge [sflag:s25], $0x4C00  }
0xf1: {  	[sflag:s25] =	ssyncset.done $0x0  }
0xf2: {  	[sflag:s25] =	ssyncadd.s32 $0xFFFFB400  }
0xf3: {  	[tilespmem:s10], [sflag:$0xA] =	stream.indirect.gather.add.f32 [hbm:s4], $0x130, s19, s20, $0xb8;
	[tilespmem:$0xE900] =	vst v63  }
0xf4: {  	_ = 	snop  }
0xf5: {  	[tilespmem:s10], [sflag:$0xA] =	stream.indirect.gather.add.f32 [hbm:s5], $0x130, s26, s20, $0xb8;
	[tilespmem:$0xE900] =	vst v63  }
0xf6: {  	_ = 	snop  }
0xf7: {  	[tilespmem:s10], [sflag:$0xA] =	stream.indirect.gather.add.f32 [hbm:s6], $0x130, s28, s20, $0xb8;
	[tilespmem:$0xE900] =	vst v63  }
0xf8: {  	_ =	swait.ge [sflag:s15], $0x4C00  }
0xf9: {  	[sflag:s15] =	ssyncset.done $0x0  }
0xfa: {  	[sflag:s15] =	ssyncadd.s32 $0xFFFFB400  }
0xfb: {  	_ =	swait.ge [sflag:s15], $0x4C00  }
0xfc: {  	[sflag:s15] =	ssyncset.done $0x0  }
0xfd: {  	[sflag:s15] =	ssyncadd.s32 $0xFFFFB400  }
0xfe: {  	_ =	swait.ge [sflag:s15], $0x4C00  }
0xff: {  	[sflag:s15] =	ssyncset.done $0x0  }
0x100: {  	s13 =	sadd.s32 $0x4280, s12;
	[sflag:s15] =	ssyncadd.s32 $0xFFFFB400  }
0x101: {  	[hbm4b:s13+s2] =	stream.linear.scatter [tilespmem:s23], [sflag:$0xC], $0x4C00, $0x38;
	[tilespmem:$0xE900] =	vst v63  }
0x102: {  	_ =	swait.ge [sflag:s0], $0x4C00  }
0x103: {  	[sflag:s0] =	ssyncset.done $0x0  }
0x104: {  	[sflag:s0] =	ssyncadd.s32 $0xFFFFB400  }
0x105: {  	_ =	swait.ge [sflag:s11], $0x140  }
0x106: {  	[sflag:s11] =	ssyncset.done $0x0  }
0x107: {  	[sflag:s11] =	ssyncadd.s32 $0xFFFFFEC0  }
0x108: {  	[tilespmem:s21], [sflag:$0x5] =	stream.indirect.gather [hbm4b:s3+s20], $0x130, s22, s20, $0xb8;
	[tilespmem:$0xE900] =	vst v63  }
0x109: {  	s18 =	simm.s32 $0x3C0;
	s22 =	sadd.s32 $0xFFFFFF60, s14  }
0x10a: {  	[tilespmem:s18], [sflag:$0x4] =	stream.linear.gather [hbm4b:s22+s2], $0x140, $0x38;
	[tilespmem:$0xE900] =	vst v63  }
0x10b: {  	_ =	swait.ge [sflag:s24], $0x4C00  }
0x10c: {  	[sflag:s24] =	ssyncset.done $0x0  }
0x10d: {  	s18 =	simm.s32 $0x1C0;
	[sflag:s24] =	ssyncadd.s32 $0xFFFFB400  }
0x10e: {  	[tilespmem:s21], [sflag:$0x8] =	stream.indirect.gather.add.f32 [hbm:s4], $0x130, s18, s20, $0xb8;
	[tilespmem:$0xE900] =	vst v63  }
0x10f: {  	s18 =	simm.s32 $0x200  }
0x110: {  	[tilespmem:s21], [sflag:$0x8] =	stream.indirect.gather.add.f32 [hbm:s5], $0x130, s18, s20, $0xb8;
	[tilespmem:$0xE900] =	vst v63  }
0x111: {  	s18 =	simm.s32 $0x240  }
0x112: {  	[tilespmem:s21], [sflag:$0x8] =	stream.indirect.gather.add.f32 [hbm:s6], $0x130, s18, s20, $0xb8;
	[tilespmem:$0xE900] =	vst v63  }
0x113: {  	_ =	swait.ge [sflag:s31], $0x4C00  }
0x114: {  	[sflag:s31] =	ssyncset.done $0x0  }
0x115: {  	[sflag:s31] =	ssyncadd.s32 $0xFFFFB400  }
0x116: {  	_ =	swait.ge [sflag:s31], $0x4C00  }
0x117: {  	[sflag:s31] =	ssyncset.done $0x0  }
0x118: {  	[sflag:s31] =	ssyncadd.s32 $0xFFFFB400  }
0x119: {  	_ =	swait.ge [sflag:s31], $0x4C00  }
0x11a: {  	[sflag:s31] =	ssyncset.done $0x0  }
0x11b: {  	s18 =	sadd.s32 $0x4C00, s12;
	[sflag:s31] =	ssyncadd.s32 $0xFFFFB400  }
0x11c: {  	[hbm4b:s18+s2] =	stream.linear.scatter [tilespmem:s10], [sflag:$0xD], $0x4C00, $0x38;
	[tilespmem:$0xE900] =	vst v63  }
0x11d: {  	_ =	swait.ge [sflag:s1], $0x4C00  }
0x11e: {  	[sflag:s1] =	ssyncset.done $0x0  }
0x11f: {  	[sflag:s1] =	ssyncadd.s32 $0xFFFFB400  }
0x120: {  	_ =	swait.ge [sflag:s16], $0x140  }
0x121: {  	[sflag:s16] =	ssyncset.done $0x0  }
0x122: {  	s17 =	simm.s32 $0x280;
	[sflag:s16] =	ssyncadd.s32 $0xFFFFFEC0  }
0x123: {  	[tilespmem:s23], [sflag:$0x6] =	stream.indirect.gather [hbm4b:s3+s20], $0x130, s17, s20, $0xb8;
	[tilespmem:$0xE900] =	vst v63  }
0x124: {  	s17 =	sadd.s32 $0xFFFFFF88, s14  }
0x125: {  	[tilespmem:s2], [sflag:$0x1] =	stream.linear.gather [hbm4b:s17+s2], $0x140, $0x38;
	[tilespmem:$0xE900] =	vst v63  }
0x126: {  	_ =	swait.ge [sflag:s30], $0x4C00  }
0x127: {  	[sflag:s30] =	ssyncset.done $0x0  }
0x128: {  	s17 =	simm.s32 $0x300;
	[sflag:s30] =	ssyncadd.s32 $0xFFFFB400  }
0x129: {  	[tilespmem:s23], [sflag:$0x9] =	stream.indirect.gather.add.f32 [hbm:s4], $0x130, s17, s20, $0xb8;
	[tilespmem:$0xE900] =	vst v63  }
0x12a: {  	s17 =	simm.s32 $0x340  }
0x12b: {  	[tilespmem:s23], [sflag:$0x9] =	stream.indirect.gather.add.f32 [hbm:s5], $0x130, s17, s20, $0xb8;
	[tilespmem:$0xE900] =	vst v63  }
0x12c: {  	s13 =	simm.s32 $0x380  }
0x12d: {  	[tilespmem:s23], [sflag:$0x9] =	stream.indirect.gather.add.f32 [hbm:s6], $0x130, s13, s20, $0xb8;
	[tilespmem:$0xE900] =	vst v63  }
0x12e: {  	_ =	swait.ge [sflag:s8], $0x4C00  }
0x12f: {  	[sflag:s8] =	ssyncset.done $0x0  }
0x130: {  	[sflag:s8] =	ssyncadd.s32 $0xFFFFB400  }
0x131: {  	_ =	swait.ge [sflag:s8], $0x4C00  }
0x132: {  	[sflag:s8] =	ssyncset.done $0x0  }
0x133: {  	[sflag:s8] =	ssyncadd.s32 $0xFFFFB400  }
0x134: {  	_ =	swait.ge [sflag:s8], $0x4C00  }
0x135: {  	[sflag:s8] =	ssyncset.done $0x0  }
0x136: {  	s13 =	sadd.s32 $0x5580, s12;
	[sflag:s8] =	ssyncadd.s32 $0xFFFFB400  }
0x137: {  	[hbm4b:s13+s2] =	stream.linear.scatter [tilespmem:s21], [sflag:$0xB], $0x4C00, $0x38;
	[tilespmem:$0xE900] =	vst v63  }
0x138: {  	_ =	swait.ge [sflag:s29], $0x4C00  }
0x139: {  	[sflag:s29] =	ssyncset.done $0x0  }
0x13a: {  	[sflag:s29] =	ssyncadd.s32 $0xFFFFB400  }
0x13b: {  	_ =	swait.ge [sflag:s9], $0x140  }
0x13c: {  	[sflag:s9] =	ssyncset.done $0x0  }
0x13d: {  	s22 =	simm.s32 $0x3C0;
	[sflag:s9] =	ssyncadd.s32 $0xFFFFFEC0  }
0x13e: {  	[tilespmem:s10], [sflag:$0x7] =	stream.indirect.gather [hbm4b:s3+s20], $0x130, s22, s20, $0xb8;
	[tilespmem:$0xE900] =	vst v63  }
0x13f: {  	s17 =	simm.s32 $0x140;
	s9 =	sadd.s32 $0xFFFFFFB0, s14  }
0x140: {  	[tilespmem:s17], [sflag:$0x2] =	stream.linear.gather [hbm4b:s9+s2], $0x140, $0x38;
	[tilespmem:$0xE900] =	vst v63  }
0x141: {  	_ =	swait.ge [sflag:s25], $0x4C00  }
0x142: {  	[sflag:s25] =	ssyncset.done $0x0  }
0x143: {  	s13 =	simm.s32 $0x440;
	[sflag:s25] =	ssyncadd.s32 $0xFFFFB400  }
0x144: {  	[tilespmem:s10], [sflag:$0xA] =	stream.indirect.gather.add.f32 [hbm:s4], $0x130, s13, s20, $0xb8;
	[tilespmem:$0xE900] =	vst v63  }
0x145: {  	s25 =	simm.s32 $0x480  }
0x146: {  	[tilespmem:s10], [sflag:$0xA] =	stream.indirect.gather.add.f32 [hbm:s5], $0x130, s25, s20, $0xb8;
	[tilespmem:$0xE900] =	vst v63  }
0x147: {  	s13 =	simm.s32 $0x4C0  }
0x148: {  	[tilespmem:s10], [sflag:$0xA] =	stream.indirect.gather.add.f32 [hbm:s6], $0x130, s13, s20, $0xb8;
	[tilespmem:$0xE900] =	vst v63  }
0x149: {  	_ =	swait.ge [sflag:s15], $0x4C00  }
0x14a: {  	[sflag:s15] =	ssyncset.done $0x0  }
0x14b: {  	[sflag:s15] =	ssyncadd.s32 $0xFFFFB400  }
0x14c: {  	_ =	swait.ge [sflag:s15], $0x4C00  }
0x14d: {  	[sflag:s15] =	ssyncset.done $0x0  }
0x14e: {  	[sflag:s15] =	ssyncadd.s32 $0xFFFFB400  }
0x14f: {  	_ =	swait.ge [sflag:s15], $0x4C00  }
0x150: {  	[sflag:s15] =	ssyncset.done $0x0  }
0x151: {  	s25 =	sadd.s32 $0x5F00, s12;
	[sflag:s15] =	ssyncadd.s32 $0xFFFFB400  }
0x152: {  	[hbm4b:s25+s2] =	stream.linear.scatter [tilespmem:s23], [sflag:$0xC], $0x4C00, $0x38;
	[tilespmem:$0xE900] =	vst v63  }
0x153: {  	_ =	swait.ge [sflag:s0], $0x4C00  }
0x154: {  	[sflag:s0] =	ssyncset.done $0x0  }
0x155: {  	[sflag:s0] =	ssyncadd.s32 $0xFFFFB400  }
0x156: {  	_ =	swait.ge [sflag:s7], $0x140  }
0x157: {  	[sflag:s7] =	ssyncset.done $0x0  }
0x158: {  	[sflag:s7] =	ssyncadd.s32 $0xFFFFFEC0  }
0x159: {  	[tilespmem:s21], [sflag:$0x5] =	stream.indirect.gather [hbm4b:s3+s20], $0x130, s2, s20, $0xb8;
	[tilespmem:$0xE900] =	vst v63  }
0x15a: {  	s18 =	simm.s32 $0x280;
	s9 =	sadd.s32 $0xFFFFFFD8, s14  }
0x15b: {  	[tilespmem:s18], [sflag:$0x3] =	stream.linear.gather [hbm4b:s9+s2], $0x140, $0x38;
	[tilespmem:$0xE900] =	vst v63  }
0x15c: {  	_ =	swait.ge [sflag:s24], $0x4C00  }
0x15d: {  	[sflag:s24] =	ssyncset.done $0x0  }
0x15e: {  	[sflag:s24] =	ssyncadd.s32 $0xFFFFB400  }
0x15f: {  	[tilespmem:s21], [sflag:$0x8] =	stream.indirect.gather.add.f32 [hbm:s4], $0x130, s19, s20, $0xb8;
	[tilespmem:$0xE900] =	vst v63  }
0x160: {  	_ = 	snop  }
0x161: {  	[tilespmem:s21], [sflag:$0x8] =	stream.indirect.gather.add.f32 [hbm:s5], $0x130, s26, s20, $0xb8;
	[tilespmem:$0xE900] =	vst v63  }
0x162: {  	_ = 	snop  }
0x163: {  	[tilespmem:s21], [sflag:$0x8] =	stream.indirect.gather.add.f32 [hbm:s6], $0x130, s28, s20, $0xb8;
	[tilespmem:$0xE900] =	vst v63  }
0x164: {  	_ =	swait.ge [sflag:s31], $0x4C00  }
0x165: {  	[sflag:s31] =	ssyncset.done $0x0  }
0x166: {  	[sflag:s31] =	ssyncadd.s32 $0xFFFFB400  }
0x167: {  	_ =	swait.ge [sflag:s31], $0x4C00  }
0x168: {  	[sflag:s31] =	ssyncset.done $0x0  }
0x169: {  	[sflag:s31] =	ssyncadd.s32 $0xFFFFB400  }
0x16a: {  	_ =	swait.ge [sflag:s31], $0x4C00  }
0x16b: {  	[sflag:s31] =	ssyncset.done $0x0  }
0x16c: {  	s25 =	sadd.s32 $0x6880, s12;
	[sflag:s31] =	ssyncadd.s32 $0xFFFFB400  }
0x16d: {  	[hbm4b:s25+s2] =	stream.linear.scatter [tilespmem:s10], [sflag:$0xD], $0x4C00, $0x38;
	[tilespmem:$0xE900] =	vst v63  }
0x16e: {  	_ =	swait.ge [sflag:s1], $0x4C00  }
0x16f: {  	[sflag:s1] =	ssyncset.done $0x0  }
0x170: {  	[sflag:s1] =	ssyncadd.s32 $0xFFFFB400  }
0x171: {  	_ =	swait.ge [sflag:s11], $0x140  }
0x172: {  	[sflag:s11] =	ssyncset.done $0x0  }
0x173: {  	[sflag:s11] =	ssyncadd.s32 $0xFFFFFEC0  }
0x174: {  	[tilespmem:s23], [sflag:$0x6] =	stream.indirect.gather [hbm4b:s3+s20], $0x130, s17, s20, $0xb8;
	[tilespmem:$0xE900] =	vst v63  }
0x175: {  	_ = 	snop  }
0x176: {  	[tilespmem:s22], [sflag:$0x4] =	stream.linear.gather [hbm4b:s14+s2], $0x140, $0x38;
	[tilespmem:$0xE900] =	vst v63  }
0x177: {  	_ =	swait.ge [sflag:s30], $0x4C00  }
0x178: {  	[sflag:s30] =	ssyncset.done $0x0  }
0x179: {  	s26 =	simm.s32 $0x1C0;
	[sflag:s30] =	ssyncadd.s32 $0xFFFFB400  }
0x17a: {  	[tilespmem:s23], [sflag:$0x9] =	stream.indirect.gather.add.f32 [hbm:s4], $0x130, s26, s20, $0xb8;
	[tilespmem:$0xE900] =	vst v63  }
0x17b: {  	s28 =	simm.s32 $0x200  }
0x17c: {  	[tilespmem:s23], [sflag:$0x9] =	stream.indirect.gather.add.f32 [hbm:s5], $0x130, s28, s20, $0xb8;
	[tilespmem:$0xE900] =	vst v63  }
0x17d: {  	s30 =	simm.s32 $0x240  }
0x17e: {  	[tilespmem:s23], [sflag:$0x9] =	stream.indirect.gather.add.f32 [hbm:s6], $0x130, s30, s20, $0xb8;
	[tilespmem:$0xE900] =	vst v63  }
0x17f: {  	_ =	swait.ge [sflag:s8], $0x4C00  }
0x180: {  	[sflag:s8] =	ssyncset.done $0x0  }
0x181: {  	[sflag:s8] =	ssyncadd.s32 $0xFFFFB400  }
0x182: {  	_ =	swait.ge [sflag:s8], $0x4C00  }
0x183: {  	[sflag:s8] =	ssyncset.done $0x0  }
0x184: {  	[sflag:s8] =	ssyncadd.s32 $0xFFFFB400  }
0x185: {  	_ =	swait.ge [sflag:s8], $0x4C00  }
0x186: {  	[sflag:s8] =	ssyncset.done $0x0  }
0x187: {  	s12 =	sadd.s32 $0x7200, s12;
	[sflag:s8] =	ssyncadd.s32 $0xFFFFB400  }
0x188: {  	[hbm4b:s12+s2] =	stream.linear.scatter [tilespmem:s21], [sflag:$0xB], $0x4C00, $0x38;
	[tilespmem:$0xE900] =	vst v63  }
0x189: {  	_ =	swait.ge [sflag:s29], $0x4C00  }
0x18a: {  	[sflag:s29] =	ssyncset.done $0x0  }
0x18b: {  	[sflag:s29] =	ssyncadd.s32 $0xFFFFB400  }
0x18c: {  	_ =	swait.ge [sflag:s16], $0x140  }
0x18d: {  	[sflag:s16] =	ssyncset.done $0x0  }
0x18e: {  	s13 =	sadd.s32 $0x1E0, s14;
	s12 =	simm.s32 $0x7200;
	[sflag:s16] =	ssyncadd.s32 $0xFFFFFEC0  }
.LBB2_2:
0x18f: {  	s19 =	simm.s32 $0x280  }
0x190: {  	[tilespmem:s10], [sflag:$0x7] =	stream.indirect.gather [hbm4b:s3+s20], $0x130, s19, s20, $0xb8;
	[tilespmem:$0xE900] =	vst v63  }
0x191: {  	s25 =	sadd.s32 $0xFFFFFE48, s13;
	s24 =	simm.s32 $0x7  }
0x192: {  	[tilespmem:s2], [sflag:$0x1] =	stream.linear.gather [hbm4b:s25+s2], $0x140, $0x38;
	[tilespmem:$0xE900] =	vst v63  }
0x193: {  	_ =	swait.ge [sflag:s24], $0x4C00  }
0x194: {  	[sflag:s24] =	ssyncset.done $0x0  }
0x195: {  	s26 =	simm.s32 $0x300;
	[sflag:s24] =	ssyncadd.s32 $0xFFFFB400  }
0x196: {  	[tilespmem:s10], [sflag:$0xA] =	stream.indirect.gather.add.f32 [hbm:s4], $0x130, s26, s20, $0xb8;
	[tilespmem:$0xE900] =	vst v63  }
0x197: {  	s0 =	simm.s32 $0x340  }
0x198: {  	[tilespmem:s10], [sflag:$0xA] =	stream.indirect.gather.add.f32 [hbm:s5], $0x130, s0, s20, $0xb8;
	[tilespmem:$0xE900] =	vst v63  }
0x199: {  	s17 =	simm.s32 $0x380  }
0x19a: {  	[tilespmem:s10], [sflag:$0xA] =	stream.indirect.gather.add.f32 [hbm:s6], $0x130, s17, s20, $0xb8;
	[tilespmem:$0xE900] =	vst v63  }
0x19b: {  	_ =	swait.ge [sflag:s15], $0x4C00  }
0x19c: {  	[sflag:s15] =	ssyncset.done $0x0  }
0x19d: {  	[sflag:s15] =	ssyncadd.s32 $0xFFFFB400  }
0x19e: {  	_ =	swait.ge [sflag:s15], $0x4C00  }
0x19f: {  	[sflag:s15] =	ssyncset.done $0x0  }
0x1a0: {  	[sflag:s15] =	ssyncadd.s32 $0xFFFFB400  }
0x1a1: {  	_ =	swait.ge [sflag:s15], $0x4C00  }
0x1a2: {  	s14 =	smov.u32 s12;
	s18 =	rddreg [dreg:$0x2]  }
0x1a3: {  	[sflag:s15] =	ssyncset.done $0x0;
	s14 =	sadd.s32 s14, s18  }
0x1a4: {  	s0 =	simm.s32 $0xB;
	[sflag:s15] =	ssyncadd.s32 $0xFFFFB400;
	s25 =	sadd.s32 $0x980, s14  }
0x1a5: {  	[hbm4b:s25+s2] =	stream.linear.scatter [tilespmem:s23], [sflag:$0xC], $0x4C00, $0x38;
	[tilespmem:$0xE900] =	vst v63  }
0x1a6: {  	_ =	swait.ge [sflag:s0], $0x4C00  }
0x1a7: {  	[sflag:s0] =	ssyncset.done $0x0  }
0x1a8: {  	s9 =	simm.s32 $0x4;
	[sflag:s0] =	ssyncadd.s32 $0xFFFFB400  }
0x1a9: {  	_ =	swait.ge [sflag:s9], $0x140  }
0x1aa: {  	[sflag:s9] =	ssyncset.done $0x0  }
0x1ab: {  	s1 =	simm.s32 $0x3C0;
	[sflag:s9] =	ssyncadd.s32 $0xFFFFFEC0  }
0x1ac: {  	[tilespmem:s21], [sflag:$0x5] =	stream.indirect.gather [hbm4b:s3+s20], $0x130, s1, s20, $0xb8;
	[tilespmem:$0xE900] =	vst v63  }
0x1ad: {  	s29 =	simm.s32 $0x140;
	s22 =	sadd.s32 $0xFFFFFE70, s13;
	s30 =	simm.s32 $0x5  }
0x1ae: {  	[tilespmem:s29], [sflag:$0x2] =	stream.linear.gather [hbm4b:s22+s2], $0x140, $0x38;
	[tilespmem:$0xE900] =	vst v63  }
0x1af: {  	_ =	swait.ge [sflag:s30], $0x4C00  }
0x1b0: {  	[sflag:s30] =	ssyncset.done $0x0  }
0x1b1: {  	s25 =	simm.s32 $0x440;
	[sflag:s30] =	ssyncadd.s32 $0xFFFFB400  }
0x1b2: {  	[tilespmem:s21], [sflag:$0x8] =	stream.indirect.gather.add.f32 [hbm:s4], $0x130, s25, s20, $0xb8;
	[tilespmem:$0xE900] =	vst v63  }
0x1b3: {  	s28 =	simm.s32 $0x480  }
0x1b4: {  	[tilespmem:s21], [sflag:$0x8] =	stream.indirect.gather.add.f32 [hbm:s5], $0x130, s28, s20, $0xb8;
	[tilespmem:$0xE900] =	vst v63  }
0x1b5: {  	s11 =	simm.s32 $0x4C0  }
0x1b6: {  	[tilespmem:s21], [sflag:$0x8] =	stream.indirect.gather.add.f32 [hbm:s6], $0x130, s11, s20, $0xb8;
	[tilespmem:$0xE900] =	vst v63  }
0x1b7: {  	_ =	swait.ge [sflag:s31], $0x4C00  }
0x1b8: {  	[sflag:s31] =	ssyncset.done $0x0  }
0x1b9: {  	[sflag:s31] =	ssyncadd.s32 $0xFFFFB400  }
0x1ba: {  	_ =	swait.ge [sflag:s31], $0x4C00  }
0x1bb: {  	[sflag:s31] =	ssyncset.done $0x0  }
0x1bc: {  	[sflag:s31] =	ssyncadd.s32 $0xFFFFB400  }
0x1bd: {  	_ =	swait.ge [sflag:s31], $0x4C00  }
0x1be: {  	[sflag:s31] =	ssyncset.done $0x0  }
0x1bf: {  	s16 =	sadd.s32 $0x1300, s14;
	s1 =	simm.s32 $0xC;
	[sflag:s31] =	ssyncadd.s32 $0xFFFFB400  }
0x1c0: {  	[hbm4b:s16+s2] =	stream.linear.scatter [tilespmem:s10], [sflag:$0xD], $0x4C00, $0x38;
	[tilespmem:$0xE900] =	vst v63  }
0x1c1: {  	_ =	swait.ge [sflag:s1], $0x4C00  }
0x1c2: {  	[sflag:s1] =	ssyncset.done $0x0  }
0x1c3: {  	s16 =	simm.s32 $0x1;
	[sflag:s1] =	ssyncadd.s32 $0xFFFFB400  }
0x1c4: {  	_ =	swait.ge [sflag:s16], $0x140  }
0x1c5: {  	[sflag:s16] =	ssyncset.done $0x0  }
0x1c6: {  	[sflag:s16] =	ssyncadd.s32 $0xFFFFFEC0  }
0x1c7: {  	[tilespmem:s23], [sflag:$0x6] =	stream.indirect.gather [hbm4b:s3+s20], $0x130, s2, s20, $0xb8;
	[tilespmem:$0xE900] =	vst v63  }
0x1c8: {  	s17 =	sadd.s32 $0xFFFFFE98, s13;
	s22 =	simm.s32 $0x6  }
0x1c9: {  	[tilespmem:s19], [sflag:$0x3] =	stream.linear.gather [hbm4b:s17+s2], $0x140, $0x38;
	[tilespmem:$0xE900] =	vst v63  }
0x1ca: {  	_ =	swait.ge [sflag:s22], $0x4C00  }
0x1cb: {  	[sflag:s22] =	ssyncset.done $0x0  }
0x1cc: {  	s11 =	simm.s32 $0x80;
	[sflag:s22] =	ssyncadd.s32 $0xFFFFB400  }
0x1cd: {  	[tilespmem:s23], [sflag:$0x9] =	stream.indirect.gather.add.f32 [hbm:s4], $0x130, s11, s20, $0xb8;
	[tilespmem:$0xE900] =	vst v63  }
0x1ce: {  	s25 =	simm.s32 $0xC0  }
0x1cf: {  	[tilespmem:s23], [sflag:$0x9] =	stream.indirect.gather.add.f32 [hbm:s5], $0x130, s25, s20, $0xb8;
	[tilespmem:$0xE900] =	vst v63  }
0x1d0: {  	s28 =	simm.s32 $0x100  }
0x1d1: {  	[tilespmem:s23], [sflag:$0x9] =	stream.indirect.gather.add.f32 [hbm:s6], $0x130, s28, s20, $0xb8;
	[tilespmem:$0xE900] =	vst v63  }
0x1d2: {  	_ =	swait.ge [sflag:s8], $0x4C00  }
0x1d3: {  	[sflag:s8] =	ssyncset.done $0x0  }
0x1d4: {  	[sflag:s8] =	ssyncadd.s32 $0xFFFFB400  }
0x1d5: {  	_ =	swait.ge [sflag:s8], $0x4C00  }
0x1d6: {  	[sflag:s8] =	ssyncset.done $0x0  }
0x1d7: {  	[sflag:s8] =	ssyncadd.s32 $0xFFFFB400  }
0x1d8: {  	_ =	swait.ge [sflag:s8], $0x4C00  }
0x1d9: {  	[sflag:s8] =	ssyncset.done $0x0  }
0x1da: {  	s11 =	sadd.s32 $0x1C80, s14;
	s28 =	simm.s32 $0xD;
	[sflag:s8] =	ssyncadd.s32 $0xFFFFB400  }
0x1db: {  	[hbm4b:s11+s2] =	stream.linear.scatter [tilespmem:s21], [sflag:$0xB], $0x4C00, $0x38;
	[tilespmem:$0xE900] =	vst v63  }
0x1dc: {  	_ =	swait.ge [sflag:s28], $0x4C00  }
0x1dd: {  	[sflag:s28] =	ssyncset.done $0x0  }
0x1de: {  	s11 =	simm.s32 $0x2;
	[sflag:s28] =	ssyncadd.s32 $0xFFFFB400  }
0x1df: {  	_ =	swait.ge [sflag:s11], $0x140  }
0x1e0: {  	[sflag:s11] =	ssyncset.done $0x0  }
0x1e1: {  	[sflag:s11] =	ssyncadd.s32 $0xFFFFFEC0  }
0x1e2: {  	[tilespmem:s10], [sflag:$0x7] =	stream.indirect.gather [hbm4b:s3+s20], $0x130, s29, s20, $0xb8;
	[tilespmem:$0xE900] =	vst v63  }
0x1e3: {  	s7 =	simm.s32 $0x3C0;
	s17 =	sadd.s32 $0xFFFFFEC0, s13  }
0x1e4: {  	[tilespmem:s7], [sflag:$0x4] =	stream.linear.gather [hbm4b:s17+s2], $0x140, $0x38;
	[tilespmem:$0xE900] =	vst v63  }
0x1e5: {  	_ =	swait.ge [sflag:s24], $0x4C00  }
0x1e6: {  	[sflag:s24] =	ssyncset.done $0x0  }
0x1e7: {  	s25 =	simm.s32 $0x1C0;
	[sflag:s24] =	ssyncadd.s32 $0xFFFFB400  }
0x1e8: {  	[tilespmem:s10], [sflag:$0xA] =	stream.indirect.gather.add.f32 [hbm:s4], $0x130, s25, s20, $0xb8;
	[tilespmem:$0xE900] =	vst v63  }
0x1e9: {  	s25 =	simm.s32 $0x200  }
0x1ea: {  	[tilespmem:s10], [sflag:$0xA] =	stream.indirect.gather.add.f32 [hbm:s5], $0x130, s25, s20, $0xb8;
	[tilespmem:$0xE900] =	vst v63  }
0x1eb: {  	s25 =	simm.s32 $0x240  }
0x1ec: {  	[tilespmem:s10], [sflag:$0xA] =	stream.indirect.gather.add.f32 [hbm:s6], $0x130, s25, s20, $0xb8;
	[tilespmem:$0xE900] =	vst v63  }
0x1ed: {  	_ =	swait.ge [sflag:s15], $0x4C00  }
0x1ee: {  	[sflag:s15] =	ssyncset.done $0x0  }
0x1ef: {  	[sflag:s15] =	ssyncadd.s32 $0xFFFFB400  }
0x1f0: {  	_ =	swait.ge [sflag:s15], $0x4C00  }
0x1f1: {  	[sflag:s15] =	ssyncset.done $0x0  }
0x1f2: {  	[sflag:s15] =	ssyncadd.s32 $0xFFFFB400  }
0x1f3: {  	_ =	swait.ge [sflag:s15], $0x4C00  }
0x1f4: {  	[sflag:s15] =	ssyncset.done $0x0  }
0x1f5: {  	s7 =	sadd.s32 $0x2600, s14;
	[sflag:s15] =	ssyncadd.s32 $0xFFFFB400  }
0x1f6: {  	[hbm4b:s7+s2] =	stream.linear.scatter [tilespmem:s23], [sflag:$0xC], $0x4C00, $0x38;
	[tilespmem:$0xE900] =	vst v63  }
0x1f7: {  	_ =	swait.ge [sflag:s0], $0x4C00  }
0x1f8: {  	[sflag:s0] =	ssyncset.done $0x0  }
0x1f9: {  	s7 =	simm.s32 $0x3;
	[sflag:s0] =	ssyncadd.s32 $0xFFFFB400  }
0x1fa: {  	_ =	swait.ge [sflag:s7], $0x140  }
0x1fb: {  	[sflag:s7] =	ssyncset.done $0x0  }
0x1fc: {  	[sflag:s7] =	ssyncadd.s32 $0xFFFFFEC0  }
0x1fd: {  	[tilespmem:s21], [sflag:$0x5] =	stream.indirect.gather [hbm4b:s3+s20], $0x130, s19, s20, $0xb8;
	[tilespmem:$0xE900] =	vst v63  }
0x1fe: {  	s25 =	sadd.s32 $0xFFFFFEE8, s13  }
0x1ff: {  	[tilespmem:s2], [sflag:$0x1] =	stream.linear.gather [hbm4b:s25+s2], $0x140, $0x38;
	[tilespmem:$0xE900] =	vst v63  }
0x200: {  	_ =	swait.ge [sflag:s30], $0x4C00  }
0x201: {  	[sflag:s30] =	ssyncset.done $0x0  }
0x202: {  	[sflag:s30] =	ssyncadd.s32 $0xFFFFB400  }
0x203: {  	[tilespmem:s21], [sflag:$0x8] =	stream.indirect.gather.add.f32 [hbm:s4], $0x130, s26, s20, $0xb8;
	[tilespmem:$0xE900] =	vst v63  }
0x204: {  	s25 =	simm.s32 $0x340  }
0x205: {  	[tilespmem:s21], [sflag:$0x8] =	stream.indirect.gather.add.f32 [hbm:s5], $0x130, s25, s20, $0xb8;
	[tilespmem:$0xE900] =	vst v63  }
0x206: {  	s25 =	simm.s32 $0x380  }
0x207: {  	[tilespmem:s21], [sflag:$0x8] =	stream.indirect.gather.add.f32 [hbm:s6], $0x130, s25, s20, $0xb8;
	[tilespmem:$0xE900] =	vst v63  }
0x208: {  	_ =	swait.ge [sflag:s31], $0x4C00  }
0x209: {  	[sflag:s31] =	ssyncset.done $0x0  }
0x20a: {  	[sflag:s31] =	ssyncadd.s32 $0xFFFFB400  }
0x20b: {  	_ =	swait.ge [sflag:s31], $0x4C00  }
0x20c: {  	[sflag:s31] =	ssyncset.done $0x0  }
0x20d: {  	[sflag:s31] =	ssyncadd.s32 $0xFFFFB400  }
0x20e: {  	_ =	swait.ge [sflag:s31], $0x4C00  }
0x20f: {  	[sflag:s31] =	ssyncset.done $0x0  }
0x210: {  	s25 =	sadd.s32 $0x2F80, s14;
	[sflag:s31] =	ssyncadd.s32 $0xFFFFB400  }
0x211: {  	[hbm4b:s25+s2] =	stream.linear.scatter [tilespmem:s10], [sflag:$0xD], $0x4C00, $0x38;
	[tilespmem:$0xE900] =	vst v63  }
0x212: {  	_ =	swait.ge [sflag:s1], $0x4C00  }
0x213: {  	[sflag:s1] =	ssyncset.done $0x0  }
0x214: {  	[sflag:s1] =	ssyncadd.s32 $0xFFFFB400  }
0x215: {  	_ =	swait.ge [sflag:s9], $0x140  }
0x216: {  	[sflag:s9] =	ssyncset.done $0x0  }
0x217: {  	s17 =	simm.s32 $0x3C0;
	[sflag:s9] =	ssyncadd.s32 $0xFFFFFEC0  }
0x218: {  	[tilespmem:s23], [sflag:$0x6] =	stream.indirect.gather [hbm4b:s3+s20], $0x130, s17, s20, $0xb8;
	[tilespmem:$0xE900] =	vst v63  }
0x219: {  	s25 =	sadd.s32 $0xFFFFFF10, s13  }
0x21a: {  	[tilespmem:s29], [sflag:$0x2] =	stream.linear.gather [hbm4b:s25+s2], $0x140, $0x38;
	[tilespmem:$0xE900] =	vst v63  }
0x21b: {  	_ =	swait.ge [sflag:s22], $0x4C00  }
0x21c: {  	[sflag:s22] =	ssyncset.done $0x0  }
0x21d: {  	s18 =	simm.s32 $0x440;
	[sflag:s22] =	ssyncadd.s32 $0xFFFFB400  }
0x21e: {  	[tilespmem:s23], [sflag:$0x9] =	stream.indirect.gather.add.f32 [hbm:s4], $0x130, s18, s20, $0xb8;
	[tilespmem:$0xE900] =	vst v63  }
0x21f: {  	s18 =	simm.s32 $0x480  }
0x220: {  	[tilespmem:s23], [sflag:$0x9] =	stream.indirect.gather.add.f32 [hbm:s5], $0x130, s18, s20, $0xb8;
	[tilespmem:$0xE900] =	vst v63  }
0x221: {  	s18 =	simm.s32 $0x4C0  }
0x222: {  	[tilespmem:s23], [sflag:$0x9] =	stream.indirect.gather.add.f32 [hbm:s6], $0x130, s18, s20, $0xb8;
	[tilespmem:$0xE900] =	vst v63  }
0x223: {  	_ =	swait.ge [sflag:s8], $0x4C00  }
0x224: {  	[sflag:s8] =	ssyncset.done $0x0  }
0x225: {  	[sflag:s8] =	ssyncadd.s32 $0xFFFFB400  }
0x226: {  	_ =	swait.ge [sflag:s8], $0x4C00  }
0x227: {  	[sflag:s8] =	ssyncset.done $0x0  }
0x228: {  	[sflag:s8] =	ssyncadd.s32 $0xFFFFB400  }
0x229: {  	_ =	swait.ge [sflag:s8], $0x4C00  }
0x22a: {  	[sflag:s8] =	ssyncset.done $0x0  }
0x22b: {  	s18 =	sadd.s32 $0x3900, s14;
	[sflag:s8] =	ssyncadd.s32 $0xFFFFB400  }
0x22c: {  	[hbm4b:s18+s2] =	stream.linear.scatter [tilespmem:s21], [sflag:$0xB], $0x4C00, $0x38;
	[tilespmem:$0xE900] =	vst v63  }
0x22d: {  	_ =	swait.ge [sflag:s28], $0x4C00  }
0x22e: {  	[sflag:s28] =	ssyncset.done $0x0  }
0x22f: {  	[sflag:s28] =	ssyncadd.s32 $0xFFFFB400  }
0x230: {  	_ =	swait.ge [sflag:s16], $0x140  }
0x231: {  	[sflag:s16] =	ssyncset.done $0x0  }
0x232: {  	[sflag:s16] =	ssyncadd.s32 $0xFFFFFEC0  }
0x233: {  	[tilespmem:s10], [sflag:$0x7] =	stream.indirect.gather [hbm4b:s3+s20], $0x130, s2, s20, $0xb8;
	[tilespmem:$0xE900] =	vst v63  }
0x234: {  	s18 =	sadd.s32 $0xFFFFFF38, s13  }
0x235: {  	[tilespmem:s19], [sflag:$0x3] =	stream.linear.gather [hbm4b:s18+s2], $0x140, $0x38;
	[tilespmem:$0xE900] =	vst v63  }
0x236: {  	_ =	swait.ge [sflag:s24], $0x4C00  }
0x237: {  	[sflag:s24] =	ssyncset.done $0x0  }
0x238: {  	s18 =	simm.s32 $0x80;
	[sflag:s24] =	ssyncadd.s32 $0xFFFFB400  }
0x239: {  	[tilespmem:s10], [sflag:$0xA] =	stream.indirect.gather.add.f32 [hbm:s4], $0x130, s18, s20, $0xb8;
	[tilespmem:$0xE900] =	vst v63  }
0x23a: {  	s18 =	simm.s32 $0xC0  }
0x23b: {  	[tilespmem:s10], [sflag:$0xA] =	stream.indirect.gather.add.f32 [hbm:s5], $0x130, s18, s20, $0xb8;
	[tilespmem:$0xE900] =	vst v63  }
0x23c: {  	s18 =	simm.s32 $0x100  }
0x23d: {  	[tilespmem:s10], [sflag:$0xA] =	stream.indirect.gather.add.f32 [hbm:s6], $0x130, s18, s20, $0xb8;
	[tilespmem:$0xE900] =	vst v63  }
0x23e: {  	_ =	swait.ge [sflag:s15], $0x4C00  }
0x23f: {  	[sflag:s15] =	ssyncset.done $0x0  }
0x240: {  	[sflag:s15] =	ssyncadd.s32 $0xFFFFB400  }
0x241: {  	_ =	swait.ge [sflag:s15], $0x4C00  }
0x242: {  	[sflag:s15] =	ssyncset.done $0x0  }
0x243: {  	[sflag:s15] =	ssyncadd.s32 $0xFFFFB400  }
0x244: {  	_ =	swait.ge [sflag:s15], $0x4C00  }
0x245: {  	[sflag:s15] =	ssyncset.done $0x0  }
0x246: {  	s18 =	sadd.s32 $0x4280, s14;
	[sflag:s15] =	ssyncadd.s32 $0xFFFFB400  }
0x247: {  	[hbm4b:s18+s2] =	stream.linear.scatter [tilespmem:s23], [sflag:$0xC], $0x4C00, $0x38;
	[tilespmem:$0xE900] =	vst v63  }
0x248: {  	_ =	swait.ge [sflag:s0], $0x4C00  }
0x249: {  	[sflag:s0] =	ssyncset.done $0x0  }
0x24a: {  	[sflag:s0] =	ssyncadd.s32 $0xFFFFB400  }
0x24b: {  	_ =	swait.ge [sflag:s11], $0x140  }
0x24c: {  	[sflag:s11] =	ssyncset.done $0x0  }
0x24d: {  	[sflag:s11] =	ssyncadd.s32 $0xFFFFFEC0  }
0x24e: {  	[tilespmem:s21], [sflag:$0x5] =	stream.indirect.gather [hbm4b:s3+s20], $0x130, s29, s20, $0xb8;
	[tilespmem:$0xE900] =	vst v63  }
0x24f: {  	s17 =	simm.s32 $0x3C0;
	s18 =	sadd.s32 $0xFFFFFF60, s13  }
0x250: {  	[tilespmem:s17], [sflag:$0x4] =	stream.linear.gather [hbm4b:s18+s2], $0x140, $0x38;
	[tilespmem:$0xE900] =	vst v63  }
0x251: {  	_ =	swait.ge [sflag:s30], $0x4C00  }
0x252: {  	[sflag:s30] =	ssyncset.done $0x0  }
0x253: {  	s25 =	simm.s32 $0x1C0;
	[sflag:s30] =	ssyncadd.s32 $0xFFFFB400  }
0x254: {  	[tilespmem:s21], [sflag:$0x8] =	stream.indirect.gather.add.f32 [hbm:s4], $0x130, s25, s20, $0xb8;
	[tilespmem:$0xE900] =	vst v63  }
0x255: {  	s25 =	simm.s32 $0x200  }
0x256: {  	[tilespmem:s21], [sflag:$0x8] =	stream.indirect.gather.add.f32 [hbm:s5], $0x130, s25, s20, $0xb8;
	[tilespmem:$0xE900] =	vst v63  }
0x257: {  	s25 =	simm.s32 $0x240  }
0x258: {  	[tilespmem:s21], [sflag:$0x8] =	stream.indirect.gather.add.f32 [hbm:s6], $0x130, s25, s20, $0xb8;
	[tilespmem:$0xE900] =	vst v63  }
0x259: {  	_ =	swait.ge [sflag:s31], $0x4C00  }
0x25a: {  	[sflag:s31] =	ssyncset.done $0x0  }
0x25b: {  	[sflag:s31] =	ssyncadd.s32 $0xFFFFB400  }
0x25c: {  	_ =	swait.ge [sflag:s31], $0x4C00  }
0x25d: {  	[sflag:s31] =	ssyncset.done $0x0  }
0x25e: {  	[sflag:s31] =	ssyncadd.s32 $0xFFFFB400  }
0x25f: {  	_ =	swait.ge [sflag:s31], $0x4C00  }
0x260: {  	[sflag:s31] =	ssyncset.done $0x0  }
0x261: {  	s17 =	sadd.s32 $0x4C00, s14;
	[sflag:s31] =	ssyncadd.s32 $0xFFFFB400  }
0x262: {  	[hbm4b:s17+s2] =	stream.linear.scatter [tilespmem:s10], [sflag:$0xD], $0x4C00, $0x38;
	[tilespmem:$0xE900] =	vst v63  }
0x263: {  	_ =	swait.ge [sflag:s1], $0x4C00  }
0x264: {  	[sflag:s1] =	ssyncset.done $0x0  }
0x265: {  	[sflag:s1] =	ssyncadd.s32 $0xFFFFB400  }
0x266: {  	_ =	swait.ge [sflag:s7], $0x140  }
0x267: {  	[sflag:s7] =	ssyncset.done $0x0  }
0x268: {  	[sflag:s7] =	ssyncadd.s32 $0xFFFFFEC0  }
0x269: {  	[tilespmem:s23], [sflag:$0x6] =	stream.indirect.gather [hbm4b:s3+s20], $0x130, s19, s20, $0xb8;
	[tilespmem:$0xE900] =	vst v63  }
0x26a: {  	s17 =	sadd.s32 $0xFFFFFF88, s13  }
0x26b: {  	[tilespmem:s2], [sflag:$0x1] =	stream.linear.gather [hbm4b:s17+s2], $0x140, $0x38;
	[tilespmem:$0xE900] =	vst v63  }
0x26c: {  	_ =	swait.ge [sflag:s22], $0x4C00  }
0x26d: {  	[sflag:s22] =	ssyncset.done $0x0  }
0x26e: {  	[sflag:s22] =	ssyncadd.s32 $0xFFFFB400  }
0x26f: {  	[tilespmem:s23], [sflag:$0x9] =	stream.indirect.gather.add.f32 [hbm:s4], $0x130, s26, s20, $0xb8;
	[tilespmem:$0xE900] =	vst v63  }
0x270: {  	s22 =	simm.s32 $0x340  }
0x271: {  	[tilespmem:s23], [sflag:$0x9] =	stream.indirect.gather.add.f32 [hbm:s5], $0x130, s22, s20, $0xb8;
	[tilespmem:$0xE900] =	vst v63  }
0x272: {  	s25 =	simm.s32 $0x380  }
0x273: {  	[tilespmem:s23], [sflag:$0x9] =	stream.indirect.gather.add.f32 [hbm:s6], $0x130, s25, s20, $0xb8;
	[tilespmem:$0xE900] =	vst v63  }
0x274: {  	_ =	swait.ge [sflag:s8], $0x4C00  }
0x275: {  	[sflag:s8] =	ssyncset.done $0x0  }
0x276: {  	[sflag:s8] =	ssyncadd.s32 $0xFFFFB400  }
0x277: {  	_ =	swait.ge [sflag:s8], $0x4C00  }
0x278: {  	[sflag:s8] =	ssyncset.done $0x0  }
0x279: {  	[sflag:s8] =	ssyncadd.s32 $0xFFFFB400  }
0x27a: {  	_ =	swait.ge [sflag:s8], $0x4C00  }
0x27b: {  	[sflag:s8] =	ssyncset.done $0x0  }
0x27c: {  	s26 =	sadd.s32 $0x5580, s14;
	[sflag:s8] =	ssyncadd.s32 $0xFFFFB400  }
0x27d: {  	[hbm4b:s26+s2] =	stream.linear.scatter [tilespmem:s21], [sflag:$0xB], $0x4C00, $0x38;
	[tilespmem:$0xE900] =	vst v63  }
0x27e: {  	_ =	swait.ge [sflag:s28], $0x4C00  }
0x27f: {  	[sflag:s28] =	ssyncset.done $0x0  }
0x280: {  	[sflag:s28] =	ssyncadd.s32 $0xFFFFB400  }
0x281: {  	_ =	swait.ge [sflag:s9], $0x140  }
0x282: {  	[sflag:s9] =	ssyncset.done $0x0  }
0x283: {  	s18 =	simm.s32 $0x3C0;
	[sflag:s9] =	ssyncadd.s32 $0xFFFFFEC0  }
0x284: {  	[tilespmem:s10], [sflag:$0x7] =	stream.indirect.gather [hbm4b:s3+s20], $0x130, s18, s20, $0xb8;
	[tilespmem:$0xE900] =	vst v63  }
0x285: {  	s17 =	simm.s32 $0x140;
	s18 =	sadd.s32 $0xFFFFFFB0, s13  }
0x286: {  	[tilespmem:s17], [sflag:$0x2] =	stream.linear.gather [hbm4b:s18+s2], $0x140, $0x38;
	[tilespmem:$0xE900] =	vst v63  }
0x287: {  	_ =	swait.ge [sflag:s24], $0x4C00  }
0x288: {  	[sflag:s24] =	ssyncset.done $0x0  }
0x289: {  	s22 =	simm.s32 $0x440;
	[sflag:s24] =	ssyncadd.s32 $0xFFFFB400  }
0x28a: {  	[tilespmem:s10], [sflag:$0xA] =	stream.indirect.gather.add.f32 [hbm:s4], $0x130, s22, s20, $0xb8;
	[tilespmem:$0xE900] =	vst v63  }
0x28b: {  	s24 =	simm.s32 $0x480  }
0x28c: {  	[tilespmem:s10], [sflag:$0xA] =	stream.indirect.gather.add.f32 [hbm:s5], $0x130, s24, s20, $0xb8;
	[tilespmem:$0xE900] =	vst v63  }
0x28d: {  	s25 =	simm.s32 $0x4C0  }
0x28e: {  	[tilespmem:s10], [sflag:$0xA] =	stream.indirect.gather.add.f32 [hbm:s6], $0x130, s25, s20, $0xb8;
	[tilespmem:$0xE900] =	vst v63  }
0x28f: {  	_ =	swait.ge [sflag:s15], $0x4C00  }
0x290: {  	[sflag:s15] =	ssyncset.done $0x0  }
0x291: {  	[sflag:s15] =	ssyncadd.s32 $0xFFFFB400  }
0x292: {  	_ =	swait.ge [sflag:s15], $0x4C00  }
0x293: {  	[sflag:s15] =	ssyncset.done $0x0  }
0x294: {  	[sflag:s15] =	ssyncadd.s32 $0xFFFFB400  }
0x295: {  	_ =	swait.ge [sflag:s15], $0x4C00  }
0x296: {  	[sflag:s15] =	ssyncset.done $0x0  }
0x297: {  	s18 =	sadd.s32 $0x5F00, s14;
	[sflag:s15] =	ssyncadd.s32 $0xFFFFB400  }
0x298: {  	[hbm4b:s18+s2] =	stream.linear.scatter [tilespmem:s23], [sflag:$0xC], $0x4C00, $0x38;
	[tilespmem:$0xE900] =	vst v63  }
0x299: {  	_ =	swait.ge [sflag:s0], $0x4C00  }
0x29a: {  	[sflag:s0] =	ssyncset.done $0x0  }
0x29b: {  	[sflag:s0] =	ssyncadd.s32 $0xFFFFB400  }
0x29c: {  	_ =	swait.ge [sflag:s16], $0x140  }
0x29d: {  	[sflag:s16] =	ssyncset.done $0x0  }
0x29e: {  	[sflag:s16] =	ssyncadd.s32 $0xFFFFFEC0  }
0x29f: {  	[tilespmem:s21], [sflag:$0x5] =	stream.indirect.gather [hbm4b:s3+s20], $0x130, s2, s20, $0xb8;
	[tilespmem:$0xE900] =	vst v63  }
0x2a0: {  	s0 =	sadd.s32 $0xFFFFFFD8, s13  }
0x2a1: {  	[tilespmem:s19], [sflag:$0x3] =	stream.linear.gather [hbm4b:s0+s2], $0x140, $0x38;
	[tilespmem:$0xE900] =	vst v63  }
0x2a2: {  	_ =	swait.ge [sflag:s30], $0x4C00  }
0x2a3: {  	[sflag:s30] =	ssyncset.done $0x0  }
0x2a4: {  	s16 =	simm.s32 $0x80;
	[sflag:s30] =	ssyncadd.s32 $0xFFFFB400  }
0x2a5: {  	[tilespmem:s21], [sflag:$0x8] =	stream.indirect.gather.add.f32 [hbm:s4], $0x130, s16, s20, $0xb8;
	[tilespmem:$0xE900] =	vst v63  }
0x2a6: {  	s19 =	simm.s32 $0xC0  }
0x2a7: {  	[tilespmem:s21], [sflag:$0x8] =	stream.indirect.gather.add.f32 [hbm:s5], $0x130, s19, s20, $0xb8;
	[tilespmem:$0xE900] =	vst v63  }
0x2a8: {  	s25 =	simm.s32 $0x100  }
0x2a9: {  	[tilespmem:s21], [sflag:$0x8] =	stream.indirect.gather.add.f32 [hbm:s6], $0x130, s25, s20, $0xb8;
	[tilespmem:$0xE900] =	vst v63  }
0x2aa: {  	_ =	swait.ge [sflag:s31], $0x4C00  }
0x2ab: {  	[sflag:s31] =	ssyncset.done $0x0  }
0x2ac: {  	[sflag:s31] =	ssyncadd.s32 $0xFFFFB400  }
0x2ad: {  	_ =	swait.ge [sflag:s31], $0x4C00  }
0x2ae: {  	[sflag:s31] =	ssyncset.done $0x0  }
0x2af: {  	[sflag:s31] =	ssyncadd.s32 $0xFFFFB400  }
0x2b0: {  	_ =	swait.ge [sflag:s31], $0x4C00  }
0x2b1: {  	[sflag:s31] =	ssyncset.done $0x0  }
0x2b2: {  	s0 =	sadd.s32 $0x6880, s14;
	[sflag:s31] =	ssyncadd.s32 $0xFFFFB400  }
0x2b3: {  	[hbm4b:s0+s2] =	stream.linear.scatter [tilespmem:s10], [sflag:$0xD], $0x4C00, $0x38;
	[tilespmem:$0xE900] =	vst v63  }
0x2b4: {  	_ =	swait.ge [sflag:s1], $0x4C00  }
0x2b5: {  	[sflag:s1] =	ssyncset.done $0x0  }
0x2b6: {  	[sflag:s1] =	ssyncadd.s32 $0xFFFFB400  }
0x2b7: {  	_ =	swait.ge [sflag:s11], $0x140  }
0x2b8: {  	[sflag:s11] =	ssyncset.done $0x0  }
0x2b9: {  	[sflag:s11] =	ssyncadd.s32 $0xFFFFFEC0  }
0x2ba: {  	[tilespmem:s23], [sflag:$0x6] =	stream.indirect.gather [hbm4b:s3+s20], $0x130, s17, s20, $0xb8;
	[tilespmem:$0xE900] =	vst v63  }
0x2bb: {  	s26 =	simm.s32 $0x3C0;
	s30 =	simm.s32 $0x6  }
0x2bc: {  	[tilespmem:s26], [sflag:$0x4] =	stream.linear.gather [hbm4b:s13+s2], $0x140, $0x38;
	[tilespmem:$0xE900] =	vst v63  }
0x2bd: {  	_ =	swait.ge [sflag:s30], $0x4C00  }
0x2be: {  	[sflag:s30] =	ssyncset.done $0x0  }
0x2bf: {  	s16 =	simm.s32 $0x1C0;
	[sflag:s30] =	ssyncadd.s32 $0xFFFFB400  }
0x2c0: {  	[tilespmem:s23], [sflag:$0x9] =	stream.indirect.gather.add.f32 [hbm:s4], $0x130, s16, s20, $0xb8;
	[tilespmem:$0xE900] =	vst v63  }
0x2c1: {  	s25 =	simm.s32 $0x200  }
0x2c2: {  	[tilespmem:s23], [sflag:$0x9] =	stream.indirect.gather.add.f32 [hbm:s5], $0x130, s25, s20, $0xb8;
	[tilespmem:$0xE900] =	vst v63  }
0x2c3: {  	s26 =	simm.s32 $0x240  }
0x2c4: {  	[tilespmem:s23], [sflag:$0x9] =	stream.indirect.gather.add.f32 [hbm:s6], $0x130, s26, s20, $0xb8;
	[tilespmem:$0xE900] =	vst v63  }
0x2c5: {  	_ =	swait.ge [sflag:s8], $0x4C00  }
0x2c6: {  	[sflag:s8] =	ssyncset.done $0x0  }
0x2c7: {  	[sflag:s8] =	ssyncadd.s32 $0xFFFFB400  }
0x2c8: {  	_ =	swait.ge [sflag:s8], $0x4C00  }
0x2c9: {  	[sflag:s8] =	ssyncset.done $0x0  }
0x2ca: {  	[sflag:s8] =	ssyncadd.s32 $0xFFFFB400  }
0x2cb: {  	_ =	swait.ge [sflag:s8], $0x4C00  }
0x2cc: {  	[sflag:s8] =	ssyncset.done $0x0  }
0x2cd: {  	s14 =	sadd.s32 $0x7200, s14;
	[sflag:s8] =	ssyncadd.s32 $0xFFFFB400  }
0x2ce: {  	[hbm4b:s14+s2] =	stream.linear.scatter [tilespmem:s21], [sflag:$0xB], $0x4C00, $0x38;
	[tilespmem:$0xE900] =	vst v63  }
0x2cf: {  	p0 =	sne.s32 s12, $0x1C800;
	_ =	swait.ge [sflag:s28], $0x4C00  }
.Ltmp0:
0x2d0: {  	[sflag:s28] =	ssyncset.done $0x0;
	(pc) =	sbr.rel @p0 .LBB2_2-.Ltmp0, $4  }
0x2d1: {  	s12 =	sadd.s32 $0x7200, s12;
	s29 =	simm.s32 $0x380;
	[sflag:s28] =	ssyncadd.s32 $0xFFFFB400  }
0x2d2: {  	s9 =	simm.s32 $0x440;
	s22 =	simm.s32 $0x480;
	_ =	swait.ge [sflag:s7], $0x140  }
0x2d3: {  	s24 =	simm.s32 $0x4C0;
	s18 =	simm.s32 $0x280;
	[sflag:s7] =	ssyncset.done $0x0  }
0x2d4: {  	s19 =	simm.s32 $0x3C0;
	s13 =	sadd.s32 $0x1E0, s13;
	[sflag:s7] =	ssyncadd.s32 $0xFFFFFEC0  }
0x2d5: {  	[tilespmem:s10], [sflag:$0x7] =	stream.indirect.gather [hbm4b:s3+s20], $0x130, s18, s20, $0xb8;
	[tilespmem:$0xE900] =	vst v63  }
0x2d6: {  	s11 =	simm.s32 $0x7  }
0x2d7: {  	_ =	swait.ge [sflag:s11], $0x4C00  }
0x2d8: {  	[sflag:s11] =	ssyncset.done $0x0  }
0x2d9: {  	s0 =	simm.s32 $0x300;
	[sflag:s11] =	ssyncadd.s32 $0xFFFFB400  }
0x2da: {  	[tilespmem:s10], [sflag:$0xA] =	stream.indirect.gather.add.f32 [hbm:s4], $0x130, s0, s20, $0xb8;
	[tilespmem:$0xE900] =	vst v63  }
0x2db: {  	s13 =	simm.s32 $0x340  }
0x2dc: {  	[tilespmem:s10], [sflag:$0xA] =	stream.indirect.gather.add.f32 [hbm:s5], $0x130, s13, s20, $0xb8;
	[tilespmem:$0xE900] =	vst v63  }
0x2dd: {  	_ = 	snop  }
0x2de: {  	[tilespmem:s10], [sflag:$0xA] =	stream.indirect.gather.add.f32 [hbm:s6], $0x130, s29, s20, $0xb8;
	[tilespmem:$0xE900] =	vst v63  }
0x2df: {  	_ =	swait.ge [sflag:s15], $0x4C00  }
0x2e0: {  	[sflag:s15] =	ssyncset.done $0x0  }
0x2e1: {  	[sflag:s15] =	ssyncadd.s32 $0xFFFFB400  }
0x2e2: {  	_ =	swait.ge [sflag:s15], $0x4C00  }
0x2e3: {  	[sflag:s15] =	ssyncset.done $0x0  }
0x2e4: {  	[sflag:s15] =	ssyncadd.s32 $0xFFFFB400  }
0x2e5: {  	_ =	swait.ge [sflag:s15], $0x4C00  }
0x2e6: {  	[sflag:s15] =	ssyncset.done $0x0  }
0x2e7: {  	s14 =	simm.s32 $0xB;
	s12 =	rddreg [dreg:$0x8];
	[sflag:s15] =	ssyncadd.s32 $0xFFFFB400  }
0x2e8: {  	[hbm4b:s12+s2] =	stream.linear.scatter [tilespmem:s23], [sflag:$0xC], $0x4C00, $0x38;
	[tilespmem:$0xE900] =	vst v63  }
0x2e9: {  	_ =	swait.ge [sflag:s14], $0x4C00  }
0x2ea: {  	[sflag:s14] =	ssyncset.done $0x0  }
0x2eb: {  	s18 =	simm.s32 $0x4;
	[sflag:s14] =	ssyncadd.s32 $0xFFFFB400  }
0x2ec: {  	_ =	swait.ge [sflag:s18], $0x140  }
0x2ed: {  	[sflag:s18] =	ssyncset.done $0x0  }
0x2ee: {  	[sflag:s18] =	ssyncadd.s32 $0xFFFFFEC0  }
0x2ef: {  	[tilespmem:s21], [sflag:$0x5] =	stream.indirect.gather [hbm4b:s3+s20], $0x130, s19, s20, $0xb8;
	[tilespmem:$0xE900] =	vst v63  }
0x2f0: {  	s19 =	simm.s32 $0x5  }
0x2f1: {  	_ =	swait.ge [sflag:s19], $0x4C00  }
0x2f2: {  	[sflag:s19] =	ssyncset.done $0x0  }
0x2f3: {  	[sflag:s19] =	ssyncadd.s32 $0xFFFFB400  }
0x2f4: {  	[tilespmem:s21], [sflag:$0x8] =	stream.indirect.gather.add.f32 [hbm:s4], $0x130, s9, s20, $0xb8;
	[tilespmem:$0xE900] =	vst v63  }
0x2f5: {  	_ = 	snop  }
0x2f6: {  	[tilespmem:s21], [sflag:$0x8] =	stream.indirect.gather.add.f32 [hbm:s5], $0x130, s22, s20, $0xb8;
	[tilespmem:$0xE900] =	vst v63  }
0x2f7: {  	_ = 	snop  }
0x2f8: {  	[tilespmem:s21], [sflag:$0x8] =	stream.indirect.gather.add.f32 [hbm:s6], $0x130, s24, s20, $0xb8;
	[tilespmem:$0xE900] =	vst v63  }
0x2f9: {  	_ =	swait.ge [sflag:s31], $0x4C00  }
0x2fa: {  	[sflag:s31] =	ssyncset.done $0x0  }
0x2fb: {  	[sflag:s31] =	ssyncadd.s32 $0xFFFFB400  }
0x2fc: {  	_ =	swait.ge [sflag:s31], $0x4C00  }
0x2fd: {  	[sflag:s31] =	ssyncset.done $0x0  }
0x2fe: {  	[sflag:s31] =	ssyncadd.s32 $0xFFFFB400  }
0x2ff: {  	_ =	swait.ge [sflag:s31], $0x4C00  }
0x300: {  	[sflag:s31] =	ssyncset.done $0x0  }
0x301: {  	s24 =	rddreg [dreg:$0x9];
	[sflag:s31] =	ssyncadd.s32 $0xFFFFB400  }
0x302: {  	[hbm4b:s24+s2] =	stream.linear.scatter [tilespmem:s10], [sflag:$0xD], $0x4C00, $0x38;
	[tilespmem:$0xE900] =	vst v63  }
0x303: {  	_ =	swait.ge [sflag:s8], $0x4C00  }
0x304: {  	[sflag:s8] =	ssyncset.done $0x0  }
0x305: {  	[sflag:s8] =	ssyncadd.s32 $0xFFFFB400  }
0x306: {  	_ =	swait.ge [sflag:s8], $0x4C00  }
0x307: {  	[sflag:s8] =	ssyncset.done $0x0  }
0x308: {  	[sflag:s8] =	ssyncadd.s32 $0xFFFFB400  }
0x309: {  	_ =	swait.ge [sflag:s8], $0x4C00  }
0x30a: {  	[sflag:s8] =	ssyncset.done $0x0  }
0x30b: {  	s1 =	simm.s32 $0xC;
	s25 =	rddreg [dreg:$0xa];
	[sflag:s8] =	ssyncadd.s32 $0xFFFFB400  }
0x30c: {  	[hbm4b:s25+s2] =	stream.linear.scatter [tilespmem:s21], [sflag:$0xB], $0x4C00, $0x38;
	[tilespmem:$0xE900] =	vst v63  }
0x30d: {  	_ =	swait.ge [sflag:s1], $0x4C00  }
0x30e: {  	[sflag:s1] =	ssyncset.done $0x0  }
0x30f: {  	s26 =	simm.s32 $0xD;
	[sflag:s1] =	ssyncadd.s32 $0xFFFFB400  }
0x310: {  	_ =	swait.ge [sflag:s26], $0x4C00  }
0x311: {  	[sflag:s26] =	ssyncset.done $0x0  }
0x312: {  	[sflag:s26] =	ssyncadd.s32 $0xFFFFB400  }
0x313: {  	_ =	swait.ge [sflag:s14], $0x4C00  }
0x314: {  	s16 =	rddreg [dreg:$0xd]  }
0x315: {  	s29 =	rddreg [dreg:$0xb];
	s16 =	sadd.s32 $0x1, s16  }
0x316: {  	p0 =	sne.s32 s16, s29  }
.Ltmp1:
0x317: {  	_ = 	snop;
	(pc) =	sbr.rel @p0 .LBB2_1-.Ltmp1, $4  }
0x318: {  	s28 =	simm.s32 $0x100  }
0x319: {  	s13 =	simm.s32 $0x1C0;
	s18 =	simm.s32 $0x1;
	s19 =	simm.s32 $0x80  }
0x31a: {  	s9 =	simm.s32 $0x2;
	s22 =	simm.s32 $0x3;
	[sflag:s14] =	ssyncset.done $0x0  }
0x31b: {  	s26 =	simm.s32 $0xC0;
	[sflag:s14] =	ssyncadd.s32 $0xFFFFB400;
	s14 =	simm.s32 $0x200  }
0x31c: {  	_ =	sfence.sel $0x180000  }
0x31d: {  	[bflag:$0x0] =	sbarrier.arrive $0xFFFF  }
0x31e: {  	_ =	strace $0x90000047  }
0x31f: {  	s0 =	stileid.u32;
	[bflag:$0x2] =	sbarrier.arrive $0xFFFF  }
0x320: {  	p0 =	sne.s32 s0, $0x0;
	s0 =	rddreg [dreg:$0x1]  }
0x321: {  	s0 =	sadd.s32 @!p0 $0x100000, s0  }
0x322: {  	[sflag:s0] =	ssyncadd.tile.s32 @!p0 $0x1;
	_ =	shalt  }
.Lfunc_end2:
_tile_overlayer_lowered:
.L_overlay_start_2:
0x323: {  	(tag) =	ssettag $0x2  }
0x324: {  	s0 =	rddreg [dreg:$0x0];
	s2 =	stileid.u32  }
0x325: {  	s1 =	rddreg [dreg:$0x1];
	p0 =	sne.s32 s2, $0x0  }
0x326: {  	s3 =	rddreg [dreg:$0x2];
	[bflag:$0x3] =	sbarrier.arrive $0xFFFF;
	s2 =	simm.s32 @!p0 $0x1C0E  }
0x327: {  	[timem:s3], [sflag:s2] =	dma.local @!p0 [hbm:s0], s1  }
0x328: {  	s0 =	simm.s32 @!p0 $0xE  }
0x329: {  	_ =	swait.ge @!p0 [sflag:s0], s1  }
0x32a: {  	s1 =	ssub.s32 @!p0 $0x0, s1;
	[sflag:s0] =	ssyncset.done @!p0 $0x0  }
0x32b: {  	[sflag:s0] =	ssyncadd.s32 @!p0 s1  }
0x32c: {  	[bflag:$0x3] =	sbarrier.arrive $0xFFFF  }
0x32d: {  	_ =	shalt  }

// kernel: sparse-core-data-format-call.cloned.1.call-start
scs
called_computation_lowered:
.L_overlay_start_0:
0x0: {  	s2 =	sld [smem:$0x3FD9]  }
0x1: {  	s3 =	sld [smem:$0x3FFE];
	_ =	sdelay $0x1  }
0x2: {  	s1 =	srdreg.scid  }
0x3: {  	s0 =	sand.u32 $0x1, s1  }
0x4: {  	s18 =	sshll.u32 s0, $0xA;
	s2 =	sadd.s32 s3, s2  }
0x5: {  	s2 =	sadd.s32 s2, s18  }
0x6: {  	[smem:$0x3FBD] =	sst s2  }
0x7: {  	_ = 	snop  }
0x8: {  	s2 =	sld [smem:$0x3FD0];
	(tm) =	ssettm $0x1  }
0x9: {  	s19 =	sld [smem:$0x3FFB];
	_ =	sdelay $0x3  }
0xa: {  	_ =	strace s19  }
0xb: {  	s3 =	sld [smem:$0x3FFC];
	_ =	sdelay $0x3  }
0xc: {  	_ =	strace s3  }
0xd: {  	s3 =	sld [smem:$0x3FFD];
	_ =	sdelay $0x3  }
0xe: {  	_ =	strace s3  }
0xf: {  	_ =	strace $0x8FFFFFFF  }
0x10: {  	s20 =	sld [smem:$0x3FDB];
	_ =	sdelay $0x1  }
0x11: {  	s4 =	simm.s32 $_scs_section_size  }
0x12: {  	s5 =	simm.s32 $_size__tile_overlayer_lowered;
	s6 =	simm.s32 $_tile_overlayer_lowered  }
0x13: {  	s23 =	simm.s32 $0x1BFF;
	s22 =	sshll.u32 s6, $0x1;
	s3 =	sadd.s32 s4, s20  }
0x14: {  	s7 =	simm.s32 $0x0;
	s21 =	sshll.u32 s5, $0x1;
	s5 =	sadd.s32 s22, s3  }
0x15: {  	[timem:s7], [sflag:s23] =	dma.local [hbm:s5], s21  }
0x16: {  	_ =	swait.ge [sflag:s23], s21  }
0x17: {  	s4 =	ssub.s32 $0x0, s21;
	[sflag:s23] =	ssyncset.done $0x0  }
0x18: {  	[sflag:s23] =	ssyncadd.s32 s4;
	_ =	sdelay $0x1  }
0x19: {  	s24 =	simm.s32 $0x1B8B  }
0x1a: {  	_ =	swait.ge [sflag:s24], $0x1  }
0x1b: {  	[sflag:s24] =	ssyncset.done $0x0  }
0x1c: {  	s26 =	simm.s32 $0x1B8E;
	s25 =	sld [smem:$0x3FFE];
	[sflag:s24] =	ssyncadd.s32 $0xFFFFFFFF  }
0x1d: {  	s27 =	simm.s32 $execute0_lowered;
	[smem:$0x3FD2] =	sst s26  }
0x1e: {  	s5 =	sshll.u32 s27, $0x1;
	_ =	strace $0x80000049;
	[dreg:$0x1] =	wrdreg $0xFFFFFFFF  }
0x1f: {  	s28 =	simm.s32 $_size_execute0_lowered;
	s3 =	sadd.s32 s3, s5;
	[dreg:$0x0] =	wrdreg $0x0  }
0x20: {  	s5 =	sshll.u32 s28, $0x1;
	[dreg:$0x2] =	wrdreg s3  }
0x21: {  	[dreg:$0x3] =	wrdreg s5  }
0x22: {  	[dreg:$0x4] =	wrdreg $0xC0  }
0x23: {  	_ =	task [dreg:s7], $0x5FFFF  }
0x24: {  	[dreg:$0x1] =	wrdreg $0xFFFFFFFF  }
0x25: {  	[dreg:$0x0] =	wrdreg $0x60  }
0x26: {  	[dreg:$0x2] =	wrdreg s25  }
0x27: {  	[dreg:$0x3] =	wrdreg s2  }
0x28: {  	[dreg:$0x4] =	wrdreg $0x9  }
0x29: {  	_ =	task.clear_ibuf [dreg:s7], $0x5FFFF;
	_ =	strace $0x90000049  }
0x2a: {  	s29 =	simm.s32 $0x9;
	_ =	strace $0x8000004B  }
0x2b: {  	_ =	swait.ge [sflag:s29], $0x1  }
0x2c: {  	[sflag:s29] =	ssyncadd.s32 $0xFFFFFFFF  }
0x2d: {  	_ =	strace $0x9000004B  }
0x2e: {  	_ =	sfence  }
0x2f: {  	s30 =	sld [smem:$0x0];
	_ =	sdelay $0x2  }
0x30: {  	s31 =	sshll.u32 s1, $0xD;
	s1 =	sshrl.u32 s1, $0x2  }
0x31: {  	s3 =	sand.u32 $0x4000, s31;
	s1 =	sadd.s32 s1, s30  }
0x32: {  	s0 =	sor.u32 s3, s0;
	s1 =	sshll.u32 s1, $0x11  }
0x33: {  	s0 =	sor.u32 s1, s0  }
0x34: {  	s0 =	sadd.s32 $0x8F2B, s0  }
0x35: {  	[sflag:s0] =	ssyncadd.remote.s32 $0x1  }
0x36: {  	_ =	sfence.sel $0xFFFF  }
0x37: {  	[dreg:$0x0] =	wrdreg $0xFFFFFFFF;
	(pc) =	sbr.abs _section_cstart, $3  }
0x38: {  	[dreg:$0x1] =	wrdreg $0xFFFFFFFF  }
0x39: {  	_ =	task.clear_ibuf [dreg:s7], $0x2FFFF;
	_ =	strace $0x9FFFFFFF  }
0x3a: {  	(tm) =	ssettm $0x7FFFFFFF  }
0x3b: {  	_ =	shalt  }
tec
execute0_lowered:
.L_overlay_start_1:
0x0: {  	(tag) =	ssettag $0x1  }
0x1: {  	s1 =	rddreg [dreg:$0x0]  }
0x2: {  	s2 =	rddreg [dreg:$0x1]  }
0x3: {  	s0 =	rddreg [dreg:$0x2]  }
0x4: {  	s4 =	srdreg.scid;
	_ =	strace $0x8000004A;
	s6 =	simm.s32 $0x2  }
0x5: {  	s15 =	simm.s32 $0x0;
	p0 =	por $0x0, $0x0;
	s14 =	simm.s32 $0x0  }
0x6: {  	s16 =	simm.s32 $0x0;
	s7 =	simm.s32 $0x0;
	s9 =	simm.s32 $0x0  }
.Ltmp0:
0x7: {  	s10 =	simm.s32 $0x0;
	s11 =	simm.s32 $0x0;
	(pc) =	sbr.rel .LBB1_1-.Ltmp0, $4  }
0x8: {  	s12 =	simm.s32 $0x0;
	s3 =	sadd.s32 $0x1121A00, s1;
	s4 =	sshll.u32 s4, $0x4  }
0x9: {  	s1 =	stileid.u32;
	s5 =	sand.u32 $0x10, s4;
	s4 =	simm.s32 $0x1  }
0xa: {  	s8 =	simm.s32 $0x0;
	s5 =	sor.u32 s1, s5;
	[sflag:s4] =	ssyncpa.u1 $0x0  }
0xb: {  	[sflag:s6] =	ssyncpa.u1 $0x0;
	s6 =	simm.s32 $0x20000;
	s13 =	smov.u32 s5  }
.LBB1_5:
0xc: {  	p1 =	slt.u32 s8, $0x2;
	s18 =	smov.u32 s16  }
0xd: {  	p2 =	sgt.s32 @!p1 s15, $0xAC;
	s17 =	sshra.s32 @!p1 s15, $0x1F;
	p3 =	sgt.s32 @!p1 s16, $0x3F  }
0xe: {  	s19 =	sshra.s32 @!p1 s16, $0x1F;
	p2 =	por !p2, p1;
	s17 =	sand.u32 @!p1 s17, s15  }
0xf: {  	p3 =	por !p3, p1;
	s16 =	sand.u32 @!p1 s19, s16;
	s19 =	sshra.s32 @!p1 s14, $0x1F  }
0x10: {  	s18 =	simm.s32 @p3 $0x3F;
	p3 =	sgt.s32 @!p1 s14, $0x780;
	s15 =	simm.s32 @p2 $0xAC  }
0x11: {  	s16 =	ssub.s32 @!p1 s18, s16;
	p3 =	por !p3, p1;
	s18 =	smov.u32 s14  }
0x12: {  	s14 =	sand.u32 @!p1 s19, s14;
	s15 =	ssub.s32 @!p1 s15, s17;
	s18 =	simm.s32 @p3 $0x780  }
0x13: {  	s17 =	sadd.s32 @!p1 $0xFFFFFFC1, s16;
	s16 =	ssub.s32 @!p1 $0x40, s16;
	s14 =	ssub.s32 @!p1 s18, s14  }
0x14: {  	s18 =	sadd.s32 @!p1 $0xFFFFFF54, s15;
	p2 =	sgt.s32 @!p1 s17, $0x0;
	s17 =	sadd.s32 @!p1 $0xFFFFF880, s14  }
0x15: {  	s15 =	ssub.s32 @!p1 $0x12C, s15;
	p2 =	por !p2, p1;
	p3 =	sgt.s32 @!p1 s17, $0x7F  }
0x16: {  	s14 =	ssub.s32 @!p1 $0x800, s14;
	s16 =	simm.s32 @!p2 $0x0;
	p2 =	por !p3, p1  }
0x17: {  	s17 =	sadd.s32 $0x80, s11;
	p3 =	sgt.s32 @!p1 s18, $0x7F;
	s14 =	simm.s32 @!p2 $0x0  }
0x18: {  	s18 =	smov.u32 s12;
	p2 =	por !p3, p1;
	s14 =	smul.u32 @!p1 s16, s14  }
0x19: {  	s15 =	simm.s32 @!p2 $0x0;
	p2 =	sgt.s32 s17, $0x12B;
	s16 =	sadd.s32 $0x80, s12  }
0x1a: {  	s19 =	smov.u32 s13;
	s18 =	smov.u32 @p2 s16  }
0x1b: {  	s14 =	smul.u32 @!p1 s15, s14;
	p3 =	sgt.s32 s18, $0x7FF;
	s15 =	sadd.s32 $0x20, s13  }
0x1c: {  	s8 =	sadd.s32 $0x1, s8;
	p0 =	por !p0, !p0;
	s19 =	smov.u32 @p3 s15  }
0x1d: {  	s20 =	simm.s32 @!p1 $0x2;
	s17 =	simm.s32 @p2 $0x0;
	p2 =	sgt.s32 s19, $0x3F  }
0x1e: {  	s16 =	smov.u32 s10;
	s19 =	smov.u32 @p2 s5;
	p2 =	sne.s32 s8, $0x62  }
.Ltmp1:
0x1f: {  	s10 =	smov.u32 s13;
	s18 =	simm.s32 @p3 $0x0;
	(pc) =	sbr.rel @!p2 .LBB1_6-.Ltmp1, $4  }
0x20: {  	s15 =	smov.u32 s7;
	s7 =	smov.u32 s11;
	s14 =	sand.u32 @!p1 $0x3FFFFFFF, s14  }
0x21: {  	s11 =	smov.u32 s17;
	_ =	swait.ge @!p1 [sflag:s20], s14;
	s21 =	ssub.s32 @!p1 $0x0, s14  }
0x22: {  	s14 =	smov.u32 s9;
	s9 =	smov.u32 s12;
	[sflag:s20] =	ssyncset.done @!p1 $0x0  }
0x23: {  	s12 =	smov.u32 s18;
	s13 =	smov.u32 s19;
	[sflag:s20] =	ssyncadd.s32 @!p1 s21  }
.LBB1_1:
0x24: {  	p1 =	sgt.u32 s8, $0x5F  }
0x25: {  	s17 =	sshrl.u32 @!p1 s12, $0x3  }
0x26: {  	s18 =	sshll.u32 @!p1 s11, $0x3;
	s17 =	smul.u32 @!p1 $0xC00, s17  }
0x27: {  	s19 =	sshll.u32 @!p1 s12, $0x7;
	s18 =	sand.u32 @!p1 $0xFFFFFC00, s18  }
0x28: {  	s17 =	sadd.s32 @!p1 s17, s18;
	s18 =	sand.u32 @!p1 $0x380, s19  }
0x29: {  	s19 =	sand.u32 @!p1 $0x7F, s11;
	s17 =	sor.u32 @!p1 s18, s17  }
0x2a: {  	s18 =	sor.u32 @!p1 s19, s17  }
0x2b: {  	s19 =	smulhi.u32 @!p1 $0xAAAAAAAB, s18  }
0x2c: {  	s17 =	smulhi.u32 @!p1 $0xAAAAAAAB, s17  }
0x2d: {  	s19 =	sshrl.u32 @!p1 s19, $0x8  }
0x2e: {  	s17 =	sshrl.u32 @!p1 s17, $0x8;
	s19 =	smul.u32 @!p1 $0x180, s19  }
0x2f: {  	s20 =	sxor.u32 @!p1 $0xFFFFFFFF, s8;
	s21 =	smul.u32 @!p1 $0x18000, s13;
	s17 =	sand.u32 @!p1 $0x7FF, s17  }
0x30: {  	s20 =	sshll.u32 @!p1 s20, $0xE;
	s17 =	smul.u32 @!p1 $0x30, s17;
	s18 =	ssub.s32 @!p1 s18, s19  }
0x31: {  	s19 =	sand.u32 @!p1 $0x4000, s20;
	s20 =	sadd.s32 @!p1 s3, s21;
	s21 =	sand.u32 @!p1 $0x7, s18  }
0x32: {  	s18 =	sshrl.u32 @!p1 s18, $0x3;
	s17 =	sadd.s32 @!p1 s17, s20;
	s20 =	sshll.u32 @!p1 s21, $0x12  }
0x33: {  	s17 =	sadd.s32 @!p1 s18, s17;
	s18 =	sor.u32 @!p1 $0x400, s20;
	s20 =	simm.s32 @!p1 $0xC00  }
0x34: {  	[tilespmem:s19], [sflag:$0x1] =	stream.strided.gather @!p1 [hbm4b:s17+s18], $0x4000, s20, s18, $0x38;
	[tilespmem:$0x10100] =	vst v63  }
0x35: {  	p1 =	seq.s32 s8, $0x0  }
0x36: {  	p2 =	seq.s32 @!p1 s8, $0x61  }
0x37: {  	p1 =	por p1, p2  }
.Ltmp2:
0x38: {  	_ = 	snop;
	(pc) =	sbr.rel @p1 .LBB1_5-.Ltmp2, $1  }
0x39: {  	_ =	sdelay $0x3  }
0x3a: {  	s17 =	simm.s32 $0x1  }
0x3b: {  	_ =	swait.ge [sflag:s4], $0x4000;
	s17 =	simm.s32 @!p0 $0x0  }
0x3c: {  	[sflag:s4] =	ssyncset.done $0x0;
	s18 =	sshll.u32 s17, $0xE  }
0x3d: {  	[sflag:s4] =	ssyncadd.s32 $0xFFFFC000;
	s18 =	sor.u32 $0x40, s18  }
0x3e: {  	s17 =	smul.u32 $0x10200, s17;
	v0 =	vld [tilespmem:s18+$0x30]  }
0x3f: {  	v1 =	vld [tilespmem:s18+$0xFFFFFFD0]  }
0x40: {  	s17 =	sshrl.u32 s17, $0x2;
	v5 =	vld [tilespmem:s18+$0xFFFFFFE0]  }
0x41: {  	v6 =	vld [tilespmem:s18+$0xFFFFFFF0];
	s20 =	sor.u32 $0x8000, s17  }
0x42: {  	s31 =	sand.u32 $0x1, s8;
	v4 =	vld [tilespmem:s18+$0x0];
	s19 =	sadd.s32 $0x0, s20  }
0x43: {  	v3 =	vld [tilespmem:s18+$0x10];
	s17 =	smul.u32 $0x10200, s31;
	[tilespmem:s19+$0x3870 ss:$0x81] =	vst.msk $0xffff, v0  }
0x44: {  	v2 =	vld [tilespmem:s18+$0x20];
	[tilespmem:s19+$0x810 ss:$0x81] =	vst.msk $0xffff, v1  }
0x45: {  	s17 =	sshrl.u32 s17, $0x2;
	v1 =	vld [tilespmem:s18+$0xFFFFFFC0];
	[tilespmem:s19+$0x1020 ss:$0x81] =	vst.msk $0xffff, v5;
	s18 =	sadd.s32 $0x80, s18  }
0x46: {  	s21 =	simm.s32 $0x4;
	s22 =	simm.s32 $0x8;
	s17 =	sor.u32 $0x8000, s17;
	[tilespmem:s19+$0x1830 ss:$0x81] =	vst.msk $0xffff, v6;
	v0 =	vld [tilespmem:s18+$0x30]  }
.LBB1_3:
0x47: {  	p1 =	sne.s32 s22, $0x1FC;
	v5 =	vld [tilespmem:s18+$0xFFFFFFD0];
	[tilespmem:s19+$0x2040 ss:$0x81] =	vst.msk $0xffff, v4  }
0x48: {  	v6 =	vld [tilespmem:s18+$0xFFFFFFE0];
	[tilespmem:s19+$0x2850 ss:$0x81] =	vst.msk $0xffff, v3  }
0x49: {  	s23 =	sshra.s32 s21, $0x2;
	s21 =	smov.u32 s22;
	v7 =	vld [tilespmem:s18+$0xFFFFFFF0];
	[tilespmem:s19+$0x3060 ss:$0x81] =	vst.msk $0xffff, v2  }
.Ltmp3:
0x4a: {  	v4 =	vld [tilespmem:s18+$0x0];
	[tilespmem:s19+$0x0 ss:$0x81] =	vst.msk $0xffff, v1;
	s19 =	sadd.s32 s23, s20;
	(pc) =	sbr.rel @p1 .LBB1_3-.Ltmp3, $4  }
0x4b: {  	v3 =	vld [tilespmem:s18+$0x10];
	[tilespmem:s19+$0x3870 ss:$0x81] =	vst.msk $0xffff, v0  }
0x4c: {  	[tilespmem:s19+$0x810 ss:$0x81] =	vst.msk $0xffff, v5;
	v2 =	vld [tilespmem:s18+$0x20]  }
0x4d: {  	v1 =	vld [tilespmem:s18+$0xFFFFFFC0];
	[tilespmem:s19+$0x1020 ss:$0x81] =	vst.msk $0xffff, v6;
	s18 =	sadd.s32 $0x80, s18  }
0x4e: {  	s22 =	sadd.s32 $0x4, s22;
	v0 =	vld [tilespmem:s18+$0x30];
	[tilespmem:s19+$0x1830 ss:$0x81] =	vst.msk $0xffff, v7  }
0x4f: {  	s21 =	sshra.s32 s21, $0x2;
	s28 =	sand.u32 $0x78, s9  }
0x50: {  	s22 =	sshll.u32 s10, $0x7;
	p1 =	sgt.s32 s10, $0x3F;
	s23 =	smov.u32 s10  }
0x51: {  	s24 =	sshra.s32 s10, $0x1F;
	s25 =	smov.u32 s7;
	s26 =	sshra.s32 s9, $0x1F  }
0x52: {  	s31 =	sshll.u32 s10, $0xB;
	s27 =	sshra.s32 s7, $0x1F;
	s20 =	sadd.s32 s21, s20  }
0x53: {  	s22 =	sand.u32 $0x380, s22;
	s23 =	simm.s32 @!p1 $0x3F;
	p1 =	sgt.s32 s7, $0xAC  }
0x54: {  	s24 =	sand.u32 s24, s10;
	s30 =	sand.u32 s26, s9;
	s26 =	sand.u32 $0x1C000, s31  }
0x55: {  	s31 =	sshll.u32 s9, $0x3;
	s21 =	sor.u32 s22, s28;
	s25 =	simm.s32 @!p1 $0xAC  }
0x56: {  	v5 =	vld [tilespmem:s18+$0xFFFFFFD0];
	[tilespmem:s19+$0x2040 ss:$0x81] =	vst.msk $0xffff, v4;
	s29 =	ssub.s32 s23, s24;
	p1 =	sgt.s32 s9, $0x780;
	s24 =	smov.u32 s9  }
0x57: {  	v58 =	vld [tilespmem:s18+$0xFFFFFFE0];
	[tilespmem:s19+$0x2850 ss:$0x81] =	vst.msk $0xffff, v3;
	s26 =	sadd.s32 s26, s31;
	s23 =	sadd.s32 $0xFFFFFFC1, s29;
	s24 =	simm.s32 @!p1 $0x780  }
0x58: {  	v59 =	vld [tilespmem:s18+$0xFFFFFFF0];
	[tilespmem:s19+$0x3060 ss:$0x81] =	vst.msk $0xffff, v2;
	p1 =	sgt.s32 s23, $0x0;
	s23 =	ssub.s32 s24, s30;
	s24 =	sand.u32 s27, s7  }
0x59: {  	v60 =	vld [tilespmem:s18+$0x0];
	s22 =	ssub.s32 $0x40, s29;
	[tilespmem:s19+$0x0 ss:$0x81] =	vst.msk $0xffff, v1;
	s27 =	sshll.u32 s7, $0xE;
	s28 =	ssub.s32 s25, s24  }
0x5a: {  	v61 =	vld [tilespmem:s18+$0x10];
	[tilespmem:s20+$0x3870 ss:$0x81] =	vst.msk $0xffff, v0;
	s22 =	simm.s32 @p1 $0x0;
	s29 =	sadd.s32 $0xFFFFF880, s23;
	s23 =	ssub.s32 $0x800, s23  }
0x5b: {  	v62 =	vld [tilespmem:s18+$0x20];
	[tilespmem:s20+$0x810 ss:$0x81] =	vst.msk $0xffff, v5;
	s25 =	sand.u32 $0x400, s31;
	p1 =	sgt.s32 s29, $0x7F;
	s30 =	sadd.s32 $0xFFFFFF54, s28  }
0x5c: {  	v63 =	vld [tilespmem:s18+$0xFFFFFFC0];
	[tilespmem:s20+$0x1020 ss:$0x81] =	vst.msk $0xffff, v58;
	s19 =	ssub.s32 $0x12C, s28;
	s21 =	sor.u32 s25, s21;
	s23 =	simm.s32 @p1 $0x0  }
0x5d: {  	[tilespmem:s20+$0x1830 ss:$0x81] =	vst.msk $0xffff, v59;
	s28 =	sshrl.u32 s26, $0x3;
	p1 =	sgt.s32 s30, $0x7F;
	s23 =	smul.u32 s22, s23  }
.Ltmp4:
0x5e: {  	[tilespmem:s20+$0x2040 ss:$0x81] =	vst.msk $0xffff, v60;
	s29 =	sand.u32 $0x7, s9;
	s19 =	simm.s32 @p1 $0x0;
	(pc) =	sbr.rel .LBB1_5-.Ltmp4, $4  }
0x5f: {  	[tilespmem:s20+$0x2850 ss:$0x81] =	vst.msk $0xffff, v61;
	s22 =	sand.u32 $0x3F00, s28;
	s18 =	smul.u32 s19, s23;
	s19 =	sadd.s32 s2, s27  }
0x60: {  	[tilespmem:s20+$0x3060 ss:$0x81] =	vst.msk $0xffff, v62;
	s21 =	sshrl.u32 s21, $0x3;
	s30 =	sshll.u32 s29, $0x12;
	s19 =	sadd.s32 s22, s19  }
0x61: {  	[tilespmem:s20+$0x0 ss:$0x81] =	vst.msk $0xffff, v63;
	s31 =	sor.u32 $0x80, s30;
	s18 =	sand.u32 $0x3FFFFFFF, s18;
	s19 =	sadd.s32 s21, s19  }
0x62: {  	[hbm4b:s19+s31] =	stream.strided.scatter [tilespmem:s17], [sflag:$0x2], s18, s6, s31, $0x20;
	[tilespmem:$0x10100] =	vst v63  }
.LBB1_6:
0x63: {  	_ =	sfence.sel $0x180000  }
0x64: {  	s2 =	simm.s32 $0x1;
	[bflag:$0x0] =	sbarrier.arrive $0xFFFF  }
0x65: {  	s31 =	simm.s32 $0x2;
	[sflag:s2] =	ssyncpa.u1 $0x1  }
0x66: {  	[sflag:s31] =	ssyncpa.u1 $0x1  }
0x67: {  	p0 =	sne.s32 s1, $0x0;
	_ =	strace $0x9000004A  }
0x68: {  	s0 =	sadd.s32 @!p0 $0x100000, s0;
	[bflag:$0x2] =	sbarrier.arrive $0xFFFF  }
0x69: {  	[sflag:s0] =	ssyncadd.tile.s32 @!p0 $0x1;
	_ =	shalt  }
.Lfunc_end1:
_tile_overlayer_lowered:
.L_overlay_start_2:
0x6a: {  	(tag) =	ssettag $0x2  }
0x6b: {  	s0 =	rddreg [dreg:$0x0];
	s2 =	stileid.u32  }
0x6c: {  	s1 =	rddreg [dreg:$0x1];
	p0 =	sne.s32 s2, $0x0  }
0x6d: {  	s3 =	rddreg [dreg:$0x2];
	[bflag:$0x3] =	sbarrier.arrive $0xFFFF;
	s2 =	simm.s32 @!p0 $0x1C01  }
0x6e: {  	[timem:s3], [sflag:s2] =	dma.local @!p0 [hbm:s0], s1  }
0x6f: {  	s0 =	simm.s32 @!p0 $0x1  }
0x70: {  	_ =	swait.ge @!p0 [sflag:s0], s1  }
0x71: {  	s1 =	ssub.s32 @!p0 $0x0, s1;
	[sflag:s0] =	ssyncset.done @!p0 $0x0  }
0x72: {  	[sflag:s0] =	ssyncadd.s32 @!p0 s1  }
0x73: {  	[bflag:$0x3] =	sbarrier.arrive $0xFFFF  }
0x74: {  	_ =	shalt  }

</sc_bundles>
